<compile_context>
chip_gen: v7x
topology: tpu7x:2x2x1
jax: 0.10.2.dev20260603
libtpu: 0.0.44.dev20260713+nightly
codegen_flags: <defaults>
</compile_context>

<pallas_src>
import functools

import jax
import jax.numpy as jnp
from jax import lax
from jax.experimental import pallas as pl
from jax.experimental.pallas import tpu as pltpu
from jax.experimental.pallas import tpu_sc as plsc

_B, _T, _N, _C, _K = 2, 4, 50000, 4, 16
_EPS = 1e-08
_GRAD_WEIGHT = 0.1

_TILES = 32
_PB = 51200
_RPT = _PB // 16
_W = 25
_NCH = _RPT // _W
_GW = 24
_NBUF = 4
_CW = 24


def _build_tables(pred, target, pos, knn):
    f32 = jnp.float32
    pair = jnp.stack([pred.astype(jnp.bfloat16), target.astype(jnp.bfloat16)], -1)
    words = lax.bitcast_convert_type(pair, jnp.int32)
    perm = jnp.array([0, 2, 4, 6, 1, 3, 5, 7], dtype=jnp.int32)
    fw = words.reshape(_B * _T, _N, _C)[perm]
    fw = fw.reshape(_B, _T, _N, _C).transpose(0, 2, 1, 3).reshape(_B, _N, _T * _C)
    pw = lax.bitcast_convert_type(pos.astype(f32), jnp.int32)
    zpad = jnp.zeros((_B, _N, _GW - 19), jnp.int32)
    gtab = jnp.concatenate([fw, pw, zpad], -1).reshape(_B * _N, _GW)
    idx = knn.astype(jnp.int32).reshape(_B * _N * _K)
    return gtab, idx


@functools.partial(
    pl.kernel,
    out_type=jax.ShapeDtypeStruct((_TILES, 4, 16), jnp.float32),
    mesh=plsc.VectorSubcoreMesh(core_axis_name="c", subcore_axis_name="s"),
    compiler_params=pltpu.CompilerParams(
        use_tc_tiling_on_sc=False, needs_layout_passes=False,
        disable_bounds_checks=True),
    scratch_types=[
        pltpu.VMEM_SHARED((_N, _GW), jnp.int32),
        pltpu.VMEM((_NBUF, _W * _K, _GW), jnp.int32),
        pltpu.VMEM((_NBUF, 2, _W, _GW), jnp.int32),
        pltpu.VMEM((_NBUF, _W * _K,), jnp.int32),
        pltpu.VMEM((4, 16), jnp.float32),
        pltpu.SemaphoreType.DMA,
        pltpu.SemaphoreType.DMA,
        pltpu.SemaphoreType.DMA,
        pltpu.SemaphoreType.DMA,
    ],
)
def _sc_main(gtab, idxs, out, spm, gbuf, cbuf, ibuf, obuf, sem0, sem1, sem2, sem3):
    cid = lax.axis_index("c")
    sid = lax.axis_index("s")
    wid = cid * 16 + sid
    tile_row0 = wid * _RPT
    rib0 = lax.rem(wid, 16) * _RPT
    sems = (sem0, sem1, sem2, sem3)

    stage_rows = _N // 16
    pltpu.sync_copy(
        gtab.at[pl.ds(cid * _N + sid * stage_rows, stage_rows)],
        spm.at[pl.ds(sid * stage_rows, stage_rows)])
    plsc.subcore_barrier()

    lane = lax.iota(jnp.int32, 16)
    csrc = (lane >> 2) & 1
    ccol0 = (lane & 3) + ((lane >> 3) << 2)
    ccol = jnp.where(cid == 0, ccol0, ccol0 + 8)
    cid16 = jnp.full((16,), cid, jnp.int32)

    def start_chunk(sl, c):
        rib = rib0 + c * _W
        base_c = jnp.minimum(rib, _N - _W)
        pltpu.sync_copy(idxs.at[pl.ds(cid * (_N * _K) + base_c * _K, _W * _K)], ibuf.at[sl])
        pltpu.sync_copy(gtab.at[pl.ds(base_c, _W)], cbuf.at[sl, 0])
        pltpu.sync_copy(gtab.at[pl.ds(_N + base_c, _W)], cbuf.at[sl, 1])
        pltpu.make_async_copy(spm.at[ibuf.at[sl]], gbuf.at[sl], sems[sl]).start()

    def wait_chunk(sl):
        pltpu.make_async_copy(spm.at[ibuf.at[sl]], gbuf.at[sl], sems[sl]).wait()

    def compute_chunk(sl, c, acc):
        rib_chunk = rib0 + c * _W
        gb = gbuf.at[sl]
        cb = cbuf.at[sl]

        def row(nl, acc):
            ap, at_, asq, atg = acc
            rows = lax.iota(jnp.int32, 16) + nl * _K

            def gat(j):
                cols = jnp.full((16,), j, jnp.int32)
                return plsc.load_gather(gb, [rows, cols])

            himask = jnp.int32(-65536)
            nl16 = jnp.full((16,), nl, jnp.int32)
            cw = plsc.load_gather(cb, [csrc, nl16, ccol])
            vp = lax.bitcast_convert_type(cw << 16, jnp.float32)
            vt = lax.bitcast_convert_type(cw & himask, jnp.float32)
            vx = lax.bitcast_convert_type(
                plsc.load_gather(cb, [cid16, nl16, lane + 8]), jnp.float32)

            d2 = None
            for j in range(3):
                rel = lax.bitcast_convert_type(gat(16 + j), jnp.float32) - vx[8 + j]
                sq = rel * rel
                d2 = sq if d2 is None else d2 + sq
            d2 = jnp.maximum(d2, _EPS)
            xi = lax.bitcast_convert_type(d2, jnp.int32)
            yi = jnp.int32(0x5F3759DF) - (xi >> 1)
            y = lax.bitcast_convert_type(yi, jnp.float32)
            for _ in range(3):
                y = y * (1.5 - 0.5 * d2 * y * y)
            valid = jnp.where(rib_chunk + nl < _N, 1.0, 0.0).astype(jnp.float32)
            ym = y * valid

            sp = None
            st = None
            for w in range(16):
                gw = gat(w)
                lo = lax.bitcast_convert_type(gw << 16, jnp.float32)
                hi = lax.bitcast_convert_type(gw & himask, jnp.float32)
                dvp = jnp.abs(lo - vp[w])
                dvt = jnp.abs(hi - vt[w])
                sp = dvp if sp is None else sp + dvp
                st = dvt if st is None else st + dvt
            ap = ap + sp * ym
            at_ = at_ + st * ym

            dd = vp - vt
            asq = asq + (dd * dd) * valid
            atg = atg + (vt * vt) * valid
            return (ap, at_, asq, atg)

        return lax.fori_loop(0, _W, row, acc)

    for sl in range(_NBUF):
        start_chunk(sl, sl)

    def ring(cg, acc):
        for sl in range(_NBUF):
            c = cg * _NBUF + sl
            wait_chunk(sl)
            acc = compute_chunk(sl, c, acc)

            @pl.when(c + _NBUF < _NCH)
            def _():
                start_chunk(sl, c + _NBUF)
        return acc

    z = jnp.zeros((16,), jnp.float32)
    acc = lax.fori_loop(0, _NCH // _NBUF, ring, (z, z, z, z))
    obuf[0, :] = acc[0]
    obuf[1, :] = acc[1]
    obuf[2, :] = acc[2]
    obuf[3, :] = acc[3]
    pltpu.sync_copy(obuf, out.at[wid])


def _epilogue(p_ref, o_ref):
    def gs(b, q):
        return jnp.sum(p_ref[b * 16:(b + 1) * 16, q, :])

    denom = jnp.float32(_T * _N * _K * _C)
    pg0, pg1 = gs(0, 0) / denom, gs(1, 0) / denom
    tg0, tg1 = gs(0, 1) / denom, gs(1, 1) / denom
    ge = 0.5 * (jnp.abs(pg0 - tg0) / jnp.maximum(tg0, _EPS)
                + jnp.abs(pg1 - tg1) / jnp.maximum(tg1, _EPS))
    rl2 = 0.5 * (jnp.sqrt(gs(0, 2)) / jnp.maximum(jnp.sqrt(gs(0, 3)), _EPS)
                 + jnp.sqrt(gs(1, 2)) / jnp.maximum(jnp.sqrt(gs(1, 3)), _EPS))
    o_ref[0, 0] = rl2 + _GRAD_WEIGHT * ge


def kernel(pred, target, knn_indices, pos):
    gtab, idx = _build_tables(pred, target, pos, knn_indices)
    partials = _sc_main(gtab, idx)
    res = pl.pallas_call(
        _epilogue,
        out_shape=jax.ShapeDtypeStruct((1, 1), jnp.float32),
        out_specs=pl.BlockSpec(memory_space=pltpu.SMEM),
    )(partials)
    return res.reshape(())

# --- scband reference (transcript-rebuilt; emitter-appended) ---
"""Pipeline reference for scband-sobolev-loss-26474178412703 (READ-ONLY COPY).

The authoritative reference and input builder live on the scoring server;
editing this copy changes nothing except your own understanding.
"""

import jax, jax.numpy as jnp
import numpy as np

GRAD_WEIGHT = 0.1
EPS = 1e-08


def setup_inputs(seed: int = 0) -> dict:
    key = jax.random.key(seed)
    k1, k2, k3, k4 = jax.random.split(key, 4)
    B, T, N, C, K = 2, 4, 50000, 4, 16
    pred = jax.random.normal(k1, (B, T, N, C), dtype=jnp.float32)
    target = jax.random.normal(k2, (B, T, N, C), dtype=jnp.float32)
    knn_indices = jax.random.randint(k3, (B, N, K), 0, N, dtype=jnp.int64)
    pos = jax.random.normal(k4, (B, N, 3), dtype=jnp.float32)
    return {"pred": pred, "target": target, "knn_indices": knn_indices, "pos": pos}


def _rl2(pred, target, eps):
    B = pred.shape[0]
    pred_flat = pred.reshape(B, -1)
    target_flat = target.reshape(B, -1)
    numerator = jnp.linalg.norm(pred_flat - target_flat, axis=1)
    denominator = jnp.maximum(jnp.linalg.norm(target_flat, axis=1), eps)
    return jnp.mean(numerator / denominator)


def _knn_gradient_norm(field, pos, knn_indices, eps):
    B, T, N, C = field.shape
    K = knn_indices.shape[2]
    offsets = (jnp.arange(B, dtype=knn_indices.dtype) * N).reshape(B, 1, 1)
    flat_idx = (knn_indices + offsets).reshape(-1)
    neigh_pos = jnp.take(pos.reshape(-1, 3), flat_idx, axis=0).reshape(B, N, K, 3)
    rel_pos = (neigh_pos - pos[:, :, None, :]).astype(jnp.float32)
    dist_sq = jnp.maximum(jnp.sum(rel_pos ** 2, axis=-1), eps)
    # faithful to torch: plain row-major reshape (B,T,N,C) -> (T, B*N, C)
    field_flat = field.reshape(T, B * N, C)
    neigh_field = jnp.take(field_flat, flat_idx, axis=1).reshape(T, B, N, K, C)
    neigh_field = jnp.transpose(neigh_field, (1, 0, 2, 3, 4))  # (B,T,N,K,C)
    rel_field = neigh_field.astype(jnp.float32) - field[:, :, :, None, :].astype(jnp.float32)
    denom = jnp.maximum(jnp.sqrt(dist_sq)[:, None, :, :, None], eps)
    grad_mag = jnp.abs(rel_field) / denom
    return jnp.mean(grad_mag, axis=(1, 2, 3, 4))


def reference(pred, target, knn_indices, pos):
    rl2 = _rl2(pred, target, EPS)
    pred_grad = _knn_gradient_norm(pred, pos, knn_indices, EPS)
    target_grad = _knn_gradient_norm(target, pos, knn_indices, EPS)
    grad_error = jnp.mean(jnp.abs(pred_grad - target_grad) / jnp.maximum(target_grad, EPS))
    return rl2 + GRAD_WEIGHT * grad_error

if __name__ == "__main__":
    import jax
    _d = setup_inputs()
    print(jax.jit(kernel)(*tuple(_d.values())))

</pallas_src>

<mosaic_0001>
#map = affine_map<(d0, d1) -> (0, 0)>
#map1 = affine_map<(d0, d1) -> (0)>
#map2 = affine_map<(d0, d1) -> (0, 0, 0)>
module attributes {stable_mosaic.version = 14 : i64} {
  func.func @_sc_main(%arg0: i32, %arg1: i32, %arg2: memref<100000x24xi32, #tpu.memory_space<hbm>>, %arg3: memref<1600000xi32, #tpu.memory_space<hbm>>, %arg4: memref<32x4x16xf32, #tpu.memory_space<hbm>>, %arg5: memref<50000x24xi32, #tpu.memory_space<vmem_shared>>, %arg6: memref<4x400x24xi32, #tpu.memory_space<vmem>>, %arg7: memref<4x2x25x24xi32, #tpu.memory_space<vmem>>, %arg8: memref<4x400xi32, #tpu.memory_space<vmem>>, %arg9: memref<4x16xf32, #tpu.memory_space<vmem>>, %arg10: memref<!tpu.dma_semaphore, #tpu.memory_space<semaphore_mem>>, %arg11: memref<!tpu.dma_semaphore, #tpu.memory_space<semaphore_mem>>, %arg12: memref<!tpu.dma_semaphore, #tpu.memory_space<semaphore_mem>>, %arg13: memref<!tpu.dma_semaphore, #tpu.memory_space<semaphore_mem>>) attributes {dimension_semantics = [#tpu.dimension_semantics<core_parallel>, #tpu.dimension_semantics<subcore_parallel>], iteration_bounds = array<i64: 2, 16>, scalar_prefetch = 0 : i64, scratch_operands = 9 : i64, tpu.core_type = #tpu.core_type<sc_vector_subcore>, window_params = [{transform_indices = #map}, {transform_indices = #map1}, {transform_indices = #map2}]} {
    %mul3A = arith.constant 16 : i32
    %mul3A_0 = arith.muli %arg0, %mul3A : i32
    %add3A = arith.addi %mul3A_0, %arg1 : i32
    %mul3A_1 = arith.constant 3200 : i32
    %mul3A_2 = arith.muli %add3A, %mul3A_1 : i32
    %rem3A = arith.constant 16 : i32
    %rem3A_3 = arith.remsi %add3A, %rem3A : i32
    %mul3A_4 = arith.constant 3200 : i32
    %mul3A_5 = arith.muli %rem3A_3, %mul3A_4 : i32
    %mul3A_6 = arith.constant 50000 : i32
    %mul3A_7 = arith.muli %arg0, %mul3A_6 : i32
    %mul3A_8 = arith.constant 3125 : i32
    %mul3A_9 = arith.muli %arg1, %mul3A_8 : i32
    %add3A_10 = arith.addi %mul3A_7, %mul3A_9 : i32
    %mul3A_11 = arith.constant 3125 : i32
    %mul3A_12 = arith.muli %arg1, %mul3A_11 : i32
    "tpu.region"() ({
      %run_scoped3A_161 = tpu.sem_alloc : memref<!tpu.dma_semaphore, #tpu.memory_space<semaphore_mem>>
      %dma_start3A_162 = arith.constant 0 : i32
      %dma_start3A_163 = tpu.memref_slice %arg5[%mul3A_12, %dma_start3A_162] : memref<50000x24xi32, #tpu.memory_space<vmem_shared>> -> memref<3125x24xi32, #tpu.memory_space<vmem_shared>>
      %dma_start3A_164 = arith.constant 0 : i32
      %dma_start3A_165 = tpu.memref_slice %arg2[%add3A_10, %dma_start3A_164] : memref<100000x24xi32, #tpu.memory_space<hbm>> -> memref<3125x24xi32, #tpu.memory_space<hbm>>
      tpu.enqueue_dma source(%dma_start3A_165 : memref<3125x24xi32, #tpu.memory_space<hbm>>) target(%dma_start3A_163 : memref<3125x24xi32, #tpu.memory_space<vmem_shared>>) target_semaphore(%run_scoped3A_161 : memref<!tpu.dma_semaphore, #tpu.memory_space<semaphore_mem>>)
      %dma_wait3A = arith.constant 0 : i32
      %dma_wait3A_166 = tpu.memref_slice %arg5[%mul3A_12, %dma_wait3A] : memref<50000x24xi32, #tpu.memory_space<vmem_shared>> -> memref<3125x24xi32, #tpu.memory_space<vmem_shared>>
      %dma_wait3A_167 = arith.constant 0 : i32
      %dma_wait3A_168 = tpu.memref_slice %arg2[%add3A_10, %dma_wait3A_167] : memref<100000x24xi32, #tpu.memory_space<hbm>> -> memref<3125x24xi32, #tpu.memory_space<hbm>>
      tpu.wait_dma2 semaphore(%run_scoped3A_161 : memref<!tpu.dma_semaphore, #tpu.memory_space<semaphore_mem>>) src(%dma_wait3A_168 : memref<3125x24xi32, #tpu.memory_space<hbm>>) dst(%dma_wait3A_166 : memref<3125x24xi32, #tpu.memory_space<vmem_shared>>)
      tpu.yield
    }) : () -> ()
    %barrier3A = arith.constant 0 : index
    tpu.barrier barrier_id(%barrier3A)
    %iota3A = tpu.iota {dimensions = array<i32: 0>} : vector<16xi32>
    %shift_right_arithmetic3A = arith.constant 2 : i32
    %shift_right_arithmetic3A_13 = vector.broadcast %shift_right_arithmetic3A : i32 to vector<16xi32>
    %shift_right_arithmetic3A_14 = arith.shrsi %iota3A, %shift_right_arithmetic3A_13 : vector<16xi32>
    %and3A = arith.constant 1 : i32
    %and3A_15 = vector.broadcast %and3A : i32 to vector<16xi32>
    %and3A_16 = arith.andi %shift_right_arithmetic3A_14, %and3A_15 : vector<16xi32>
    %and3A_17 = arith.constant 3 : i32
    %and3A_18 = vector.broadcast %and3A_17 : i32 to vector<16xi32>
    %and3A_19 = arith.andi %iota3A, %and3A_18 : vector<16xi32>
    %shift_right_arithmetic3A_20 = arith.constant 3 : i32
    %shift_right_arithmetic3A_21 = vector.broadcast %shift_right_arithmetic3A_20 : i32 to vector<16xi32>
    %shift_right_arithmetic3A_22 = arith.shrsi %iota3A, %shift_right_arithmetic3A_21 : vector<16xi32>
    %shift_left3A = arith.constant 2 : i32
    %shift_left3A_23 = vector.broadcast %shift_left3A : i32 to vector<16xi32>
    %shift_left3A_24 = arith.shli %shift_right_arithmetic3A_22, %shift_left3A_23 : vector<16xi32>
    %add3A_25 = arith.addi %and3A_19, %shift_left3A_24 : vector<16xi32>
    %eq3A = arith.constant 0 : i32
    %eq3A_26 = arith.cmpi eq, %arg0, %eq3A : i32
    %add3A_27 = arith.constant 8 : i32
    %add3A_28 = vector.broadcast %add3A_27 : i32 to vector<16xi32>
    %add3A_29 = arith.addi %add3A_25, %add3A_28 : vector<16xi32>
    %select_n3A = arith.select %eq3A_26, %add3A_25, %add3A_29 : vector<16xi32>
    %broadcast_in_dim3A = vector.broadcast %arg0 : i32 to vector<16xi32>
    %add3A_30 = arith.constant 0 : i32
    %add3A_31 = arith.addi %mul3A_5, %add3A_30 : i32
    %min3A = arith.constant 49975 : i32
    %min3A_32 = arith.minsi %add3A_31, %min3A : i32
    %mul3A_33 = arith.constant 800000 : i32
    %mul3A_34 = arith.muli %arg0, %mul3A_33 : i32
    %mul3A_35 = arith.constant 16 : i32
    %mul3A_36 = arith.muli %min3A_32, %mul3A_35 : i32
    %add3A_37 = arith.addi %mul3A_34, %mul3A_36 : i32
    %run_scoped3A = arith.constant 0 : i32
    "tpu.region"() ({
      %run_scoped3A_161 = tpu.sem_alloc : memref<!tpu.dma_semaphore, #tpu.memory_space<semaphore_mem>>
      %dma_start3A_162 = arith.constant 0 : i32
      %dma_start3A_163 = tpu.memref_slice %arg8[%run_scoped3A, %dma_start3A_162] : memref<4x400xi32, #tpu.memory_space<vmem>> -> memref<1x400xi32, #tpu.memory_space<vmem>>
      %dma_start3A_164 = tpu.memref_squeeze %dma_start3A_163 : memref<1x400xi32, #tpu.memory_space<vmem>> -> memref<400xi32, #tpu.memory_space<vmem>>
      %dma_start3A_165 = tpu.memref_slice %arg3[%add3A_37] : memref<1600000xi32, #tpu.memory_space<hbm>> -> memref<400xi32, #tpu.memory_space<hbm>>
      %dma_start3A_166 = arith.constant 0 : i32
      %dma_start3A_167 = tpu.memref_slice %arg8[%run_scoped3A, %dma_start3A_166] : memref<4x400xi32, #tpu.memory_space<vmem>> -> memref<1x400xi32, #tpu.memory_space<vmem>>
      %dma_start3A_168 = tpu.memref_squeeze %dma_start3A_167 : memref<1x400xi32, #tpu.memory_space<vmem>> -> memref<400xi32, #tpu.memory_space<vmem>>
      %dma_start3A_169 = tpu.memref_slice %arg3[%add3A_37] : memref<1600000xi32, #tpu.memory_space<hbm>> -> memref<400xi32, #tpu.memory_space<hbm>>
      tpu.enqueue_dma source(%dma_start3A_169 : memref<400xi32, #tpu.memory_space<hbm>>) target(%dma_start3A_168 : memref<400xi32, #tpu.memory_space<vmem>>) target_semaphore(%run_scoped3A_161 : memref<!tpu.dma_semaphore, #tpu.memory_space<semaphore_mem>>)
      %dma_wait3A = arith.constant 0 : i32
      %dma_wait3A_170 = tpu.memref_slice %arg8[%run_scoped3A, %dma_wait3A] : memref<4x400xi32, #tpu.memory_space<vmem>> -> memref<1x400xi32, #tpu.memory_space<vmem>>
      %dma_wait3A_171 = tpu.memref_squeeze %dma_wait3A_170 : memref<1x400xi32, #tpu.memory_space<vmem>> -> memref<400xi32, #tpu.memory_space<vmem>>
      %dma_wait3A_172 = tpu.memref_slice %arg3[%add3A_37] : memref<1600000xi32, #tpu.memory_space<hbm>> -> memref<400xi32, #tpu.memory_space<hbm>>
      %dma_wait3A_173 = arith.constant 0 : i32
      %dma_wait3A_174 = tpu.memref_slice %arg8[%run_scoped3A, %dma_wait3A_173] : memref<4x400xi32, #tpu.memory_space<vmem>> -> memref<1x400xi32, #tpu.memory_space<vmem>>
      %dma_wait3A_175 = tpu.memref_squeeze %dma_wait3A_174 : memref<1x400xi32, #tpu.memory_space<vmem>> -> memref<400xi32, #tpu.memory_space<vmem>>
      %dma_wait3A_176 = tpu.memref_slice %arg3[%add3A_37] : memref<1600000xi32, #tpu.memory_space<hbm>> -> memref<400xi32, #tpu.memory_space<hbm>>
      tpu.wait_dma2 semaphore(%run_scoped3A_161 : memref<!tpu.dma_semaphore, #tpu.memory_space<semaphore_mem>>) src(%dma_wait3A_176 : memref<400xi32, #tpu.memory_space<hbm>>) dst(%dma_wait3A_175 : memref<400xi32, #tpu.memory_space<vmem>>)
      tpu.yield
    }) : () -> ()
    %run_scoped3A_38 = arith.constant 0 : i32
    %run_scoped3A_39 = arith.constant 0 : i32
    "tpu.region"() ({
      %run_scoped3A_161 = tpu.sem_alloc : memref<!tpu.dma_semaphore, #tpu.memory_space<semaphore_mem>>
      %dma_start3A_162 = arith.constant 0 : i32
      %dma_start3A_163 = arith.constant 0 : i32
      %dma_start3A_164 = tpu.memref_slice %arg7[%run_scoped3A_38, %run_scoped3A_39, %dma_start3A_162, %dma_start3A_163] : memref<4x2x25x24xi32, #tpu.memory_space<vmem>> -> memref<1x1x25x24xi32, #tpu.memory_space<vmem>>
      %dma_start3A_165 = tpu.memref_squeeze %dma_start3A_164 : memref<1x1x25x24xi32, #tpu.memory_space<vmem>> -> memref<25x24xi32, #tpu.memory_space<vmem>>
      %dma_start3A_166 = arith.constant 0 : i32
      %dma_start3A_167 = tpu.memref_slice %arg2[%min3A_32, %dma_start3A_166] : memref<100000x24xi32, #tpu.memory_space<hbm>> -> memref<25x24xi32, #tpu.memory_space<hbm>>
      %dma_start3A_168 = arith.constant 0 : i32
      %dma_start3A_169 = arith.constant 0 : i32
      %dma_start3A_170 = tpu.memref_slice %arg7[%run_scoped3A_38, %run_scoped3A_39, %dma_start3A_168, %dma_start3A_169] : memref<4x2x25x24xi32, #tpu.memory_space<vmem>> -> memref<1x1x25x24xi32, #tpu.memory_space<vmem>>
      %dma_start3A_171 = tpu.memref_squeeze %dma_start3A_170 : memref<1x1x25x24xi32, #tpu.memory_space<vmem>> -> memref<25x24xi32, #tpu.memory_space<vmem>>
      %dma_start3A_172 = arith.constant 0 : i32
      %dma_start3A_173 = tpu.memref_slice %arg2[%min3A_32, %dma_start3A_172] : memref<100000x24xi32, #tpu.memory_space<hbm>> -> memref<25x24xi32, #tpu.memory_space<hbm>>
      tpu.enqueue_dma source(%dma_start3A_173 : memref<25x24xi32, #tpu.memory_space<hbm>>) target(%dma_start3A_171 : memref<25x24xi32, #tpu.memory_space<vmem>>) target_semaphore(%run_scoped3A_161 : memref<!tpu.dma_semaphore, #tpu.memory_space<semaphore_mem>>)
      %dma_wait3A = arith.constant 0 : i32
      %dma_wait3A_174 = arith.constant 0 : i32
      %dma_wait3A_175 = tpu.memref_slice %arg7[%run_scoped3A_38, %run_scoped3A_39, %dma_wait3A, %dma_wait3A_174] : memref<4x2x25x24xi32, #tpu.memory_space<vmem>> -> memref<1x1x25x24xi32, #tpu.memory_space<vmem>>
      %dma_wait3A_176 = tpu.memref_squeeze %dma_wait3A_175 : memref<1x1x25x24xi32, #tpu.memory_space<vmem>> -> memref<25x24xi32, #tpu.memory_space<vmem>>
      %dma_wait3A_177 = arith.constant 0 : i32
      %dma_wait3A_178 = tpu.memref_slice %arg2[%min3A_32, %dma_wait3A_177] : memref<100000x24xi32, #tpu.memory_space<hbm>> -> memref<25x24xi32, #tpu.memory_space<hbm>>
      %dma_wait3A_179 = arith.constant 0 : i32
      %dma_wait3A_180 = arith.constant 0 : i32
      %dma_wait3A_181 = tpu.memref_slice %arg7[%run_scoped3A_38, %run_scoped3A_39, %dma_wait3A_179, %dma_wait3A_180] : memref<4x2x25x24xi32, #tpu.memory_space<vmem>> -> memref<1x1x25x24xi32, #tpu.memory_space<vmem>>
      %dma_wait3A_182 = tpu.memref_squeeze %dma_wait3A_181 : memref<1x1x25x24xi32, #tpu.memory_space<vmem>> -> memref<25x24xi32, #tpu.memory_space<vmem>>
      %dma_wait3A_183 = arith.constant 0 : i32
      %dma_wait3A_184 = tpu.memref_slice %arg2[%min3A_32, %dma_wait3A_183] : memref<100000x24xi32, #tpu.memory_space<hbm>> -> memref<25x24xi32, #tpu.memory_space<hbm>>
      tpu.wait_dma2 semaphore(%run_scoped3A_161 : memref<!tpu.dma_semaphore, #tpu.memory_space<semaphore_mem>>) src(%dma_wait3A_184 : memref<25x24xi32, #tpu.memory_space<hbm>>) dst(%dma_wait3A_182 : memref<25x24xi32, #tpu.memory_space<vmem>>)
      tpu.yield
    }) : () -> ()
    %add3A_40 = arith.constant 50000 : i32
    %add3A_41 = arith.addi %add3A_40, %min3A_32 : i32
    %run_scoped3A_42 = arith.constant 0 : i32
    %run_scoped3A_43 = arith.constant 1 : i32
    "tpu.region"() ({
      %run_scoped3A_161 = tpu.sem_alloc : memref<!tpu.dma_semaphore, #tpu.memory_space<semaphore_mem>>
      %dma_start3A_162 = arith.constant 0 : i32
      %dma_start3A_163 = arith.constant 0 : i32
      %dma_start3A_164 = tpu.memref_slice %arg7[%run_scoped3A_42, %run_scoped3A_43, %dma_start3A_162, %dma_start3A_163] : memref<4x2x25x24xi32, #tpu.memory_space<vmem>> -> memref<1x1x25x24xi32, #tpu.memory_space<vmem>>
      %dma_start3A_165 = tpu.memref_squeeze %dma_start3A_164 : memref<1x1x25x24xi32, #tpu.memory_space<vmem>> -> memref<25x24xi32, #tpu.memory_space<vmem>>
      %dma_start3A_166 = arith.constant 0 : i32
      %dma_start3A_167 = tpu.memref_slice %arg2[%add3A_41, %dma_start3A_166] : memref<100000x24xi32, #tpu.memory_space<hbm>> -> memref<25x24xi32, #tpu.memory_space<hbm>>
      %dma_start3A_168 = arith.constant 0 : i32
      %dma_start3A_169 = arith.constant 0 : i32
      %dma_start3A_170 = tpu.memref_slice %arg7[%run_scoped3A_42, %run_scoped3A_43, %dma_start3A_168, %dma_start3A_169] : memref<4x2x25x24xi32, #tpu.memory_space<vmem>> -> memref<1x1x25x24xi32, #tpu.memory_space<vmem>>
      %dma_start3A_171 = tpu.memref_squeeze %dma_start3A_170 : memref<1x1x25x24xi32, #tpu.memory_space<vmem>> -> memref<25x24xi32, #tpu.memory_space<vmem>>
      %dma_start3A_172 = arith.constant 0 : i32
      %dma_start3A_173 = tpu.memref_slice %arg2[%add3A_41, %dma_start3A_172] : memref<100000x24xi32, #tpu.memory_space<hbm>> -> memref<25x24xi32, #tpu.memory_space<hbm>>
      tpu.enqueue_dma source(%dma_start3A_173 : memref<25x24xi32, #tpu.memory_space<hbm>>) target(%dma_start3A_171 : memref<25x24xi32, #tpu.memory_space<vmem>>) target_semaphore(%run_scoped3A_161 : memref<!tpu.dma_semaphore, #tpu.memory_space<semaphore_mem>>)
      %dma_wait3A = arith.constant 0 : i32
      %dma_wait3A_174 = arith.constant 0 : i32
      %dma_wait3A_175 = tpu.memref_slice %arg7[%run_scoped3A_42, %run_scoped3A_43, %dma_wait3A, %dma_wait3A_174] : memref<4x2x25x24xi32, #tpu.memory_space<vmem>> -> memref<1x1x25x24xi32, #tpu.memory_space<vmem>>
      %dma_wait3A_176 = tpu.memref_squeeze %dma_wait3A_175 : memref<1x1x25x24xi32, #tpu.memory_space<vmem>> -> memref<25x24xi32, #tpu.memory_space<vmem>>
      %dma_wait3A_177 = arith.constant 0 : i32
      %dma_wait3A_178 = tpu.memref_slice %arg2[%add3A_41, %dma_wait3A_177] : memref<100000x24xi32, #tpu.memory_space<hbm>> -> memref<25x24xi32, #tpu.memory_space<hbm>>
      %dma_wait3A_179 = arith.constant 0 : i32
      %dma_wait3A_180 = arith.constant 0 : i32
      %dma_wait3A_181 = tpu.memref_slice %arg7[%run_scoped3A_42, %run_scoped3A_43, %dma_wait3A_179, %dma_wait3A_180] : memref<4x2x25x24xi32, #tpu.memory_space<vmem>> -> memref<1x1x25x24xi32, #tpu.memory_space<vmem>>
      %dma_wait3A_182 = tpu.memref_squeeze %dma_wait3A_181 : memref<1x1x25x24xi32, #tpu.memory_space<vmem>> -> memref<25x24xi32, #tpu.memory_space<vmem>>
      %dma_wait3A_183 = arith.constant 0 : i32
      %dma_wait3A_184 = tpu.memref_slice %arg2[%add3A_41, %dma_wait3A_183] : memref<100000x24xi32, #tpu.memory_space<hbm>> -> memref<25x24xi32, #tpu.memory_space<hbm>>
      tpu.wait_dma2 semaphore(%run_scoped3A_161 : memref<!tpu.dma_semaphore, #tpu.memory_space<semaphore_mem>>) src(%dma_wait3A_184 : memref<25x24xi32, #tpu.memory_space<hbm>>) dst(%dma_wait3A_182 : memref<25x24xi32, #tpu.memory_space<vmem>>)
      tpu.yield
    }) : () -> ()
    %dma_start3A = arith.constant 0 : i32
    %dma_start3A_44 = arith.constant 0 : i32
    %dma_start3A_45 = arith.constant 0 : i32
    %dma_start3A_46 = arith.constant 0 : i32
    %dma_start3A_47 = tpu.memref_slice %arg6[%dma_start3A_44, %dma_start3A_45, %dma_start3A_46] : memref<4x400x24xi32, #tpu.memory_space<vmem>> -> memref<1x400x24xi32, #tpu.memory_space<vmem>>
    %dma_start3A_48 = tpu.memref_squeeze %dma_start3A_47 : memref<1x400x24xi32, #tpu.memory_space<vmem>> -> memref<400x24xi32, #tpu.memory_space<vmem>>
    %dma_start3A_49 = arith.constant 0 : i32
    %dma_start3A_50 = tpu.memref_slice %arg8[%dma_start3A, %dma_start3A_49] : memref<4x400xi32, #tpu.memory_space<vmem>> -> memref<1x400xi32, #tpu.memory_space<vmem>>
    %dma_start3A_51 = tpu.memref_squeeze %dma_start3A_50 : memref<1x400xi32, #tpu.memory_space<vmem>> -> memref<400xi32, #tpu.memory_space<vmem>>
    %dma_start3A_52 = arith.constant 0 : i32
    %dma_start3A_53 = arith.constant 0 : i32
    %dma_start3A_54 = tpu.memref_slice %arg5[%dma_start3A_52, %dma_start3A_53] : memref<50000x24xi32, #tpu.memory_space<vmem_shared>> -> memref<50000x24xi32, #tpu.memory_space<vmem_shared>>
    tpu.enqueue_indirect_dma source(%dma_start3A_54 : memref<50000x24xi32, #tpu.memory_space<vmem_shared>>) target(%dma_start3A_48 : memref<400x24xi32, #tpu.memory_space<vmem>>) offsets(%dma_start3A_51 : memref<400xi32, #tpu.memory_space<vmem>>) semaphore(%arg10 : memref<!tpu.dma_semaphore, #tpu.memory_space<semaphore_mem>>)
    %add3A_55 = arith.constant 25 : i32
    %add3A_56 = arith.addi %mul3A_5, %add3A_55 : i32
    %min3A_57 = arith.constant 49975 : i32
    %min3A_58 = arith.minsi %add3A_56, %min3A_57 : i32
    %mul3A_59 = arith.constant 800000 : i32
    %mul3A_60 = arith.muli %arg0, %mul3A_59 : i32
    %mul3A_61 = arith.constant 16 : i32
    %mul3A_62 = arith.muli %min3A_58, %mul3A_61 : i32
    %add3A_63 = arith.addi %mul3A_60, %mul3A_62 : i32
    %run_scoped3A_64 = arith.constant 1 : i32
    "tpu.region"() ({
      %run_scoped3A_161 = tpu.sem_alloc : memref<!tpu.dma_semaphore, #tpu.memory_space<semaphore_mem>>
      %dma_start3A_162 = arith.constant 0 : i32
      %dma_start3A_163 = tpu.memref_slice %arg8[%run_scoped3A_64, %dma_start3A_162] : memref<4x400xi32, #tpu.memory_space<vmem>> -> memref<1x400xi32, #tpu.memory_space<vmem>>
      %dma_start3A_164 = tpu.memref_squeeze %dma_start3A_163 : memref<1x400xi32, #tpu.memory_space<vmem>> -> memref<400xi32, #tpu.memory_space<vmem>>
      %dma_start3A_165 = tpu.memref_slice %arg3[%add3A_63] : memref<1600000xi32, #tpu.memory_space<hbm>> -> memref<400xi32, #tpu.memory_space<hbm>>
      %dma_start3A_166 = arith.constant 0 : i32
      %dma_start3A_167 = tpu.memref_slice %arg8[%run_scoped3A_64, %dma_start3A_166] : memref<4x400xi32, #tpu.memory_space<vmem>> -> memref<1x400xi32, #tpu.memory_space<vmem>>
      %dma_start3A_168 = tpu.memref_squeeze %dma_start3A_167 : memref<1x400xi32, #tpu.memory_space<vmem>> -> memref<400xi32, #tpu.memory_space<vmem>>
      %dma_start3A_169 = tpu.memref_slice %arg3[%add3A_63] : memref<1600000xi32, #tpu.memory_space<hbm>> -> memref<400xi32, #tpu.memory_space<hbm>>
      tpu.enqueue_dma source(%dma_start3A_169 : memref<400xi32, #tpu.memory_space<hbm>>) target(%dma_start3A_168 : memref<400xi32, #tpu.memory_space<vmem>>) target_semaphore(%run_scoped3A_161 : memref<!tpu.dma_semaphore, #tpu.memory_space<semaphore_mem>>)
      %dma_wait3A = arith.constant 0 : i32
      %dma_wait3A_170 = tpu.memref_slice %arg8[%run_scoped3A_64, %dma_wait3A] : memref<4x400xi32, #tpu.memory_space<vmem>> -> memref<1x400xi32, #tpu.memory_space<vmem>>
      %dma_wait3A_171 = tpu.memref_squeeze %dma_wait3A_170 : memref<1x400xi32, #tpu.memory_space<vmem>> -> memref<400xi32, #tpu.memory_space<vmem>>
      %dma_wait3A_172 = tpu.memref_slice %arg3[%add3A_63] : memref<1600000xi32, #tpu.memory_space<hbm>> -> memref<400xi32, #tpu.memory_space<hbm>>
      %dma_wait3A_173 = arith.constant 0 : i32
      %dma_wait3A_174 = tpu.memref_slice %arg8[%run_scoped3A_64, %dma_wait3A_173] : memref<4x400xi32, #tpu.memory_space<vmem>> -> memref<1x400xi32, #tpu.memory_space<vmem>>
      %dma_wait3A_175 = tpu.memref_squeeze %dma_wait3A_174 : memref<1x400xi32, #tpu.memory_space<vmem>> -> memref<400xi32, #tpu.memory_space<vmem>>
      %dma_wait3A_176 = tpu.memref_slice %arg3[%add3A_63] : memref<1600000xi32, #tpu.memory_space<hbm>> -> memref<400xi32, #tpu.memory_space<hbm>>
      tpu.wait_dma2 semaphore(%run_scoped3A_161 : memref<!tpu.dma_semaphore, #tpu.memory_space<semaphore_mem>>) src(%dma_wait3A_176 : memref<400xi32, #tpu.memory_space<hbm>>) dst(%dma_wait3A_175 : memref<400xi32, #tpu.memory_space<vmem>>)
      tpu.yield
    }) : () -> ()
    %run_scoped3A_65 = arith.constant 1 : i32
    %run_scoped3A_66 = arith.constant 0 : i32
    "tpu.region"() ({
      %run_scoped3A_161 = tpu.sem_alloc : memref<!tpu.dma_semaphore, #tpu.memory_space<semaphore_mem>>
      %dma_start3A_162 = arith.constant 0 : i32
      %dma_start3A_163 = arith.constant 0 : i32
      %dma_start3A_164 = tpu.memref_slice %arg7[%run_scoped3A_65, %run_scoped3A_66, %dma_start3A_162, %dma_start3A_163] : memref<4x2x25x24xi32, #tpu.memory_space<vmem>> -> memref<1x1x25x24xi32, #tpu.memory_space<vmem>>
      %dma_start3A_165 = tpu.memref_squeeze %dma_start3A_164 : memref<1x1x25x24xi32, #tpu.memory_space<vmem>> -> memref<25x24xi32, #tpu.memory_space<vmem>>
      %dma_start3A_166 = arith.constant 0 : i32
      %dma_start3A_167 = tpu.memref_slice %arg2[%min3A_58, %dma_start3A_166] : memref<100000x24xi32, #tpu.memory_space<hbm>> -> memref<25x24xi32, #tpu.memory_space<hbm>>
      %dma_start3A_168 = arith.constant 0 : i32
      %dma_start3A_169 = arith.constant 0 : i32
      %dma_start3A_170 = tpu.memref_slice %arg7[%run_scoped3A_65, %run_scoped3A_66, %dma_start3A_168, %dma_start3A_169] : memref<4x2x25x24xi32, #tpu.memory_space<vmem>> -> memref<1x1x25x24xi32, #tpu.memory_space<vmem>>
      %dma_start3A_171 = tpu.memref_squeeze %dma_start3A_170 : memref<1x1x25x24xi32, #tpu.memory_space<vmem>> -> memref<25x24xi32, #tpu.memory_space<vmem>>
      %dma_start3A_172 = arith.constant 0 : i32
      %dma_start3A_173 = tpu.memref_slice %arg2[%min3A_58, %dma_start3A_172] : memref<100000x24xi32, #tpu.memory_space<hbm>> -> memref<25x24xi32, #tpu.memory_space<hbm>>
      tpu.enqueue_dma source(%dma_start3A_173 : memref<25x24xi32, #tpu.memory_space<hbm>>) target(%dma_start3A_171 : memref<25x24xi32, #tpu.memory_space<vmem>>) target_semaphore(%run_scoped3A_161 : memref<!tpu.dma_semaphore, #tpu.memory_space<semaphore_mem>>)
      %dma_wait3A = arith.constant 0 : i32
      %dma_wait3A_174 = arith.constant 0 : i32
      %dma_wait3A_175 = tpu.memref_slice %arg7[%run_scoped3A_65, %run_scoped3A_66, %dma_wait3A, %dma_wait3A_174] : memref<4x2x25x24xi32, #tpu.memory_space<vmem>> -> memref<1x1x25x24xi32, #tpu.memory_space<vmem>>
      %dma_wait3A_176 = tpu.memref_squeeze %dma_wait3A_175 : memref<1x1x25x24xi32, #tpu.memory_space<vmem>> -> memref<25x24xi32, #tpu.memory_space<vmem>>
      %dma_wait3A_177 = arith.constant 0 : i32
      %dma_wait3A_178 = tpu.memref_slice %arg2[%min3A_58, %dma_wait3A_177] : memref<100000x24xi32, #tpu.memory_space<hbm>> -> memref<25x24xi32, #tpu.memory_space<hbm>>
      %dma_wait3A_179 = arith.constant 0 : i32
      %dma_wait3A_180 = arith.constant 0 : i32
      %dma_wait3A_181 = tpu.memref_slice %arg7[%run_scoped3A_65, %run_scoped3A_66, %dma_wait3A_179, %dma_wait3A_180] : memref<4x2x25x24xi32, #tpu.memory_space<vmem>> -> memref<1x1x25x24xi32, #tpu.memory_space<vmem>>
      %dma_wait3A_182 = tpu.memref_squeeze %dma_wait3A_181 : memref<1x1x25x24xi32, #tpu.memory_space<vmem>> -> memref<25x24xi32, #tpu.memory_space<vmem>>
      %dma_wait3A_183 = arith.constant 0 : i32
      %dma_wait3A_184 = tpu.memref_slice %arg2[%min3A_58, %dma_wait3A_183] : memref<100000x24xi32, #tpu.memory_space<hbm>> -> memref<25x24xi32, #tpu.memory_space<hbm>>
      tpu.wait_dma2 semaphore(%run_scoped3A_161 : memref<!tpu.dma_semaphore, #tpu.memory_space<semaphore_mem>>) src(%dma_wait3A_184 : memref<25x24xi32, #tpu.memory_space<hbm>>) dst(%dma_wait3A_182 : memref<25x24xi32, #tpu.memory_space<vmem>>)
      tpu.yield
    }) : () -> ()
    %add3A_67 = arith.constant 50000 : i32
    %add3A_68 = arith.addi %add3A_67, %min3A_58 : i32
    %run_scoped3A_69 = arith.constant 1 : i32
    %run_scoped3A_70 = arith.constant 1 : i32
    "tpu.region"() ({
      %run_scoped3A_161 = tpu.sem_alloc : memref<!tpu.dma_semaphore, #tpu.memory_space<semaphore_mem>>
      %dma_start3A_162 = arith.constant 0 : i32
      %dma_start3A_163 = arith.constant 0 : i32
      %dma_start3A_164 = tpu.memref_slice %arg7[%run_scoped3A_69, %run_scoped3A_70, %dma_start3A_162, %dma_start3A_163] : memref<4x2x25x24xi32, #tpu.memory_space<vmem>> -> memref<1x1x25x24xi32, #tpu.memory_space<vmem>>
      %dma_start3A_165 = tpu.memref_squeeze %dma_start3A_164 : memref<1x1x25x24xi32, #tpu.memory_space<vmem>> -> memref<25x24xi32, #tpu.memory_space<vmem>>
      %dma_start3A_166 = arith.constant 0 : i32
      %dma_start3A_167 = tpu.memref_slice %arg2[%add3A_68, %dma_start3A_166] : memref<100000x24xi32, #tpu.memory_space<hbm>> -> memref<25x24xi32, #tpu.memory_space<hbm>>
      %dma_start3A_168 = arith.constant 0 : i32
      %dma_start3A_169 = arith.constant 0 : i32
      %dma_start3A_170 = tpu.memref_slice %arg7[%run_scoped3A_69, %run_scoped3A_70, %dma_start3A_168, %dma_start3A_169] : memref<4x2x25x24xi32, #tpu.memory_space<vmem>> -> memref<1x1x25x24xi32, #tpu.memory_space<vmem>>
      %dma_start3A_171 = tpu.memref_squeeze %dma_start3A_170 : memref<1x1x25x24xi32, #tpu.memory_space<vmem>> -> memref<25x24xi32, #tpu.memory_space<vmem>>
      %dma_start3A_172 = arith.constant 0 : i32
      %dma_start3A_173 = tpu.memref_slice %arg2[%add3A_68, %dma_start3A_172] : memref<100000x24xi32, #tpu.memory_space<hbm>> -> memref<25x24xi32, #tpu.memory_space<hbm>>
      tpu.enqueue_dma source(%dma_start3A_173 : memref<25x24xi32, #tpu.memory_space<hbm>>) target(%dma_start3A_171 : memref<25x24xi32, #tpu.memory_space<vmem>>) target_semaphore(%run_scoped3A_161 : memref<!tpu.dma_semaphore, #tpu.memory_space<semaphore_mem>>)
      %dma_wait3A = arith.constant 0 : i32
      %dma_wait3A_174 = arith.constant 0 : i32
      %dma_wait3A_175 = tpu.memref_slice %arg7[%run_scoped3A_69, %run_scoped3A_70, %dma_wait3A, %dma_wait3A_174] : memref<4x2x25x24xi32, #tpu.memory_space<vmem>> -> memref<1x1x25x24xi32, #tpu.memory_space<vmem>>
      %dma_wait3A_176 = tpu.memref_squeeze %dma_wait3A_175 : memref<1x1x25x24xi32, #tpu.memory_space<vmem>> -> memref<25x24xi32, #tpu.memory_space<vmem>>
      %dma_wait3A_177 = arith.constant 0 : i32
      %dma_wait3A_178 = tpu.memref_slice %arg2[%add3A_68, %dma_wait3A_177] : memref<100000x24xi32, #tpu.memory_space<hbm>> -> memref<25x24xi32, #tpu.memory_space<hbm>>
      %dma_wait3A_179 = arith.constant 0 : i32
      %dma_wait3A_180 = arith.constant 0 : i32
      %dma_wait3A_181 = tpu.memref_slice %arg7[%run_scoped3A_69, %run_scoped3A_70, %dma_wait3A_179, %dma_wait3A_180] : memref<4x2x25x24xi32, #tpu.memory_space<vmem>> -> memref<1x1x25x24xi32, #tpu.memory_space<vmem>>
      %dma_wait3A_182 = tpu.memref_squeeze %dma_wait3A_181 : memref<1x1x25x24xi32, #tpu.memory_space<vmem>> -> memref<25x24xi32, #tpu.memory_space<vmem>>
      %dma_wait3A_183 = arith.constant 0 : i32
      %dma_wait3A_184 = tpu.memref_slice %arg2[%add3A_68, %dma_wait3A_183] : memref<100000x24xi32, #tpu.memory_space<hbm>> -> memref<25x24xi32, #tpu.memory_space<hbm>>
      tpu.wait_dma2 semaphore(%run_scoped3A_161 : memref<!tpu.dma_semaphore, #tpu.memory_space<semaphore_mem>>) src(%dma_wait3A_184 : memref<25x24xi32, #tpu.memory_space<hbm>>) dst(%dma_wait3A_182 : memref<25x24xi32, #tpu.memory_space<vmem>>)
      tpu.yield
    }) : () -> ()
    %dma_start3A_71 = arith.constant 1 : i32
    %dma_start3A_72 = arith.constant 1 : i32
    %dma_start3A_73 = arith.constant 0 : i32
    %dma_start3A_74 = arith.constant 0 : i32
    %dma_start3A_75 = tpu.memref_slice %arg6[%dma_start3A_72, %dma_start3A_73, %dma_start3A_74] : memref<4x400x24xi32, #tpu.memory_space<vmem>> -> memref<1x400x24xi32, #tpu.memory_space<vmem>>
    %dma_start3A_76 = tpu.memref_squeeze %dma_start3A_75 : memref<1x400x24xi32, #tpu.memory_space<vmem>> -> memref<400x24xi32, #tpu.memory_space<vmem>>
    %dma_start3A_77 = arith.constant 0 : i32
    %dma_start3A_78 = tpu.memref_slice %arg8[%dma_start3A_71, %dma_start3A_77] : memref<4x400xi32, #tpu.memory_space<vmem>> -> memref<1x400xi32, #tpu.memory_space<vmem>>
    %dma_start3A_79 = tpu.memref_squeeze %dma_start3A_78 : memref<1x400xi32, #tpu.memory_space<vmem>> -> memref<400xi32, #tpu.memory_space<vmem>>
    %dma_start3A_80 = arith.constant 0 : i32
    %dma_start3A_81 = arith.constant 0 : i32
    %dma_start3A_82 = tpu.memref_slice %arg5[%dma_start3A_80, %dma_start3A_81] : memref<50000x24xi32, #tpu.memory_space<vmem_shared>> -> memref<50000x24xi32, #tpu.memory_space<vmem_shared>>
    tpu.enqueue_indirect_dma source(%dma_start3A_82 : memref<50000x24xi32, #tpu.memory_space<vmem_shared>>) target(%dma_start3A_76 : memref<400x24xi32, #tpu.memory_space<vmem>>) offsets(%dma_start3A_79 : memref<400xi32, #tpu.memory_space<vmem>>) semaphore(%arg11 : memref<!tpu.dma_semaphore, #tpu.memory_space<semaphore_mem>>)
    %add3A_83 = arith.constant 50 : i32
    %add3A_84 = arith.addi %mul3A_5, %add3A_83 : i32
    %min3A_85 = arith.constant 49975 : i32
    %min3A_86 = arith.minsi %add3A_84, %min3A_85 : i32
    %mul3A_87 = arith.constant 800000 : i32
    %mul3A_88 = arith.muli %arg0, %mul3A_87 : i32
    %mul3A_89 = arith.constant 16 : i32
    %mul3A_90 = arith.muli %min3A_86, %mul3A_89 : i32
    %add3A_91 = arith.addi %mul3A_88, %mul3A_90 : i32
    %run_scoped3A_92 = arith.constant 2 : i32
    "tpu.region"() ({
      %run_scoped3A_161 = tpu.sem_alloc : memref<!tpu.dma_semaphore, #tpu.memory_space<semaphore_mem>>
      %dma_start3A_162 = arith.constant 0 : i32
      %dma_start3A_163 = tpu.memref_slice %arg8[%run_scoped3A_92, %dma_start3A_162] : memref<4x400xi32, #tpu.memory_space<vmem>> -> memref<1x400xi32, #tpu.memory_space<vmem>>
      %dma_start3A_164 = tpu.memref_squeeze %dma_start3A_163 : memref<1x400xi32, #tpu.memory_space<vmem>> -> memref<400xi32, #tpu.memory_space<vmem>>
      %dma_start3A_165 = tpu.memref_slice %arg3[%add3A_91] : memref<1600000xi32, #tpu.memory_space<hbm>> -> memref<400xi32, #tpu.memory_space<hbm>>
      %dma_start3A_166 = arith.constant 0 : i32
      %dma_start3A_167 = tpu.memref_slice %arg8[%run_scoped3A_92, %dma_start3A_166] : memref<4x400xi32, #tpu.memory_space<vmem>> -> memref<1x400xi32, #tpu.memory_space<vmem>>
      %dma_start3A_168 = tpu.memref_squeeze %dma_start3A_167 : memref<1x400xi32, #tpu.memory_space<vmem>> -> memref<400xi32, #tpu.memory_space<vmem>>
      %dma_start3A_169 = tpu.memref_slice %arg3[%add3A_91] : memref<1600000xi32, #tpu.memory_space<hbm>> -> memref<400xi32, #tpu.memory_space<hbm>>
      tpu.enqueue_dma source(%dma_start3A_169 : memref<400xi32, #tpu.memory_space<hbm>>) target(%dma_start3A_168 : memref<400xi32, #tpu.memory_space<vmem>>) target_semaphore(%run_scoped3A_161 : memref<!tpu.dma_semaphore, #tpu.memory_space<semaphore_mem>>)
      %dma_wait3A = arith.constant 0 : i32
      %dma_wait3A_170 = tpu.memref_slice %arg8[%run_scoped3A_92, %dma_wait3A] : memref<4x400xi32, #tpu.memory_space<vmem>> -> memref<1x400xi32, #tpu.memory_space<vmem>>
      %dma_wait3A_171 = tpu.memref_squeeze %dma_wait3A_170 : memref<1x400xi32, #tpu.memory_space<vmem>> -> memref<400xi32, #tpu.memory_space<vmem>>
      %dma_wait3A_172 = tpu.memref_slice %arg3[%add3A_91] : memref<1600000xi32, #tpu.memory_space<hbm>> -> memref<400xi32, #tpu.memory_space<hbm>>
      %dma_wait3A_173 = arith.constant 0 : i32
      %dma_wait3A_174 = tpu.memref_slice %arg8[%run_scoped3A_92, %dma_wait3A_173] : memref<4x400xi32, #tpu.memory_space<vmem>> -> memref<1x400xi32, #tpu.memory_space<vmem>>
      %dma_wait3A_175 = tpu.memref_squeeze %dma_wait3A_174 : memref<1x400xi32, #tpu.memory_space<vmem>> -> memref<400xi32, #tpu.memory_space<vmem>>
      %dma_wait3A_176 = tpu.memref_slice %arg3[%add3A_91] : memref<1600000xi32, #tpu.memory_space<hbm>> -> memref<400xi32, #tpu.memory_space<hbm>>
      tpu.wait_dma2 semaphore(%run_scoped3A_161 : memref<!tpu.dma_semaphore, #tpu.memory_space<semaphore_mem>>) src(%dma_wait3A_176 : memref<400xi32, #tpu.memory_space<hbm>>) dst(%dma_wait3A_175 : memref<400xi32, #tpu.memory_space<vmem>>)
      tpu.yield
    }) : () -> ()
    %run_scoped3A_93 = arith.constant 2 : i32
    %run_scoped3A_94 = arith.constant 0 : i32
    "tpu.region"() ({
      %run_scoped3A_161 = tpu.sem_alloc : memref<!tpu.dma_semaphore, #tpu.memory_space<semaphore_mem>>
      %dma_start3A_162 = arith.constant 0 : i32
      %dma_start3A_163 = arith.constant 0 : i32
      %dma_start3A_164 = tpu.memref_slice %arg7[%run_scoped3A_93, %run_scoped3A_94, %dma_start3A_162, %dma_start3A_163] : memref<4x2x25x24xi32, #tpu.memory_space<vmem>> -> memref<1x1x25x24xi32, #tpu.memory_space<vmem>>
      %dma_start3A_165 = tpu.memref_squeeze %dma_start3A_164 : memref<1x1x25x24xi32, #tpu.memory_space<vmem>> -> memref<25x24xi32, #tpu.memory_space<vmem>>
      %dma_start3A_166 = arith.constant 0 : i32
      %dma_start3A_167 = tpu.memref_slice %arg2[%min3A_86, %dma_start3A_166] : memref<100000x24xi32, #tpu.memory_space<hbm>> -> memref<25x24xi32, #tpu.memory_space<hbm>>
      %dma_start3A_168 = arith.constant 0 : i32
      %dma_start3A_169 = arith.constant 0 : i32
      %dma_start3A_170 = tpu.memref_slice %arg7[%run_scoped3A_93, %run_scoped3A_94, %dma_start3A_168, %dma_start3A_169] : memref<4x2x25x24xi32, #tpu.memory_space<vmem>> -> memref<1x1x25x24xi32, #tpu.memory_space<vmem>>
      %dma_start3A_171 = tpu.memref_squeeze %dma_start3A_170 : memref<1x1x25x24xi32, #tpu.memory_space<vmem>> -> memref<25x24xi32, #tpu.memory_space<vmem>>
      %dma_start3A_172 = arith.constant 0 : i32
      %dma_start3A_173 = tpu.memref_slice %arg2[%min3A_86, %dma_start3A_172] : memref<100000x24xi32, #tpu.memory_space<hbm>> -> memref<25x24xi32, #tpu.memory_space<hbm>>
      tpu.enqueue_dma source(%dma_start3A_173 : memref<25x24xi32, #tpu.memory_space<hbm>>) target(%dma_start3A_171 : memref<25x24xi32, #tpu.memory_space<vmem>>) target_semaphore(%run_scoped3A_161 : memref<!tpu.dma_semaphore, #tpu.memory_space<semaphore_mem>>)
      %dma_wait3A = arith.constant 0 : i32
      %dma_wait3A_174 = arith.constant 0 : i32
      %dma_wait3A_175 = tpu.memref_slice %arg7[%run_scoped3A_93, %run_scoped3A_94, %dma_wait3A, %dma_wait3A_174] : memref<4x2x25x24xi32, #tpu.memory_space<vmem>> -> memref<1x1x25x24xi32, #tpu.memory_space<vmem>>
      %dma_wait3A_176 = tpu.memref_squeeze %dma_wait3A_175 : memref<1x1x25x24xi32, #tpu.memory_space<vmem>> -> memref<25x24xi32, #tpu.memory_space<vmem>>
      %dma_wait3A_177 = arith.constant 0 : i32
      %dma_wait3A_178 = tpu.memref_slice %arg2[%min3A_86, %dma_wait3A_177] : memref<100000x24xi32, #tpu.memory_space<hbm>> -> memref<25x24xi32, #tpu.memory_space<hbm>>
      %dma_wait3A_179 = arith.constant 0 : i32
      %dma_wait3A_180 = arith.constant 0 : i32
      %dma_wait3A_181 = tpu.memref_slice %arg7[%run_scoped3A_93, %run_scoped3A_94, %dma_wait3A_179, %dma_wait3A_180] : memref<4x2x25x24xi32, #tpu.memory_space<vmem>> -> memref<1x1x25x24xi32, #tpu.memory_space<vmem>>
      %dma_wait3A_182 = tpu.memref_squeeze %dma_wait3A_181 : memref<1x1x25x24xi32, #tpu.memory_space<vmem>> -> memref<25x24xi32, #tpu.memory_space<vmem>>
      %dma_wait3A_183 = arith.constant 0 : i32
      %dma_wait3A_184 = tpu.memref_slice %arg2[%min3A_86, %dma_wait3A_183] : memref<100000x24xi32, #tpu.memory_space<hbm>> -> memref<25x24xi32, #tpu.memory_space<hbm>>
      tpu.wait_dma2 semaphore(%run_scoped3A_161 : memref<!tpu.dma_semaphore, #tpu.memory_space<semaphore_mem>>) src(%dma_wait3A_184 : memref<25x24xi32, #tpu.memory_space<hbm>>) dst(%dma_wait3A_182 : memref<25x24xi32, #tpu.memory_space<vmem>>)
      tpu.yield
    }) : () -> ()
    %add3A_95 = arith.constant 50000 : i32
    %add3A_96 = arith.addi %add3A_95, %min3A_86 : i32
    %run_scoped3A_97 = arith.constant 2 : i32
    %run_scoped3A_98 = arith.constant 1 : i32
    "tpu.region"() ({
      %run_scoped3A_161 = tpu.sem_alloc : memref<!tpu.dma_semaphore, #tpu.memory_space<semaphore_mem>>
      %dma_start3A_162 = arith.constant 0 : i32
      %dma_start3A_163 = arith.constant 0 : i32
      %dma_start3A_164 = tpu.memref_slice %arg7[%run_scoped3A_97, %run_scoped3A_98, %dma_start3A_162, %dma_start3A_163] : memref<4x2x25x24xi32, #tpu.memory_space<vmem>> -> memref<1x1x25x24xi32, #tpu.memory_space<vmem>>
      %dma_start3A_165 = tpu.memref_squeeze %dma_start3A_164 : memref<1x1x25x24xi32, #tpu.memory_space<vmem>> -> memref<25x24xi32, #tpu.memory_space<vmem>>
      %dma_start3A_166 = arith.constant 0 : i32
      %dma_start3A_167 = tpu.memref_slice %arg2[%add3A_96, %dma_start3A_166] : memref<100000x24xi32, #tpu.memory_space<hbm>> -> memref<25x24xi32, #tpu.memory_space<hbm>>
      %dma_start3A_168 = arith.constant 0 : i32
      %dma_start3A_169 = arith.constant 0 : i32
      %dma_start3A_170 = tpu.memref_slice %arg7[%run_scoped3A_97, %run_scoped3A_98, %dma_start3A_168, %dma_start3A_169] : memref<4x2x25x24xi32, #tpu.memory_space<vmem>> -> memref<1x1x25x24xi32, #tpu.memory_space<vmem>>
      %dma_start3A_171 = tpu.memref_squeeze %dma_start3A_170 : memref<1x1x25x24xi32, #tpu.memory_space<vmem>> -> memref<25x24xi32, #tpu.memory_space<vmem>>
      %dma_start3A_172 = arith.constant 0 : i32
      %dma_start3A_173 = tpu.memref_slice %arg2[%add3A_96, %dma_start3A_172] : memref<100000x24xi32, #tpu.memory_space<hbm>> -> memref<25x24xi32, #tpu.memory_space<hbm>>
      tpu.enqueue_dma source(%dma_start3A_173 : memref<25x24xi32, #tpu.memory_space<hbm>>) target(%dma_start3A_171 : memref<25x24xi32, #tpu.memory_space<vmem>>) target_semaphore(%run_scoped3A_161 : memref<!tpu.dma_semaphore, #tpu.memory_space<semaphore_mem>>)
      %dma_wait3A = arith.constant 0 : i32
      %dma_wait3A_174 = arith.constant 0 : i32
      %dma_wait3A_175 = tpu.memref_slice %arg7[%run_scoped3A_97, %run_scoped3A_98, %dma_wait3A, %dma_wait3A_174] : memref<4x2x25x24xi32, #tpu.memory_space<vmem>> -> memref<1x1x25x24xi32, #tpu.memory_space<vmem>>
      %dma_wait3A_176 = tpu.memref_squeeze %dma_wait3A_175 : memref<1x1x25x24xi32, #tpu.memory_space<vmem>> -> memref<25x24xi32, #tpu.memory_space<vmem>>
      %dma_wait3A_177 = arith.constant 0 : i32
      %dma_wait3A_178 = tpu.memref_slice %arg2[%add3A_96, %dma_wait3A_177] : memref<100000x24xi32, #tpu.memory_space<hbm>> -> memref<25x24xi32, #tpu.memory_space<hbm>>
      %dma_wait3A_179 = arith.constant 0 : i32
      %dma_wait3A_180 = arith.constant 0 : i32
      %dma_wait3A_181 = tpu.memref_slice %arg7[%run_scoped3A_97, %run_scoped3A_98, %dma_wait3A_179, %dma_wait3A_180] : memref<4x2x25x24xi32, #tpu.memory_space<vmem>> -> memref<1x1x25x24xi32, #tpu.memory_space<vmem>>
      %dma_wait3A_182 = tpu.memref_squeeze %dma_wait3A_181 : memref<1x1x25x24xi32, #tpu.memory_space<vmem>> -> memref<25x24xi32, #tpu.memory_space<vmem>>
      %dma_wait3A_183 = arith.constant 0 : i32
      %dma_wait3A_184 = tpu.memref_slice %arg2[%add3A_96, %dma_wait3A_183] : memref<100000x24xi32, #tpu.memory_space<hbm>> -> memref<25x24xi32, #tpu.memory_space<hbm>>
      tpu.wait_dma2 semaphore(%run_scoped3A_161 : memref<!tpu.dma_semaphore, #tpu.memory_space<semaphore_mem>>) src(%dma_wait3A_184 : memref<25x24xi32, #tpu.memory_space<hbm>>) dst(%dma_wait3A_182 : memref<25x24xi32, #tpu.memory_space<vmem>>)
      tpu.yield
    }) : () -> ()
    %dma_start3A_99 = arith.constant 2 : i32
    %dma_start3A_100 = arith.constant 2 : i32
    %dma_start3A_101 = arith.constant 0 : i32
    %dma_start3A_102 = arith.constant 0 : i32
    %dma_start3A_103 = tpu.memref_slice %arg6[%dma_start3A_100, %dma_start3A_101, %dma_start3A_102] : memref<4x400x24xi32, #tpu.memory_space<vmem>> -> memref<1x400x24xi32, #tpu.memory_space<vmem>>
    %dma_start3A_104 = tpu.memref_squeeze %dma_start3A_103 : memref<1x400x24xi32, #tpu.memory_space<vmem>> -> memref<400x24xi32, #tpu.memory_space<vmem>>
    %dma_start3A_105 = arith.constant 0 : i32
    %dma_start3A_106 = tpu.memref_slice %arg8[%dma_start3A_99, %dma_start3A_105] : memref<4x400xi32, #tpu.memory_space<vmem>> -> memref<1x400xi32, #tpu.memory_space<vmem>>
    %dma_start3A_107 = tpu.memref_squeeze %dma_start3A_106 : memref<1x400xi32, #tpu.memory_space<vmem>> -> memref<400xi32, #tpu.memory_space<vmem>>
    %dma_start3A_108 = arith.constant 0 : i32
    %dma_start3A_109 = arith.constant 0 : i32
    %dma_start3A_110 = tpu.memref_slice %arg5[%dma_start3A_108, %dma_start3A_109] : memref<50000x24xi32, #tpu.memory_space<vmem_shared>> -> memref<50000x24xi32, #tpu.memory_space<vmem_shared>>
    tpu.enqueue_indirect_dma source(%dma_start3A_110 : memref<50000x24xi32, #tpu.memory_space<vmem_shared>>) target(%dma_start3A_104 : memref<400x24xi32, #tpu.memory_space<vmem>>) offsets(%dma_start3A_107 : memref<400xi32, #tpu.memory_space<vmem>>) semaphore(%arg12 : memref<!tpu.dma_semaphore, #tpu.memory_space<semaphore_mem>>)
    %add3A_111 = arith.constant 75 : i32
    %add3A_112 = arith.addi %mul3A_5, %add3A_111 : i32
    %min3A_113 = arith.constant 49975 : i32
    %min3A_114 = arith.minsi %add3A_112, %min3A_113 : i32
    %mul3A_115 = arith.constant 800000 : i32
    %mul3A_116 = arith.muli %arg0, %mul3A_115 : i32
    %mul3A_117 = arith.constant 16 : i32
    %mul3A_118 = arith.muli %min3A_114, %mul3A_117 : i32
    %add3A_119 = arith.addi %mul3A_116, %mul3A_118 : i32
    %run_scoped3A_120 = arith.constant 3 : i32
    "tpu.region"() ({
      %run_scoped3A_161 = tpu.sem_alloc : memref<!tpu.dma_semaphore, #tpu.memory_space<semaphore_mem>>
      %dma_start3A_162 = arith.constant 0 : i32
      %dma_start3A_163 = tpu.memref_slice %arg8[%run_scoped3A_120, %dma_start3A_162] : memref<4x400xi32, #tpu.memory_space<vmem>> -> memref<1x400xi32, #tpu.memory_space<vmem>>
      %dma_start3A_164 = tpu.memref_squeeze %dma_start3A_163 : memref<1x400xi32, #tpu.memory_space<vmem>> -> memref<400xi32, #tpu.memory_space<vmem>>
      %dma_start3A_165 = tpu.memref_slice %arg3[%add3A_119] : memref<1600000xi32, #tpu.memory_space<hbm>> -> memref<400xi32, #tpu.memory_space<hbm>>
      %dma_start3A_166 = arith.constant 0 : i32
      %dma_start3A_167 = tpu.memref_slice %arg8[%run_scoped3A_120, %dma_start3A_166] : memref<4x400xi32, #tpu.memory_space<vmem>> -> memref<1x400xi32, #tpu.memory_space<vmem>>
      %dma_start3A_168 = tpu.memref_squeeze %dma_start3A_167 : memref<1x400xi32, #tpu.memory_space<vmem>> -> memref<400xi32, #tpu.memory_space<vmem>>
      %dma_start3A_169 = tpu.memref_slice %arg3[%add3A_119] : memref<1600000xi32, #tpu.memory_space<hbm>> -> memref<400xi32, #tpu.memory_space<hbm>>
      tpu.enqueue_dma source(%dma_start3A_169 : memref<400xi32, #tpu.memory_space<hbm>>) target(%dma_start3A_168 : memref<400xi32, #tpu.memory_space<vmem>>) target_semaphore(%run_scoped3A_161 : memref<!tpu.dma_semaphore, #tpu.memory_space<semaphore_mem>>)
      %dma_wait3A = arith.constant 0 : i32
      %dma_wait3A_170 = tpu.memref_slice %arg8[%run_scoped3A_120, %dma_wait3A] : memref<4x400xi32, #tpu.memory_space<vmem>> -> memref<1x400xi32, #tpu.memory_space<vmem>>
      %dma_wait3A_171 = tpu.memref_squeeze %dma_wait3A_170 : memref<1x400xi32, #tpu.memory_space<vmem>> -> memref<400xi32, #tpu.memory_space<vmem>>
      %dma_wait3A_172 = tpu.memref_slice %arg3[%add3A_119] : memref<1600000xi32, #tpu.memory_space<hbm>> -> memref<400xi32, #tpu.memory_space<hbm>>
      %dma_wait3A_173 = arith.constant 0 : i32
      %dma_wait3A_174 = tpu.memref_slice %arg8[%run_scoped3A_120, %dma_wait3A_173] : memref<4x400xi32, #tpu.memory_space<vmem>> -> memref<1x400xi32, #tpu.memory_space<vmem>>
      %dma_wait3A_175 = tpu.memref_squeeze %dma_wait3A_174 : memref<1x400xi32, #tpu.memory_space<vmem>> -> memref<400xi32, #tpu.memory_space<vmem>>
      %dma_wait3A_176 = tpu.memref_slice %arg3[%add3A_119] : memref<1600000xi32, #tpu.memory_space<hbm>> -> memref<400xi32, #tpu.memory_space<hbm>>
      tpu.wait_dma2 semaphore(%run_scoped3A_161 : memref<!tpu.dma_semaphore, #tpu.memory_space<semaphore_mem>>) src(%dma_wait3A_176 : memref<400xi32, #tpu.memory_space<hbm>>) dst(%dma_wait3A_175 : memref<400xi32, #tpu.memory_space<vmem>>)
      tpu.yield
    }) : () -> ()
    %run_scoped3A_121 = arith.constant 3 : i32
    %run_scoped3A_122 = arith.constant 0 : i32
    "tpu.region"() ({
      %run_scoped3A_161 = tpu.sem_alloc : memref<!tpu.dma_semaphore, #tpu.memory_space<semaphore_mem>>
      %dma_start3A_162 = arith.constant 0 : i32
      %dma_start3A_163 = arith.constant 0 : i32
      %dma_start3A_164 = tpu.memref_slice %arg7[%run_scoped3A_121, %run_scoped3A_122, %dma_start3A_162, %dma_start3A_163] : memref<4x2x25x24xi32, #tpu.memory_space<vmem>> -> memref<1x1x25x24xi32, #tpu.memory_space<vmem>>
      %dma_start3A_165 = tpu.memref_squeeze %dma_start3A_164 : memref<1x1x25x24xi32, #tpu.memory_space<vmem>> -> memref<25x24xi32, #tpu.memory_space<vmem>>
      %dma_start3A_166 = arith.constant 0 : i32
      %dma_start3A_167 = tpu.memref_slice %arg2[%min3A_114, %dma_start3A_166] : memref<100000x24xi32, #tpu.memory_space<hbm>> -> memref<25x24xi32, #tpu.memory_space<hbm>>
      %dma_start3A_168 = arith.constant 0 : i32
      %dma_start3A_169 = arith.constant 0 : i32
      %dma_start3A_170 = tpu.memref_slice %arg7[%run_scoped3A_121, %run_scoped3A_122, %dma_start3A_168, %dma_start3A_169] : memref<4x2x25x24xi32, #tpu.memory_space<vmem>> -> memref<1x1x25x24xi32, #tpu.memory_space<vmem>>
      %dma_start3A_171 = tpu.memref_squeeze %dma_start3A_170 : memref<1x1x25x24xi32, #tpu.memory_space<vmem>> -> memref<25x24xi32, #tpu.memory_space<vmem>>
      %dma_start3A_172 = arith.constant 0 : i32
      %dma_start3A_173 = tpu.memref_slice %arg2[%min3A_114, %dma_start3A_172] : memref<100000x24xi32, #tpu.memory_space<hbm>> -> memref<25x24xi32, #tpu.memory_space<hbm>>
      tpu.enqueue_dma source(%dma_start3A_173 : memref<25x24xi32, #tpu.memory_space<hbm>>) target(%dma_start3A_171 : memref<25x24xi32, #tpu.memory_space<vmem>>) target_semaphore(%run_scoped3A_161 : memref<!tpu.dma_semaphore, #tpu.memory_space<semaphore_mem>>)
      %dma_wait3A = arith.constant 0 : i32
      %dma_wait3A_174 = arith.constant 0 : i32
      %dma_wait3A_175 = tpu.memref_slice %arg7[%run_scoped3A_121, %run_scoped3A_122, %dma_wait3A, %dma_wait3A_174] : memref<4x2x25x24xi32, #tpu.memory_space<vmem>> -> memref<1x1x25x24xi32, #tpu.memory_space<vmem>>
      %dma_wait3A_176 = tpu.memref_squeeze %dma_wait3A_175 : memref<1x1x25x24xi32, #tpu.memory_space<vmem>> -> memref<25x24xi32, #tpu.memory_space<vmem>>
      %dma_wait3A_177 = arith.constant 0 : i32
      %dma_wait3A_178 = tpu.memref_slice %arg2[%min3A_114, %dma_wait3A_177] : memref<100000x24xi32, #tpu.memory_space<hbm>> -> memref<25x24xi32, #tpu.memory_space<hbm>>
      %dma_wait3A_179 = arith.constant 0 : i32
      %dma_wait3A_180 = arith.constant 0 : i32
      %dma_wait3A_181 = tpu.memref_slice %arg7[%run_scoped3A_121, %run_scoped3A_122, %dma_wait3A_179, %dma_wait3A_180] : memref<4x2x25x24xi32, #tpu.memory_space<vmem>> -> memref<1x1x25x24xi32, #tpu.memory_space<vmem>>
      %dma_wait3A_182 = tpu.memref_squeeze %dma_wait3A_181 : memref<1x1x25x24xi32, #tpu.memory_space<vmem>> -> memref<25x24xi32, #tpu.memory_space<vmem>>
      %dma_wait3A_183 = arith.constant 0 : i32
      %dma_wait3A_184 = tpu.memref_slice %arg2[%min3A_114, %dma_wait3A_183] : memref<100000x24xi32, #tpu.memory_space<hbm>> -> memref<25x24xi32, #tpu.memory_space<hbm>>
      tpu.wait_dma2 semaphore(%run_scoped3A_161 : memref<!tpu.dma_semaphore, #tpu.memory_space<semaphore_mem>>) src(%dma_wait3A_184 : memref<25x24xi32, #tpu.memory_space<hbm>>) dst(%dma_wait3A_182 : memref<25x24xi32, #tpu.memory_space<vmem>>)
      tpu.yield
    }) : () -> ()
    %add3A_123 = arith.constant 50000 : i32
    %add3A_124 = arith.addi %add3A_123, %min3A_114 : i32
    %run_scoped3A_125 = arith.constant 3 : i32
    %run_scoped3A_126 = arith.constant 1 : i32
    "tpu.region"() ({
      %run_scoped3A_161 = tpu.sem_alloc : memref<!tpu.dma_semaphore, #tpu.memory_space<semaphore_mem>>
      %dma_start3A_162 = arith.constant 0 : i32
      %dma_start3A_163 = arith.constant 0 : i32
      %dma_start3A_164 = tpu.memref_slice %arg7[%run_scoped3A_125, %run_scoped3A_126, %dma_start3A_162, %dma_start3A_163] : memref<4x2x25x24xi32, #tpu.memory_space<vmem>> -> memref<1x1x25x24xi32, #tpu.memory_space<vmem>>
      %dma_start3A_165 = tpu.memref_squeeze %dma_start3A_164 : memref<1x1x25x24xi32, #tpu.memory_space<vmem>> -> memref<25x24xi32, #tpu.memory_space<vmem>>
      %dma_start3A_166 = arith.constant 0 : i32
      %dma_start3A_167 = tpu.memref_slice %arg2[%add3A_124, %dma_start3A_166] : memref<100000x24xi32, #tpu.memory_space<hbm>> -> memref<25x24xi32, #tpu.memory_space<hbm>>
      %dma_start3A_168 = arith.constant 0 : i32
      %dma_start3A_169 = arith.constant 0 : i32
      %dma_start3A_170 = tpu.memref_slice %arg7[%run_scoped3A_125, %run_scoped3A_126, %dma_start3A_168, %dma_start3A_169] : memref<4x2x25x24xi32, #tpu.memory_space<vmem>> -> memref<1x1x25x24xi32, #tpu.memory_space<vmem>>
      %dma_start3A_171 = tpu.memref_squeeze %dma_start3A_170 : memref<1x1x25x24xi32, #tpu.memory_space<vmem>> -> memref<25x24xi32, #tpu.memory_space<vmem>>
      %dma_start3A_172 = arith.constant 0 : i32
      %dma_start3A_173 = tpu.memref_slice %arg2[%add3A_124, %dma_start3A_172] : memref<100000x24xi32, #tpu.memory_space<hbm>> -> memref<25x24xi32, #tpu.memory_space<hbm>>
      tpu.enqueue_dma source(%dma_start3A_173 : memref<25x24xi32, #tpu.memory_space<hbm>>) target(%dma_start3A_171 : memref<25x24xi32, #tpu.memory_space<vmem>>) target_semaphore(%run_scoped3A_161 : memref<!tpu.dma_semaphore, #tpu.memory_space<semaphore_mem>>)
      %dma_wait3A = arith.constant 0 : i32
      %dma_wait3A_174 = arith.constant 0 : i32
      %dma_wait3A_175 = tpu.memref_slice %arg7[%run_scoped3A_125, %run_scoped3A_126, %dma_wait3A, %dma_wait3A_174] : memref<4x2x25x24xi32, #tpu.memory_space<vmem>> -> memref<1x1x25x24xi32, #tpu.memory_space<vmem>>
      %dma_wait3A_176 = tpu.memref_squeeze %dma_wait3A_175 : memref<1x1x25x24xi32, #tpu.memory_space<vmem>> -> memref<25x24xi32, #tpu.memory_space<vmem>>
      %dma_wait3A_177 = arith.constant 0 : i32
      %dma_wait3A_178 = tpu.memref_slice %arg2[%add3A_124, %dma_wait3A_177] : memref<100000x24xi32, #tpu.memory_space<hbm>> -> memref<25x24xi32, #tpu.memory_space<hbm>>
      %dma_wait3A_179 = arith.constant 0 : i32
      %dma_wait3A_180 = arith.constant 0 : i32
      %dma_wait3A_181 = tpu.memref_slice %arg7[%run_scoped3A_125, %run_scoped3A_126, %dma_wait3A_179, %dma_wait3A_180] : memref<4x2x25x24xi32, #tpu.memory_space<vmem>> -> memref<1x1x25x24xi32, #tpu.memory_space<vmem>>
      %dma_wait3A_182 = tpu.memref_squeeze %dma_wait3A_181 : memref<1x1x25x24xi32, #tpu.memory_space<vmem>> -> memref<25x24xi32, #tpu.memory_space<vmem>>
      %dma_wait3A_183 = arith.constant 0 : i32
      %dma_wait3A_184 = tpu.memref_slice %arg2[%add3A_124, %dma_wait3A_183] : memref<100000x24xi32, #tpu.memory_space<hbm>> -> memref<25x24xi32, #tpu.memory_space<hbm>>
      tpu.wait_dma2 semaphore(%run_scoped3A_161 : memref<!tpu.dma_semaphore, #tpu.memory_space<semaphore_mem>>) src(%dma_wait3A_184 : memref<25x24xi32, #tpu.memory_space<hbm>>) dst(%dma_wait3A_182 : memref<25x24xi32, #tpu.memory_space<vmem>>)
      tpu.yield
    }) : () -> ()
    %dma_start3A_127 = arith.constant 3 : i32
    %dma_start3A_128 = arith.constant 3 : i32
    %dma_start3A_129 = arith.constant 0 : i32
    %dma_start3A_130 = arith.constant 0 : i32
    %dma_start3A_131 = tpu.memref_slice %arg6[%dma_start3A_128, %dma_start3A_129, %dma_start3A_130] : memref<4x400x24xi32, #tpu.memory_space<vmem>> -> memref<1x400x24xi32, #tpu.memory_space<vmem>>
    %dma_start3A_132 = tpu.memref_squeeze %dma_start3A_131 : memref<1x400x24xi32, #tpu.memory_space<vmem>> -> memref<400x24xi32, #tpu.memory_space<vmem>>
    %dma_start3A_133 = arith.constant 0 : i32
    %dma_start3A_134 = tpu.memref_slice %arg8[%dma_start3A_127, %dma_start3A_133] : memref<4x400xi32, #tpu.memory_space<vmem>> -> memref<1x400xi32, #tpu.memory_space<vmem>>
    %dma_start3A_135 = tpu.memref_squeeze %dma_start3A_134 : memref<1x400xi32, #tpu.memory_space<vmem>> -> memref<400xi32, #tpu.memory_space<vmem>>
    %dma_start3A_136 = arith.constant 0 : i32
    %dma_start3A_137 = arith.constant 0 : i32
    %dma_start3A_138 = tpu.memref_slice %arg5[%dma_start3A_136, %dma_start3A_137] : memref<50000x24xi32, #tpu.memory_space<vmem_shared>> -> memref<50000x24xi32, #tpu.memory_space<vmem_shared>>
    tpu.enqueue_indirect_dma source(%dma_start3A_138 : memref<50000x24xi32, #tpu.memory_space<vmem_shared>>) target(%dma_start3A_132 : memref<400x24xi32, #tpu.memory_space<vmem>>) offsets(%dma_start3A_135 : memref<400xi32, #tpu.memory_space<vmem>>) semaphore(%arg13 : memref<!tpu.dma_semaphore, #tpu.memory_space<semaphore_mem>>)
    %broadcast_in_dim3A_139 = arith.constant 0.000000e+00 : f32
    %broadcast_in_dim3A_140 = vector.broadcast %broadcast_in_dim3A_139 : f32 to vector<16xf32>
    %scan3A = arith.constant 0 : i32
    %scan3A_141 = arith.constant 32 : i32
    %scan3A_142 = arith.addi %scan3A, %scan3A_141 : i32
    %scan3A_143 = arith.constant 1 : i32
    %scan3A_144:4 = scf.for %scan3A_161 = %scan3A to %scan3A_142 step %scan3A_143 iter_args(%scan3A_162 = %broadcast_in_dim3A_140, %scan3A_163 = %broadcast_in_dim3A_140, %scan3A_164 = %broadcast_in_dim3A_140, %scan3A_165 = %broadcast_in_dim3A_140) -> (vector<16xf32>, vector<16xf32>, vector<16xf32>, vector<16xf32>)  : i32 {
      %mul3A_166 = arith.constant 4 : i32
      %mul3A_167 = arith.muli %scan3A_161, %mul3A_166 : i32
      %add3A_168 = arith.constant 0 : i32
      %add3A_169 = arith.addi %mul3A_167, %add3A_168 : i32
      %dma_wait3A = arith.constant 0 : i32
      %dma_wait3A_170 = arith.constant 0 : i32
      %dma_wait3A_171 = arith.constant 0 : i32
      %dma_wait3A_172 = arith.constant 0 : i32
      %dma_wait3A_173 = tpu.memref_slice %arg6[%dma_wait3A_170, %dma_wait3A_171, %dma_wait3A_172] : memref<4x400x24xi32, #tpu.memory_space<vmem>> -> memref<1x400x24xi32, #tpu.memory_space<vmem>>
      %dma_wait3A_174 = tpu.memref_squeeze %dma_wait3A_173 : memref<1x400x24xi32, #tpu.memory_space<vmem>> -> memref<400x24xi32, #tpu.memory_space<vmem>>
      %dma_wait3A_175 = arith.constant 0 : i32
      %dma_wait3A_176 = tpu.memref_slice %arg8[%dma_wait3A, %dma_wait3A_175] : memref<4x400xi32, #tpu.memory_space<vmem>> -> memref<1x400xi32, #tpu.memory_space<vmem>>
      %dma_wait3A_177 = tpu.memref_squeeze %dma_wait3A_176 : memref<1x400xi32, #tpu.memory_space<vmem>> -> memref<400xi32, #tpu.memory_space<vmem>>
      %dma_wait3A_178 = arith.constant 0 : i32
      %dma_wait3A_179 = arith.constant 0 : i32
      %dma_wait3A_180 = tpu.memref_slice %arg5[%dma_wait3A_178, %dma_wait3A_179] : memref<50000x24xi32, #tpu.memory_space<vmem_shared>> -> memref<50000x24xi32, #tpu.memory_space<vmem_shared>>
      tpu.wait_indirect_dma semaphore(%arg10 : memref<!tpu.dma_semaphore, #tpu.memory_space<semaphore_mem>>) src(%dma_wait3A_180 : memref<50000x24xi32, #tpu.memory_space<vmem_shared>>) dst(%dma_wait3A_174 : memref<400x24xi32, #tpu.memory_space<vmem>>)
      %mul3A_181 = arith.constant 25 : i32
      %mul3A_182 = arith.muli %add3A_169, %mul3A_181 : i32
      %add3A_183 = arith.addi %mul3A_5, %mul3A_182 : i32
      %scan3A_184 = arith.constant 0 : i32
      %scan3A_185 = arith.constant 0 : i32
      %scan3A_186 = arith.constant 0 : i32
      %scan3A_187 = arith.constant 25 : i32
      %scan3A_188 = arith.addi %scan3A_186, %scan3A_187 : i32
      %scan3A_189 = arith.constant 1 : i32
      %scan3A_190:4 = scf.for %scan3A_298 = %scan3A_186 to %scan3A_188 step %scan3A_189 iter_args(%scan3A_299 = %scan3A_162, %scan3A_300 = %scan3A_163, %scan3A_301 = %scan3A_164, %scan3A_302 = %scan3A_165) -> (vector<16xf32>, vector<16xf32>, vector<16xf32>, vector<16xf32>)  : i32 {
        %iota3A_303 = tpu.iota {dimensions = array<i32: 0>} : vector<16xi32>
        %mul3A_304 = arith.constant 16 : i32
        %mul3A_305 = arith.muli %scan3A_298, %mul3A_304 : i32
        %add3A_306 = vector.broadcast %mul3A_305 : i32 to vector<16xi32>
        %add3A_307 = arith.addi %iota3A_303, %add3A_306 : vector<16xi32>
        %broadcast_in_dim3A_308 = vector.broadcast %scan3A_298 : i32 to vector<16xi32>
        %gather3A = arith.constant 0 : i32
        %gather3A_309 = arith.constant 0 : i32
        %gather3A_310 = arith.constant 0 : i32
        %gather3A_311 = tpu.memref_slice %arg7[%scan3A_184, %gather3A, %gather3A_309, %gather3A_310] : memref<4x2x25x24xi32, #tpu.memory_space<vmem>> -> memref<1x2x25x24xi32, #tpu.memory_space<vmem>>
        %gather3A_312 = tpu.memref_squeeze %gather3A_311 : memref<1x2x25x24xi32, #tpu.memory_space<vmem>> -> memref<2x25x24xi32, #tpu.memory_space<vmem>>
        %gather3A_313 = tpu.vector_load_idx %gather3A_312[%and3A_16, %broadcast_in_dim3A_308, %select_n3A] : memref<2x25x24xi32, #tpu.memory_space<vmem>>[vector<16xi32>, vector<16xi32>, vector<16xi32>], vector<16xi32>,
        %shift_left3A_314 = arith.constant 16 : i32
        %shift_left3A_315 = vector.broadcast %shift_left3A_314 : i32 to vector<16xi32>
        %shift_left3A_316 = arith.shli %gather3A_313, %shift_left3A_315 : vector<16xi32>
        %bitcast_convert_type3A = tpu.bitcast %shift_left3A_316 : vector<16xi32> -> vector<16xf32>
        %and3A_317 = arith.constant -65536 : i32
        %and3A_318 = vector.broadcast %and3A_317 : i32 to vector<16xi32>
        %and3A_319 = arith.andi %gather3A_313, %and3A_318 : vector<16xi32>
        %bitcast_convert_type3A_320 = tpu.bitcast %and3A_319 : vector<16xi32> -> vector<16xf32>
        %add3A_321 = arith.constant 8 : i32
        %add3A_322 = vector.broadcast %add3A_321 : i32 to vector<16xi32>
        %add3A_323 = arith.addi %iota3A, %add3A_322 : vector<16xi32>
        %gather3A_324 = arith.constant 0 : i32
        %gather3A_325 = arith.constant 0 : i32
        %gather3A_326 = arith.constant 0 : i32
        %gather3A_327 = tpu.memref_slice %arg7[%scan3A_184, %gather3A_324, %gather3A_325, %gather3A_326] : memref<4x2x25x24xi32, #tpu.memory_space<vmem>> -> memref<1x2x25x24xi32, #tpu.memory_space<vmem>>
        %gather3A_328 = tpu.memref_squeeze %gather3A_327 : memref<1x2x25x24xi32, #tpu.memory_space<vmem>> -> memref<2x25x24xi32, #tpu.memory_space<vmem>>
        %gather3A_329 = tpu.vector_load_idx %gather3A_328[%broadcast_in_dim3A, %broadcast_in_dim3A_308, %add3A_323] : memref<2x25x24xi32, #tpu.memory_space<vmem>>[vector<16xi32>, vector<16xi32>, vector<16xi32>], vector<16xi32>,
        %bitcast_convert_type3A_330 = tpu.bitcast %gather3A_329 : vector<16xi32> -> vector<16xf32>
        %broadcast_in_dim3A_331 = arith.constant 16 : i32
        %broadcast_in_dim3A_332 = vector.broadcast %broadcast_in_dim3A_331 : i32 to vector<16xi32>
        %gather3A_333 = arith.constant 0 : i32
        %gather3A_334 = arith.constant 0 : i32
        %gather3A_335 = tpu.memref_slice %arg6[%scan3A_185, %gather3A_333, %gather3A_334] : memref<4x400x24xi32, #tpu.memory_space<vmem>> -> memref<1x400x24xi32, #tpu.memory_space<vmem>>
        %gather3A_336 = tpu.memref_squeeze %gather3A_335 : memref<1x400x24xi32, #tpu.memory_space<vmem>> -> memref<400x24xi32, #tpu.memory_space<vmem>>
        %gather3A_337 = tpu.vector_load_idx %gather3A_336[%add3A_307, %broadcast_in_dim3A_332] : memref<400x24xi32, #tpu.memory_space<vmem>>[vector<16xi32>, vector<16xi32>], vector<16xi32>,
        %bitcast_convert_type3A_338 = tpu.bitcast %gather3A_337 : vector<16xi32> -> vector<16xf32>
        %slice3A = vector.extract_strided_slice %bitcast_convert_type3A_330 {offsets = [8], sizes = [1], strides = [1]} : vector<16xf32> to vector<1xf32>
        %squeeze3A = vector.extract %slice3A[0] : f32 from vector<1xf32>
        %sub3A = vector.broadcast %squeeze3A : f32 to vector<16xf32>
        %sub3A_339 = arith.subf %bitcast_convert_type3A_338, %sub3A : vector<16xf32>
        %mul3A_340 = arith.mulf %sub3A_339, %sub3A_339 : vector<16xf32>
        %broadcast_in_dim3A_341 = arith.constant 17 : i32
        %broadcast_in_dim3A_342 = vector.broadcast %broadcast_in_dim3A_341 : i32 to vector<16xi32>
        %gather3A_343 = arith.constant 0 : i32
        %gather3A_344 = arith.constant 0 : i32
        %gather3A_345 = tpu.memref_slice %arg6[%scan3A_185, %gather3A_343, %gather3A_344] : memref<4x400x24xi32, #tpu.memory_space<vmem>> -> memref<1x400x24xi32, #tpu.memory_space<vmem>>
        %gather3A_346 = tpu.memref_squeeze %gather3A_345 : memref<1x400x24xi32, #tpu.memory_space<vmem>> -> memref<400x24xi32, #tpu.memory_space<vmem>>
        %gather3A_347 = tpu.vector_load_idx %gather3A_346[%add3A_307, %broadcast_in_dim3A_342] : memref<400x24xi32, #tpu.memory_space<vmem>>[vector<16xi32>, vector<16xi32>], vector<16xi32>,
        %bitcast_convert_type3A_348 = tpu.bitcast %gather3A_347 : vector<16xi32> -> vector<16xf32>
        %slice3A_349 = vector.extract_strided_slice %bitcast_convert_type3A_330 {offsets = [9], sizes = [1], strides = [1]} : vector<16xf32> to vector<1xf32>
        %squeeze3A_350 = vector.extract %slice3A_349[0] : f32 from vector<1xf32>
        %sub3A_351 = vector.broadcast %squeeze3A_350 : f32 to vector<16xf32>
        %sub3A_352 = arith.subf %bitcast_convert_type3A_348, %sub3A_351 : vector<16xf32>
        %mul3A_353 = arith.mulf %sub3A_352, %sub3A_352 : vector<16xf32>
        %add3A_354 = arith.addf %mul3A_340, %mul3A_353 : vector<16xf32>
        %broadcast_in_dim3A_355 = arith.constant 18 : i32
        %broadcast_in_dim3A_356 = vector.broadcast %broadcast_in_dim3A_355 : i32 to vector<16xi32>
        %gather3A_357 = arith.constant 0 : i32
        %gather3A_358 = arith.constant 0 : i32
        %gather3A_359 = tpu.memref_slice %arg6[%scan3A_185, %gather3A_357, %gather3A_358] : memref<4x400x24xi32, #tpu.memory_space<vmem>> -> memref<1x400x24xi32, #tpu.memory_space<vmem>>
        %gather3A_360 = tpu.memref_squeeze %gather3A_359 : memref<1x400x24xi32, #tpu.memory_space<vmem>> -> memref<400x24xi32, #tpu.memory_space<vmem>>
        %gather3A_361 = tpu.vector_load_idx %gather3A_360[%add3A_307, %broadcast_in_dim3A_356] : memref<400x24xi32, #tpu.memory_space<vmem>>[vector<16xi32>, vector<16xi32>], vector<16xi32>,
        %bitcast_convert_type3A_362 = tpu.bitcast %gather3A_361 : vector<16xi32> -> vector<16xf32>
        %slice3A_363 = vector.extract_strided_slice %bitcast_convert_type3A_330 {offsets = [10], sizes = [1], strides = [1]} : vector<16xf32> to vector<1xf32>
        %squeeze3A_364 = vector.extract %slice3A_363[0] : f32 from vector<1xf32>
        %sub3A_365 = vector.broadcast %squeeze3A_364 : f32 to vector<16xf32>
        %sub3A_366 = arith.subf %bitcast_convert_type3A_362, %sub3A_365 : vector<16xf32>
        %mul3A_367 = arith.mulf %sub3A_366, %sub3A_366 : vector<16xf32>
        %add3A_368 = arith.addf %add3A_354, %mul3A_367 : vector<16xf32>
        %max3A = arith.constant 9.99999993E-9 : f32
        %max3A_369 = vector.broadcast %max3A : f32 to vector<16xf32>
        %max3A_370 = arith.maximumf %add3A_368, %max3A_369 : vector<16xf32>
        %bitcast_convert_type3A_371 = tpu.bitcast %max3A_370 : vector<16xf32> -> vector<16xi32>
        %shift_right_arithmetic3A_372 = arith.constant 1 : i32
        %shift_right_arithmetic3A_373 = vector.broadcast %shift_right_arithmetic3A_372 : i32 to vector<16xi32>
        %shift_right_arithmetic3A_374 = arith.shrsi %bitcast_convert_type3A_371, %shift_right_arithmetic3A_373 : vector<16xi32>
        %sub3A_375 = arith.constant 1597463007 : i32
        %sub3A_376 = vector.broadcast %sub3A_375 : i32 to vector<16xi32>
        %sub3A_377 = arith.subi %sub3A_376, %shift_right_arithmetic3A_374 : vector<16xi32>
        %bitcast_convert_type3A_378 = tpu.bitcast %sub3A_377 : vector<16xi32> -> vector<16xf32>
        %mul3A_379 = arith.constant 5.000000e-01 : f32
        %mul3A_380 = vector.broadcast %mul3A_379 : f32 to vector<16xf32>
        %mul3A_381 = arith.mulf %mul3A_380, %max3A_370 : vector<16xf32>
        %mul3A_382 = arith.mulf %mul3A_381, %bitcast_convert_type3A_378 : vector<16xf32>
        %mul3A_383 = arith.mulf %mul3A_382, %bitcast_convert_type3A_378 : vector<16xf32>
        %sub3A_384 = arith.constant 1.500000e+00 : f32
        %sub3A_385 = vector.broadcast %sub3A_384 : f32 to vector<16xf32>
        %sub3A_386 = arith.subf %sub3A_385, %mul3A_383 : vector<16xf32>
        %mul3A_387 = arith.mulf %bitcast_convert_type3A_378, %sub3A_386 : vector<16xf32>
        %mul3A_388 = arith.constant 5.000000e-01 : f32
        %mul3A_389 = vector.broadcast %mul3A_388 : f32 to vector<16xf32>
        %mul3A_390 = arith.mulf %mul3A_389, %max3A_370 : vector<16xf32>
        %mul3A_391 = arith.mulf %mul3A_390, %mul3A_387 : vector<16xf32>
        %mul3A_392 = arith.mulf %mul3A_391, %mul3A_387 : vector<16xf32>
        %sub3A_393 = arith.constant 1.500000e+00 : f32
        %sub3A_394 = vector.broadcast %sub3A_393 : f32 to vector<16xf32>
        %sub3A_395 = arith.subf %sub3A_394, %mul3A_392 : vector<16xf32>
        %mul3A_396 = arith.mulf %mul3A_387, %sub3A_395 : vector<16xf32>
        %mul3A_397 = arith.constant 5.000000e-01 : f32
        %mul3A_398 = vector.broadcast %mul3A_397 : f32 to vector<16xf32>
        %mul3A_399 = arith.mulf %mul3A_398, %max3A_370 : vector<16xf32>
        %mul3A_400 = arith.mulf %mul3A_399, %mul3A_396 : vector<16xf32>
        %mul3A_401 = arith.mulf %mul3A_400, %mul3A_396 : vector<16xf32>
        %sub3A_402 = arith.constant 1.500000e+00 : f32
        %sub3A_403 = vector.broadcast %sub3A_402 : f32 to vector<16xf32>
        %sub3A_404 = arith.subf %sub3A_403, %mul3A_401 : vector<16xf32>
        %mul3A_405 = arith.mulf %mul3A_396, %sub3A_404 : vector<16xf32>
        %add3A_406 = arith.addi %add3A_183, %scan3A_298 : i32
        %lt3A_407 = arith.constant 50000 : i32
        %lt3A_408 = arith.cmpi slt, %add3A_406, %lt3A_407 : i32
        %jit3A = arith.constant 1.000000e+00 : f32
        %jit3A_409 = arith.constant 0.000000e+00 : f32
        %select_n3A_410 = arith.select %lt3A_408, %jit3A, %jit3A_409 : f32
        %mul3A_411 = vector.broadcast %select_n3A_410 : f32 to vector<16xf32>
        %mul3A_412 = arith.mulf %mul3A_405, %mul3A_411 : vector<16xf32>
        %broadcast_in_dim3A_413 = arith.constant 0 : i32
        %broadcast_in_dim3A_414 = vector.broadcast %broadcast_in_dim3A_413 : i32 to vector<16xi32>
        %gather3A_415 = arith.constant 0 : i32
        %gather3A_416 = arith.constant 0 : i32
        %gather3A_417 = tpu.memref_slice %arg6[%scan3A_185, %gather3A_415, %gather3A_416] : memref<4x400x24xi32, #tpu.memory_space<vmem>> -> memref<1x400x24xi32, #tpu.memory_space<vmem>>
        %gather3A_418 = tpu.memref_squeeze %gather3A_417 : memref<1x400x24xi32, #tpu.memory_space<vmem>> -> memref<400x24xi32, #tpu.memory_space<vmem>>
        %gather3A_419 = tpu.vector_load_idx %gather3A_418[%add3A_307, %broadcast_in_dim3A_414] : memref<400x24xi32, #tpu.memory_space<vmem>>[vector<16xi32>, vector<16xi32>], vector<16xi32>,
        %shift_left3A_420 = arith.constant 16 : i32
        %shift_left3A_421 = vector.broadcast %shift_left3A_420 : i32 to vector<16xi32>
        %shift_left3A_422 = arith.shli %gather3A_419, %shift_left3A_421 : vector<16xi32>
        %bitcast_convert_type3A_423 = tpu.bitcast %shift_left3A_422 : vector<16xi32> -> vector<16xf32>
        %and3A_424 = arith.constant -65536 : i32
        %and3A_425 = vector.broadcast %and3A_424 : i32 to vector<16xi32>
        %and3A_426 = arith.andi %gather3A_419, %and3A_425 : vector<16xi32>
        %bitcast_convert_type3A_427 = tpu.bitcast %and3A_426 : vector<16xi32> -> vector<16xf32>
        %slice3A_428 = vector.extract_strided_slice %bitcast_convert_type3A {offsets = [0], sizes = [1], strides = [1]} : vector<16xf32> to vector<1xf32>
        %squeeze3A_429 = vector.extract %slice3A_428[0] : f32 from vector<1xf32>
        %sub3A_430 = vector.broadcast %squeeze3A_429 : f32 to vector<16xf32>
        %sub3A_431 = arith.subf %bitcast_convert_type3A_423, %sub3A_430 : vector<16xf32>
        %abs3A = math.absf %sub3A_431 : vector<16xf32>
        %slice3A_432 = vector.extract_strided_slice %bitcast_convert_type3A_320 {offsets = [0], sizes = [1], strides = [1]} : vector<16xf32> to vector<1xf32>
        %squeeze3A_433 = vector.extract %slice3A_432[0] : f32 from vector<1xf32>
        %sub3A_434 = vector.broadcast %squeeze3A_433 : f32 to vector<16xf32>
        %sub3A_435 = arith.subf %bitcast_convert_type3A_427, %sub3A_434 : vector<16xf32>
        %abs3A_436 = math.absf %sub3A_435 : vector<16xf32>
        %broadcast_in_dim3A_437 = arith.constant 1 : i32
        %broadcast_in_dim3A_438 = vector.broadcast %broadcast_in_dim3A_437 : i32 to vector<16xi32>
        %gather3A_439 = arith.constant 0 : i32
        %gather3A_440 = arith.constant 0 : i32
        %gather3A_441 = tpu.memref_slice %arg6[%scan3A_185, %gather3A_439, %gather3A_440] : memref<4x400x24xi32, #tpu.memory_space<vmem>> -> memref<1x400x24xi32, #tpu.memory_space<vmem>>
        %gather3A_442 = tpu.memref_squeeze %gather3A_441 : memref<1x400x24xi32, #tpu.memory_space<vmem>> -> memref<400x24xi32, #tpu.memory_space<vmem>>
        %gather3A_443 = tpu.vector_load_idx %gather3A_442[%add3A_307, %broadcast_in_dim3A_438] : memref<400x24xi32, #tpu.memory_space<vmem>>[vector<16xi32>, vector<16xi32>], vector<16xi32>,
        %shift_left3A_444 = arith.constant 16 : i32
        %shift_left3A_445 = vector.broadcast %shift_left3A_444 : i32 to vector<16xi32>
        %shift_left3A_446 = arith.shli %gather3A_443, %shift_left3A_445 : vector<16xi32>
        %bitcast_convert_type3A_447 = tpu.bitcast %shift_left3A_446 : vector<16xi32> -> vector<16xf32>
        %and3A_448 = arith.constant -65536 : i32
        %and3A_449 = vector.broadcast %and3A_448 : i32 to vector<16xi32>
        %and3A_450 = arith.andi %gather3A_443, %and3A_449 : vector<16xi32>
        %bitcast_convert_type3A_451 = tpu.bitcast %and3A_450 : vector<16xi32> -> vector<16xf32>
        %slice3A_452 = vector.extract_strided_slice %bitcast_convert_type3A {offsets = [1], sizes = [1], strides = [1]} : vector<16xf32> to vector<1xf32>
        %squeeze3A_453 = vector.extract %slice3A_452[0] : f32 from vector<1xf32>
        %sub3A_454 = vector.broadcast %squeeze3A_453 : f32 to vector<16xf32>
        %sub3A_455 = arith.subf %bitcast_convert_type3A_447, %sub3A_454 : vector<16xf32>
        %abs3A_456 = math.absf %sub3A_455 : vector<16xf32>
        %slice3A_457 = vector.extract_strided_slice %bitcast_convert_type3A_320 {offsets = [1], sizes = [1], strides = [1]} : vector<16xf32> to vector<1xf32>
        %squeeze3A_458 = vector.extract %slice3A_457[0] : f32 from vector<1xf32>
        %sub3A_459 = vector.broadcast %squeeze3A_458 : f32 to vector<16xf32>
        %sub3A_460 = arith.subf %bitcast_convert_type3A_451, %sub3A_459 : vector<16xf32>
        %abs3A_461 = math.absf %sub3A_460 : vector<16xf32>
        %add3A_462 = arith.addf %abs3A, %abs3A_456 : vector<16xf32>
        %add3A_463 = arith.addf %abs3A_436, %abs3A_461 : vector<16xf32>
        %broadcast_in_dim3A_464 = arith.constant 2 : i32
        %broadcast_in_dim3A_465 = vector.broadcast %broadcast_in_dim3A_464 : i32 to vector<16xi32>
        %gather3A_466 = arith.constant 0 : i32
        %gather3A_467 = arith.constant 0 : i32
        %gather3A_468 = tpu.memref_slice %arg6[%scan3A_185, %gather3A_466, %gather3A_467] : memref<4x400x24xi32, #tpu.memory_space<vmem>> -> memref<1x400x24xi32, #tpu.memory_space<vmem>>
        %gather3A_469 = tpu.memref_squeeze %gather3A_468 : memref<1x400x24xi32, #tpu.memory_space<vmem>> -> memref<400x24xi32, #tpu.memory_space<vmem>>
        %gather3A_470 = tpu.vector_load_idx %gather3A_469[%add3A_307, %broadcast_in_dim3A_465] : memref<400x24xi32, #tpu.memory_space<vmem>>[vector<16xi32>, vector<16xi32>], vector<16xi32>,
        %shift_left3A_471 = arith.constant 16 : i32
        %shift_left3A_472 = vector.broadcast %shift_left3A_471 : i32 to vector<16xi32>
        %shift_left3A_473 = arith.shli %gather3A_470, %shift_left3A_472 : vector<16xi32>
        %bitcast_convert_type3A_474 = tpu.bitcast %shift_left3A_473 : vector<16xi32> -> vector<16xf32>
        %and3A_475 = arith.constant -65536 : i32
        %and3A_476 = vector.broadcast %and3A_475 : i32 to vector<16xi32>
        %and3A_477 = arith.andi %gather3A_470, %and3A_476 : vector<16xi32>
        %bitcast_convert_type3A_478 = tpu.bitcast %and3A_477 : vector<16xi32> -> vector<16xf32>
        %slice3A_479 = vector.extract_strided_slice %bitcast_convert_type3A {offsets = [2], sizes = [1], strides = [1]} : vector<16xf32> to vector<1xf32>
        %squeeze3A_480 = vector.extract %slice3A_479[0] : f32 from vector<1xf32>
        %sub3A_481 = vector.broadcast %squeeze3A_480 : f32 to vector<16xf32>
        %sub3A_482 = arith.subf %bitcast_convert_type3A_474, %sub3A_481 : vector<16xf32>
        %abs3A_483 = math.absf %sub3A_482 : vector<16xf32>
        %slice3A_484 = vector.extract_strided_slice %bitcast_convert_type3A_320 {offsets = [2], sizes = [1], strides = [1]} : vector<16xf32> to vector<1xf32>
        %squeeze3A_485 = vector.extract %slice3A_484[0] : f32 from vector<1xf32>
        %sub3A_486 = vector.broadcast %squeeze3A_485 : f32 to vector<16xf32>
        %sub3A_487 = arith.subf %bitcast_convert_type3A_478, %sub3A_486 : vector<16xf32>
        %abs3A_488 = math.absf %sub3A_487 : vector<16xf32>
        %add3A_489 = arith.addf %add3A_462, %abs3A_483 : vector<16xf32>
        %add3A_490 = arith.addf %add3A_463, %abs3A_488 : vector<16xf32>
        %broadcast_in_dim3A_491 = arith.constant 3 : i32
        %broadcast_in_dim3A_492 = vector.broadcast %broadcast_in_dim3A_491 : i32 to vector<16xi32>
        %gather3A_493 = arith.constant 0 : i32
        %gather3A_494 = arith.constant 0 : i32
        %gather3A_495 = tpu.memref_slice %arg6[%scan3A_185, %gather3A_493, %gather3A_494] : memref<4x400x24xi32, #tpu.memory_space<vmem>> -> memref<1x400x24xi32, #tpu.memory_space<vmem>>
        %gather3A_496 = tpu.memref_squeeze %gather3A_495 : memref<1x400x24xi32, #tpu.memory_space<vmem>> -> memref<400x24xi32, #tpu.memory_space<vmem>>
        %gather3A_497 = tpu.vector_load_idx %gather3A_496[%add3A_307, %broadcast_in_dim3A_492] : memref<400x24xi32, #tpu.memory_space<vmem>>[vector<16xi32>, vector<16xi32>], vector<16xi32>,
        %shift_left3A_498 = arith.constant 16 : i32
        %shift_left3A_499 = vector.broadcast %shift_left3A_498 : i32 to vector<16xi32>
        %shift_left3A_500 = arith.shli %gather3A_497, %shift_left3A_499 : vector<16xi32>
        %bitcast_convert_type3A_501 = tpu.bitcast %shift_left3A_500 : vector<16xi32> -> vector<16xf32>
        %and3A_502 = arith.constant -65536 : i32
        %and3A_503 = vector.broadcast %and3A_502 : i32 to vector<16xi32>
        %and3A_504 = arith.andi %gather3A_497, %and3A_503 : vector<16xi32>
        %bitcast_convert_type3A_505 = tpu.bitcast %and3A_504 : vector<16xi32> -> vector<16xf32>
        %slice3A_506 = vector.extract_strided_slice %bitcast_convert_type3A {offsets = [3], sizes = [1], strides = [1]} : vector<16xf32> to vector<1xf32>
        %squeeze3A_507 = vector.extract %slice3A_506[0] : f32 from vector<1xf32>
        %sub3A_508 = vector.broadcast %squeeze3A_507 : f32 to vector<16xf32>
        %sub3A_509 = arith.subf %bitcast_convert_type3A_501, %sub3A_508 : vector<16xf32>
        %abs3A_510 = math.absf %sub3A_509 : vector<16xf32>
        %slice3A_511 = vector.extract_strided_slice %bitcast_convert_type3A_320 {offsets = [3], sizes = [1], strides = [1]} : vector<16xf32> to vector<1xf32>
        %squeeze3A_512 = vector.extract %slice3A_511[0] : f32 from vector<1xf32>
        %sub3A_513 = vector.broadcast %squeeze3A_512 : f32 to vector<16xf32>
        %sub3A_514 = arith.subf %bitcast_convert_type3A_505, %sub3A_513 : vector<16xf32>
        %abs3A_515 = math.absf %sub3A_514 : vector<16xf32>
        %add3A_516 = arith.addf %add3A_489, %abs3A_510 : vector<16xf32>
        %add3A_517 = arith.addf %add3A_490, %abs3A_515 : vector<16xf32>
        %broadcast_in_dim3A_518 = arith.constant 4 : i32
        %broadcast_in_dim3A_519 = vector.broadcast %broadcast_in_dim3A_518 : i32 to vector<16xi32>
        %gather3A_520 = arith.constant 0 : i32
        %gather3A_521 = arith.constant 0 : i32
        %gather3A_522 = tpu.memref_slice %arg6[%scan3A_185, %gather3A_520, %gather3A_521] : memref<4x400x24xi32, #tpu.memory_space<vmem>> -> memref<1x400x24xi32, #tpu.memory_space<vmem>>
        %gather3A_523 = tpu.memref_squeeze %gather3A_522 : memref<1x400x24xi32, #tpu.memory_space<vmem>> -> memref<400x24xi32, #tpu.memory_space<vmem>>
        %gather3A_524 = tpu.vector_load_idx %gather3A_523[%add3A_307, %broadcast_in_dim3A_519] : memref<400x24xi32, #tpu.memory_space<vmem>>[vector<16xi32>, vector<16xi32>], vector<16xi32>,
        %shift_left3A_525 = arith.constant 16 : i32
        %shift_left3A_526 = vector.broadcast %shift_left3A_525 : i32 to vector<16xi32>
        %shift_left3A_527 = arith.shli %gather3A_524, %shift_left3A_526 : vector<16xi32>
        %bitcast_convert_type3A_528 = tpu.bitcast %shift_left3A_527 : vector<16xi32> -> vector<16xf32>
        %and3A_529 = arith.constant -65536 : i32
        %and3A_530 = vector.broadcast %and3A_529 : i32 to vector<16xi32>
        %and3A_531 = arith.andi %gather3A_524, %and3A_530 : vector<16xi32>
        %bitcast_convert_type3A_532 = tpu.bitcast %and3A_531 : vector<16xi32> -> vector<16xf32>
        %slice3A_533 = vector.extract_strided_slice %bitcast_convert_type3A {offsets = [4], sizes = [1], strides = [1]} : vector<16xf32> to vector<1xf32>
        %squeeze3A_534 = vector.extract %slice3A_533[0] : f32 from vector<1xf32>
        %sub3A_535 = vector.broadcast %squeeze3A_534 : f32 to vector<16xf32>
        %sub3A_536 = arith.subf %bitcast_convert_type3A_528, %sub3A_535 : vector<16xf32>
        %abs3A_537 = math.absf %sub3A_536 : vector<16xf32>
        %slice3A_538 = vector.extract_strided_slice %bitcast_convert_type3A_320 {offsets = [4], sizes = [1], strides = [1]} : vector<16xf32> to vector<1xf32>
        %squeeze3A_539 = vector.extract %slice3A_538[0] : f32 from vector<1xf32>
        %sub3A_540 = vector.broadcast %squeeze3A_539 : f32 to vector<16xf32>
        %sub3A_541 = arith.subf %bitcast_convert_type3A_532, %sub3A_540 : vector<16xf32>
        %abs3A_542 = math.absf %sub3A_541 : vector<16xf32>
        %add3A_543 = arith.addf %add3A_516, %abs3A_537 : vector<16xf32>
        %add3A_544 = arith.addf %add3A_517, %abs3A_542 : vector<16xf32>
        %broadcast_in_dim3A_545 = arith.constant 5 : i32
        %broadcast_in_dim3A_546 = vector.broadcast %broadcast_in_dim3A_545 : i32 to vector<16xi32>
        %gather3A_547 = arith.constant 0 : i32
        %gather3A_548 = arith.constant 0 : i32
        %gather3A_549 = tpu.memref_slice %arg6[%scan3A_185, %gather3A_547, %gather3A_548] : memref<4x400x24xi32, #tpu.memory_space<vmem>> -> memref<1x400x24xi32, #tpu.memory_space<vmem>>
        %gather3A_550 = tpu.memref_squeeze %gather3A_549 : memref<1x400x24xi32, #tpu.memory_space<vmem>> -> memref<400x24xi32, #tpu.memory_space<vmem>>
        %gather3A_551 = tpu.vector_load_idx %gather3A_550[%add3A_307, %broadcast_in_dim3A_546] : memref<400x24xi32, #tpu.memory_space<vmem>>[vector<16xi32>, vector<16xi32>], vector<16xi32>,
        %shift_left3A_552 = arith.constant 16 : i32
        %shift_left3A_553 = vector.broadcast %shift_left3A_552 : i32 to vector<16xi32>
        %shift_left3A_554 = arith.shli %gather3A_551, %shift_left3A_553 : vector<16xi32>
        %bitcast_convert_type3A_555 = tpu.bitcast %shift_left3A_554 : vector<16xi32> -> vector<16xf32>
        %and3A_556 = arith.constant -65536 : i32
        %and3A_557 = vector.broadcast %and3A_556 : i32 to vector<16xi32>
        %and3A_558 = arith.andi %gather3A_551, %and3A_557 : vector<16xi32>
        %bitcast_convert_type3A_559 = tpu.bitcast %and3A_558 : vector<16xi32> -> vector<16xf32>
        %slice3A_560 = vector.extract_strided_slice %bitcast_convert_type3A {offsets = [5], sizes = [1], strides = [1]} : vector<16xf32> to vector<1xf32>
        %squeeze3A_561 = vector.extract %slice3A_560[0] : f32 from vector<1xf32>
        %sub3A_562 = vector.broadcast %squeeze3A_561 : f32 to vector<16xf32>
        %sub3A_563 = arith.subf %bitcast_convert_type3A_555, %sub3A_562 : vector<16xf32>
        %abs3A_564 = math.absf %sub3A_563 : vector<16xf32>
        %slice3A_565 = vector.extract_strided_slice %bitcast_convert_type3A_320 {offsets = [5], sizes = [1], strides = [1]} : vector<16xf32> to vector<1xf32>
        %squeeze3A_566 = vector.extract %slice3A_565[0] : f32 from vector<1xf32>
        %sub3A_567 = vector.broadcast %squeeze3A_566 : f32 to vector<16xf32>
        %sub3A_568 = arith.subf %bitcast_convert_type3A_559, %sub3A_567 : vector<16xf32>
        %abs3A_569 = math.absf %sub3A_568 : vector<16xf32>
        %add3A_570 = arith.addf %add3A_543, %abs3A_564 : vector<16xf32>
        %add3A_571 = arith.addf %add3A_544, %abs3A_569 : vector<16xf32>
        %broadcast_in_dim3A_572 = arith.constant 6 : i32
        %broadcast_in_dim3A_573 = vector.broadcast %broadcast_in_dim3A_572 : i32 to vector<16xi32>
        %gather3A_574 = arith.constant 0 : i32
        %gather3A_575 = arith.constant 0 : i32
        %gather3A_576 = tpu.memref_slice %arg6[%scan3A_185, %gather3A_574, %gather3A_575] : memref<4x400x24xi32, #tpu.memory_space<vmem>> -> memref<1x400x24xi32, #tpu.memory_space<vmem>>
        %gather3A_577 = tpu.memref_squeeze %gather3A_576 : memref<1x400x24xi32, #tpu.memory_space<vmem>> -> memref<400x24xi32, #tpu.memory_space<vmem>>
        %gather3A_578 = tpu.vector_load_idx %gather3A_577[%add3A_307, %broadcast_in_dim3A_573] : memref<400x24xi32, #tpu.memory_space<vmem>>[vector<16xi32>, vector<16xi32>], vector<16xi32>,
        %shift_left3A_579 = arith.constant 16 : i32
        %shift_left3A_580 = vector.broadcast %shift_left3A_579 : i32 to vector<16xi32>
        %shift_left3A_581 = arith.shli %gather3A_578, %shift_left3A_580 : vector<16xi32>
        %bitcast_convert_type3A_582 = tpu.bitcast %shift_left3A_581 : vector<16xi32> -> vector<16xf32>
        %and3A_583 = arith.constant -65536 : i32
        %and3A_584 = vector.broadcast %and3A_583 : i32 to vector<16xi32>
        %and3A_585 = arith.andi %gather3A_578, %and3A_584 : vector<16xi32>
        %bitcast_convert_type3A_586 = tpu.bitcast %and3A_585 : vector<16xi32> -> vector<16xf32>
        %slice3A_587 = vector.extract_strided_slice %bitcast_convert_type3A {offsets = [6], sizes = [1], strides = [1]} : vector<16xf32> to vector<1xf32>
        %squeeze3A_588 = vector.extract %slice3A_587[0] : f32 from vector<1xf32>
        %sub3A_589 = vector.broadcast %squeeze3A_588 : f32 to vector<16xf32>
        %sub3A_590 = arith.subf %bitcast_convert_type3A_582, %sub3A_589 : vector<16xf32>
        %abs3A_591 = math.absf %sub3A_590 : vector<16xf32>
        %slice3A_592 = vector.extract_strided_slice %bitcast_convert_type3A_320 {offsets = [6], sizes = [1], strides = [1]} : vector<16xf32> to vector<1xf32>
        %squeeze3A_593 = vector.extract %slice3A_592[0] : f32 from vector<1xf32>
        %sub3A_594 = vector.broadcast %squeeze3A_593 : f32 to vector<16xf32>
        %sub3A_595 = arith.subf %bitcast_convert_type3A_586, %sub3A_594 : vector<16xf32>
        %abs3A_596 = math.absf %sub3A_595 : vector<16xf32>
        %add3A_597 = arith.addf %add3A_570, %abs3A_591 : vector<16xf32>
        %add3A_598 = arith.addf %add3A_571, %abs3A_596 : vector<16xf32>
        %broadcast_in_dim3A_599 = arith.constant 7 : i32
        %broadcast_in_dim3A_600 = vector.broadcast %broadcast_in_dim3A_599 : i32 to vector<16xi32>
        %gather3A_601 = arith.constant 0 : i32
        %gather3A_602 = arith.constant 0 : i32
        %gather3A_603 = tpu.memref_slice %arg6[%scan3A_185, %gather3A_601, %gather3A_602] : memref<4x400x24xi32, #tpu.memory_space<vmem>> -> memref<1x400x24xi32, #tpu.memory_space<vmem>>
        %gather3A_604 = tpu.memref_squeeze %gather3A_603 : memref<1x400x24xi32, #tpu.memory_space<vmem>> -> memref<400x24xi32, #tpu.memory_space<vmem>>
        %gather3A_605 = tpu.vector_load_idx %gather3A_604[%add3A_307, %broadcast_in_dim3A_600] : memref<400x24xi32, #tpu.memory_space<vmem>>[vector<16xi32>, vector<16xi32>], vector<16xi32>,
        %shift_left3A_606 = arith.constant 16 : i32
        %shift_left3A_607 = vector.broadcast %shift_left3A_606 : i32 to vector<16xi32>
        %shift_left3A_608 = arith.shli %gather3A_605, %shift_left3A_607 : vector<16xi32>
        %bitcast_convert_type3A_609 = tpu.bitcast %shift_left3A_608 : vector<16xi32> -> vector<16xf32>
        %and3A_610 = arith.constant -65536 : i32
        %and3A_611 = vector.broadcast %and3A_610 : i32 to vector<16xi32>
        %and3A_612 = arith.andi %gather3A_605, %and3A_611 : vector<16xi32>
        %bitcast_convert_type3A_613 = tpu.bitcast %and3A_612 : vector<16xi32> -> vector<16xf32>
        %slice3A_614 = vector.extract_strided_slice %bitcast_convert_type3A {offsets = [7], sizes = [1], strides = [1]} : vector<16xf32> to vector<1xf32>
        %squeeze3A_615 = vector.extract %slice3A_614[0] : f32 from vector<1xf32>
        %sub3A_616 = vector.broadcast %squeeze3A_615 : f32 to vector<16xf32>
        %sub3A_617 = arith.subf %bitcast_convert_type3A_609, %sub3A_616 : vector<16xf32>
        %abs3A_618 = math.absf %sub3A_617 : vector<16xf32>
        %slice3A_619 = vector.extract_strided_slice %bitcast_convert_type3A_320 {offsets = [7], sizes = [1], strides = [1]} : vector<16xf32> to vector<1xf32>
        %squeeze3A_620 = vector.extract %slice3A_619[0] : f32 from vector<1xf32>
        %sub3A_621 = vector.broadcast %squeeze3A_620 : f32 to vector<16xf32>
        %sub3A_622 = arith.subf %bitcast_convert_type3A_613, %sub3A_621 : vector<16xf32>
        %abs3A_623 = math.absf %sub3A_622 : vector<16xf32>
        %add3A_624 = arith.addf %add3A_597, %abs3A_618 : vector<16xf32>
        %add3A_625 = arith.addf %add3A_598, %abs3A_623 : vector<16xf32>
        %broadcast_in_dim3A_626 = arith.constant 8 : i32
        %broadcast_in_dim3A_627 = vector.broadcast %broadcast_in_dim3A_626 : i32 to vector<16xi32>
        %gather3A_628 = arith.constant 0 : i32
        %gather3A_629 = arith.constant 0 : i32
        %gather3A_630 = tpu.memref_slice %arg6[%scan3A_185, %gather3A_628, %gather3A_629] : memref<4x400x24xi32, #tpu.memory_space<vmem>> -> memref<1x400x24xi32, #tpu.memory_space<vmem>>
        %gather3A_631 = tpu.memref_squeeze %gather3A_630 : memref<1x400x24xi32, #tpu.memory_space<vmem>> -> memref<400x24xi32, #tpu.memory_space<vmem>>
        %gather3A_632 = tpu.vector_load_idx %gather3A_631[%add3A_307, %broadcast_in_dim3A_627] : memref<400x24xi32, #tpu.memory_space<vmem>>[vector<16xi32>, vector<16xi32>], vector<16xi32>,
        %shift_left3A_633 = arith.constant 16 : i32
        %shift_left3A_634 = vector.broadcast %shift_left3A_633 : i32 to vector<16xi32>
        %shift_left3A_635 = arith.shli %gather3A_632, %shift_left3A_634 : vector<16xi32>
        %bitcast_convert_type3A_636 = tpu.bitcast %shift_left3A_635 : vector<16xi32> -> vector<16xf32>
        %and3A_637 = arith.constant -65536 : i32
        %and3A_638 = vector.broadcast %and3A_637 : i32 to vector<16xi32>
        %and3A_639 = arith.andi %gather3A_632, %and3A_638 : vector<16xi32>
        %bitcast_convert_type3A_640 = tpu.bitcast %and3A_639 : vector<16xi32> -> vector<16xf32>
        %slice3A_641 = vector.extract_strided_slice %bitcast_convert_type3A {offsets = [8], sizes = [1], strides = [1]} : vector<16xf32> to vector<1xf32>
        %squeeze3A_642 = vector.extract %slice3A_641[0] : f32 from vector<1xf32>
        %sub3A_643 = vector.broadcast %squeeze3A_642 : f32 to vector<16xf32>
        %sub3A_644 = arith.subf %bitcast_convert_type3A_636, %sub3A_643 : vector<16xf32>
        %abs3A_645 = math.absf %sub3A_644 : vector<16xf32>
        %slice3A_646 = vector.extract_strided_slice %bitcast_convert_type3A_320 {offsets = [8], sizes = [1], strides = [1]} : vector<16xf32> to vector<1xf32>
        %squeeze3A_647 = vector.extract %slice3A_646[0] : f32 from vector<1xf32>
        %sub3A_648 = vector.broadcast %squeeze3A_647 : f32 to vector<16xf32>
        %sub3A_649 = arith.subf %bitcast_convert_type3A_640, %sub3A_648 : vector<16xf32>
        %abs3A_650 = math.absf %sub3A_649 : vector<16xf32>
        %add3A_651 = arith.addf %add3A_624, %abs3A_645 : vector<16xf32>
        %add3A_652 = arith.addf %add3A_625, %abs3A_650 : vector<16xf32>
        %broadcast_in_dim3A_653 = arith.constant 9 : i32
        %broadcast_in_dim3A_654 = vector.broadcast %broadcast_in_dim3A_653 : i32 to vector<16xi32>
        %gather3A_655 = arith.constant 0 : i32
        %gather3A_656 = arith.constant 0 : i32
        %gather3A_657 = tpu.memref_slice %arg6[%scan3A_185, %gather3A_655, %gather3A_656] : memref<4x400x24xi32, #tpu.memory_space<vmem>> -> memref<1x400x24xi32, #tpu.memory_space<vmem>>
        %gather3A_658 = tpu.memref_squeeze %gather3A_657 : memref<1x400x24xi32, #tpu.memory_space<vmem>> -> memref<400x24xi32, #tpu.memory_space<vmem>>
        %gather3A_659 = tpu.vector_load_idx %gather3A_658[%add3A_307, %broadcast_in_dim3A_654] : memref<400x24xi32, #tpu.memory_space<vmem>>[vector<16xi32>, vector<16xi32>], vector<16xi32>,
        %shift_left3A_660 = arith.constant 16 : i32
        %shift_left3A_661 = vector.broadcast %shift_left3A_660 : i32 to vector<16xi32>
        %shift_left3A_662 = arith.shli %gather3A_659, %shift_left3A_661 : vector<16xi32>
        %bitcast_convert_type3A_663 = tpu.bitcast %shift_left3A_662 : vector<16xi32> -> vector<16xf32>
        %and3A_664 = arith.constant -65536 : i32
        %and3A_665 = vector.broadcast %and3A_664 : i32 to vector<16xi32>
        %and3A_666 = arith.andi %gather3A_659, %and3A_665 : vector<16xi32>
        %bitcast_convert_type3A_667 = tpu.bitcast %and3A_666 : vector<16xi32> -> vector<16xf32>
        %slice3A_668 = vector.extract_strided_slice %bitcast_convert_type3A {offsets = [9], sizes = [1], strides = [1]} : vector<16xf32> to vector<1xf32>
        %squeeze3A_669 = vector.extract %slice3A_668[0] : f32 from vector<1xf32>
        %sub3A_670 = vector.broadcast %squeeze3A_669 : f32 to vector<16xf32>
        %sub3A_671 = arith.subf %bitcast_convert_type3A_663, %sub3A_670 : vector<16xf32>
        %abs3A_672 = math.absf %sub3A_671 : vector<16xf32>
        %slice3A_673 = vector.extract_strided_slice %bitcast_convert_type3A_320 {offsets = [9], sizes = [1], strides = [1]} : vector<16xf32> to vector<1xf32>
        %squeeze3A_674 = vector.extract %slice3A_673[0] : f32 from vector<1xf32>
        %sub3A_675 = vector.broadcast %squeeze3A_674 : f32 to vector<16xf32>
        %sub3A_676 = arith.subf %bitcast_convert_type3A_667, %sub3A_675 : vector<16xf32>
        %abs3A_677 = math.absf %sub3A_676 : vector<16xf32>
        %add3A_678 = arith.addf %add3A_651, %abs3A_672 : vector<16xf32>
        %add3A_679 = arith.addf %add3A_652, %abs3A_677 : vector<16xf32>
        %broadcast_in_dim3A_680 = arith.constant 10 : i32
        %broadcast_in_dim3A_681 = vector.broadcast %broadcast_in_dim3A_680 : i32 to vector<16xi32>
        %gather3A_682 = arith.constant 0 : i32
        %gather3A_683 = arith.constant 0 : i32
        %gather3A_684 = tpu.memref_slice %arg6[%scan3A_185, %gather3A_682, %gather3A_683] : memref<4x400x24xi32, #tpu.memory_space<vmem>> -> memref<1x400x24xi32, #tpu.memory_space<vmem>>
        %gather3A_685 = tpu.memref_squeeze %gather3A_684 : memref<1x400x24xi32, #tpu.memory_space<vmem>> -> memref<400x24xi32, #tpu.memory_space<vmem>>
        %gather3A_686 = tpu.vector_load_idx %gather3A_685[%add3A_307, %broadcast_in_dim3A_681] : memref<400x24xi32, #tpu.memory_space<vmem>>[vector<16xi32>, vector<16xi32>], vector<16xi32>,
        %shift_left3A_687 = arith.constant 16 : i32
        %shift_left3A_688 = vector.broadcast %shift_left3A_687 : i32 to vector<16xi32>
        %shift_left3A_689 = arith.shli %gather3A_686, %shift_left3A_688 : vector<16xi32>
        %bitcast_convert_type3A_690 = tpu.bitcast %shift_left3A_689 : vector<16xi32> -> vector<16xf32>
        %and3A_691 = arith.constant -65536 : i32
        %and3A_692 = vector.broadcast %and3A_691 : i32 to vector<16xi32>
        %and3A_693 = arith.andi %gather3A_686, %and3A_692 : vector<16xi32>
        %bitcast_convert_type3A_694 = tpu.bitcast %and3A_693 : vector<16xi32> -> vector<16xf32>
        %slice3A_695 = vector.extract_strided_slice %bitcast_convert_type3A {offsets = [10], sizes = [1], strides = [1]} : vector<16xf32> to vector<1xf32>
        %squeeze3A_696 = vector.extract %slice3A_695[0] : f32 from vector<1xf32>
        %sub3A_697 = vector.broadcast %squeeze3A_696 : f32 to vector<16xf32>
        %sub3A_698 = arith.subf %bitcast_convert_type3A_690, %sub3A_697 : vector<16xf32>
        %abs3A_699 = math.absf %sub3A_698 : vector<16xf32>
        %slice3A_700 = vector.extract_strided_slice %bitcast_convert_type3A_320 {offsets = [10], sizes = [1], strides = [1]} : vector<16xf32> to vector<1xf32>
        %squeeze3A_701 = vector.extract %slice3A_700[0] : f32 from vector<1xf32>
        %sub3A_702 = vector.broadcast %squeeze3A_701 : f32 to vector<16xf32>
        %sub3A_703 = arith.subf %bitcast_convert_type3A_694, %sub3A_702 : vector<16xf32>
        %abs3A_704 = math.absf %sub3A_703 : vector<16xf32>
        %add3A_705 = arith.addf %add3A_678, %abs3A_699 : vector<16xf32>
        %add3A_706 = arith.addf %add3A_679, %abs3A_704 : vector<16xf32>
        %broadcast_in_dim3A_707 = arith.constant 11 : i32
        %broadcast_in_dim3A_708 = vector.broadcast %broadcast_in_dim3A_707 : i32 to vector<16xi32>
        %gather3A_709 = arith.constant 0 : i32
        %gather3A_710 = arith.constant 0 : i32
        %gather3A_711 = tpu.memref_slice %arg6[%scan3A_185, %gather3A_709, %gather3A_710] : memref<4x400x24xi32, #tpu.memory_space<vmem>> -> memref<1x400x24xi32, #tpu.memory_space<vmem>>
        %gather3A_712 = tpu.memref_squeeze %gather3A_711 : memref<1x400x24xi32, #tpu.memory_space<vmem>> -> memref<400x24xi32, #tpu.memory_space<vmem>>
        %gather3A_713 = tpu.vector_load_idx %gather3A_712[%add3A_307, %broadcast_in_dim3A_708] : memref<400x24xi32, #tpu.memory_space<vmem>>[vector<16xi32>, vector<16xi32>], vector<16xi32>,
        %shift_left3A_714 = arith.constant 16 : i32
        %shift_left3A_715 = vector.broadcast %shift_left3A_714 : i32 to vector<16xi32>
        %shift_left3A_716 = arith.shli %gather3A_713, %shift_left3A_715 : vector<16xi32>
        %bitcast_convert_type3A_717 = tpu.bitcast %shift_left3A_716 : vector<16xi32> -> vector<16xf32>
        %and3A_718 = arith.constant -65536 : i32
        %and3A_719 = vector.broadcast %and3A_718 : i32 to vector<16xi32>
        %and3A_720 = arith.andi %gather3A_713, %and3A_719 : vector<16xi32>
        %bitcast_convert_type3A_721 = tpu.bitcast %and3A_720 : vector<16xi32> -> vector<16xf32>
        %slice3A_722 = vector.extract_strided_slice %bitcast_convert_type3A {offsets = [11], sizes = [1], strides = [1]} : vector<16xf32> to vector<1xf32>
        %squeeze3A_723 = vector.extract %slice3A_722[0] : f32 from vector<1xf32>
        %sub3A_724 = vector.broadcast %squeeze3A_723 : f32 to vector<16xf32>
        %sub3A_725 = arith.subf %bitcast_convert_type3A_717, %sub3A_724 : vector<16xf32>
        %abs3A_726 = math.absf %sub3A_725 : vector<16xf32>
        %slice3A_727 = vector.extract_strided_slice %bitcast_convert_type3A_320 {offsets = [11], sizes = [1], strides = [1]} : vector<16xf32> to vector<1xf32>
        %squeeze3A_728 = vector.extract %slice3A_727[0] : f32 from vector<1xf32>
        %sub3A_729 = vector.broadcast %squeeze3A_728 : f32 to vector<16xf32>
        %sub3A_730 = arith.subf %bitcast_convert_type3A_721, %sub3A_729 : vector<16xf32>
        %abs3A_731 = math.absf %sub3A_730 : vector<16xf32>
        %add3A_732 = arith.addf %add3A_705, %abs3A_726 : vector<16xf32>
        %add3A_733 = arith.addf %add3A_706, %abs3A_731 : vector<16xf32>
        %broadcast_in_dim3A_734 = arith.constant 12 : i32
        %broadcast_in_dim3A_735 = vector.broadcast %broadcast_in_dim3A_734 : i32 to vector<16xi32>
        %gather3A_736 = arith.constant 0 : i32
        %gather3A_737 = arith.constant 0 : i32
        %gather3A_738 = tpu.memref_slice %arg6[%scan3A_185, %gather3A_736, %gather3A_737] : memref<4x400x24xi32, #tpu.memory_space<vmem>> -> memref<1x400x24xi32, #tpu.memory_space<vmem>>
        %gather3A_739 = tpu.memref_squeeze %gather3A_738 : memref<1x400x24xi32, #tpu.memory_space<vmem>> -> memref<400x24xi32, #tpu.memory_space<vmem>>
        %gather3A_740 = tpu.vector_load_idx %gather3A_739[%add3A_307, %broadcast_in_dim3A_735] : memref<400x24xi32, #tpu.memory_space<vmem>>[vector<16xi32>, vector<16xi32>], vector<16xi32>,
        %shift_left3A_741 = arith.constant 16 : i32
        %shift_left3A_742 = vector.broadcast %shift_left3A_741 : i32 to vector<16xi32>
        %shift_left3A_743 = arith.shli %gather3A_740, %shift_left3A_742 : vector<16xi32>
        %bitcast_convert_type3A_744 = tpu.bitcast %shift_left3A_743 : vector<16xi32> -> vector<16xf32>
        %and3A_745 = arith.constant -65536 : i32
        %and3A_746 = vector.broadcast %and3A_745 : i32 to vector<16xi32>
        %and3A_747 = arith.andi %gather3A_740, %and3A_746 : vector<16xi32>
        %bitcast_convert_type3A_748 = tpu.bitcast %and3A_747 : vector<16xi32> -> vector<16xf32>
        %slice3A_749 = vector.extract_strided_slice %bitcast_convert_type3A {offsets = [12], sizes = [1], strides = [1]} : vector<16xf32> to vector<1xf32>
        %squeeze3A_750 = vector.extract %slice3A_749[0] : f32 from vector<1xf32>
        %sub3A_751 = vector.broadcast %squeeze3A_750 : f32 to vector<16xf32>
        %sub3A_752 = arith.subf %bitcast_convert_type3A_744, %sub3A_751 : vector<16xf32>
        %abs3A_753 = math.absf %sub3A_752 : vector<16xf32>
        %slice3A_754 = vector.extract_strided_slice %bitcast_convert_type3A_320 {offsets = [12], sizes = [1], strides = [1]} : vector<16xf32> to vector<1xf32>
        %squeeze3A_755 = vector.extract %slice3A_754[0] : f32 from vector<1xf32>
        %sub3A_756 = vector.broadcast %squeeze3A_755 : f32 to vector<16xf32>
        %sub3A_757 = arith.subf %bitcast_convert_type3A_748, %sub3A_756 : vector<16xf32>
        %abs3A_758 = math.absf %sub3A_757 : vector<16xf32>
        %add3A_759 = arith.addf %add3A_732, %abs3A_753 : vector<16xf32>
        %add3A_760 = arith.addf %add3A_733, %abs3A_758 : vector<16xf32>
        %broadcast_in_dim3A_761 = arith.constant 13 : i32
        %broadcast_in_dim3A_762 = vector.broadcast %broadcast_in_dim3A_761 : i32 to vector<16xi32>
        %gather3A_763 = arith.constant 0 : i32
        %gather3A_764 = arith.constant 0 : i32
        %gather3A_765 = tpu.memref_slice %arg6[%scan3A_185, %gather3A_763, %gather3A_764] : memref<4x400x24xi32, #tpu.memory_space<vmem>> -> memref<1x400x24xi32, #tpu.memory_space<vmem>>
        %gather3A_766 = tpu.memref_squeeze %gather3A_765 : memref<1x400x24xi32, #tpu.memory_space<vmem>> -> memref<400x24xi32, #tpu.memory_space<vmem>>
        %gather3A_767 = tpu.vector_load_idx %gather3A_766[%add3A_307, %broadcast_in_dim3A_762] : memref<400x24xi32, #tpu.memory_space<vmem>>[vector<16xi32>, vector<16xi32>], vector<16xi32>,
        %shift_left3A_768 = arith.constant 16 : i32
        %shift_left3A_769 = vector.broadcast %shift_left3A_768 : i32 to vector<16xi32>
        %shift_left3A_770 = arith.shli %gather3A_767, %shift_left3A_769 : vector<16xi32>
        %bitcast_convert_type3A_771 = tpu.bitcast %shift_left3A_770 : vector<16xi32> -> vector<16xf32>
        %and3A_772 = arith.constant -65536 : i32
        %and3A_773 = vector.broadcast %and3A_772 : i32 to vector<16xi32>
        %and3A_774 = arith.andi %gather3A_767, %and3A_773 : vector<16xi32>
        %bitcast_convert_type3A_775 = tpu.bitcast %and3A_774 : vector<16xi32> -> vector<16xf32>
        %slice3A_776 = vector.extract_strided_slice %bitcast_convert_type3A {offsets = [13], sizes = [1], strides = [1]} : vector<16xf32> to vector<1xf32>
        %squeeze3A_777 = vector.extract %slice3A_776[0] : f32 from vector<1xf32>
        %sub3A_778 = vector.broadcast %squeeze3A_777 : f32 to vector<16xf32>
        %sub3A_779 = arith.subf %bitcast_convert_type3A_771, %sub3A_778 : vector<16xf32>
        %abs3A_780 = math.absf %sub3A_779 : vector<16xf32>
        %slice3A_781 = vector.extract_strided_slice %bitcast_convert_type3A_320 {offsets = [13], sizes = [1], strides = [1]} : vector<16xf32> to vector<1xf32>
        %squeeze3A_782 = vector.extract %slice3A_781[0] : f32 from vector<1xf32>
        %sub3A_783 = vector.broadcast %squeeze3A_782 : f32 to vector<16xf32>
        %sub3A_784 = arith.subf %bitcast_convert_type3A_775, %sub3A_783 : vector<16xf32>
        %abs3A_785 = math.absf %sub3A_784 : vector<16xf32>
        %add3A_786 = arith.addf %add3A_759, %abs3A_780 : vector<16xf32>
        %add3A_787 = arith.addf %add3A_760, %abs3A_785 : vector<16xf32>
        %broadcast_in_dim3A_788 = arith.constant 14 : i32
        %broadcast_in_dim3A_789 = vector.broadcast %broadcast_in_dim3A_788 : i32 to vector<16xi32>
        %gather3A_790 = arith.constant 0 : i32
        %gather3A_791 = arith.constant 0 : i32
        %gather3A_792 = tpu.memref_slice %arg6[%scan3A_185, %gather3A_790, %gather3A_791] : memref<4x400x24xi32, #tpu.memory_space<vmem>> -> memref<1x400x24xi32, #tpu.memory_space<vmem>>
        %gather3A_793 = tpu.memref_squeeze %gather3A_792 : memref<1x400x24xi32, #tpu.memory_space<vmem>> -> memref<400x24xi32, #tpu.memory_space<vmem>>
        %gather3A_794 = tpu.vector_load_idx %gather3A_793[%add3A_307, %broadcast_in_dim3A_789] : memref<400x24xi32, #tpu.memory_space<vmem>>[vector<16xi32>, vector<16xi32>], vector<16xi32>,
        %shift_left3A_795 = arith.constant 16 : i32
        %shift_left3A_796 = vector.broadcast %shift_left3A_795 : i32 to vector<16xi32>
        %shift_left3A_797 = arith.shli %gather3A_794, %shift_left3A_796 : vector<16xi32>
        %bitcast_convert_type3A_798 = tpu.bitcast %shift_left3A_797 : vector<16xi32> -> vector<16xf32>
        %and3A_799 = arith.constant -65536 : i32
        %and3A_800 = vector.broadcast %and3A_799 : i32 to vector<16xi32>
        %and3A_801 = arith.andi %gather3A_794, %and3A_800 : vector<16xi32>
        %bitcast_convert_type3A_802 = tpu.bitcast %and3A_801 : vector<16xi32> -> vector<16xf32>
        %slice3A_803 = vector.extract_strided_slice %bitcast_convert_type3A {offsets = [14], sizes = [1], strides = [1]} : vector<16xf32> to vector<1xf32>
        %squeeze3A_804 = vector.extract %slice3A_803[0] : f32 from vector<1xf32>
        %sub3A_805 = vector.broadcast %squeeze3A_804 : f32 to vector<16xf32>
        %sub3A_806 = arith.subf %bitcast_convert_type3A_798, %sub3A_805 : vector<16xf32>
        %abs3A_807 = math.absf %sub3A_806 : vector<16xf32>
        %slice3A_808 = vector.extract_strided_slice %bitcast_convert_type3A_320 {offsets = [14], sizes = [1], strides = [1]} : vector<16xf32> to vector<1xf32>
        %squeeze3A_809 = vector.extract %slice3A_808[0] : f32 from vector<1xf32>
        %sub3A_810 = vector.broadcast %squeeze3A_809 : f32 to vector<16xf32>
        %sub3A_811 = arith.subf %bitcast_convert_type3A_802, %sub3A_810 : vector<16xf32>
        %abs3A_812 = math.absf %sub3A_811 : vector<16xf32>
        %add3A_813 = arith.addf %add3A_786, %abs3A_807 : vector<16xf32>
        %add3A_814 = arith.addf %add3A_787, %abs3A_812 : vector<16xf32>
        %broadcast_in_dim3A_815 = arith.constant 15 : i32
        %broadcast_in_dim3A_816 = vector.broadcast %broadcast_in_dim3A_815 : i32 to vector<16xi32>
        %gather3A_817 = arith.constant 0 : i32
        %gather3A_818 = arith.constant 0 : i32
        %gather3A_819 = tpu.memref_slice %arg6[%scan3A_185, %gather3A_817, %gather3A_818] : memref<4x400x24xi32, #tpu.memory_space<vmem>> -> memref<1x400x24xi32, #tpu.memory_space<vmem>>
        %gather3A_820 = tpu.memref_squeeze %gather3A_819 : memref<1x400x24xi32, #tpu.memory_space<vmem>> -> memref<400x24xi32, #tpu.memory_space<vmem>>
        %gather3A_821 = tpu.vector_load_idx %gather3A_820[%add3A_307, %broadcast_in_dim3A_816] : memref<400x24xi32, #tpu.memory_space<vmem>>[vector<16xi32>, vector<16xi32>], vector<16xi32>,
        %shift_left3A_822 = arith.constant 16 : i32
        %shift_left3A_823 = vector.broadcast %shift_left3A_822 : i32 to vector<16xi32>
        %shift_left3A_824 = arith.shli %gather3A_821, %shift_left3A_823 : vector<16xi32>
        %bitcast_convert_type3A_825 = tpu.bitcast %shift_left3A_824 : vector<16xi32> -> vector<16xf32>
        %and3A_826 = arith.constant -65536 : i32
        %and3A_827 = vector.broadcast %and3A_826 : i32 to vector<16xi32>
        %and3A_828 = arith.andi %gather3A_821, %and3A_827 : vector<16xi32>
        %bitcast_convert_type3A_829 = tpu.bitcast %and3A_828 : vector<16xi32> -> vector<16xf32>
        %slice3A_830 = vector.extract_strided_slice %bitcast_convert_type3A {offsets = [15], sizes = [1], strides = [1]} : vector<16xf32> to vector<1xf32>
        %squeeze3A_831 = vector.extract %slice3A_830[0] : f32 from vector<1xf32>
        %sub3A_832 = vector.broadcast %squeeze3A_831 : f32 to vector<16xf32>
        %sub3A_833 = arith.subf %bitcast_convert_type3A_825, %sub3A_832 : vector<16xf32>
        %abs3A_834 = math.absf %sub3A_833 : vector<16xf32>
        %slice3A_835 = vector.extract_strided_slice %bitcast_convert_type3A_320 {offsets = [15], sizes = [1], strides = [1]} : vector<16xf32> to vector<1xf32>
        %squeeze3A_836 = vector.extract %slice3A_835[0] : f32 from vector<1xf32>
        %sub3A_837 = vector.broadcast %squeeze3A_836 : f32 to vector<16xf32>
        %sub3A_838 = arith.subf %bitcast_convert_type3A_829, %sub3A_837 : vector<16xf32>
        %abs3A_839 = math.absf %sub3A_838 : vector<16xf32>
        %add3A_840 = arith.addf %add3A_813, %abs3A_834 : vector<16xf32>
        %add3A_841 = arith.addf %add3A_814, %abs3A_839 : vector<16xf32>
        %mul3A_842 = arith.mulf %add3A_840, %mul3A_412 : vector<16xf32>
        %add3A_843 = arith.addf %scan3A_299, %mul3A_842 : vector<16xf32>
        %mul3A_844 = arith.mulf %add3A_841, %mul3A_412 : vector<16xf32>
        %add3A_845 = arith.addf %scan3A_300, %mul3A_844 : vector<16xf32>
        %sub3A_846 = arith.subf %bitcast_convert_type3A, %bitcast_convert_type3A_320 : vector<16xf32>
        %mul3A_847 = arith.mulf %sub3A_846, %sub3A_846 : vector<16xf32>
        %mul3A_848 = vector.broadcast %select_n3A_410 : f32 to vector<16xf32>
        %mul3A_849 = arith.mulf %mul3A_847, %mul3A_848 : vector<16xf32>
        %add3A_850 = arith.addf %scan3A_301, %mul3A_849 : vector<16xf32>
        %mul3A_851 = arith.mulf %bitcast_convert_type3A_320, %bitcast_convert_type3A_320 : vector<16xf32>
        %mul3A_852 = vector.broadcast %select_n3A_410 : f32 to vector<16xf32>
        %mul3A_853 = arith.mulf %mul3A_851, %mul3A_852 : vector<16xf32>
        %add3A_854 = arith.addf %scan3A_302, %mul3A_853 : vector<16xf32>
        scf.yield %add3A_843, %add3A_845, %add3A_850, %add3A_854 : vector<16xf32>, vector<16xf32>, vector<16xf32>, vector<16xf32>
      }
      %scan3A_191 = arith.constant 25 : i32
      %add3A_192 = arith.constant 4 : i32
      %add3A_193 = arith.addi %add3A_169, %add3A_192 : i32
      %lt3A = arith.constant 128 : i32
      %lt3A_194 = arith.cmpi slt, %add3A_193, %lt3A : i32
      %convert_element_type3A = arith.extui %lt3A_194 : i1 to i32
      %cond3A = arith.constant 0 : i32
      %cond3A_195 = arith.cmpi ne, %convert_element_type3A, %cond3A : i32
      scf.if %cond3A_195 {
        %add3A_298 = arith.constant 4 : i32
        %add3A_299 = arith.addi %add3A_169, %add3A_298 : i32
        %mul3A_300 = arith.constant 25 : i32
        %mul3A_301 = arith.muli %add3A_299, %mul3A_300 : i32
        %add3A_302 = arith.addi %mul3A_5, %mul3A_301 : i32
        %min3A_303 = arith.constant 49975 : i32
        %min3A_304 = arith.minsi %add3A_302, %min3A_303 : i32
        %mul3A_305 = arith.constant 800000 : i32
        %mul3A_306 = arith.muli %arg0, %mul3A_305 : i32
        %mul3A_307 = arith.constant 16 : i32
        %mul3A_308 = arith.muli %min3A_304, %mul3A_307 : i32
        %add3A_309 = arith.addi %mul3A_306, %mul3A_308 : i32
        %run_scoped3A_310 = arith.constant 0 : i32
        "tpu.region"() ({
          %run_scoped3A_329 = tpu.sem_alloc : memref<!tpu.dma_semaphore, #tpu.memory_space<semaphore_mem>>
          %dma_start3A_330 = arith.constant 0 : i32
          %dma_start3A_331 = tpu.memref_slice %arg8[%run_scoped3A_310, %dma_start3A_330] : memref<4x400xi32, #tpu.memory_space<vmem>> -> memref<1x400xi32, #tpu.memory_space<vmem>>
          %dma_start3A_332 = tpu.memref_squeeze %dma_start3A_331 : memref<1x400xi32, #tpu.memory_space<vmem>> -> memref<400xi32, #tpu.memory_space<vmem>>
          %dma_start3A_333 = tpu.memref_slice %arg3[%add3A_309] : memref<1600000xi32, #tpu.memory_space<hbm>> -> memref<400xi32, #tpu.memory_space<hbm>>
          %dma_start3A_334 = arith.constant 0 : i32
          %dma_start3A_335 = tpu.memref_slice %arg8[%run_scoped3A_310, %dma_start3A_334] : memref<4x400xi32, #tpu.memory_space<vmem>> -> memref<1x400xi32, #tpu.memory_space<vmem>>
          %dma_start3A_336 = tpu.memref_squeeze %dma_start3A_335 : memref<1x400xi32, #tpu.memory_space<vmem>> -> memref<400xi32, #tpu.memory_space<vmem>>
          %dma_start3A_337 = tpu.memref_slice %arg3[%add3A_309] : memref<1600000xi32, #tpu.memory_space<hbm>> -> memref<400xi32, #tpu.memory_space<hbm>>
          tpu.enqueue_dma source(%dma_start3A_337 : memref<400xi32, #tpu.memory_space<hbm>>) target(%dma_start3A_336 : memref<400xi32, #tpu.memory_space<vmem>>) target_semaphore(%run_scoped3A_329 : memref<!tpu.dma_semaphore, #tpu.memory_space<semaphore_mem>>)
          %dma_wait3A_338 = arith.constant 0 : i32
          %dma_wait3A_339 = tpu.memref_slice %arg8[%run_scoped3A_310, %dma_wait3A_338] : memref<4x400xi32, #tpu.memory_space<vmem>> -> memref<1x400xi32, #tpu.memory_space<vmem>>
          %dma_wait3A_340 = tpu.memref_squeeze %dma_wait3A_339 : memref<1x400xi32, #tpu.memory_space<vmem>> -> memref<400xi32, #tpu.memory_space<vmem>>
          %dma_wait3A_341 = tpu.memref_slice %arg3[%add3A_309] : memref<1600000xi32, #tpu.memory_space<hbm>> -> memref<400xi32, #tpu.memory_space<hbm>>
          %dma_wait3A_342 = arith.constant 0 : i32
          %dma_wait3A_343 = tpu.memref_slice %arg8[%run_scoped3A_310, %dma_wait3A_342] : memref<4x400xi32, #tpu.memory_space<vmem>> -> memref<1x400xi32, #tpu.memory_space<vmem>>
          %dma_wait3A_344 = tpu.memref_squeeze %dma_wait3A_343 : memref<1x400xi32, #tpu.memory_space<vmem>> -> memref<400xi32, #tpu.memory_space<vmem>>
          %dma_wait3A_345 = tpu.memref_slice %arg3[%add3A_309] : memref<1600000xi32, #tpu.memory_space<hbm>> -> memref<400xi32, #tpu.memory_space<hbm>>
          tpu.wait_dma2 semaphore(%run_scoped3A_329 : memref<!tpu.dma_semaphore, #tpu.memory_space<semaphore_mem>>) src(%dma_wait3A_345 : memref<400xi32, #tpu.memory_space<hbm>>) dst(%dma_wait3A_344 : memref<400xi32, #tpu.memory_space<vmem>>)
          tpu.yield
        }) : () -> ()
        %run_scoped3A_311 = arith.constant 0 : i32
        %run_scoped3A_312 = arith.constant 0 : i32
        "tpu.region"() ({
          %run_scoped3A_329 = tpu.sem_alloc : memref<!tpu.dma_semaphore, #tpu.memory_space<semaphore_mem>>
          %dma_start3A_330 = arith.constant 0 : i32
          %dma_start3A_331 = arith.constant 0 : i32
          %dma_start3A_332 = tpu.memref_slice %arg7[%run_scoped3A_311, %run_scoped3A_312, %dma_start3A_330, %dma_start3A_331] : memref<4x2x25x24xi32, #tpu.memory_space<vmem>> -> memref<1x1x25x24xi32, #tpu.memory_space<vmem>>
          %dma_start3A_333 = tpu.memref_squeeze %dma_start3A_332 : memref<1x1x25x24xi32, #tpu.memory_space<vmem>> -> memref<25x24xi32, #tpu.memory_space<vmem>>
          %dma_start3A_334 = arith.constant 0 : i32
          %dma_start3A_335 = tpu.memref_slice %arg2[%min3A_304, %dma_start3A_334] : memref<100000x24xi32, #tpu.memory_space<hbm>> -> memref<25x24xi32, #tpu.memory_space<hbm>>
          %dma_start3A_336 = arith.constant 0 : i32
          %dma_start3A_337 = arith.constant 0 : i32
          %dma_start3A_338 = tpu.memref_slice %arg7[%run_scoped3A_311, %run_scoped3A_312, %dma_start3A_336, %dma_start3A_337] : memref<4x2x25x24xi32, #tpu.memory_space<vmem>> -> memref<1x1x25x24xi32, #tpu.memory_space<vmem>>
          %dma_start3A_339 = tpu.memref_squeeze %dma_start3A_338 : memref<1x1x25x24xi32, #tpu.memory_space<vmem>> -> memref<25x24xi32, #tpu.memory_space<vmem>>
          %dma_start3A_340 = arith.constant 0 : i32
          %dma_start3A_341 = tpu.memref_slice %arg2[%min3A_304, %dma_start3A_340] : memref<100000x24xi32, #tpu.memory_space<hbm>> -> memref<25x24xi32, #tpu.memory_space<hbm>>
          tpu.enqueue_dma source(%dma_start3A_341 : memref<25x24xi32, #tpu.memory_space<hbm>>) target(%dma_start3A_339 : memref<25x24xi32, #tpu.memory_space<vmem>>) target_semaphore(%run_scoped3A_329 : memref<!tpu.dma_semaphore, #tpu.memory_space<semaphore_mem>>)
          %dma_wait3A_342 = arith.constant 0 : i32
          %dma_wait3A_343 = arith.constant 0 : i32
          %dma_wait3A_344 = tpu.memref_slice %arg7[%run_scoped3A_311, %run_scoped3A_312, %dma_wait3A_342, %dma_wait3A_343] : memref<4x2x25x24xi32, #tpu.memory_space<vmem>> -> memref<1x1x25x24xi32, #tpu.memory_space<vmem>>
          %dma_wait3A_345 = tpu.memref_squeeze %dma_wait3A_344 : memref<1x1x25x24xi32, #tpu.memory_space<vmem>> -> memref<25x24xi32, #tpu.memory_space<vmem>>
          %dma_wait3A_346 = arith.constant 0 : i32
          %dma_wait3A_347 = tpu.memref_slice %arg2[%min3A_304, %dma_wait3A_346] : memref<100000x24xi32, #tpu.memory_space<hbm>> -> memref<25x24xi32, #tpu.memory_space<hbm>>
          %dma_wait3A_348 = arith.constant 0 : i32
          %dma_wait3A_349 = arith.constant 0 : i32
          %dma_wait3A_350 = tpu.memref_slice %arg7[%run_scoped3A_311, %run_scoped3A_312, %dma_wait3A_348, %dma_wait3A_349] : memref<4x2x25x24xi32, #tpu.memory_space<vmem>> -> memref<1x1x25x24xi32, #tpu.memory_space<vmem>>
          %dma_wait3A_351 = tpu.memref_squeeze %dma_wait3A_350 : memref<1x1x25x24xi32, #tpu.memory_space<vmem>> -> memref<25x24xi32, #tpu.memory_space<vmem>>
          %dma_wait3A_352 = arith.constant 0 : i32
          %dma_wait3A_353 = tpu.memref_slice %arg2[%min3A_304, %dma_wait3A_352] : memref<100000x24xi32, #tpu.memory_space<hbm>> -> memref<25x24xi32, #tpu.memory_space<hbm>>
          tpu.wait_dma2 semaphore(%run_scoped3A_329 : memref<!tpu.dma_semaphore, #tpu.memory_space<semaphore_mem>>) src(%dma_wait3A_353 : memref<25x24xi32, #tpu.memory_space<hbm>>) dst(%dma_wait3A_351 : memref<25x24xi32, #tpu.memory_space<vmem>>)
          tpu.yield
        }) : () -> ()
        %add3A_313 = arith.constant 50000 : i32
        %add3A_314 = arith.addi %add3A_313, %min3A_304 : i32
        %run_scoped3A_315 = arith.constant 0 : i32
        %run_scoped3A_316 = arith.constant 1 : i32
        "tpu.region"() ({
          %run_scoped3A_329 = tpu.sem_alloc : memref<!tpu.dma_semaphore, #tpu.memory_space<semaphore_mem>>
          %dma_start3A_330 = arith.constant 0 : i32
          %dma_start3A_331 = arith.constant 0 : i32
          %dma_start3A_332 = tpu.memref_slice %arg7[%run_scoped3A_315, %run_scoped3A_316, %dma_start3A_330, %dma_start3A_331] : memref<4x2x25x24xi32, #tpu.memory_space<vmem>> -> memref<1x1x25x24xi32, #tpu.memory_space<vmem>>
          %dma_start3A_333 = tpu.memref_squeeze %dma_start3A_332 : memref<1x1x25x24xi32, #tpu.memory_space<vmem>> -> memref<25x24xi32, #tpu.memory_space<vmem>>
          %dma_start3A_334 = arith.constant 0 : i32
          %dma_start3A_335 = tpu.memref_slice %arg2[%add3A_314, %dma_start3A_334] : memref<100000x24xi32, #tpu.memory_space<hbm>> -> memref<25x24xi32, #tpu.memory_space<hbm>>
          %dma_start3A_336 = arith.constant 0 : i32
          %dma_start3A_337 = arith.constant 0 : i32
          %dma_start3A_338 = tpu.memref_slice %arg7[%run_scoped3A_315, %run_scoped3A_316, %dma_start3A_336, %dma_start3A_337] : memref<4x2x25x24xi32, #tpu.memory_space<vmem>> -> memref<1x1x25x24xi32, #tpu.memory_space<vmem>>
          %dma_start3A_339 = tpu.memref_squeeze %dma_start3A_338 : memref<1x1x25x24xi32, #tpu.memory_space<vmem>> -> memref<25x24xi32, #tpu.memory_space<vmem>>
          %dma_start3A_340 = arith.constant 0 : i32
          %dma_start3A_341 = tpu.memref_slice %arg2[%add3A_314, %dma_start3A_340] : memref<100000x24xi32, #tpu.memory_space<hbm>> -> memref<25x24xi32, #tpu.memory_space<hbm>>
          tpu.enqueue_dma source(%dma_start3A_341 : memref<25x24xi32, #tpu.memory_space<hbm>>) target(%dma_start3A_339 : memref<25x24xi32, #tpu.memory_space<vmem>>) target_semaphore(%run_scoped3A_329 : memref<!tpu.dma_semaphore, #tpu.memory_space<semaphore_mem>>)
          %dma_wait3A_342 = arith.constant 0 : i32
          %dma_wait3A_343 = arith.constant 0 : i32
          %dma_wait3A_344 = tpu.memref_slice %arg7[%run_scoped3A_315, %run_scoped3A_316, %dma_wait3A_342, %dma_wait3A_343] : memref<4x2x25x24xi32, #tpu.memory_space<vmem>> -> memref<1x1x25x24xi32, #tpu.memory_space<vmem>>
          %dma_wait3A_345 = tpu.memref_squeeze %dma_wait3A_344 : memref<1x1x25x24xi32, #tpu.memory_space<vmem>> -> memref<25x24xi32, #tpu.memory_space<vmem>>
          %dma_wait3A_346 = arith.constant 0 : i32
          %dma_wait3A_347 = tpu.memref_slice %arg2[%add3A_314, %dma_wait3A_346] : memref<100000x24xi32, #tpu.memory_space<hbm>> -> memref<25x24xi32, #tpu.memory_space<hbm>>
          %dma_wait3A_348 = arith.constant 0 : i32
          %dma_wait3A_349 = arith.constant 0 : i32
          %dma_wait3A_350 = tpu.memref_slice %arg7[%run_scoped3A_315, %run_scoped3A_316, %dma_wait3A_348, %dma_wait3A_349] : memref<4x2x25x24xi32, #tpu.memory_space<vmem>> -> memref<1x1x25x24xi32, #tpu.memory_space<vmem>>
          %dma_wait3A_351 = tpu.memref_squeeze %dma_wait3A_350 : memref<1x1x25x24xi32, #tpu.memory_space<vmem>> -> memref<25x24xi32, #tpu.memory_space<vmem>>
          %dma_wait3A_352 = arith.constant 0 : i32
          %dma_wait3A_353 = tpu.memref_slice %arg2[%add3A_314, %dma_wait3A_352] : memref<100000x24xi32, #tpu.memory_space<hbm>> -> memref<25x24xi32, #tpu.memory_space<hbm>>
          tpu.wait_dma2 semaphore(%run_scoped3A_329 : memref<!tpu.dma_semaphore, #tpu.memory_space<semaphore_mem>>) src(%dma_wait3A_353 : memref<25x24xi32, #tpu.memory_space<hbm>>) dst(%dma_wait3A_351 : memref<25x24xi32, #tpu.memory_space<vmem>>)
          tpu.yield
        }) : () -> ()
        %dma_start3A_317 = arith.constant 0 : i32
        %dma_start3A_318 = arith.constant 0 : i32
        %dma_start3A_319 = arith.constant 0 : i32
        %dma_start3A_320 = arith.constant 0 : i32
        %dma_start3A_321 = tpu.memref_slice %arg6[%dma_start3A_318, %dma_start3A_319, %dma_start3A_320] : memref<4x400x24xi32, #tpu.memory_space<vmem>> -> memref<1x400x24xi32, #tpu.memory_space<vmem>>
        %dma_start3A_322 = tpu.memref_squeeze %dma_start3A_321 : memref<1x400x24xi32, #tpu.memory_space<vmem>> -> memref<400x24xi32, #tpu.memory_space<vmem>>
        %dma_start3A_323 = arith.constant 0 : i32
        %dma_start3A_324 = tpu.memref_slice %arg8[%dma_start3A_317, %dma_start3A_323] : memref<4x400xi32, #tpu.memory_space<vmem>> -> memref<1x400xi32, #tpu.memory_space<vmem>>
        %dma_start3A_325 = tpu.memref_squeeze %dma_start3A_324 : memref<1x400xi32, #tpu.memory_space<vmem>> -> memref<400xi32, #tpu.memory_space<vmem>>
        %dma_start3A_326 = arith.constant 0 : i32
        %dma_start3A_327 = arith.constant 0 : i32
        %dma_start3A_328 = tpu.memref_slice %arg5[%dma_start3A_326, %dma_start3A_327] : memref<50000x24xi32, #tpu.memory_space<vmem_shared>> -> memref<50000x24xi32, #tpu.memory_space<vmem_shared>>
        tpu.enqueue_indirect_dma source(%dma_start3A_328 : memref<50000x24xi32, #tpu.memory_space<vmem_shared>>) target(%dma_start3A_322 : memref<400x24xi32, #tpu.memory_space<vmem>>) offsets(%dma_start3A_325 : memref<400xi32, #tpu.memory_space<vmem>>) semaphore(%arg10 : memref<!tpu.dma_semaphore, #tpu.memory_space<semaphore_mem>>)
      } else {
      }
      %mul3A_196 = arith.constant 4 : i32
      %mul3A_197 = arith.muli %scan3A_161, %mul3A_196 : i32
      %add3A_198 = arith.constant 1 : i32
      %add3A_199 = arith.addi %mul3A_197, %add3A_198 : i32
      %dma_wait3A_200 = arith.constant 1 : i32
      %dma_wait3A_201 = arith.constant 1 : i32
      %dma_wait3A_202 = arith.constant 0 : i32
      %dma_wait3A_203 = arith.constant 0 : i32
      %dma_wait3A_204 = tpu.memref_slice %arg6[%dma_wait3A_201, %dma_wait3A_202, %dma_wait3A_203] : memref<4x400x24xi32, #tpu.memory_space<vmem>> -> memref<1x400x24xi32, #tpu.memory_space<vmem>>
      %dma_wait3A_205 = tpu.memref_squeeze %dma_wait3A_204 : memref<1x400x24xi32, #tpu.memory_space<vmem>> -> memref<400x24xi32, #tpu.memory_space<vmem>>
      %dma_wait3A_206 = arith.constant 0 : i32
      %dma_wait3A_207 = tpu.memref_slice %arg8[%dma_wait3A_200, %dma_wait3A_206] : memref<4x400xi32, #tpu.memory_space<vmem>> -> memref<1x400xi32, #tpu.memory_space<vmem>>
      %dma_wait3A_208 = tpu.memref_squeeze %dma_wait3A_207 : memref<1x400xi32, #tpu.memory_space<vmem>> -> memref<400xi32, #tpu.memory_space<vmem>>
      %dma_wait3A_209 = arith.constant 0 : i32
      %dma_wait3A_210 = arith.constant 0 : i32
      %dma_wait3A_211 = tpu.memref_slice %arg5[%dma_wait3A_209, %dma_wait3A_210] : memref<50000x24xi32, #tpu.memory_space<vmem_shared>> -> memref<50000x24xi32, #tpu.memory_space<vmem_shared>>
      tpu.wait_indirect_dma semaphore(%arg11 : memref<!tpu.dma_semaphore, #tpu.memory_space<semaphore_mem>>) src(%dma_wait3A_211 : memref<50000x24xi32, #tpu.memory_space<vmem_shared>>) dst(%dma_wait3A_205 : memref<400x24xi32, #tpu.memory_space<vmem>>)
      %mul3A_212 = arith.constant 25 : i32
      %mul3A_213 = arith.muli %add3A_199, %mul3A_212 : i32
      %add3A_214 = arith.addi %mul3A_5, %mul3A_213 : i32
      %scan3A_215 = arith.constant 1 : i32
      %scan3A_216 = arith.constant 1 : i32
      %scan3A_217 = arith.constant 0 : i32
      %scan3A_218 = arith.constant 25 : i32
      %scan3A_219 = arith.addi %scan3A_217, %scan3A_218 : i32
      %scan3A_220 = arith.constant 1 : i32
      %scan3A_221:4 = scf.for %scan3A_298 = %scan3A_217 to %scan3A_219 step %scan3A_220 iter_args(%scan3A_299 = %scan3A_190#0, %scan3A_300 = %scan3A_190#1, %scan3A_301 = %scan3A_190#2, %scan3A_302 = %scan3A_190#3) -> (vector<16xf32>, vector<16xf32>, vector<16xf32>, vector<16xf32>)  : i32 {
        %iota3A_303 = tpu.iota {dimensions = array<i32: 0>} : vector<16xi32>
        %mul3A_304 = arith.constant 16 : i32
        %mul3A_305 = arith.muli %scan3A_298, %mul3A_304 : i32
        %add3A_306 = vector.broadcast %mul3A_305 : i32 to vector<16xi32>
        %add3A_307 = arith.addi %iota3A_303, %add3A_306 : vector<16xi32>
        %broadcast_in_dim3A_308 = vector.broadcast %scan3A_298 : i32 to vector<16xi32>
        %gather3A = arith.constant 0 : i32
        %gather3A_309 = arith.constant 0 : i32
        %gather3A_310 = arith.constant 0 : i32
        %gather3A_311 = tpu.memref_slice %arg7[%scan3A_215, %gather3A, %gather3A_309, %gather3A_310] : memref<4x2x25x24xi32, #tpu.memory_space<vmem>> -> memref<1x2x25x24xi32, #tpu.memory_space<vmem>>
        %gather3A_312 = tpu.memref_squeeze %gather3A_311 : memref<1x2x25x24xi32, #tpu.memory_space<vmem>> -> memref<2x25x24xi32, #tpu.memory_space<vmem>>
        %gather3A_313 = tpu.vector_load_idx %gather3A_312[%and3A_16, %broadcast_in_dim3A_308, %select_n3A] : memref<2x25x24xi32, #tpu.memory_space<vmem>>[vector<16xi32>, vector<16xi32>, vector<16xi32>], vector<16xi32>,
        %shift_left3A_314 = arith.constant 16 : i32
        %shift_left3A_315 = vector.broadcast %shift_left3A_314 : i32 to vector<16xi32>
        %shift_left3A_316 = arith.shli %gather3A_313, %shift_left3A_315 : vector<16xi32>
        %bitcast_convert_type3A = tpu.bitcast %shift_left3A_316 : vector<16xi32> -> vector<16xf32>
        %and3A_317 = arith.constant -65536 : i32
        %and3A_318 = vector.broadcast %and3A_317 : i32 to vector<16xi32>
        %and3A_319 = arith.andi %gather3A_313, %and3A_318 : vector<16xi32>
        %bitcast_convert_type3A_320 = tpu.bitcast %and3A_319 : vector<16xi32> -> vector<16xf32>
        %add3A_321 = arith.constant 8 : i32
        %add3A_322 = vector.broadcast %add3A_321 : i32 to vector<16xi32>
        %add3A_323 = arith.addi %iota3A, %add3A_322 : vector<16xi32>
        %gather3A_324 = arith.constant 0 : i32
        %gather3A_325 = arith.constant 0 : i32
        %gather3A_326 = arith.constant 0 : i32
        %gather3A_327 = tpu.memref_slice %arg7[%scan3A_215, %gather3A_324, %gather3A_325, %gather3A_326] : memref<4x2x25x24xi32, #tpu.memory_space<vmem>> -> memref<1x2x25x24xi32, #tpu.memory_space<vmem>>
        %gather3A_328 = tpu.memref_squeeze %gather3A_327 : memref<1x2x25x24xi32, #tpu.memory_space<vmem>> -> memref<2x25x24xi32, #tpu.memory_space<vmem>>
        %gather3A_329 = tpu.vector_load_idx %gather3A_328[%broadcast_in_dim3A, %broadcast_in_dim3A_308, %add3A_323] : memref<2x25x24xi32, #tpu.memory_space<vmem>>[vector<16xi32>, vector<16xi32>, vector<16xi32>], vector<16xi32>,
        %bitcast_convert_type3A_330 = tpu.bitcast %gather3A_329 : vector<16xi32> -> vector<16xf32>
        %broadcast_in_dim3A_331 = arith.constant 16 : i32
        %broadcast_in_dim3A_332 = vector.broadcast %broadcast_in_dim3A_331 : i32 to vector<16xi32>
        %gather3A_333 = arith.constant 0 : i32
        %gather3A_334 = arith.constant 0 : i32
        %gather3A_335 = tpu.memref_slice %arg6[%scan3A_216, %gather3A_333, %gather3A_334] : memref<4x400x24xi32, #tpu.memory_space<vmem>> -> memref<1x400x24xi32, #tpu.memory_space<vmem>>
        %gather3A_336 = tpu.memref_squeeze %gather3A_335 : memref<1x400x24xi32, #tpu.memory_space<vmem>> -> memref<400x24xi32, #tpu.memory_space<vmem>>
        %gather3A_337 = tpu.vector_load_idx %gather3A_336[%add3A_307, %broadcast_in_dim3A_332] : memref<400x24xi32, #tpu.memory_space<vmem>>[vector<16xi32>, vector<16xi32>], vector<16xi32>,
        %bitcast_convert_type3A_338 = tpu.bitcast %gather3A_337 : vector<16xi32> -> vector<16xf32>
        %slice3A = vector.extract_strided_slice %bitcast_convert_type3A_330 {offsets = [8], sizes = [1], strides = [1]} : vector<16xf32> to vector<1xf32>
        %squeeze3A = vector.extract %slice3A[0] : f32 from vector<1xf32>
        %sub3A = vector.broadcast %squeeze3A : f32 to vector<16xf32>
        %sub3A_339 = arith.subf %bitcast_convert_type3A_338, %sub3A : vector<16xf32>
        %mul3A_340 = arith.mulf %sub3A_339, %sub3A_339 : vector<16xf32>
        %broadcast_in_dim3A_341 = arith.constant 17 : i32
        %broadcast_in_dim3A_342 = vector.broadcast %broadcast_in_dim3A_341 : i32 to vector<16xi32>
        %gather3A_343 = arith.constant 0 : i32
        %gather3A_344 = arith.constant 0 : i32
        %gather3A_345 = tpu.memref_slice %arg6[%scan3A_216, %gather3A_343, %gather3A_344] : memref<4x400x24xi32, #tpu.memory_space<vmem>> -> memref<1x400x24xi32, #tpu.memory_space<vmem>>
        %gather3A_346 = tpu.memref_squeeze %gather3A_345 : memref<1x400x24xi32, #tpu.memory_space<vmem>> -> memref<400x24xi32, #tpu.memory_space<vmem>>
        %gather3A_347 = tpu.vector_load_idx %gather3A_346[%add3A_307, %broadcast_in_dim3A_342] : memref<400x24xi32, #tpu.memory_space<vmem>>[vector<16xi32>, vector<16xi32>], vector<16xi32>,
        %bitcast_convert_type3A_348 = tpu.bitcast %gather3A_347 : vector<16xi32> -> vector<16xf32>
        %slice3A_349 = vector.extract_strided_slice %bitcast_convert_type3A_330 {offsets = [9], sizes = [1], strides = [1]} : vector<16xf32> to vector<1xf32>
        %squeeze3A_350 = vector.extract %slice3A_349[0] : f32 from vector<1xf32>
        %sub3A_351 = vector.broadcast %squeeze3A_350 : f32 to vector<16xf32>
        %sub3A_352 = arith.subf %bitcast_convert_type3A_348, %sub3A_351 : vector<16xf32>
        %mul3A_353 = arith.mulf %sub3A_352, %sub3A_352 : vector<16xf32>
        %add3A_354 = arith.addf %mul3A_340, %mul3A_353 : vector<16xf32>
        %broadcast_in_dim3A_355 = arith.constant 18 : i32
        %broadcast_in_dim3A_356 = vector.broadcast %broadcast_in_dim3A_355 : i32 to vector<16xi32>
        %gather3A_357 = arith.constant 0 : i32
        %gather3A_358 = arith.constant 0 : i32
        %gather3A_359 = tpu.memref_slice %arg6[%scan3A_216, %gather3A_357, %gather3A_358] : memref<4x400x24xi32, #tpu.memory_space<vmem>> -> memref<1x400x24xi32, #tpu.memory_space<vmem>>
        %gather3A_360 = tpu.memref_squeeze %gather3A_359 : memref<1x400x24xi32, #tpu.memory_space<vmem>> -> memref<400x24xi32, #tpu.memory_space<vmem>>
        %gather3A_361 = tpu.vector_load_idx %gather3A_360[%add3A_307, %broadcast_in_dim3A_356] : memref<400x24xi32, #tpu.memory_space<vmem>>[vector<16xi32>, vector<16xi32>], vector<16xi32>,
        %bitcast_convert_type3A_362 = tpu.bitcast %gather3A_361 : vector<16xi32> -> vector<16xf32>
        %slice3A_363 = vector.extract_strided_slice %bitcast_convert_type3A_330 {offsets = [10], sizes = [1], strides = [1]} : vector<16xf32> to vector<1xf32>
        %squeeze3A_364 = vector.extract %slice3A_363[0] : f32 from vector<1xf32>
        %sub3A_365 = vector.broadcast %squeeze3A_364 : f32 to vector<16xf32>
        %sub3A_366 = arith.subf %bitcast_convert_type3A_362, %sub3A_365 : vector<16xf32>
        %mul3A_367 = arith.mulf %sub3A_366, %sub3A_366 : vector<16xf32>
        %add3A_368 = arith.addf %add3A_354, %mul3A_367 : vector<16xf32>
        %max3A = arith.constant 9.99999993E-9 : f32
        %max3A_369 = vector.broadcast %max3A : f32 to vector<16xf32>
        %max3A_370 = arith.maximumf %add3A_368, %max3A_369 : vector<16xf32>
        %bitcast_convert_type3A_371 = tpu.bitcast %max3A_370 : vector<16xf32> -> vector<16xi32>
        %shift_right_arithmetic3A_372 = arith.constant 1 : i32
        %shift_right_arithmetic3A_373 = vector.broadcast %shift_right_arithmetic3A_372 : i32 to vector<16xi32>
        %shift_right_arithmetic3A_374 = arith.shrsi %bitcast_convert_type3A_371, %shift_right_arithmetic3A_373 : vector<16xi32>
        %sub3A_375 = arith.constant 1597463007 : i32
        %sub3A_376 = vector.broadcast %sub3A_375 : i32 to vector<16xi32>
        %sub3A_377 = arith.subi %sub3A_376, %shift_right_arithmetic3A_374 : vector<16xi32>
        %bitcast_convert_type3A_378 = tpu.bitcast %sub3A_377 : vector<16xi32> -> vector<16xf32>
        %mul3A_379 = arith.constant 5.000000e-01 : f32
        %mul3A_380 = vector.broadcast %mul3A_379 : f32 to vector<16xf32>
        %mul3A_381 = arith.mulf %mul3A_380, %max3A_370 : vector<16xf32>
        %mul3A_382 = arith.mulf %mul3A_381, %bitcast_convert_type3A_378 : vector<16xf32>
        %mul3A_383 = arith.mulf %mul3A_382, %bitcast_convert_type3A_378 : vector<16xf32>
        %sub3A_384 = arith.constant 1.500000e+00 : f32
        %sub3A_385 = vector.broadcast %sub3A_384 : f32 to vector<16xf32>
        %sub3A_386 = arith.subf %sub3A_385, %mul3A_383 : vector<16xf32>
        %mul3A_387 = arith.mulf %bitcast_convert_type3A_378, %sub3A_386 : vector<16xf32>
        %mul3A_388 = arith.constant 5.000000e-01 : f32
        %mul3A_389 = vector.broadcast %mul3A_388 : f32 to vector<16xf32>
        %mul3A_390 = arith.mulf %mul3A_389, %max3A_370 : vector<16xf32>
        %mul3A_391 = arith.mulf %mul3A_390, %mul3A_387 : vector<16xf32>
        %mul3A_392 = arith.mulf %mul3A_391, %mul3A_387 : vector<16xf32>
        %sub3A_393 = arith.constant 1.500000e+00 : f32
        %sub3A_394 = vector.broadcast %sub3A_393 : f32 to vector<16xf32>
        %sub3A_395 = arith.subf %sub3A_394, %mul3A_392 : vector<16xf32>
        %mul3A_396 = arith.mulf %mul3A_387, %sub3A_395 : vector<16xf32>
        %mul3A_397 = arith.constant 5.000000e-01 : f32
        %mul3A_398 = vector.broadcast %mul3A_397 : f32 to vector<16xf32>
        %mul3A_399 = arith.mulf %mul3A_398, %max3A_370 : vector<16xf32>
        %mul3A_400 = arith.mulf %mul3A_399, %mul3A_396 : vector<16xf32>
        %mul3A_401 = arith.mulf %mul3A_400, %mul3A_396 : vector<16xf32>
        %sub3A_402 = arith.constant 1.500000e+00 : f32
        %sub3A_403 = vector.broadcast %sub3A_402 : f32 to vector<16xf32>
        %sub3A_404 = arith.subf %sub3A_403, %mul3A_401 : vector<16xf32>
        %mul3A_405 = arith.mulf %mul3A_396, %sub3A_404 : vector<16xf32>
        %add3A_406 = arith.addi %add3A_214, %scan3A_298 : i32
        %lt3A_407 = arith.constant 50000 : i32
        %lt3A_408 = arith.cmpi slt, %add3A_406, %lt3A_407 : i32
        %jit3A = arith.constant 1.000000e+00 : f32
        %jit3A_409 = arith.constant 0.000000e+00 : f32
        %select_n3A_410 = arith.select %lt3A_408, %jit3A, %jit3A_409 : f32
        %mul3A_411 = vector.broadcast %select_n3A_410 : f32 to vector<16xf32>
        %mul3A_412 = arith.mulf %mul3A_405, %mul3A_411 : vector<16xf32>
        %broadcast_in_dim3A_413 = arith.constant 0 : i32
        %broadcast_in_dim3A_414 = vector.broadcast %broadcast_in_dim3A_413 : i32 to vector<16xi32>
        %gather3A_415 = arith.constant 0 : i32
        %gather3A_416 = arith.constant 0 : i32
        %gather3A_417 = tpu.memref_slice %arg6[%scan3A_216, %gather3A_415, %gather3A_416] : memref<4x400x24xi32, #tpu.memory_space<vmem>> -> memref<1x400x24xi32, #tpu.memory_space<vmem>>
        %gather3A_418 = tpu.memref_squeeze %gather3A_417 : memref<1x400x24xi32, #tpu.memory_space<vmem>> -> memref<400x24xi32, #tpu.memory_space<vmem>>
        %gather3A_419 = tpu.vector_load_idx %gather3A_418[%add3A_307, %broadcast_in_dim3A_414] : memref<400x24xi32, #tpu.memory_space<vmem>>[vector<16xi32>, vector<16xi32>], vector<16xi32>,
        %shift_left3A_420 = arith.constant 16 : i32
        %shift_left3A_421 = vector.broadcast %shift_left3A_420 : i32 to vector<16xi32>
        %shift_left3A_422 = arith.shli %gather3A_419, %shift_left3A_421 : vector<16xi32>
        %bitcast_convert_type3A_423 = tpu.bitcast %shift_left3A_422 : vector<16xi32> -> vector<16xf32>
        %and3A_424 = arith.constant -65536 : i32
        %and3A_425 = vector.broadcast %and3A_424 : i32 to vector<16xi32>
        %and3A_426 = arith.andi %gather3A_419, %and3A_425 : vector<16xi32>
        %bitcast_convert_type3A_427 = tpu.bitcast %and3A_426 : vector<16xi32> -> vector<16xf32>
        %slice3A_428 = vector.extract_strided_slice %bitcast_convert_type3A {offsets = [0], sizes = [1], strides = [1]} : vector<16xf32> to vector<1xf32>
        %squeeze3A_429 = vector.extract %slice3A_428[0] : f32 from vector<1xf32>
        %sub3A_430 = vector.broadcast %squeeze3A_429 : f32 to vector<16xf32>
        %sub3A_431 = arith.subf %bitcast_convert_type3A_423, %sub3A_430 : vector<16xf32>
        %abs3A = math.absf %sub3A_431 : vector<16xf32>
        %slice3A_432 = vector.extract_strided_slice %bitcast_convert_type3A_320 {offsets = [0], sizes = [1], strides = [1]} : vector<16xf32> to vector<1xf32>
        %squeeze3A_433 = vector.extract %slice3A_432[0] : f32 from vector<1xf32>
        %sub3A_434 = vector.broadcast %squeeze3A_433 : f32 to vector<16xf32>
        %sub3A_435 = arith.subf %bitcast_convert_type3A_427, %sub3A_434 : vector<16xf32>
        %abs3A_436 = math.absf %sub3A_435 : vector<16xf32>
        %broadcast_in_dim3A_437 = arith.constant 1 : i32
        %broadcast_in_dim3A_438 = vector.broadcast %broadcast_in_dim3A_437 : i32 to vector<16xi32>
        %gather3A_439 = arith.constant 0 : i32
        %gather3A_440 = arith.constant 0 : i32
        %gather3A_441 = tpu.memref_slice %arg6[%scan3A_216, %gather3A_439, %gather3A_440] : memref<4x400x24xi32, #tpu.memory_space<vmem>> -> memref<1x400x24xi32, #tpu.memory_space<vmem>>
        %gather3A_442 = tpu.memref_squeeze %gather3A_441 : memref<1x400x24xi32, #tpu.memory_space<vmem>> -> memref<400x24xi32, #tpu.memory_space<vmem>>
        %gather3A_443 = tpu.vector_load_idx %gather3A_442[%add3A_307, %broadcast_in_dim3A_438] : memref<400x24xi32, #tpu.memory_space<vmem>>[vector<16xi32>, vector<16xi32>], vector<16xi32>,
        %shift_left3A_444 = arith.constant 16 : i32
        %shift_left3A_445 = vector.broadcast %shift_left3A_444 : i32 to vector<16xi32>
        %shift_left3A_446 = arith.shli %gather3A_443, %shift_left3A_445 : vector<16xi32>
        %bitcast_convert_type3A_447 = tpu.bitcast %shift_left3A_446 : vector<16xi32> -> vector<16xf32>
        %and3A_448 = arith.constant -65536 : i32
        %and3A_449 = vector.broadcast %and3A_448 : i32 to vector<16xi32>
        %and3A_450 = arith.andi %gather3A_443, %and3A_449 : vector<16xi32>
        %bitcast_convert_type3A_451 = tpu.bitcast %and3A_450 : vector<16xi32> -> vector<16xf32>
        %slice3A_452 = vector.extract_strided_slice %bitcast_convert_type3A {offsets = [1], sizes = [1], strides = [1]} : vector<16xf32> to vector<1xf32>
        %squeeze3A_453 = vector.extract %slice3A_452[0] : f32 from vector<1xf32>
        %sub3A_454 = vector.broadcast %squeeze3A_453 : f32 to vector<16xf32>
        %sub3A_455 = arith.subf %bitcast_convert_type3A_447, %sub3A_454 : vector<16xf32>
        %abs3A_456 = math.absf %sub3A_455 : vector<16xf32>
        %slice3A_457 = vector.extract_strided_slice %bitcast_convert_type3A_320 {offsets = [1], sizes = [1], strides = [1]} : vector<16xf32> to vector<1xf32>
        %squeeze3A_458 = vector.extract %slice3A_457[0] : f32 from vector<1xf32>
        %sub3A_459 = vector.broadcast %squeeze3A_458 : f32 to vector<16xf32>
        %sub3A_460 = arith.subf %bitcast_convert_type3A_451, %sub3A_459 : vector<16xf32>
        %abs3A_461 = math.absf %sub3A_460 : vector<16xf32>
        %add3A_462 = arith.addf %abs3A, %abs3A_456 : vector<16xf32>
        %add3A_463 = arith.addf %abs3A_436, %abs3A_461 : vector<16xf32>
        %broadcast_in_dim3A_464 = arith.constant 2 : i32
        %broadcast_in_dim3A_465 = vector.broadcast %broadcast_in_dim3A_464 : i32 to vector<16xi32>
        %gather3A_466 = arith.constant 0 : i32
        %gather3A_467 = arith.constant 0 : i32
        %gather3A_468 = tpu.memref_slice %arg6[%scan3A_216, %gather3A_466, %gather3A_467] : memref<4x400x24xi32, #tpu.memory_space<vmem>> -> memref<1x400x24xi32, #tpu.memory_space<vmem>>
        %gather3A_469 = tpu.memref_squeeze %gather3A_468 : memref<1x400x24xi32, #tpu.memory_space<vmem>> -> memref<400x24xi32, #tpu.memory_space<vmem>>
        %gather3A_470 = tpu.vector_load_idx %gather3A_469[%add3A_307, %broadcast_in_dim3A_465] : memref<400x24xi32, #tpu.memory_space<vmem>>[vector<16xi32>, vector<16xi32>], vector<16xi32>,
        %shift_left3A_471 = arith.constant 16 : i32
        %shift_left3A_472 = vector.broadcast %shift_left3A_471 : i32 to vector<16xi32>
        %shift_left3A_473 = arith.shli %gather3A_470, %shift_left3A_472 : vector<16xi32>
        %bitcast_convert_type3A_474 = tpu.bitcast %shift_left3A_473 : vector<16xi32> -> vector<16xf32>
        %and3A_475 = arith.constant -65536 : i32
        %and3A_476 = vector.broadcast %and3A_475 : i32 to vector<16xi32>
        %and3A_477 = arith.andi %gather3A_470, %and3A_476 : vector<16xi32>
        %bitcast_convert_type3A_478 = tpu.bitcast %and3A_477 : vector<16xi32> -> vector<16xf32>
        %slice3A_479 = vector.extract_strided_slice %bitcast_convert_type3A {offsets = [2], sizes = [1], strides = [1]} : vector<16xf32> to vector<1xf32>
        %squeeze3A_480 = vector.extract %slice3A_479[0] : f32 from vector<1xf32>
        %sub3A_481 = vector.broadcast %squeeze3A_480 : f32 to vector<16xf32>
        %sub3A_482 = arith.subf %bitcast_convert_type3A_474, %sub3A_481 : vector<16xf32>
        %abs3A_483 = math.absf %sub3A_482 : vector<16xf32>
        %slice3A_484 = vector.extract_strided_slice %bitcast_convert_type3A_320 {offsets = [2], sizes = [1], strides = [1]} : vector<16xf32> to vector<1xf32>
        %squeeze3A_485 = vector.extract %slice3A_484[0] : f32 from vector<1xf32>
        %sub3A_486 = vector.broadcast %squeeze3A_485 : f32 to vector<16xf32>
        %sub3A_487 = arith.subf %bitcast_convert_type3A_478, %sub3A_486 : vector<16xf32>
        %abs3A_488 = math.absf %sub3A_487 : vector<16xf32>
        %add3A_489 = arith.addf %add3A_462, %abs3A_483 : vector<16xf32>
        %add3A_490 = arith.addf %add3A_463, %abs3A_488 : vector<16xf32>
        %broadcast_in_dim3A_491 = arith.constant 3 : i32
        %broadcast_in_dim3A_492 = vector.broadcast %broadcast_in_dim3A_491 : i32 to vector<16xi32>
        %gather3A_493 = arith.constant 0 : i32
        %gather3A_494 = arith.constant 0 : i32
        %gather3A_495 = tpu.memref_slice %arg6[%scan3A_216, %gather3A_493, %gather3A_494] : memref<4x400x24xi32, #tpu.memory_space<vmem>> -> memref<1x400x24xi32, #tpu.memory_space<vmem>>
        %gather3A_496 = tpu.memref_squeeze %gather3A_495 : memref<1x400x24xi32, #tpu.memory_space<vmem>> -> memref<400x24xi32, #tpu.memory_space<vmem>>
        %gather3A_497 = tpu.vector_load_idx %gather3A_496[%add3A_307, %broadcast_in_dim3A_492] : memref<400x24xi32, #tpu.memory_space<vmem>>[vector<16xi32>, vector<16xi32>], vector<16xi32>,
        %shift_left3A_498 = arith.constant 16 : i32
        %shift_left3A_499 = vector.broadcast %shift_left3A_498 : i32 to vector<16xi32>
        %shift_left3A_500 = arith.shli %gather3A_497, %shift_left3A_499 : vector<16xi32>
        %bitcast_convert_type3A_501 = tpu.bitcast %shift_left3A_500 : vector<16xi32> -> vector<16xf32>
        %and3A_502 = arith.constant -65536 : i32
        %and3A_503 = vector.broadcast %and3A_502 : i32 to vector<16xi32>
        %and3A_504 = arith.andi %gather3A_497, %and3A_503 : vector<16xi32>
        %bitcast_convert_type3A_505 = tpu.bitcast %and3A_504 : vector<16xi32> -> vector<16xf32>
        %slice3A_506 = vector.extract_strided_slice %bitcast_convert_type3A {offsets = [3], sizes = [1], strides = [1]} : vector<16xf32> to vector<1xf32>
        %squeeze3A_507 = vector.extract %slice3A_506[0] : f32 from vector<1xf32>
        %sub3A_508 = vector.broadcast %squeeze3A_507 : f32 to vector<16xf32>
        %sub3A_509 = arith.subf %bitcast_convert_type3A_501, %sub3A_508 : vector<16xf32>
        %abs3A_510 = math.absf %sub3A_509 : vector<16xf32>
        %slice3A_511 = vector.extract_strided_slice %bitcast_convert_type3A_320 {offsets = [3], sizes = [1], strides = [1]} : vector<16xf32> to vector<1xf32>
        %squeeze3A_512 = vector.extract %slice3A_511[0] : f32 from vector<1xf32>
        %sub3A_513 = vector.broadcast %squeeze3A_512 : f32 to vector<16xf32>
        %sub3A_514 = arith.subf %bitcast_convert_type3A_505, %sub3A_513 : vector<16xf32>
        %abs3A_515 = math.absf %sub3A_514 : vector<16xf32>
        %add3A_516 = arith.addf %add3A_489, %abs3A_510 : vector<16xf32>
        %add3A_517 = arith.addf %add3A_490, %abs3A_515 : vector<16xf32>
        %broadcast_in_dim3A_518 = arith.constant 4 : i32
        %broadcast_in_dim3A_519 = vector.broadcast %broadcast_in_dim3A_518 : i32 to vector<16xi32>
        %gather3A_520 = arith.constant 0 : i32
        %gather3A_521 = arith.constant 0 : i32
        %gather3A_522 = tpu.memref_slice %arg6[%scan3A_216, %gather3A_520, %gather3A_521] : memref<4x400x24xi32, #tpu.memory_space<vmem>> -> memref<1x400x24xi32, #tpu.memory_space<vmem>>
        %gather3A_523 = tpu.memref_squeeze %gather3A_522 : memref<1x400x24xi32, #tpu.memory_space<vmem>> -> memref<400x24xi32, #tpu.memory_space<vmem>>
        %gather3A_524 = tpu.vector_load_idx %gather3A_523[%add3A_307, %broadcast_in_dim3A_519] : memref<400x24xi32, #tpu.memory_space<vmem>>[vector<16xi32>, vector<16xi32>], vector<16xi32>,
        %shift_left3A_525 = arith.constant 16 : i32
        %shift_left3A_526 = vector.broadcast %shift_left3A_525 : i32 to vector<16xi32>
        %shift_left3A_527 = arith.shli %gather3A_524, %shift_left3A_526 : vector<16xi32>
        %bitcast_convert_type3A_528 = tpu.bitcast %shift_left3A_527 : vector<16xi32> -> vector<16xf32>
        %and3A_529 = arith.constant -65536 : i32
        %and3A_530 = vector.broadcast %and3A_529 : i32 to vector<16xi32>
        %and3A_531 = arith.andi %gather3A_524, %and3A_530 : vector<16xi32>
        %bitcast_convert_type3A_532 = tpu.bitcast %and3A_531 : vector<16xi32> -> vector<16xf32>
        %slice3A_533 = vector.extract_strided_slice %bitcast_convert_type3A {offsets = [4], sizes = [1], strides = [1]} : vector<16xf32> to vector<1xf32>
        %squeeze3A_534 = vector.extract %slice3A_533[0] : f32 from vector<1xf32>
        %sub3A_535 = vector.broadcast %squeeze3A_534 : f32 to vector<16xf32>
        %sub3A_536 = arith.subf %bitcast_convert_type3A_528, %sub3A_535 : vector<16xf32>
        %abs3A_537 = math.absf %sub3A_536 : vector<16xf32>
        %slice3A_538 = vector.extract_strided_slice %bitcast_convert_type3A_320 {offsets = [4], sizes = [1], strides = [1]} : vector<16xf32> to vector<1xf32>
        %squeeze3A_539 = vector.extract %slice3A_538[0] : f32 from vector<1xf32>
        %sub3A_540 = vector.broadcast %squeeze3A_539 : f32 to vector<16xf32>
        %sub3A_541 = arith.subf %bitcast_convert_type3A_532, %sub3A_540 : vector<16xf32>
        %abs3A_542 = math.absf %sub3A_541 : vector<16xf32>
        %add3A_543 = arith.addf %add3A_516, %abs3A_537 : vector<16xf32>
        %add3A_544 = arith.addf %add3A_517, %abs3A_542 : vector<16xf32>
        %broadcast_in_dim3A_545 = arith.constant 5 : i32
        %broadcast_in_dim3A_546 = vector.broadcast %broadcast_in_dim3A_545 : i32 to vector<16xi32>
        %gather3A_547 = arith.constant 0 : i32
        %gather3A_548 = arith.constant 0 : i32
        %gather3A_549 = tpu.memref_slice %arg6[%scan3A_216, %gather3A_547, %gather3A_548] : memref<4x400x24xi32, #tpu.memory_space<vmem>> -> memref<1x400x24xi32, #tpu.memory_space<vmem>>
        %gather3A_550 = tpu.memref_squeeze %gather3A_549 : memref<1x400x24xi32, #tpu.memory_space<vmem>> -> memref<400x24xi32, #tpu.memory_space<vmem>>
        %gather3A_551 = tpu.vector_load_idx %gather3A_550[%add3A_307, %broadcast_in_dim3A_546] : memref<400x24xi32, #tpu.memory_space<vmem>>[vector<16xi32>, vector<16xi32>], vector<16xi32>,
        %shift_left3A_552 = arith.constant 16 : i32
        %shift_left3A_553 = vector.broadcast %shift_left3A_552 : i32 to vector<16xi32>
        %shift_left3A_554 = arith.shli %gather3A_551, %shift_left3A_553 : vector<16xi32>
        %bitcast_convert_type3A_555 = tpu.bitcast %shift_left3A_554 : vector<16xi32> -> vector<16xf32>
        %and3A_556 = arith.constant -65536 : i32
        %and3A_557 = vector.broadcast %and3A_556 : i32 to vector<16xi32>
        %and3A_558 = arith.andi %gather3A_551, %and3A_557 : vector<16xi32>
        %bitcast_convert_type3A_559 = tpu.bitcast %and3A_558 : vector<16xi32> -> vector<16xf32>
        %slice3A_560 = vector.extract_strided_slice %bitcast_convert_type3A {offsets = [5], sizes = [1], strides = [1]} : vector<16xf32> to vector<1xf32>
        %squeeze3A_561 = vector.extract %slice3A_560[0] : f32 from vector<1xf32>
        %sub3A_562 = vector.broadcast %squeeze3A_561 : f32 to vector<16xf32>
        %sub3A_563 = arith.subf %bitcast_convert_type3A_555, %sub3A_562 : vector<16xf32>
        %abs3A_564 = math.absf %sub3A_563 : vector<16xf32>
        %slice3A_565 = vector.extract_strided_slice %bitcast_convert_type3A_320 {offsets = [5], sizes = [1], strides = [1]} : vector<16xf32> to vector<1xf32>
        %squeeze3A_566 = vector.extract %slice3A_565[0] : f32 from vector<1xf32>
        %sub3A_567 = vector.broadcast %squeeze3A_566 : f32 to vector<16xf32>
        %sub3A_568 = arith.subf %bitcast_convert_type3A_559, %sub3A_567 : vector<16xf32>
        %abs3A_569 = math.absf %sub3A_568 : vector<16xf32>
        %add3A_570 = arith.addf %add3A_543, %abs3A_564 : vector<16xf32>
        %add3A_571 = arith.addf %add3A_544, %abs3A_569 : vector<16xf32>
        %broadcast_in_dim3A_572 = arith.constant 6 : i32
        %broadcast_in_dim3A_573 = vector.broadcast %broadcast_in_dim3A_572 : i32 to vector<16xi32>
        %gather3A_574 = arith.constant 0 : i32
        %gather3A_575 = arith.constant 0 : i32
        %gather3A_576 = tpu.memref_slice %arg6[%scan3A_216, %gather3A_574, %gather3A_575] : memref<4x400x24xi32, #tpu.memory_space<vmem>> -> memref<1x400x24xi32, #tpu.memory_space<vmem>>
        %gather3A_577 = tpu.memref_squeeze %gather3A_576 : memref<1x400x24xi32, #tpu.memory_space<vmem>> -> memref<400x24xi32, #tpu.memory_space<vmem>>
        %gather3A_578 = tpu.vector_load_idx %gather3A_577[%add3A_307, %broadcast_in_dim3A_573] : memref<400x24xi32, #tpu.memory_space<vmem>>[vector<16xi32>, vector<16xi32>], vector<16xi32>,
        %shift_left3A_579 = arith.constant 16 : i32
        %shift_left3A_580 = vector.broadcast %shift_left3A_579 : i32 to vector<16xi32>
        %shift_left3A_581 = arith.shli %gather3A_578, %shift_left3A_580 : vector<16xi32>
        %bitcast_convert_type3A_582 = tpu.bitcast %shift_left3A_581 : vector<16xi32> -> vector<16xf32>
        %and3A_583 = arith.constant -65536 : i32
        %and3A_584 = vector.broadcast %and3A_583 : i32 to vector<16xi32>
        %and3A_585 = arith.andi %gather3A_578, %and3A_584 : vector<16xi32>
        %bitcast_convert_type3A_586 = tpu.bitcast %and3A_585 : vector<16xi32> -> vector<16xf32>
        %slice3A_587 = vector.extract_strided_slice %bitcast_convert_type3A {offsets = [6], sizes = [1], strides = [1]} : vector<16xf32> to vector<1xf32>
        %squeeze3A_588 = vector.extract %slice3A_587[0] : f32 from vector<1xf32>
        %sub3A_589 = vector.broadcast %squeeze3A_588 : f32 to vector<16xf32>
        %sub3A_590 = arith.subf %bitcast_convert_type3A_582, %sub3A_589 : vector<16xf32>
        %abs3A_591 = math.absf %sub3A_590 : vector<16xf32>
        %slice3A_592 = vector.extract_strided_slice %bitcast_convert_type3A_320 {offsets = [6], sizes = [1], strides = [1]} : vector<16xf32> to vector<1xf32>
        %squeeze3A_593 = vector.extract %slice3A_592[0] : f32 from vector<1xf32>
        %sub3A_594 = vector.broadcast %squeeze3A_593 : f32 to vector<16xf32>
        %sub3A_595 = arith.subf %bitcast_convert_type3A_586, %sub3A_594 : vector<16xf32>
        %abs3A_596 = math.absf %sub3A_595 : vector<16xf32>
        %add3A_597 = arith.addf %add3A_570, %abs3A_591 : vector<16xf32>
        %add3A_598 = arith.addf %add3A_571, %abs3A_596 : vector<16xf32>
        %broadcast_in_dim3A_599 = arith.constant 7 : i32
        %broadcast_in_dim3A_600 = vector.broadcast %broadcast_in_dim3A_599 : i32 to vector<16xi32>
        %gather3A_601 = arith.constant 0 : i32
        %gather3A_602 = arith.constant 0 : i32
        %gather3A_603 = tpu.memref_slice %arg6[%scan3A_216, %gather3A_601, %gather3A_602] : memref<4x400x24xi32, #tpu.memory_space<vmem>> -> memref<1x400x24xi32, #tpu.memory_space<vmem>>
        %gather3A_604 = tpu.memref_squeeze %gather3A_603 : memref<1x400x24xi32, #tpu.memory_space<vmem>> -> memref<400x24xi32, #tpu.memory_space<vmem>>
        %gather3A_605 = tpu.vector_load_idx %gather3A_604[%add3A_307, %broadcast_in_dim3A_600] : memref<400x24xi32, #tpu.memory_space<vmem>>[vector<16xi32>, vector<16xi32>], vector<16xi32>,
        %shift_left3A_606 = arith.constant 16 : i32
        %shift_left3A_607 = vector.broadcast %shift_left3A_606 : i32 to vector<16xi32>
        %shift_left3A_608 = arith.shli %gather3A_605, %shift_left3A_607 : vector<16xi32>
        %bitcast_convert_type3A_609 = tpu.bitcast %shift_left3A_608 : vector<16xi32> -> vector<16xf32>
        %and3A_610 = arith.constant -65536 : i32
        %and3A_611 = vector.broadcast %and3A_610 : i32 to vector<16xi32>
        %and3A_612 = arith.andi %gather3A_605, %and3A_611 : vector<16xi32>
        %bitcast_convert_type3A_613 = tpu.bitcast %and3A_612 : vector<16xi32> -> vector<16xf32>
        %slice3A_614 = vector.extract_strided_slice %bitcast_convert_type3A {offsets = [7], sizes = [1], strides = [1]} : vector<16xf32> to vector<1xf32>
        %squeeze3A_615 = vector.extract %slice3A_614[0] : f32 from vector<1xf32>
        %sub3A_616 = vector.broadcast %squeeze3A_615 : f32 to vector<16xf32>
        %sub3A_617 = arith.subf %bitcast_convert_type3A_609, %sub3A_616 : vector<16xf32>
        %abs3A_618 = math.absf %sub3A_617 : vector<16xf32>
        %slice3A_619 = vector.extract_strided_slice %bitcast_convert_type3A_320 {offsets = [7], sizes = [1], strides = [1]} : vector<16xf32> to vector<1xf32>
        %squeeze3A_620 = vector.extract %slice3A_619[0] : f32 from vector<1xf32>
        %sub3A_621 = vector.broadcast %squeeze3A_620 : f32 to vector<16xf32>
        %sub3A_622 = arith.subf %bitcast_convert_type3A_613, %sub3A_621 : vector<16xf32>
        %abs3A_623 = math.absf %sub3A_622 : vector<16xf32>
        %add3A_624 = arith.addf %add3A_597, %abs3A_618 : vector<16xf32>
        %add3A_625 = arith.addf %add3A_598, %abs3A_623 : vector<16xf32>
        %broadcast_in_dim3A_626 = arith.constant 8 : i32
        %broadcast_in_dim3A_627 = vector.broadcast %broadcast_in_dim3A_626 : i32 to vector<16xi32>
        %gather3A_628 = arith.constant 0 : i32
        %gather3A_629 = arith.constant 0 : i32
        %gather3A_630 = tpu.memref_slice %arg6[%scan3A_216, %gather3A_628, %gather3A_629] : memref<4x400x24xi32, #tpu.memory_space<vmem>> -> memref<1x400x24xi32, #tpu.memory_space<vmem>>
        %gather3A_631 = tpu.memref_squeeze %gather3A_630 : memref<1x400x24xi32, #tpu.memory_space<vmem>> -> memref<400x24xi32, #tpu.memory_space<vmem>>
        %gather3A_632 = tpu.vector_load_idx %gather3A_631[%add3A_307, %broadcast_in_dim3A_627] : memref<400x24xi32, #tpu.memory_space<vmem>>[vector<16xi32>, vector<16xi32>], vector<16xi32>,
        %shift_left3A_633 = arith.constant 16 : i32
        %shift_left3A_634 = vector.broadcast %shift_left3A_633 : i32 to vector<16xi32>
        %shift_left3A_635 = arith.shli %gather3A_632, %shift_left3A_634 : vector<16xi32>
        %bitcast_convert_type3A_636 = tpu.bitcast %shift_left3A_635 : vector<16xi32> -> vector<16xf32>
        %and3A_637 = arith.constant -65536 : i32
        %and3A_638 = vector.broadcast %and3A_637 : i32 to vector<16xi32>
        %and3A_639 = arith.andi %gather3A_632, %and3A_638 : vector<16xi32>
        %bitcast_convert_type3A_640 = tpu.bitcast %and3A_639 : vector<16xi32> -> vector<16xf32>
        %slice3A_641 = vector.extract_strided_slice %bitcast_convert_type3A {offsets = [8], sizes = [1], strides = [1]} : vector<16xf32> to vector<1xf32>
        %squeeze3A_642 = vector.extract %slice3A_641[0] : f32 from vector<1xf32>
        %sub3A_643 = vector.broadcast %squeeze3A_642 : f32 to vector<16xf32>
        %sub3A_644 = arith.subf %bitcast_convert_type3A_636, %sub3A_643 : vector<16xf32>
        %abs3A_645 = math.absf %sub3A_644 : vector<16xf32>
        %slice3A_646 = vector.extract_strided_slice %bitcast_convert_type3A_320 {offsets = [8], sizes = [1], strides = [1]} : vector<16xf32> to vector<1xf32>
        %squeeze3A_647 = vector.extract %slice3A_646[0] : f32 from vector<1xf32>
        %sub3A_648 = vector.broadcast %squeeze3A_647 : f32 to vector<16xf32>
        %sub3A_649 = arith.subf %bitcast_convert_type3A_640, %sub3A_648 : vector<16xf32>
        %abs3A_650 = math.absf %sub3A_649 : vector<16xf32>
        %add3A_651 = arith.addf %add3A_624, %abs3A_645 : vector<16xf32>
        %add3A_652 = arith.addf %add3A_625, %abs3A_650 : vector<16xf32>
        %broadcast_in_dim3A_653 = arith.constant 9 : i32
        %broadcast_in_dim3A_654 = vector.broadcast %broadcast_in_dim3A_653 : i32 to vector<16xi32>
        %gather3A_655 = arith.constant 0 : i32
        %gather3A_656 = arith.constant 0 : i32
        %gather3A_657 = tpu.memref_slice %arg6[%scan3A_216, %gather3A_655, %gather3A_656] : memref<4x400x24xi32, #tpu.memory_space<vmem>> -> memref<1x400x24xi32, #tpu.memory_space<vmem>>
        %gather3A_658 = tpu.memref_squeeze %gather3A_657 : memref<1x400x24xi32, #tpu.memory_space<vmem>> -> memref<400x24xi32, #tpu.memory_space<vmem>>
        %gather3A_659 = tpu.vector_load_idx %gather3A_658[%add3A_307, %broadcast_in_dim3A_654] : memref<400x24xi32, #tpu.memory_space<vmem>>[vector<16xi32>, vector<16xi32>], vector<16xi32>,
        %shift_left3A_660 = arith.constant 16 : i32
        %shift_left3A_661 = vector.broadcast %shift_left3A_660 : i32 to vector<16xi32>
        %shift_left3A_662 = arith.shli %gather3A_659, %shift_left3A_661 : vector<16xi32>
        %bitcast_convert_type3A_663 = tpu.bitcast %shift_left3A_662 : vector<16xi32> -> vector<16xf32>
        %and3A_664 = arith.constant -65536 : i32
        %and3A_665 = vector.broadcast %and3A_664 : i32 to vector<16xi32>
        %and3A_666 = arith.andi %gather3A_659, %and3A_665 : vector<16xi32>
        %bitcast_convert_type3A_667 = tpu.bitcast %and3A_666 : vector<16xi32> -> vector<16xf32>
        %slice3A_668 = vector.extract_strided_slice %bitcast_convert_type3A {offsets = [9], sizes = [1], strides = [1]} : vector<16xf32> to vector<1xf32>
        %squeeze3A_669 = vector.extract %slice3A_668[0] : f32 from vector<1xf32>
        %sub3A_670 = vector.broadcast %squeeze3A_669 : f32 to vector<16xf32>
        %sub3A_671 = arith.subf %bitcast_convert_type3A_663, %sub3A_670 : vector<16xf32>
        %abs3A_672 = math.absf %sub3A_671 : vector<16xf32>
        %slice3A_673 = vector.extract_strided_slice %bitcast_convert_type3A_320 {offsets = [9], sizes = [1], strides = [1]} : vector<16xf32> to vector<1xf32>
        %squeeze3A_674 = vector.extract %slice3A_673[0] : f32 from vector<1xf32>
        %sub3A_675 = vector.broadcast %squeeze3A_674 : f32 to vector<16xf32>
        %sub3A_676 = arith.subf %bitcast_convert_type3A_667, %sub3A_675 : vector<16xf32>
        %abs3A_677 = math.absf %sub3A_676 : vector<16xf32>
        %add3A_678 = arith.addf %add3A_651, %abs3A_672 : vector<16xf32>
        %add3A_679 = arith.addf %add3A_652, %abs3A_677 : vector<16xf32>
        %broadcast_in_dim3A_680 = arith.constant 10 : i32
        %broadcast_in_dim3A_681 = vector.broadcast %broadcast_in_dim3A_680 : i32 to vector<16xi32>
        %gather3A_682 = arith.constant 0 : i32
        %gather3A_683 = arith.constant 0 : i32
        %gather3A_684 = tpu.memref_slice %arg6[%scan3A_216, %gather3A_682, %gather3A_683] : memref<4x400x24xi32, #tpu.memory_space<vmem>> -> memref<1x400x24xi32, #tpu.memory_space<vmem>>
        %gather3A_685 = tpu.memref_squeeze %gather3A_684 : memref<1x400x24xi32, #tpu.memory_space<vmem>> -> memref<400x24xi32, #tpu.memory_space<vmem>>
        %gather3A_686 = tpu.vector_load_idx %gather3A_685[%add3A_307, %broadcast_in_dim3A_681] : memref<400x24xi32, #tpu.memory_space<vmem>>[vector<16xi32>, vector<16xi32>], vector<16xi32>,
        %shift_left3A_687 = arith.constant 16 : i32
        %shift_left3A_688 = vector.broadcast %shift_left3A_687 : i32 to vector<16xi32>
        %shift_left3A_689 = arith.shli %gather3A_686, %shift_left3A_688 : vector<16xi32>
        %bitcast_convert_type3A_690 = tpu.bitcast %shift_left3A_689 : vector<16xi32> -> vector<16xf32>
        %and3A_691 = arith.constant -65536 : i32
        %and3A_692 = vector.broadcast %and3A_691 : i32 to vector<16xi32>
        %and3A_693 = arith.andi %gather3A_686, %and3A_692 : vector<16xi32>
        %bitcast_convert_type3A_694 = tpu.bitcast %and3A_693 : vector<16xi32> -> vector<16xf32>
        %slice3A_695 = vector.extract_strided_slice %bitcast_convert_type3A {offsets = [10], sizes = [1], strides = [1]} : vector<16xf32> to vector<1xf32>
        %squeeze3A_696 = vector.extract %slice3A_695[0] : f32 from vector<1xf32>
        %sub3A_697 = vector.broadcast %squeeze3A_696 : f32 to vector<16xf32>
        %sub3A_698 = arith.subf %bitcast_convert_type3A_690, %sub3A_697 : vector<16xf32>
        %abs3A_699 = math.absf %sub3A_698 : vector<16xf32>
        %slice3A_700 = vector.extract_strided_slice %bitcast_convert_type3A_320 {offsets = [10], sizes = [1], strides = [1]} : vector<16xf32> to vector<1xf32>
        %squeeze3A_701 = vector.extract %slice3A_700[0] : f32 from vector<1xf32>
        %sub3A_702 = vector.broadcast %squeeze3A_701 : f32 to vector<16xf32>
        %sub3A_703 = arith.subf %bitcast_convert_type3A_694, %sub3A_702 : vector<16xf32>
        %abs3A_704 = math.absf %sub3A_703 : vector<16xf32>
        %add3A_705 = arith.addf %add3A_678, %abs3A_699 : vector<16xf32>
        %add3A_706 = arith.addf %add3A_679, %abs3A_704 : vector<16xf32>
        %broadcast_in_dim3A_707 = arith.constant 11 : i32
        %broadcast_in_dim3A_708 = vector.broadcast %broadcast_in_dim3A_707 : i32 to vector<16xi32>
        %gather3A_709 = arith.constant 0 : i32
        %gather3A_710 = arith.constant 0 : i32
        %gather3A_711 = tpu.memref_slice %arg6[%scan3A_216, %gather3A_709, %gather3A_710] : memref<4x400x24xi32, #tpu.memory_space<vmem>> -> memref<1x400x24xi32, #tpu.memory_space<vmem>>
        %gather3A_712 = tpu.memref_squeeze %gather3A_711 : memref<1x400x24xi32, #tpu.memory_space<vmem>> -> memref<400x24xi32, #tpu.memory_space<vmem>>
        %gather3A_713 = tpu.vector_load_idx %gather3A_712[%add3A_307, %broadcast_in_dim3A_708] : memref<400x24xi32, #tpu.memory_space<vmem>>[vector<16xi32>, vector<16xi32>], vector<16xi32>,
        %shift_left3A_714 = arith.constant 16 : i32
        %shift_left3A_715 = vector.broadcast %shift_left3A_714 : i32 to vector<16xi32>
        %shift_left3A_716 = arith.shli %gather3A_713, %shift_left3A_715 : vector<16xi32>
        %bitcast_convert_type3A_717 = tpu.bitcast %shift_left3A_716 : vector<16xi32> -> vector<16xf32>
        %and3A_718 = arith.constant -65536 : i32
        %and3A_719 = vector.broadcast %and3A_718 : i32 to vector<16xi32>
        %and3A_720 = arith.andi %gather3A_713, %and3A_719 : vector<16xi32>
        %bitcast_convert_type3A_721 = tpu.bitcast %and3A_720 : vector<16xi32> -> vector<16xf32>
        %slice3A_722 = vector.extract_strided_slice %bitcast_convert_type3A {offsets = [11], sizes = [1], strides = [1]} : vector<16xf32> to vector<1xf32>
        %squeeze3A_723 = vector.extract %slice3A_722[0] : f32 from vector<1xf32>
        %sub3A_724 = vector.broadcast %squeeze3A_723 : f32 to vector<16xf32>
        %sub3A_725 = arith.subf %bitcast_convert_type3A_717, %sub3A_724 : vector<16xf32>
        %abs3A_726 = math.absf %sub3A_725 : vector<16xf32>
        %slice3A_727 = vector.extract_strided_slice %bitcast_convert_type3A_320 {offsets = [11], sizes = [1], strides = [1]} : vector<16xf32> to vector<1xf32>
        %squeeze3A_728 = vector.extract %slice3A_727[0] : f32 from vector<1xf32>
        %sub3A_729 = vector.broadcast %squeeze3A_728 : f32 to vector<16xf32>
        %sub3A_730 = arith.subf %bitcast_convert_type3A_721, %sub3A_729 : vector<16xf32>
        %abs3A_731 = math.absf %sub3A_730 : vector<16xf32>
        %add3A_732 = arith.addf %add3A_705, %abs3A_726 : vector<16xf32>
        %add3A_733 = arith.addf %add3A_706, %abs3A_731 : vector<16xf32>
        %broadcast_in_dim3A_734 = arith.constant 12 : i32
        %broadcast_in_dim3A_735 = vector.broadcast %broadcast_in_dim3A_734 : i32 to vector<16xi32>
        %gather3A_736 = arith.constant 0 : i32
        %gather3A_737 = arith.constant 0 : i32
        %gather3A_738 = tpu.memref_slice %arg6[%scan3A_216, %gather3A_736, %gather3A_737] : memref<4x400x24xi32, #tpu.memory_space<vmem>> -> memref<1x400x24xi32, #tpu.memory_space<vmem>>
        %gather3A_739 = tpu.memref_squeeze %gather3A_738 : memref<1x400x24xi32, #tpu.memory_space<vmem>> -> memref<400x24xi32, #tpu.memory_space<vmem>>
        %gather3A_740 = tpu.vector_load_idx %gather3A_739[%add3A_307, %broadcast_in_dim3A_735] : memref<400x24xi32, #tpu.memory_space<vmem>>[vector<16xi32>, vector<16xi32>], vector<16xi32>,
        %shift_left3A_741 = arith.constant 16 : i32
        %shift_left3A_742 = vector.broadcast %shift_left3A_741 : i32 to vector<16xi32>
        %shift_left3A_743 = arith.shli %gather3A_740, %shift_left3A_742 : vector<16xi32>
        %bitcast_convert_type3A_744 = tpu.bitcast %shift_left3A_743 : vector<16xi32> -> vector<16xf32>
        %and3A_745 = arith.constant -65536 : i32
        %and3A_746 = vector.broadcast %and3A_745 : i32 to vector<16xi32>
        %and3A_747 = arith.andi %gather3A_740, %and3A_746 : vector<16xi32>
        %bitcast_convert_type3A_748 = tpu.bitcast %and3A_747 : vector<16xi32> -> vector<16xf32>
        %slice3A_749 = vector.extract_strided_slice %bitcast_convert_type3A {offsets = [12], sizes = [1], strides = [1]} : vector<16xf32> to vector<1xf32>
        %squeeze3A_750 = vector.extract %slice3A_749[0] : f32 from vector<1xf32>
        %sub3A_751 = vector.broadcast %squeeze3A_750 : f32 to vector<16xf32>
        %sub3A_752 = arith.subf %bitcast_convert_type3A_744, %sub3A_751 : vector<16xf32>
        %abs3A_753 = math.absf %sub3A_752 : vector<16xf32>
        %slice3A_754 = vector.extract_strided_slice %bitcast_convert_type3A_320 {offsets = [12], sizes = [1], strides = [1]} : vector<16xf32> to vector<1xf32>
        %squeeze3A_755 = vector.extract %slice3A_754[0] : f32 from vector<1xf32>
        %sub3A_756 = vector.broadcast %squeeze3A_755 : f32 to vector<16xf32>
        %sub3A_757 = arith.subf %bitcast_convert_type3A_748, %sub3A_756 : vector<16xf32>
        %abs3A_758 = math.absf %sub3A_757 : vector<16xf32>
        %add3A_759 = arith.addf %add3A_732, %abs3A_753 : vector<16xf32>
        %add3A_760 = arith.addf %add3A_733, %abs3A_758 : vector<16xf32>
        %broadcast_in_dim3A_761 = arith.constant 13 : i32
        %broadcast_in_dim3A_762 = vector.broadcast %broadcast_in_dim3A_761 : i32 to vector<16xi32>
        %gather3A_763 = arith.constant 0 : i32
        %gather3A_764 = arith.constant 0 : i32
        %gather3A_765 = tpu.memref_slice %arg6[%scan3A_216, %gather3A_763, %gather3A_764] : memref<4x400x24xi32, #tpu.memory_space<vmem>> -> memref<1x400x24xi32, #tpu.memory_space<vmem>>
        %gather3A_766 = tpu.memref_squeeze %gather3A_765 : memref<1x400x24xi32, #tpu.memory_space<vmem>> -> memref<400x24xi32, #tpu.memory_space<vmem>>
        %gather3A_767 = tpu.vector_load_idx %gather3A_766[%add3A_307, %broadcast_in_dim3A_762] : memref<400x24xi32, #tpu.memory_space<vmem>>[vector<16xi32>, vector<16xi32>], vector<16xi32>,
        %shift_left3A_768 = arith.constant 16 : i32
        %shift_left3A_769 = vector.broadcast %shift_left3A_768 : i32 to vector<16xi32>
        %shift_left3A_770 = arith.shli %gather3A_767, %shift_left3A_769 : vector<16xi32>
        %bitcast_convert_type3A_771 = tpu.bitcast %shift_left3A_770 : vector<16xi32> -> vector<16xf32>
        %and3A_772 = arith.constant -65536 : i32
        %and3A_773 = vector.broadcast %and3A_772 : i32 to vector<16xi32>
        %and3A_774 = arith.andi %gather3A_767, %and3A_773 : vector<16xi32>
        %bitcast_convert_type3A_775 = tpu.bitcast %and3A_774 : vector<16xi32> -> vector<16xf32>
        %slice3A_776 = vector.extract_strided_slice %bitcast_convert_type3A {offsets = [13], sizes = [1], strides = [1]} : vector<16xf32> to vector<1xf32>
        %squeeze3A_777 = vector.extract %slice3A_776[0] : f32 from vector<1xf32>
        %sub3A_778 = vector.broadcast %squeeze3A_777 : f32 to vector<16xf32>
        %sub3A_779 = arith.subf %bitcast_convert_type3A_771, %sub3A_778 : vector<16xf32>
        %abs3A_780 = math.absf %sub3A_779 : vector<16xf32>
        %slice3A_781 = vector.extract_strided_slice %bitcast_convert_type3A_320 {offsets = [13], sizes = [1], strides = [1]} : vector<16xf32> to vector<1xf32>
        %squeeze3A_782 = vector.extract %slice3A_781[0] : f32 from vector<1xf32>
        %sub3A_783 = vector.broadcast %squeeze3A_782 : f32 to vector<16xf32>
        %sub3A_784 = arith.subf %bitcast_convert_type3A_775, %sub3A_783 : vector<16xf32>
        %abs3A_785 = math.absf %sub3A_784 : vector<16xf32>
        %add3A_786 = arith.addf %add3A_759, %abs3A_780 : vector<16xf32>
        %add3A_787 = arith.addf %add3A_760, %abs3A_785 : vector<16xf32>
        %broadcast_in_dim3A_788 = arith.constant 14 : i32
        %broadcast_in_dim3A_789 = vector.broadcast %broadcast_in_dim3A_788 : i32 to vector<16xi32>
        %gather3A_790 = arith.constant 0 : i32
        %gather3A_791 = arith.constant 0 : i32
        %gather3A_792 = tpu.memref_slice %arg6[%scan3A_216, %gather3A_790, %gather3A_791] : memref<4x400x24xi32, #tpu.memory_space<vmem>> -> memref<1x400x24xi32, #tpu.memory_space<vmem>>
        %gather3A_793 = tpu.memref_squeeze %gather3A_792 : memref<1x400x24xi32, #tpu.memory_space<vmem>> -> memref<400x24xi32, #tpu.memory_space<vmem>>
        %gather3A_794 = tpu.vector_load_idx %gather3A_793[%add3A_307, %broadcast_in_dim3A_789] : memref<400x24xi32, #tpu.memory_space<vmem>>[vector<16xi32>, vector<16xi32>], vector<16xi32>,
        %shift_left3A_795 = arith.constant 16 : i32
        %shift_left3A_796 = vector.broadcast %shift_left3A_795 : i32 to vector<16xi32>
        %shift_left3A_797 = arith.shli %gather3A_794, %shift_left3A_796 : vector<16xi32>
        %bitcast_convert_type3A_798 = tpu.bitcast %shift_left3A_797 : vector<16xi32> -> vector<16xf32>
        %and3A_799 = arith.constant -65536 : i32
        %and3A_800 = vector.broadcast %and3A_799 : i32 to vector<16xi32>
        %and3A_801 = arith.andi %gather3A_794, %and3A_800 : vector<16xi32>
        %bitcast_convert_type3A_802 = tpu.bitcast %and3A_801 : vector<16xi32> -> vector<16xf32>
        %slice3A_803 = vector.extract_strided_slice %bitcast_convert_type3A {offsets = [14], sizes = [1], strides = [1]} : vector<16xf32> to vector<1xf32>
        %squeeze3A_804 = vector.extract %slice3A_803[0] : f32 from vector<1xf32>
        %sub3A_805 = vector.broadcast %squeeze3A_804 : f32 to vector<16xf32>
        %sub3A_806 = arith.subf %bitcast_convert_type3A_798, %sub3A_805 : vector<16xf32>
        %abs3A_807 = math.absf %sub3A_806 : vector<16xf32>
        %slice3A_808 = vector.extract_strided_slice %bitcast_convert_type3A_320 {offsets = [14], sizes = [1], strides = [1]} : vector<16xf32> to vector<1xf32>
        %squeeze3A_809 = vector.extract %slice3A_808[0] : f32 from vector<1xf32>
        %sub3A_810 = vector.broadcast %squeeze3A_809 : f32 to vector<16xf32>
        %sub3A_811 = arith.subf %bitcast_convert_type3A_802, %sub3A_810 : vector<16xf32>
        %abs3A_812 = math.absf %sub3A_811 : vector<16xf32>
        %add3A_813 = arith.addf %add3A_786, %abs3A_807 : vector<16xf32>
        %add3A_814 = arith.addf %add3A_787, %abs3A_812 : vector<16xf32>
        %broadcast_in_dim3A_815 = arith.constant 15 : i32
        %broadcast_in_dim3A_816 = vector.broadcast %broadcast_in_dim3A_815 : i32 to vector<16xi32>
        %gather3A_817 = arith.constant 0 : i32
        %gather3A_818 = arith.constant 0 : i32
        %gather3A_819 = tpu.memref_slice %arg6[%scan3A_216, %gather3A_817, %gather3A_818] : memref<4x400x24xi32, #tpu.memory_space<vmem>> -> memref<1x400x24xi32, #tpu.memory_space<vmem>>
        %gather3A_820 = tpu.memref_squeeze %gather3A_819 : memref<1x400x24xi32, #tpu.memory_space<vmem>> -> memref<400x24xi32, #tpu.memory_space<vmem>>
        %gather3A_821 = tpu.vector_load_idx %gather3A_820[%add3A_307, %broadcast_in_dim3A_816] : memref<400x24xi32, #tpu.memory_space<vmem>>[vector<16xi32>, vector<16xi32>], vector<16xi32>,
        %shift_left3A_822 = arith.constant 16 : i32
        %shift_left3A_823 = vector.broadcast %shift_left3A_822 : i32 to vector<16xi32>
        %shift_left3A_824 = arith.shli %gather3A_821, %shift_left3A_823 : vector<16xi32>
        %bitcast_convert_type3A_825 = tpu.bitcast %shift_left3A_824 : vector<16xi32> -> vector<16xf32>
        %and3A_826 = arith.constant -65536 : i32
        %and3A_827 = vector.broadcast %and3A_826 : i32 to vector<16xi32>
        %and3A_828 = arith.andi %gather3A_821, %and3A_827 : vector<16xi32>
        %bitcast_convert_type3A_829 = tpu.bitcast %and3A_828 : vector<16xi32> -> vector<16xf32>
        %slice3A_830 = vector.extract_strided_slice %bitcast_convert_type3A {offsets = [15], sizes = [1], strides = [1]} : vector<16xf32> to vector<1xf32>
        %squeeze3A_831 = vector.extract %slice3A_830[0] : f32 from vector<1xf32>
        %sub3A_832 = vector.broadcast %squeeze3A_831 : f32 to vector<16xf32>
        %sub3A_833 = arith.subf %bitcast_convert_type3A_825, %sub3A_832 : vector<16xf32>
        %abs3A_834 = math.absf %sub3A_833 : vector<16xf32>
        %slice3A_835 = vector.extract_strided_slice %bitcast_convert_type3A_320 {offsets = [15], sizes = [1], strides = [1]} : vector<16xf32> to vector<1xf32>
        %squeeze3A_836 = vector.extract %slice3A_835[0] : f32 from vector<1xf32>
        %sub3A_837 = vector.broadcast %squeeze3A_836 : f32 to vector<16xf32>
        %sub3A_838 = arith.subf %bitcast_convert_type3A_829, %sub3A_837 : vector<16xf32>
        %abs3A_839 = math.absf %sub3A_838 : vector<16xf32>
        %add3A_840 = arith.addf %add3A_813, %abs3A_834 : vector<16xf32>
        %add3A_841 = arith.addf %add3A_814, %abs3A_839 : vector<16xf32>
        %mul3A_842 = arith.mulf %add3A_840, %mul3A_412 : vector<16xf32>
        %add3A_843 = arith.addf %scan3A_299, %mul3A_842 : vector<16xf32>
        %mul3A_844 = arith.mulf %add3A_841, %mul3A_412 : vector<16xf32>
        %add3A_845 = arith.addf %scan3A_300, %mul3A_844 : vector<16xf32>
        %sub3A_846 = arith.subf %bitcast_convert_type3A, %bitcast_convert_type3A_320 : vector<16xf32>
        %mul3A_847 = arith.mulf %sub3A_846, %sub3A_846 : vector<16xf32>
        %mul3A_848 = vector.broadcast %select_n3A_410 : f32 to vector<16xf32>
        %mul3A_849 = arith.mulf %mul3A_847, %mul3A_848 : vector<16xf32>
        %add3A_850 = arith.addf %scan3A_301, %mul3A_849 : vector<16xf32>
        %mul3A_851 = arith.mulf %bitcast_convert_type3A_320, %bitcast_convert_type3A_320 : vector<16xf32>
        %mul3A_852 = vector.broadcast %select_n3A_410 : f32 to vector<16xf32>
        %mul3A_853 = arith.mulf %mul3A_851, %mul3A_852 : vector<16xf32>
        %add3A_854 = arith.addf %scan3A_302, %mul3A_853 : vector<16xf32>
        scf.yield %add3A_843, %add3A_845, %add3A_850, %add3A_854 : vector<16xf32>, vector<16xf32>, vector<16xf32>, vector<16xf32>
      }
      %scan3A_222 = arith.constant 25 : i32
      %add3A_223 = arith.constant 4 : i32
      %add3A_224 = arith.addi %add3A_199, %add3A_223 : i32
      %lt3A_225 = arith.constant 128 : i32
      %lt3A_226 = arith.cmpi slt, %add3A_224, %lt3A_225 : i32
      %convert_element_type3A_227 = arith.extui %lt3A_226 : i1 to i32
      %cond3A_228 = arith.constant 0 : i32
      %cond3A_229 = arith.cmpi ne, %convert_element_type3A_227, %cond3A_228 : i32
      scf.if %cond3A_229 {
        %add3A_298 = arith.constant 4 : i32
        %add3A_299 = arith.addi %add3A_199, %add3A_298 : i32
        %mul3A_300 = arith.constant 25 : i32
        %mul3A_301 = arith.muli %add3A_299, %mul3A_300 : i32
        %add3A_302 = arith.addi %mul3A_5, %mul3A_301 : i32
        %min3A_303 = arith.constant 49975 : i32
        %min3A_304 = arith.minsi %add3A_302, %min3A_303 : i32
        %mul3A_305 = arith.constant 800000 : i32
        %mul3A_306 = arith.muli %arg0, %mul3A_305 : i32
        %mul3A_307 = arith.constant 16 : i32
        %mul3A_308 = arith.muli %min3A_304, %mul3A_307 : i32
        %add3A_309 = arith.addi %mul3A_306, %mul3A_308 : i32
        %run_scoped3A_310 = arith.constant 1 : i32
        "tpu.region"() ({
          %run_scoped3A_329 = tpu.sem_alloc : memref<!tpu.dma_semaphore, #tpu.memory_space<semaphore_mem>>
          %dma_start3A_330 = arith.constant 0 : i32
          %dma_start3A_331 = tpu.memref_slice %arg8[%run_scoped3A_310, %dma_start3A_330] : memref<4x400xi32, #tpu.memory_space<vmem>> -> memref<1x400xi32, #tpu.memory_space<vmem>>
          %dma_start3A_332 = tpu.memref_squeeze %dma_start3A_331 : memref<1x400xi32, #tpu.memory_space<vmem>> -> memref<400xi32, #tpu.memory_space<vmem>>
          %dma_start3A_333 = tpu.memref_slice %arg3[%add3A_309] : memref<1600000xi32, #tpu.memory_space<hbm>> -> memref<400xi32, #tpu.memory_space<hbm>>
          %dma_start3A_334 = arith.constant 0 : i32
          %dma_start3A_335 = tpu.memref_slice %arg8[%run_scoped3A_310, %dma_start3A_334] : memref<4x400xi32, #tpu.memory_space<vmem>> -> memref<1x400xi32, #tpu.memory_space<vmem>>
          %dma_start3A_336 = tpu.memref_squeeze %dma_start3A_335 : memref<1x400xi32, #tpu.memory_space<vmem>> -> memref<400xi32, #tpu.memory_space<vmem>>
          %dma_start3A_337 = tpu.memref_slice %arg3[%add3A_309] : memref<1600000xi32, #tpu.memory_space<hbm>> -> memref<400xi32, #tpu.memory_space<hbm>>
          tpu.enqueue_dma source(%dma_start3A_337 : memref<400xi32, #tpu.memory_space<hbm>>) target(%dma_start3A_336 : memref<400xi32, #tpu.memory_space<vmem>>) target_semaphore(%run_scoped3A_329 : memref<!tpu.dma_semaphore, #tpu.memory_space<semaphore_mem>>)
          %dma_wait3A_338 = arith.constant 0 : i32
          %dma_wait3A_339 = tpu.memref_slice %arg8[%run_scoped3A_310, %dma_wait3A_338] : memref<4x400xi32, #tpu.memory_space<vmem>> -> memref<1x400xi32, #tpu.memory_space<vmem>>
          %dma_wait3A_340 = tpu.memref_squeeze %dma_wait3A_339 : memref<1x400xi32, #tpu.memory_space<vmem>> -> memref<400xi32, #tpu.memory_space<vmem>>
          %dma_wait3A_341 = tpu.memref_slice %arg3[%add3A_309] : memref<1600000xi32, #tpu.memory_space<hbm>> -> memref<400xi32, #tpu.memory_space<hbm>>
          %dma_wait3A_342 = arith.constant 0 : i32
          %dma_wait3A_343 = tpu.memref_slice %arg8[%run_scoped3A_310, %dma_wait3A_342] : memref<4x400xi32, #tpu.memory_space<vmem>> -> memref<1x400xi32, #tpu.memory_space<vmem>>
          %dma_wait3A_344 = tpu.memref_squeeze %dma_wait3A_343 : memref<1x400xi32, #tpu.memory_space<vmem>> -> memref<400xi32, #tpu.memory_space<vmem>>
          %dma_wait3A_345 = tpu.memref_slice %arg3[%add3A_309] : memref<1600000xi32, #tpu.memory_space<hbm>> -> memref<400xi32, #tpu.memory_space<hbm>>
          tpu.wait_dma2 semaphore(%run_scoped3A_329 : memref<!tpu.dma_semaphore, #tpu.memory_space<semaphore_mem>>) src(%dma_wait3A_345 : memref<400xi32, #tpu.memory_space<hbm>>) dst(%dma_wait3A_344 : memref<400xi32, #tpu.memory_space<vmem>>)
          tpu.yield
        }) : () -> ()
        %run_scoped3A_311 = arith.constant 1 : i32
        %run_scoped3A_312 = arith.constant 0 : i32
        "tpu.region"() ({
          %run_scoped3A_329 = tpu.sem_alloc : memref<!tpu.dma_semaphore, #tpu.memory_space<semaphore_mem>>
          %dma_start3A_330 = arith.constant 0 : i32
          %dma_start3A_331 = arith.constant 0 : i32
          %dma_start3A_332 = tpu.memref_slice %arg7[%run_scoped3A_311, %run_scoped3A_312, %dma_start3A_330, %dma_start3A_331] : memref<4x2x25x24xi32, #tpu.memory_space<vmem>> -> memref<1x1x25x24xi32, #tpu.memory_space<vmem>>
          %dma_start3A_333 = tpu.memref_squeeze %dma_start3A_332 : memref<1x1x25x24xi32, #tpu.memory_space<vmem>> -> memref<25x24xi32, #tpu.memory_space<vmem>>
          %dma_start3A_334 = arith.constant 0 : i32
          %dma_start3A_335 = tpu.memref_slice %arg2[%min3A_304, %dma_start3A_334] : memref<100000x24xi32, #tpu.memory_space<hbm>> -> memref<25x24xi32, #tpu.memory_space<hbm>>
          %dma_start3A_336 = arith.constant 0 : i32
          %dma_start3A_337 = arith.constant 0 : i32
          %dma_start3A_338 = tpu.memref_slice %arg7[%run_scoped3A_311, %run_scoped3A_312, %dma_start3A_336, %dma_start3A_337] : memref<4x2x25x24xi32, #tpu.memory_space<vmem>> -> memref<1x1x25x24xi32, #tpu.memory_space<vmem>>
          %dma_start3A_339 = tpu.memref_squeeze %dma_start3A_338 : memref<1x1x25x24xi32, #tpu.memory_space<vmem>> -> memref<25x24xi32, #tpu.memory_space<vmem>>
          %dma_start3A_340 = arith.constant 0 : i32
          %dma_start3A_341 = tpu.memref_slice %arg2[%min3A_304, %dma_start3A_340] : memref<100000x24xi32, #tpu.memory_space<hbm>> -> memref<25x24xi32, #tpu.memory_space<hbm>>
          tpu.enqueue_dma source(%dma_start3A_341 : memref<25x24xi32, #tpu.memory_space<hbm>>) target(%dma_start3A_339 : memref<25x24xi32, #tpu.memory_space<vmem>>) target_semaphore(%run_scoped3A_329 : memref<!tpu.dma_semaphore, #tpu.memory_space<semaphore_mem>>)
          %dma_wait3A_342 = arith.constant 0 : i32
          %dma_wait3A_343 = arith.constant 0 : i32
          %dma_wait3A_344 = tpu.memref_slice %arg7[%run_scoped3A_311, %run_scoped3A_312, %dma_wait3A_342, %dma_wait3A_343] : memref<4x2x25x24xi32, #tpu.memory_space<vmem>> -> memref<1x1x25x24xi32, #tpu.memory_space<vmem>>
          %dma_wait3A_345 = tpu.memref_squeeze %dma_wait3A_344 : memref<1x1x25x24xi32, #tpu.memory_space<vmem>> -> memref<25x24xi32, #tpu.memory_space<vmem>>
          %dma_wait3A_346 = arith.constant 0 : i32
          %dma_wait3A_347 = tpu.memref_slice %arg2[%min3A_304, %dma_wait3A_346] : memref<100000x24xi32, #tpu.memory_space<hbm>> -> memref<25x24xi32, #tpu.memory_space<hbm>>
          %dma_wait3A_348 = arith.constant 0 : i32
          %dma_wait3A_349 = arith.constant 0 : i32
          %dma_wait3A_350 = tpu.memref_slice %arg7[%run_scoped3A_311, %run_scoped3A_312, %dma_wait3A_348, %dma_wait3A_349] : memref<4x2x25x24xi32, #tpu.memory_space<vmem>> -> memref<1x1x25x24xi32, #tpu.memory_space<vmem>>
          %dma_wait3A_351 = tpu.memref_squeeze %dma_wait3A_350 : memref<1x1x25x24xi32, #tpu.memory_space<vmem>> -> memref<25x24xi32, #tpu.memory_space<vmem>>
          %dma_wait3A_352 = arith.constant 0 : i32
          %dma_wait3A_353 = tpu.memref_slice %arg2[%min3A_304, %dma_wait3A_352] : memref<100000x24xi32, #tpu.memory_space<hbm>> -> memref<25x24xi32, #tpu.memory_space<hbm>>
          tpu.wait_dma2 semaphore(%run_scoped3A_329 : memref<!tpu.dma_semaphore, #tpu.memory_space<semaphore_mem>>) src(%dma_wait3A_353 : memref<25x24xi32, #tpu.memory_space<hbm>>) dst(%dma_wait3A_351 : memref<25x24xi32, #tpu.memory_space<vmem>>)
          tpu.yield
        }) : () -> ()
        %add3A_313 = arith.constant 50000 : i32
        %add3A_314 = arith.addi %add3A_313, %min3A_304 : i32
        %run_scoped3A_315 = arith.constant 1 : i32
        %run_scoped3A_316 = arith.constant 1 : i32
        "tpu.region"() ({
          %run_scoped3A_329 = tpu.sem_alloc : memref<!tpu.dma_semaphore, #tpu.memory_space<semaphore_mem>>
          %dma_start3A_330 = arith.constant 0 : i32
          %dma_start3A_331 = arith.constant 0 : i32
          %dma_start3A_332 = tpu.memref_slice %arg7[%run_scoped3A_315, %run_scoped3A_316, %dma_start3A_330, %dma_start3A_331] : memref<4x2x25x24xi32, #tpu.memory_space<vmem>> -> memref<1x1x25x24xi32, #tpu.memory_space<vmem>>
          %dma_start3A_333 = tpu.memref_squeeze %dma_start3A_332 : memref<1x1x25x24xi32, #tpu.memory_space<vmem>> -> memref<25x24xi32, #tpu.memory_space<vmem>>
          %dma_start3A_334 = arith.constant 0 : i32
          %dma_start3A_335 = tpu.memref_slice %arg2[%add3A_314, %dma_start3A_334] : memref<100000x24xi32, #tpu.memory_space<hbm>> -> memref<25x24xi32, #tpu.memory_space<hbm>>
          %dma_start3A_336 = arith.constant 0 : i32
          %dma_start3A_337 = arith.constant 0 : i32
          %dma_start3A_338 = tpu.memref_slice %arg7[%run_scoped3A_315, %run_scoped3A_316, %dma_start3A_336, %dma_start3A_337] : memref<4x2x25x24xi32, #tpu.memory_space<vmem>> -> memref<1x1x25x24xi32, #tpu.memory_space<vmem>>
          %dma_start3A_339 = tpu.memref_squeeze %dma_start3A_338 : memref<1x1x25x24xi32, #tpu.memory_space<vmem>> -> memref<25x24xi32, #tpu.memory_space<vmem>>
          %dma_start3A_340 = arith.constant 0 : i32
          %dma_start3A_341 = tpu.memref_slice %arg2[%add3A_314, %dma_start3A_340] : memref<100000x24xi32, #tpu.memory_space<hbm>> -> memref<25x24xi32, #tpu.memory_space<hbm>>
          tpu.enqueue_dma source(%dma_start3A_341 : memref<25x24xi32, #tpu.memory_space<hbm>>) target(%dma_start3A_339 : memref<25x24xi32, #tpu.memory_space<vmem>>) target_semaphore(%run_scoped3A_329 : memref<!tpu.dma_semaphore, #tpu.memory_space<semaphore_mem>>)
          %dma_wait3A_342 = arith.constant 0 : i32
          %dma_wait3A_343 = arith.constant 0 : i32
          %dma_wait3A_344 = tpu.memref_slice %arg7[%run_scoped3A_315, %run_scoped3A_316, %dma_wait3A_342, %dma_wait3A_343] : memref<4x2x25x24xi32, #tpu.memory_space<vmem>> -> memref<1x1x25x24xi32, #tpu.memory_space<vmem>>
          %dma_wait3A_345 = tpu.memref_squeeze %dma_wait3A_344 : memref<1x1x25x24xi32, #tpu.memory_space<vmem>> -> memref<25x24xi32, #tpu.memory_space<vmem>>
          %dma_wait3A_346 = arith.constant 0 : i32
          %dma_wait3A_347 = tpu.memref_slice %arg2[%add3A_314, %dma_wait3A_346] : memref<100000x24xi32, #tpu.memory_space<hbm>> -> memref<25x24xi32, #tpu.memory_space<hbm>>
          %dma_wait3A_348 = arith.constant 0 : i32
          %dma_wait3A_349 = arith.constant 0 : i32
          %dma_wait3A_350 = tpu.memref_slice %arg7[%run_scoped3A_315, %run_scoped3A_316, %dma_wait3A_348, %dma_wait3A_349] : memref<4x2x25x24xi32, #tpu.memory_space<vmem>> -> memref<1x1x25x24xi32, #tpu.memory_space<vmem>>
          %dma_wait3A_351 = tpu.memref_squeeze %dma_wait3A_350 : memref<1x1x25x24xi32, #tpu.memory_space<vmem>> -> memref<25x24xi32, #tpu.memory_space<vmem>>
          %dma_wait3A_352 = arith.constant 0 : i32
          %dma_wait3A_353 = tpu.memref_slice %arg2[%add3A_314, %dma_wait3A_352] : memref<100000x24xi32, #tpu.memory_space<hbm>> -> memref<25x24xi32, #tpu.memory_space<hbm>>
          tpu.wait_dma2 semaphore(%run_scoped3A_329 : memref<!tpu.dma_semaphore, #tpu.memory_space<semaphore_mem>>) src(%dma_wait3A_353 : memref<25x24xi32, #tpu.memory_space<hbm>>) dst(%dma_wait3A_351 : memref<25x24xi32, #tpu.memory_space<vmem>>)
          tpu.yield
        }) : () -> ()
        %dma_start3A_317 = arith.constant 1 : i32
        %dma_start3A_318 = arith.constant 1 : i32
        %dma_start3A_319 = arith.constant 0 : i32
        %dma_start3A_320 = arith.constant 0 : i32
        %dma_start3A_321 = tpu.memref_slice %arg6[%dma_start3A_318, %dma_start3A_319, %dma_start3A_320] : memref<4x400x24xi32, #tpu.memory_space<vmem>> -> memref<1x400x24xi32, #tpu.memory_space<vmem>>
        %dma_start3A_322 = tpu.memref_squeeze %dma_start3A_321 : memref<1x400x24xi32, #tpu.memory_space<vmem>> -> memref<400x24xi32, #tpu.memory_space<vmem>>
        %dma_start3A_323 = arith.constant 0 : i32
        %dma_start3A_324 = tpu.memref_slice %arg8[%dma_start3A_317, %dma_start3A_323] : memref<4x400xi32, #tpu.memory_space<vmem>> -> memref<1x400xi32, #tpu.memory_space<vmem>>
        %dma_start3A_325 = tpu.memref_squeeze %dma_start3A_324 : memref<1x400xi32, #tpu.memory_space<vmem>> -> memref<400xi32, #tpu.memory_space<vmem>>
        %dma_start3A_326 = arith.constant 0 : i32
        %dma_start3A_327 = arith.constant 0 : i32
        %dma_start3A_328 = tpu.memref_slice %arg5[%dma_start3A_326, %dma_start3A_327] : memref<50000x24xi32, #tpu.memory_space<vmem_shared>> -> memref<50000x24xi32, #tpu.memory_space<vmem_shared>>
        tpu.enqueue_indirect_dma source(%dma_start3A_328 : memref<50000x24xi32, #tpu.memory_space<vmem_shared>>) target(%dma_start3A_322 : memref<400x24xi32, #tpu.memory_space<vmem>>) offsets(%dma_start3A_325 : memref<400xi32, #tpu.memory_space<vmem>>) semaphore(%arg11 : memref<!tpu.dma_semaphore, #tpu.memory_space<semaphore_mem>>)
      } else {
      }
      %mul3A_230 = arith.constant 4 : i32
      %mul3A_231 = arith.muli %scan3A_161, %mul3A_230 : i32
      %add3A_232 = arith.constant 2 : i32
      %add3A_233 = arith.addi %mul3A_231, %add3A_232 : i32
      %dma_wait3A_234 = arith.constant 2 : i32
      %dma_wait3A_235 = arith.constant 2 : i32
      %dma_wait3A_236 = arith.constant 0 : i32
      %dma_wait3A_237 = arith.constant 0 : i32
      %dma_wait3A_238 = tpu.memref_slice %arg6[%dma_wait3A_235, %dma_wait3A_236, %dma_wait3A_237] : memref<4x400x24xi32, #tpu.memory_space<vmem>> -> memref<1x400x24xi32, #tpu.memory_space<vmem>>
      %dma_wait3A_239 = tpu.memref_squeeze %dma_wait3A_238 : memref<1x400x24xi32, #tpu.memory_space<vmem>> -> memref<400x24xi32, #tpu.memory_space<vmem>>
      %dma_wait3A_240 = arith.constant 0 : i32
      %dma_wait3A_241 = tpu.memref_slice %arg8[%dma_wait3A_234, %dma_wait3A_240] : memref<4x400xi32, #tpu.memory_space<vmem>> -> memref<1x400xi32, #tpu.memory_space<vmem>>
      %dma_wait3A_242 = tpu.memref_squeeze %dma_wait3A_241 : memref<1x400xi32, #tpu.memory_space<vmem>> -> memref<400xi32, #tpu.memory_space<vmem>>
      %dma_wait3A_243 = arith.constant 0 : i32
      %dma_wait3A_244 = arith.constant 0 : i32
      %dma_wait3A_245 = tpu.memref_slice %arg5[%dma_wait3A_243, %dma_wait3A_244] : memref<50000x24xi32, #tpu.memory_space<vmem_shared>> -> memref<50000x24xi32, #tpu.memory_space<vmem_shared>>
      tpu.wait_indirect_dma semaphore(%arg12 : memref<!tpu.dma_semaphore, #tpu.memory_space<semaphore_mem>>) src(%dma_wait3A_245 : memref<50000x24xi32, #tpu.memory_space<vmem_shared>>) dst(%dma_wait3A_239 : memref<400x24xi32, #tpu.memory_space<vmem>>)
      %mul3A_246 = arith.constant 25 : i32
      %mul3A_247 = arith.muli %add3A_233, %mul3A_246 : i32
      %add3A_248 = arith.addi %mul3A_5, %mul3A_247 : i32
      %scan3A_249 = arith.constant 2 : i32
      %scan3A_250 = arith.constant 2 : i32
      %scan3A_251 = arith.constant 0 : i32
      %scan3A_252 = arith.constant 25 : i32
      %scan3A_253 = arith.addi %scan3A_251, %scan3A_252 : i32
      %scan3A_254 = arith.constant 1 : i32
      %scan3A_255:4 = scf.for %scan3A_298 = %scan3A_251 to %scan3A_253 step %scan3A_254 iter_args(%scan3A_299 = %scan3A_221#0, %scan3A_300 = %scan3A_221#1, %scan3A_301 = %scan3A_221#2, %scan3A_302 = %scan3A_221#3) -> (vector<16xf32>, vector<16xf32>, vector<16xf32>, vector<16xf32>)  : i32 {
        %iota3A_303 = tpu.iota {dimensions = array<i32: 0>} : vector<16xi32>
        %mul3A_304 = arith.constant 16 : i32
        %mul3A_305 = arith.muli %scan3A_298, %mul3A_304 : i32
        %add3A_306 = vector.broadcast %mul3A_305 : i32 to vector<16xi32>
        %add3A_307 = arith.addi %iota3A_303, %add3A_306 : vector<16xi32>
        %broadcast_in_dim3A_308 = vector.broadcast %scan3A_298 : i32 to vector<16xi32>
        %gather3A = arith.constant 0 : i32
        %gather3A_309 = arith.constant 0 : i32
        %gather3A_310 = arith.constant 0 : i32
        %gather3A_311 = tpu.memref_slice %arg7[%scan3A_249, %gather3A, %gather3A_309, %gather3A_310] : memref<4x2x25x24xi32, #tpu.memory_space<vmem>> -> memref<1x2x25x24xi32, #tpu.memory_space<vmem>>
        %gather3A_312 = tpu.memref_squeeze %gather3A_311 : memref<1x2x25x24xi32, #tpu.memory_space<vmem>> -> memref<2x25x24xi32, #tpu.memory_space<vmem>>
        %gather3A_313 = tpu.vector_load_idx %gather3A_312[%and3A_16, %broadcast_in_dim3A_308, %select_n3A] : memref<2x25x24xi32, #tpu.memory_space<vmem>>[vector<16xi32>, vector<16xi32>, vector<16xi32>], vector<16xi32>,
        %shift_left3A_314 = arith.constant 16 : i32
        %shift_left3A_315 = vector.broadcast %shift_left3A_314 : i32 to vector<16xi32>
        %shift_left3A_316 = arith.shli %gather3A_313, %shift_left3A_315 : vector<16xi32>
        %bitcast_convert_type3A = tpu.bitcast %shift_left3A_316 : vector<16xi32> -> vector<16xf32>
        %and3A_317 = arith.constant -65536 : i32
        %and3A_318 = vector.broadcast %and3A_317 : i32 to vector<16xi32>
        %and3A_319 = arith.andi %gather3A_313, %and3A_318 : vector<16xi32>
        %bitcast_convert_type3A_320 = tpu.bitcast %and3A_319 : vector<16xi32> -> vector<16xf32>
        %add3A_321 = arith.constant 8 : i32
        %add3A_322 = vector.broadcast %add3A_321 : i32 to vector<16xi32>
        %add3A_323 = arith.addi %iota3A, %add3A_322 : vector<16xi32>
        %gather3A_324 = arith.constant 0 : i32
        %gather3A_325 = arith.constant 0 : i32
        %gather3A_326 = arith.constant 0 : i32
        %gather3A_327 = tpu.memref_slice %arg7[%scan3A_249, %gather3A_324, %gather3A_325, %gather3A_326] : memref<4x2x25x24xi32, #tpu.memory_space<vmem>> -> memref<1x2x25x24xi32, #tpu.memory_space<vmem>>
        %gather3A_328 = tpu.memref_squeeze %gather3A_327 : memref<1x2x25x24xi32, #tpu.memory_space<vmem>> -> memref<2x25x24xi32, #tpu.memory_space<vmem>>
        %gather3A_329 = tpu.vector_load_idx %gather3A_328[%broadcast_in_dim3A, %broadcast_in_dim3A_308, %add3A_323] : memref<2x25x24xi32, #tpu.memory_space<vmem>>[vector<16xi32>, vector<16xi32>, vector<16xi32>], vector<16xi32>,
        %bitcast_convert_type3A_330 = tpu.bitcast %gather3A_329 : vector<16xi32> -> vector<16xf32>
        %broadcast_in_dim3A_331 = arith.constant 16 : i32
        %broadcast_in_dim3A_332 = vector.broadcast %broadcast_in_dim3A_331 : i32 to vector<16xi32>
        %gather3A_333 = arith.constant 0 : i32
        %gather3A_334 = arith.constant 0 : i32
        %gather3A_335 = tpu.memref_slice %arg6[%scan3A_250, %gather3A_333, %gather3A_334] : memref<4x400x24xi32, #tpu.memory_space<vmem>> -> memref<1x400x24xi32, #tpu.memory_space<vmem>>
        %gather3A_336 = tpu.memref_squeeze %gather3A_335 : memref<1x400x24xi32, #tpu.memory_space<vmem>> -> memref<400x24xi32, #tpu.memory_space<vmem>>
        %gather3A_337 = tpu.vector_load_idx %gather3A_336[%add3A_307, %broadcast_in_dim3A_332] : memref<400x24xi32, #tpu.memory_space<vmem>>[vector<16xi32>, vector<16xi32>], vector<16xi32>,
        %bitcast_convert_type3A_338 = tpu.bitcast %gather3A_337 : vector<16xi32> -> vector<16xf32>
        %slice3A = vector.extract_strided_slice %bitcast_convert_type3A_330 {offsets = [8], sizes = [1], strides = [1]} : vector<16xf32> to vector<1xf32>
        %squeeze3A = vector.extract %slice3A[0] : f32 from vector<1xf32>
        %sub3A = vector.broadcast %squeeze3A : f32 to vector<16xf32>
        %sub3A_339 = arith.subf %bitcast_convert_type3A_338, %sub3A : vector<16xf32>
        %mul3A_340 = arith.mulf %sub3A_339, %sub3A_339 : vector<16xf32>
        %broadcast_in_dim3A_341 = arith.constant 17 : i32
        %broadcast_in_dim3A_342 = vector.broadcast %broadcast_in_dim3A_341 : i32 to vector<16xi32>
        %gather3A_343 = arith.constant 0 : i32
        %gather3A_344 = arith.constant 0 : i32
        %gather3A_345 = tpu.memref_slice %arg6[%scan3A_250, %gather3A_343, %gather3A_344] : memref<4x400x24xi32, #tpu.memory_space<vmem>> -> memref<1x400x24xi32, #tpu.memory_space<vmem>>
        %gather3A_346 = tpu.memref_squeeze %gather3A_345 : memref<1x400x24xi32, #tpu.memory_space<vmem>> -> memref<400x24xi32, #tpu.memory_space<vmem>>
        %gather3A_347 = tpu.vector_load_idx %gather3A_346[%add3A_307, %broadcast_in_dim3A_342] : memref<400x24xi32, #tpu.memory_space<vmem>>[vector<16xi32>, vector<16xi32>], vector<16xi32>,
        %bitcast_convert_type3A_348 = tpu.bitcast %gather3A_347 : vector<16xi32> -> vector<16xf32>
        %slice3A_349 = vector.extract_strided_slice %bitcast_convert_type3A_330 {offsets = [9], sizes = [1], strides = [1]} : vector<16xf32> to vector<1xf32>
        %squeeze3A_350 = vector.extract %slice3A_349[0] : f32 from vector<1xf32>
        %sub3A_351 = vector.broadcast %squeeze3A_350 : f32 to vector<16xf32>
        %sub3A_352 = arith.subf %bitcast_convert_type3A_348, %sub3A_351 : vector<16xf32>
        %mul3A_353 = arith.mulf %sub3A_352, %sub3A_352 : vector<16xf32>
        %add3A_354 = arith.addf %mul3A_340, %mul3A_353 : vector<16xf32>
        %broadcast_in_dim3A_355 = arith.constant 18 : i32
        %broadcast_in_dim3A_356 = vector.broadcast %broadcast_in_dim3A_355 : i32 to vector<16xi32>
        %gather3A_357 = arith.constant 0 : i32
        %gather3A_358 = arith.constant 0 : i32
        %gather3A_359 = tpu.memref_slice %arg6[%scan3A_250, %gather3A_357, %gather3A_358] : memref<4x400x24xi32, #tpu.memory_space<vmem>> -> memref<1x400x24xi32, #tpu.memory_space<vmem>>
        %gather3A_360 = tpu.memref_squeeze %gather3A_359 : memref<1x400x24xi32, #tpu.memory_space<vmem>> -> memref<400x24xi32, #tpu.memory_space<vmem>>
        %gather3A_361 = tpu.vector_load_idx %gather3A_360[%add3A_307, %broadcast_in_dim3A_356] : memref<400x24xi32, #tpu.memory_space<vmem>>[vector<16xi32>, vector<16xi32>], vector<16xi32>,
        %bitcast_convert_type3A_362 = tpu.bitcast %gather3A_361 : vector<16xi32> -> vector<16xf32>
        %slice3A_363 = vector.extract_strided_slice %bitcast_convert_type3A_330 {offsets = [10], sizes = [1], strides = [1]} : vector<16xf32> to vector<1xf32>
        %squeeze3A_364 = vector.extract %slice3A_363[0] : f32 from vector<1xf32>
        %sub3A_365 = vector.broadcast %squeeze3A_364 : f32 to vector<16xf32>
        %sub3A_366 = arith.subf %bitcast_convert_type3A_362, %sub3A_365 : vector<16xf32>
        %mul3A_367 = arith.mulf %sub3A_366, %sub3A_366 : vector<16xf32>
        %add3A_368 = arith.addf %add3A_354, %mul3A_367 : vector<16xf32>
        %max3A = arith.constant 9.99999993E-9 : f32
        %max3A_369 = vector.broadcast %max3A : f32 to vector<16xf32>
        %max3A_370 = arith.maximumf %add3A_368, %max3A_369 : vector<16xf32>
        %bitcast_convert_type3A_371 = tpu.bitcast %max3A_370 : vector<16xf32> -> vector<16xi32>
        %shift_right_arithmetic3A_372 = arith.constant 1 : i32
        %shift_right_arithmetic3A_373 = vector.broadcast %shift_right_arithmetic3A_372 : i32 to vector<16xi32>
        %shift_right_arithmetic3A_374 = arith.shrsi %bitcast_convert_type3A_371, %shift_right_arithmetic3A_373 : vector<16xi32>
        %sub3A_375 = arith.constant 1597463007 : i32
        %sub3A_376 = vector.broadcast %sub3A_375 : i32 to vector<16xi32>
        %sub3A_377 = arith.subi %sub3A_376, %shift_right_arithmetic3A_374 : vector<16xi32>
        %bitcast_convert_type3A_378 = tpu.bitcast %sub3A_377 : vector<16xi32> -> vector<16xf32>
        %mul3A_379 = arith.constant 5.000000e-01 : f32
        %mul3A_380 = vector.broadcast %mul3A_379 : f32 to vector<16xf32>
        %mul3A_381 = arith.mulf %mul3A_380, %max3A_370 : vector<16xf32>
        %mul3A_382 = arith.mulf %mul3A_381, %bitcast_convert_type3A_378 : vector<16xf32>
        %mul3A_383 = arith.mulf %mul3A_382, %bitcast_convert_type3A_378 : vector<16xf32>
        %sub3A_384 = arith.constant 1.500000e+00 : f32
        %sub3A_385 = vector.broadcast %sub3A_384 : f32 to vector<16xf32>
        %sub3A_386 = arith.subf %sub3A_385, %mul3A_383 : vector<16xf32>
        %mul3A_387 = arith.mulf %bitcast_convert_type3A_378, %sub3A_386 : vector<16xf32>
        %mul3A_388 = arith.constant 5.000000e-01 : f32
        %mul3A_389 = vector.broadcast %mul3A_388 : f32 to vector<16xf32>
        %mul3A_390 = arith.mulf %mul3A_389, %max3A_370 : vector<16xf32>
        %mul3A_391 = arith.mulf %mul3A_390, %mul3A_387 : vector<16xf32>
        %mul3A_392 = arith.mulf %mul3A_391, %mul3A_387 : vector<16xf32>
        %sub3A_393 = arith.constant 1.500000e+00 : f32
        %sub3A_394 = vector.broadcast %sub3A_393 : f32 to vector<16xf32>
        %sub3A_395 = arith.subf %sub3A_394, %mul3A_392 : vector<16xf32>
        %mul3A_396 = arith.mulf %mul3A_387, %sub3A_395 : vector<16xf32>
        %mul3A_397 = arith.constant 5.000000e-01 : f32
        %mul3A_398 = vector.broadcast %mul3A_397 : f32 to vector<16xf32>
        %mul3A_399 = arith.mulf %mul3A_398, %max3A_370 : vector<16xf32>
        %mul3A_400 = arith.mulf %mul3A_399, %mul3A_396 : vector<16xf32>
        %mul3A_401 = arith.mulf %mul3A_400, %mul3A_396 : vector<16xf32>
        %sub3A_402 = arith.constant 1.500000e+00 : f32
        %sub3A_403 = vector.broadcast %sub3A_402 : f32 to vector<16xf32>
        %sub3A_404 = arith.subf %sub3A_403, %mul3A_401 : vector<16xf32>
        %mul3A_405 = arith.mulf %mul3A_396, %sub3A_404 : vector<16xf32>
        %add3A_406 = arith.addi %add3A_248, %scan3A_298 : i32
        %lt3A_407 = arith.constant 50000 : i32
        %lt3A_408 = arith.cmpi slt, %add3A_406, %lt3A_407 : i32
        %jit3A = arith.constant 1.000000e+00 : f32
        %jit3A_409 = arith.constant 0.000000e+00 : f32
        %select_n3A_410 = arith.select %lt3A_408, %jit3A, %jit3A_409 : f32
        %mul3A_411 = vector.broadcast %select_n3A_410 : f32 to vector<16xf32>
        %mul3A_412 = arith.mulf %mul3A_405, %mul3A_411 : vector<16xf32>
        %broadcast_in_dim3A_413 = arith.constant 0 : i32
        %broadcast_in_dim3A_414 = vector.broadcast %broadcast_in_dim3A_413 : i32 to vector<16xi32>
        %gather3A_415 = arith.constant 0 : i32
        %gather3A_416 = arith.constant 0 : i32
        %gather3A_417 = tpu.memref_slice %arg6[%scan3A_250, %gather3A_415, %gather3A_416] : memref<4x400x24xi32, #tpu.memory_space<vmem>> -> memref<1x400x24xi32, #tpu.memory_space<vmem>>
        %gather3A_418 = tpu.memref_squeeze %gather3A_417 : memref<1x400x24xi32, #tpu.memory_space<vmem>> -> memref<400x24xi32, #tpu.memory_space<vmem>>
        %gather3A_419 = tpu.vector_load_idx %gather3A_418[%add3A_307, %broadcast_in_dim3A_414] : memref<400x24xi32, #tpu.memory_space<vmem>>[vector<16xi32>, vector<16xi32>], vector<16xi32>,
        %shift_left3A_420 = arith.constant 16 : i32
        %shift_left3A_421 = vector.broadcast %shift_left3A_420 : i32 to vector<16xi32>
        %shift_left3A_422 = arith.shli %gather3A_419, %shift_left3A_421 : vector<16xi32>
        %bitcast_convert_type3A_423 = tpu.bitcast %shift_left3A_422 : vector<16xi32> -> vector<16xf32>
        %and3A_424 = arith.constant -65536 : i32
        %and3A_425 = vector.broadcast %and3A_424 : i32 to vector<16xi32>
        %and3A_426 = arith.andi %gather3A_419, %and3A_425 : vector<16xi32>
        %bitcast_convert_type3A_427 = tpu.bitcast %and3A_426 : vector<16xi32> -> vector<16xf32>
        %slice3A_428 = vector.extract_strided_slice %bitcast_convert_type3A {offsets = [0], sizes = [1], strides = [1]} : vector<16xf32> to vector<1xf32>
        %squeeze3A_429 = vector.extract %slice3A_428[0] : f32 from vector<1xf32>
        %sub3A_430 = vector.broadcast %squeeze3A_429 : f32 to vector<16xf32>
        %sub3A_431 = arith.subf %bitcast_convert_type3A_423, %sub3A_430 : vector<16xf32>
        %abs3A = math.absf %sub3A_431 : vector<16xf32>
        %slice3A_432 = vector.extract_strided_slice %bitcast_convert_type3A_320 {offsets = [0], sizes = [1], strides = [1]} : vector<16xf32> to vector<1xf32>
        %squeeze3A_433 = vector.extract %slice3A_432[0] : f32 from vector<1xf32>
        %sub3A_434 = vector.broadcast %squeeze3A_433 : f32 to vector<16xf32>
        %sub3A_435 = arith.subf %bitcast_convert_type3A_427, %sub3A_434 : vector<16xf32>
        %abs3A_436 = math.absf %sub3A_435 : vector<16xf32>
        %broadcast_in_dim3A_437 = arith.constant 1 : i32
        %broadcast_in_dim3A_438 = vector.broadcast %broadcast_in_dim3A_437 : i32 to vector<16xi32>
        %gather3A_439 = arith.constant 0 : i32
        %gather3A_440 = arith.constant 0 : i32
        %gather3A_441 = tpu.memref_slice %arg6[%scan3A_250, %gather3A_439, %gather3A_440] : memref<4x400x24xi32, #tpu.memory_space<vmem>> -> memref<1x400x24xi32, #tpu.memory_space<vmem>>
        %gather3A_442 = tpu.memref_squeeze %gather3A_441 : memref<1x400x24xi32, #tpu.memory_space<vmem>> -> memref<400x24xi32, #tpu.memory_space<vmem>>
        %gather3A_443 = tpu.vector_load_idx %gather3A_442[%add3A_307, %broadcast_in_dim3A_438] : memref<400x24xi32, #tpu.memory_space<vmem>>[vector<16xi32>, vector<16xi32>], vector<16xi32>,
        %shift_left3A_444 = arith.constant 16 : i32
        %shift_left3A_445 = vector.broadcast %shift_left3A_444 : i32 to vector<16xi32>
        %shift_left3A_446 = arith.shli %gather3A_443, %shift_left3A_445 : vector<16xi32>
        %bitcast_convert_type3A_447 = tpu.bitcast %shift_left3A_446 : vector<16xi32> -> vector<16xf32>
        %and3A_448 = arith.constant -65536 : i32
        %and3A_449 = vector.broadcast %and3A_448 : i32 to vector<16xi32>
        %and3A_450 = arith.andi %gather3A_443, %and3A_449 : vector<16xi32>
        %bitcast_convert_type3A_451 = tpu.bitcast %and3A_450 : vector<16xi32> -> vector<16xf32>
        %slice3A_452 = vector.extract_strided_slice %bitcast_convert_type3A {offsets = [1], sizes = [1], strides = [1]} : vector<16xf32> to vector<1xf32>
        %squeeze3A_453 = vector.extract %slice3A_452[0] : f32 from vector<1xf32>
        %sub3A_454 = vector.broadcast %squeeze3A_453 : f32 to vector<16xf32>
        %sub3A_455 = arith.subf %bitcast_convert_type3A_447, %sub3A_454 : vector<16xf32>
        %abs3A_456 = math.absf %sub3A_455 : vector<16xf32>
        %slice3A_457 = vector.extract_strided_slice %bitcast_convert_type3A_320 {offsets = [1], sizes = [1], strides = [1]} : vector<16xf32> to vector<1xf32>
        %squeeze3A_458 = vector.extract %slice3A_457[0] : f32 from vector<1xf32>
        %sub3A_459 = vector.broadcast %squeeze3A_458 : f32 to vector<16xf32>
        %sub3A_460 = arith.subf %bitcast_convert_type3A_451, %sub3A_459 : vector<16xf32>
        %abs3A_461 = math.absf %sub3A_460 : vector<16xf32>
        %add3A_462 = arith.addf %abs3A, %abs3A_456 : vector<16xf32>
        %add3A_463 = arith.addf %abs3A_436, %abs3A_461 : vector<16xf32>
        %broadcast_in_dim3A_464 = arith.constant 2 : i32
        %broadcast_in_dim3A_465 = vector.broadcast %broadcast_in_dim3A_464 : i32 to vector<16xi32>
        %gather3A_466 = arith.constant 0 : i32
        %gather3A_467 = arith.constant 0 : i32
        %gather3A_468 = tpu.memref_slice %arg6[%scan3A_250, %gather3A_466, %gather3A_467] : memref<4x400x24xi32, #tpu.memory_space<vmem>> -> memref<1x400x24xi32, #tpu.memory_space<vmem>>
        %gather3A_469 = tpu.memref_squeeze %gather3A_468 : memref<1x400x24xi32, #tpu.memory_space<vmem>> -> memref<400x24xi32, #tpu.memory_space<vmem>>
        %gather3A_470 = tpu.vector_load_idx %gather3A_469[%add3A_307, %broadcast_in_dim3A_465] : memref<400x24xi32, #tpu.memory_space<vmem>>[vector<16xi32>, vector<16xi32>], vector<16xi32>,
        %shift_left3A_471 = arith.constant 16 : i32
        %shift_left3A_472 = vector.broadcast %shift_left3A_471 : i32 to vector<16xi32>
        %shift_left3A_473 = arith.shli %gather3A_470, %shift_left3A_472 : vector<16xi32>
        %bitcast_convert_type3A_474 = tpu.bitcast %shift_left3A_473 : vector<16xi32> -> vector<16xf32>
        %and3A_475 = arith.constant -65536 : i32
        %and3A_476 = vector.broadcast %and3A_475 : i32 to vector<16xi32>
        %and3A_477 = arith.andi %gather3A_470, %and3A_476 : vector<16xi32>
        %bitcast_convert_type3A_478 = tpu.bitcast %and3A_477 : vector<16xi32> -> vector<16xf32>
        %slice3A_479 = vector.extract_strided_slice %bitcast_convert_type3A {offsets = [2], sizes = [1], strides = [1]} : vector<16xf32> to vector<1xf32>
        %squeeze3A_480 = vector.extract %slice3A_479[0] : f32 from vector<1xf32>
        %sub3A_481 = vector.broadcast %squeeze3A_480 : f32 to vector<16xf32>
        %sub3A_482 = arith.subf %bitcast_convert_type3A_474, %sub3A_481 : vector<16xf32>
        %abs3A_483 = math.absf %sub3A_482 : vector<16xf32>
        %slice3A_484 = vector.extract_strided_slice %bitcast_convert_type3A_320 {offsets = [2], sizes = [1], strides = [1]} : vector<16xf32> to vector<1xf32>
        %squeeze3A_485 = vector.extract %slice3A_484[0] : f32 from vector<1xf32>
        %sub3A_486 = vector.broadcast %squeeze3A_485 : f32 to vector<16xf32>
        %sub3A_487 = arith.subf %bitcast_convert_type3A_478, %sub3A_486 : vector<16xf32>
        %abs3A_488 = math.absf %sub3A_487 : vector<16xf32>
        %add3A_489 = arith.addf %add3A_462, %abs3A_483 : vector<16xf32>
        %add3A_490 = arith.addf %add3A_463, %abs3A_488 : vector<16xf32>
        %broadcast_in_dim3A_491 = arith.constant 3 : i32
        %broadcast_in_dim3A_492 = vector.broadcast %broadcast_in_dim3A_491 : i32 to vector<16xi32>
        %gather3A_493 = arith.constant 0 : i32
        %gather3A_494 = arith.constant 0 : i32
        %gather3A_495 = tpu.memref_slice %arg6[%scan3A_250, %gather3A_493, %gather3A_494] : memref<4x400x24xi32, #tpu.memory_space<vmem>> -> memref<1x400x24xi32, #tpu.memory_space<vmem>>
        %gather3A_496 = tpu.memref_squeeze %gather3A_495 : memref<1x400x24xi32, #tpu.memory_space<vmem>> -> memref<400x24xi32, #tpu.memory_space<vmem>>
        %gather3A_497 = tpu.vector_load_idx %gather3A_496[%add3A_307, %broadcast_in_dim3A_492] : memref<400x24xi32, #tpu.memory_space<vmem>>[vector<16xi32>, vector<16xi32>], vector<16xi32>,
        %shift_left3A_498 = arith.constant 16 : i32
        %shift_left3A_499 = vector.broadcast %shift_left3A_498 : i32 to vector<16xi32>
        %shift_left3A_500 = arith.shli %gather3A_497, %shift_left3A_499 : vector<16xi32>
        %bitcast_convert_type3A_501 = tpu.bitcast %shift_left3A_500 : vector<16xi32> -> vector<16xf32>
        %and3A_502 = arith.constant -65536 : i32
        %and3A_503 = vector.broadcast %and3A_502 : i32 to vector<16xi32>
        %and3A_504 = arith.andi %gather3A_497, %and3A_503 : vector<16xi32>
        %bitcast_convert_type3A_505 = tpu.bitcast %and3A_504 : vector<16xi32> -> vector<16xf32>
        %slice3A_506 = vector.extract_strided_slice %bitcast_convert_type3A {offsets = [3], sizes = [1], strides = [1]} : vector<16xf32> to vector<1xf32>
        %squeeze3A_507 = vector.extract %slice3A_506[0] : f32 from vector<1xf32>
        %sub3A_508 = vector.broadcast %squeeze3A_507 : f32 to vector<16xf32>
        %sub3A_509 = arith.subf %bitcast_convert_type3A_501, %sub3A_508 : vector<16xf32>
        %abs3A_510 = math.absf %sub3A_509 : vector<16xf32>
        %slice3A_511 = vector.extract_strided_slice %bitcast_convert_type3A_320 {offsets = [3], sizes = [1], strides = [1]} : vector<16xf32> to vector<1xf32>
        %squeeze3A_512 = vector.extract %slice3A_511[0] : f32 from vector<1xf32>
        %sub3A_513 = vector.broadcast %squeeze3A_512 : f32 to vector<16xf32>
        %sub3A_514 = arith.subf %bitcast_convert_type3A_505, %sub3A_513 : vector<16xf32>
        %abs3A_515 = math.absf %sub3A_514 : vector<16xf32>
        %add3A_516 = arith.addf %add3A_489, %abs3A_510 : vector<16xf32>
        %add3A_517 = arith.addf %add3A_490, %abs3A_515 : vector<16xf32>
        %broadcast_in_dim3A_518 = arith.constant 4 : i32
        %broadcast_in_dim3A_519 = vector.broadcast %broadcast_in_dim3A_518 : i32 to vector<16xi32>
        %gather3A_520 = arith.constant 0 : i32
        %gather3A_521 = arith.constant 0 : i32
        %gather3A_522 = tpu.memref_slice %arg6[%scan3A_250, %gather3A_520, %gather3A_521] : memref<4x400x24xi32, #tpu.memory_space<vmem>> -> memref<1x400x24xi32, #tpu.memory_space<vmem>>
        %gather3A_523 = tpu.memref_squeeze %gather3A_522 : memref<1x400x24xi32, #tpu.memory_space<vmem>> -> memref<400x24xi32, #tpu.memory_space<vmem>>
        %gather3A_524 = tpu.vector_load_idx %gather3A_523[%add3A_307, %broadcast_in_dim3A_519] : memref<400x24xi32, #tpu.memory_space<vmem>>[vector<16xi32>, vector<16xi32>], vector<16xi32>,
        %shift_left3A_525 = arith.constant 16 : i32
        %shift_left3A_526 = vector.broadcast %shift_left3A_525 : i32 to vector<16xi32>
        %shift_left3A_527 = arith.shli %gather3A_524, %shift_left3A_526 : vector<16xi32>
        %bitcast_convert_type3A_528 = tpu.bitcast %shift_left3A_527 : vector<16xi32> -> vector<16xf32>
        %and3A_529 = arith.constant -65536 : i32
        %and3A_530 = vector.broadcast %and3A_529 : i32 to vector<16xi32>
        %and3A_531 = arith.andi %gather3A_524, %and3A_530 : vector<16xi32>
        %bitcast_convert_type3A_532 = tpu.bitcast %and3A_531 : vector<16xi32> -> vector<16xf32>
        %slice3A_533 = vector.extract_strided_slice %bitcast_convert_type3A {offsets = [4], sizes = [1], strides = [1]} : vector<16xf32> to vector<1xf32>
        %squeeze3A_534 = vector.extract %slice3A_533[0] : f32 from vector<1xf32>
        %sub3A_535 = vector.broadcast %squeeze3A_534 : f32 to vector<16xf32>
        %sub3A_536 = arith.subf %bitcast_convert_type3A_528, %sub3A_535 : vector<16xf32>
        %abs3A_537 = math.absf %sub3A_536 : vector<16xf32>
        %slice3A_538 = vector.extract_strided_slice %bitcast_convert_type3A_320 {offsets = [4], sizes = [1], strides = [1]} : vector<16xf32> to vector<1xf32>
        %squeeze3A_539 = vector.extract %slice3A_538[0] : f32 from vector<1xf32>
        %sub3A_540 = vector.broadcast %squeeze3A_539 : f32 to vector<16xf32>
        %sub3A_541 = arith.subf %bitcast_convert_type3A_532, %sub3A_540 : vector<16xf32>
        %abs3A_542 = math.absf %sub3A_541 : vector<16xf32>
        %add3A_543 = arith.addf %add3A_516, %abs3A_537 : vector<16xf32>
        %add3A_544 = arith.addf %add3A_517, %abs3A_542 : vector<16xf32>
        %broadcast_in_dim3A_545 = arith.constant 5 : i32
        %broadcast_in_dim3A_546 = vector.broadcast %broadcast_in_dim3A_545 : i32 to vector<16xi32>
        %gather3A_547 = arith.constant 0 : i32
        %gather3A_548 = arith.constant 0 : i32
        %gather3A_549 = tpu.memref_slice %arg6[%scan3A_250, %gather3A_547, %gather3A_548] : memref<4x400x24xi32, #tpu.memory_space<vmem>> -> memref<1x400x24xi32, #tpu.memory_space<vmem>>
        %gather3A_550 = tpu.memref_squeeze %gather3A_549 : memref<1x400x24xi32, #tpu.memory_space<vmem>> -> memref<400x24xi32, #tpu.memory_space<vmem>>
        %gather3A_551 = tpu.vector_load_idx %gather3A_550[%add3A_307, %broadcast_in_dim3A_546] : memref<400x24xi32, #tpu.memory_space<vmem>>[vector<16xi32>, vector<16xi32>], vector<16xi32>,
        %shift_left3A_552 = arith.constant 16 : i32
        %shift_left3A_553 = vector.broadcast %shift_left3A_552 : i32 to vector<16xi32>
        %shift_left3A_554 = arith.shli %gather3A_551, %shift_left3A_553 : vector<16xi32>
        %bitcast_convert_type3A_555 = tpu.bitcast %shift_left3A_554 : vector<16xi32> -> vector<16xf32>
        %and3A_556 = arith.constant -65536 : i32
        %and3A_557 = vector.broadcast %and3A_556 : i32 to vector<16xi32>
        %and3A_558 = arith.andi %gather3A_551, %and3A_557 : vector<16xi32>
        %bitcast_convert_type3A_559 = tpu.bitcast %and3A_558 : vector<16xi32> -> vector<16xf32>
        %slice3A_560 = vector.extract_strided_slice %bitcast_convert_type3A {offsets = [5], sizes = [1], strides = [1]} : vector<16xf32> to vector<1xf32>
        %squeeze3A_561 = vector.extract %slice3A_560[0] : f32 from vector<1xf32>
        %sub3A_562 = vector.broadcast %squeeze3A_561 : f32 to vector<16xf32>
        %sub3A_563 = arith.subf %bitcast_convert_type3A_555, %sub3A_562 : vector<16xf32>
        %abs3A_564 = math.absf %sub3A_563 : vector<16xf32>
        %slice3A_565 = vector.extract_strided_slice %bitcast_convert_type3A_320 {offsets = [5], sizes = [1], strides = [1]} : vector<16xf32> to vector<1xf32>
        %squeeze3A_566 = vector.extract %slice3A_565[0] : f32 from vector<1xf32>
        %sub3A_567 = vector.broadcast %squeeze3A_566 : f32 to vector<16xf32>
        %sub3A_568 = arith.subf %bitcast_convert_type3A_559, %sub3A_567 : vector<16xf32>
        %abs3A_569 = math.absf %sub3A_568 : vector<16xf32>
        %add3A_570 = arith.addf %add3A_543, %abs3A_564 : vector<16xf32>
        %add3A_571 = arith.addf %add3A_544, %abs3A_569 : vector<16xf32>
        %broadcast_in_dim3A_572 = arith.constant 6 : i32
        %broadcast_in_dim3A_573 = vector.broadcast %broadcast_in_dim3A_572 : i32 to vector<16xi32>
        %gather3A_574 = arith.constant 0 : i32
        %gather3A_575 = arith.constant 0 : i32
        %gather3A_576 = tpu.memref_slice %arg6[%scan3A_250, %gather3A_574, %gather3A_575] : memref<4x400x24xi32, #tpu.memory_space<vmem>> -> memref<1x400x24xi32, #tpu.memory_space<vmem>>
        %gather3A_577 = tpu.memref_squeeze %gather3A_576 : memref<1x400x24xi32, #tpu.memory_space<vmem>> -> memref<400x24xi32, #tpu.memory_space<vmem>>
        %gather3A_578 = tpu.vector_load_idx %gather3A_577[%add3A_307, %broadcast_in_dim3A_573] : memref<400x24xi32, #tpu.memory_space<vmem>>[vector<16xi32>, vector<16xi32>], vector<16xi32>,
        %shift_left3A_579 = arith.constant 16 : i32
        %shift_left3A_580 = vector.broadcast %shift_left3A_579 : i32 to vector<16xi32>
        %shift_left3A_581 = arith.shli %gather3A_578, %shift_left3A_580 : vector<16xi32>
        %bitcast_convert_type3A_582 = tpu.bitcast %shift_left3A_581 : vector<16xi32> -> vector<16xf32>
        %and3A_583 = arith.constant -65536 : i32
        %and3A_584 = vector.broadcast %and3A_583 : i32 to vector<16xi32>
        %and3A_585 = arith.andi %gather3A_578, %and3A_584 : vector<16xi32>
        %bitcast_convert_type3A_586 = tpu.bitcast %and3A_585 : vector<16xi32> -> vector<16xf32>
        %slice3A_587 = vector.extract_strided_slice %bitcast_convert_type3A {offsets = [6], sizes = [1], strides = [1]} : vector<16xf32> to vector<1xf32>
        %squeeze3A_588 = vector.extract %slice3A_587[0] : f32 from vector<1xf32>
        %sub3A_589 = vector.broadcast %squeeze3A_588 : f32 to vector<16xf32>
        %sub3A_590 = arith.subf %bitcast_convert_type3A_582, %sub3A_589 : vector<16xf32>
        %abs3A_591 = math.absf %sub3A_590 : vector<16xf32>
        %slice3A_592 = vector.extract_strided_slice %bitcast_convert_type3A_320 {offsets = [6], sizes = [1], strides = [1]} : vector<16xf32> to vector<1xf32>
        %squeeze3A_593 = vector.extract %slice3A_592[0] : f32 from vector<1xf32>
        %sub3A_594 = vector.broadcast %squeeze3A_593 : f32 to vector<16xf32>
        %sub3A_595 = arith.subf %bitcast_convert_type3A_586, %sub3A_594 : vector<16xf32>
        %abs3A_596 = math.absf %sub3A_595 : vector<16xf32>
        %add3A_597 = arith.addf %add3A_570, %abs3A_591 : vector<16xf32>
        %add3A_598 = arith.addf %add3A_571, %abs3A_596 : vector<16xf32>
        %broadcast_in_dim3A_599 = arith.constant 7 : i32
        %broadcast_in_dim3A_600 = vector.broadcast %broadcast_in_dim3A_599 : i32 to vector<16xi32>
        %gather3A_601 = arith.constant 0 : i32
        %gather3A_602 = arith.constant 0 : i32
        %gather3A_603 = tpu.memref_slice %arg6[%scan3A_250, %gather3A_601, %gather3A_602] : memref<4x400x24xi32, #tpu.memory_space<vmem>> -> memref<1x400x24xi32, #tpu.memory_space<vmem>>
        %gather3A_604 = tpu.memref_squeeze %gather3A_603 : memref<1x400x24xi32, #tpu.memory_space<vmem>> -> memref<400x24xi32, #tpu.memory_space<vmem>>
        %gather3A_605 = tpu.vector_load_idx %gather3A_604[%add3A_307, %broadcast_in_dim3A_600] : memref<400x24xi32, #tpu.memory_space<vmem>>[vector<16xi32>, vector<16xi32>], vector<16xi32>,
        %shift_left3A_606 = arith.constant 16 : i32
        %shift_left3A_607 = vector.broadcast %shift_left3A_606 : i32 to vector<16xi32>
        %shift_left3A_608 = arith.shli %gather3A_605, %shift_left3A_607 : vector<16xi32>
        %bitcast_convert_type3A_609 = tpu.bitcast %shift_left3A_608 : vector<16xi32> -> vector<16xf32>
        %and3A_610 = arith.constant -65536 : i32
        %and3A_611 = vector.broadcast %and3A_610 : i32 to vector<16xi32>
        %and3A_612 = arith.andi %gather3A_605, %and3A_611 : vector<16xi32>
        %bitcast_convert_type3A_613 = tpu.bitcast %and3A_612 : vector<16xi32> -> vector<16xf32>
        %slice3A_614 = vector.extract_strided_slice %bitcast_convert_type3A {offsets = [7], sizes = [1], strides = [1]} : vector<16xf32> to vector<1xf32>
        %squeeze3A_615 = vector.extract %slice3A_614[0] : f32 from vector<1xf32>
        %sub3A_616 = vector.broadcast %squeeze3A_615 : f32 to vector<16xf32>
        %sub3A_617 = arith.subf %bitcast_convert_type3A_609, %sub3A_616 : vector<16xf32>
        %abs3A_618 = math.absf %sub3A_617 : vector<16xf32>
        %slice3A_619 = vector.extract_strided_slice %bitcast_convert_type3A_320 {offsets = [7], sizes = [1], strides = [1]} : vector<16xf32> to vector<1xf32>
        %squeeze3A_620 = vector.extract %slice3A_619[0] : f32 from vector<1xf32>
        %sub3A_621 = vector.broadcast %squeeze3A_620 : f32 to vector<16xf32>
        %sub3A_622 = arith.subf %bitcast_convert_type3A_613, %sub3A_621 : vector<16xf32>
        %abs3A_623 = math.absf %sub3A_622 : vector<16xf32>
        %add3A_624 = arith.addf %add3A_597, %abs3A_618 : vector<16xf32>
        %add3A_625 = arith.addf %add3A_598, %abs3A_623 : vector<16xf32>
        %broadcast_in_dim3A_626 = arith.constant 8 : i32
        %broadcast_in_dim3A_627 = vector.broadcast %broadcast_in_dim3A_626 : i32 to vector<16xi32>
        %gather3A_628 = arith.constant 0 : i32
        %gather3A_629 = arith.constant 0 : i32
        %gather3A_630 = tpu.memref_slice %arg6[%scan3A_250, %gather3A_628, %gather3A_629] : memref<4x400x24xi32, #tpu.memory_space<vmem>> -> memref<1x400x24xi32, #tpu.memory_space<vmem>>
        %gather3A_631 = tpu.memref_squeeze %gather3A_630 : memref<1x400x24xi32, #tpu.memory_space<vmem>> -> memref<400x24xi32, #tpu.memory_space<vmem>>
        %gather3A_632 = tpu.vector_load_idx %gather3A_631[%add3A_307, %broadcast_in_dim3A_627] : memref<400x24xi32, #tpu.memory_space<vmem>>[vector<16xi32>, vector<16xi32>], vector<16xi32>,
        %shift_left3A_633 = arith.constant 16 : i32
        %shift_left3A_634 = vector.broadcast %shift_left3A_633 : i32 to vector<16xi32>
        %shift_left3A_635 = arith.shli %gather3A_632, %shift_left3A_634 : vector<16xi32>
        %bitcast_convert_type3A_636 = tpu.bitcast %shift_left3A_635 : vector<16xi32> -> vector<16xf32>
        %and3A_637 = arith.constant -65536 : i32
        %and3A_638 = vector.broadcast %and3A_637 : i32 to vector<16xi32>
        %and3A_639 = arith.andi %gather3A_632, %and3A_638 : vector<16xi32>
        %bitcast_convert_type3A_640 = tpu.bitcast %and3A_639 : vector<16xi32> -> vector<16xf32>
        %slice3A_641 = vector.extract_strided_slice %bitcast_convert_type3A {offsets = [8], sizes = [1], strides = [1]} : vector<16xf32> to vector<1xf32>
        %squeeze3A_642 = vector.extract %slice3A_641[0] : f32 from vector<1xf32>
        %sub3A_643 = vector.broadcast %squeeze3A_642 : f32 to vector<16xf32>
        %sub3A_644 = arith.subf %bitcast_convert_type3A_636, %sub3A_643 : vector<16xf32>
        %abs3A_645 = math.absf %sub3A_644 : vector<16xf32>
        %slice3A_646 = vector.extract_strided_slice %bitcast_convert_type3A_320 {offsets = [8], sizes = [1], strides = [1]} : vector<16xf32> to vector<1xf32>
        %squeeze3A_647 = vector.extract %slice3A_646[0] : f32 from vector<1xf32>
        %sub3A_648 = vector.broadcast %squeeze3A_647 : f32 to vector<16xf32>
        %sub3A_649 = arith.subf %bitcast_convert_type3A_640, %sub3A_648 : vector<16xf32>
        %abs3A_650 = math.absf %sub3A_649 : vector<16xf32>
        %add3A_651 = arith.addf %add3A_624, %abs3A_645 : vector<16xf32>
        %add3A_652 = arith.addf %add3A_625, %abs3A_650 : vector<16xf32>
        %broadcast_in_dim3A_653 = arith.constant 9 : i32
        %broadcast_in_dim3A_654 = vector.broadcast %broadcast_in_dim3A_653 : i32 to vector<16xi32>
        %gather3A_655 = arith.constant 0 : i32
        %gather3A_656 = arith.constant 0 : i32
        %gather3A_657 = tpu.memref_slice %arg6[%scan3A_250, %gather3A_655, %gather3A_656] : memref<4x400x24xi32, #tpu.memory_space<vmem>> -> memref<1x400x24xi32, #tpu.memory_space<vmem>>
        %gather3A_658 = tpu.memref_squeeze %gather3A_657 : memref<1x400x24xi32, #tpu.memory_space<vmem>> -> memref<400x24xi32, #tpu.memory_space<vmem>>
        %gather3A_659 = tpu.vector_load_idx %gather3A_658[%add3A_307, %broadcast_in_dim3A_654] : memref<400x24xi32, #tpu.memory_space<vmem>>[vector<16xi32>, vector<16xi32>], vector<16xi32>,
        %shift_left3A_660 = arith.constant 16 : i32
        %shift_left3A_661 = vector.broadcast %shift_left3A_660 : i32 to vector<16xi32>
        %shift_left3A_662 = arith.shli %gather3A_659, %shift_left3A_661 : vector<16xi32>
        %bitcast_convert_type3A_663 = tpu.bitcast %shift_left3A_662 : vector<16xi32> -> vector<16xf32>
        %and3A_664 = arith.constant -65536 : i32
        %and3A_665 = vector.broadcast %and3A_664 : i32 to vector<16xi32>
        %and3A_666 = arith.andi %gather3A_659, %and3A_665 : vector<16xi32>
        %bitcast_convert_type3A_667 = tpu.bitcast %and3A_666 : vector<16xi32> -> vector<16xf32>
        %slice3A_668 = vector.extract_strided_slice %bitcast_convert_type3A {offsets = [9], sizes = [1], strides = [1]} : vector<16xf32> to vector<1xf32>
        %squeeze3A_669 = vector.extract %slice3A_668[0] : f32 from vector<1xf32>
        %sub3A_670 = vector.broadcast %squeeze3A_669 : f32 to vector<16xf32>
        %sub3A_671 = arith.subf %bitcast_convert_type3A_663, %sub3A_670 : vector<16xf32>
        %abs3A_672 = math.absf %sub3A_671 : vector<16xf32>
        %slice3A_673 = vector.extract_strided_slice %bitcast_convert_type3A_320 {offsets = [9], sizes = [1], strides = [1]} : vector<16xf32> to vector<1xf32>
        %squeeze3A_674 = vector.extract %slice3A_673[0] : f32 from vector<1xf32>
        %sub3A_675 = vector.broadcast %squeeze3A_674 : f32 to vector<16xf32>
        %sub3A_676 = arith.subf %bitcast_convert_type3A_667, %sub3A_675 : vector<16xf32>
        %abs3A_677 = math.absf %sub3A_676 : vector<16xf32>
        %add3A_678 = arith.addf %add3A_651, %abs3A_672 : vector<16xf32>
        %add3A_679 = arith.addf %add3A_652, %abs3A_677 : vector<16xf32>
        %broadcast_in_dim3A_680 = arith.constant 10 : i32
        %broadcast_in_dim3A_681 = vector.broadcast %broadcast_in_dim3A_680 : i32 to vector<16xi32>
        %gather3A_682 = arith.constant 0 : i32
        %gather3A_683 = arith.constant 0 : i32
        %gather3A_684 = tpu.memref_slice %arg6[%scan3A_250, %gather3A_682, %gather3A_683] : memref<4x400x24xi32, #tpu.memory_space<vmem>> -> memref<1x400x24xi32, #tpu.memory_space<vmem>>
        %gather3A_685 = tpu.memref_squeeze %gather3A_684 : memref<1x400x24xi32, #tpu.memory_space<vmem>> -> memref<400x24xi32, #tpu.memory_space<vmem>>
        %gather3A_686 = tpu.vector_load_idx %gather3A_685[%add3A_307, %broadcast_in_dim3A_681] : memref<400x24xi32, #tpu.memory_space<vmem>>[vector<16xi32>, vector<16xi32>], vector<16xi32>,
        %shift_left3A_687 = arith.constant 16 : i32
        %shift_left3A_688 = vector.broadcast %shift_left3A_687 : i32 to vector<16xi32>
        %shift_left3A_689 = arith.shli %gather3A_686, %shift_left3A_688 : vector<16xi32>
        %bitcast_convert_type3A_690 = tpu.bitcast %shift_left3A_689 : vector<16xi32> -> vector<16xf32>
        %and3A_691 = arith.constant -65536 : i32
        %and3A_692 = vector.broadcast %and3A_691 : i32 to vector<16xi32>
        %and3A_693 = arith.andi %gather3A_686, %and3A_692 : vector<16xi32>
        %bitcast_convert_type3A_694 = tpu.bitcast %and3A_693 : vector<16xi32> -> vector<16xf32>
        %slice3A_695 = vector.extract_strided_slice %bitcast_convert_type3A {offsets = [10], sizes = [1], strides = [1]} : vector<16xf32> to vector<1xf32>
        %squeeze3A_696 = vector.extract %slice3A_695[0] : f32 from vector<1xf32>
        %sub3A_697 = vector.broadcast %squeeze3A_696 : f32 to vector<16xf32>
        %sub3A_698 = arith.subf %bitcast_convert_type3A_690, %sub3A_697 : vector<16xf32>
        %abs3A_699 = math.absf %sub3A_698 : vector<16xf32>
        %slice3A_700 = vector.extract_strided_slice %bitcast_convert_type3A_320 {offsets = [10], sizes = [1], strides = [1]} : vector<16xf32> to vector<1xf32>
        %squeeze3A_701 = vector.extract %slice3A_700[0] : f32 from vector<1xf32>
        %sub3A_702 = vector.broadcast %squeeze3A_701 : f32 to vector<16xf32>
        %sub3A_703 = arith.subf %bitcast_convert_type3A_694, %sub3A_702 : vector<16xf32>
        %abs3A_704 = math.absf %sub3A_703 : vector<16xf32>
        %add3A_705 = arith.addf %add3A_678, %abs3A_699 : vector<16xf32>
        %add3A_706 = arith.addf %add3A_679, %abs3A_704 : vector<16xf32>
        %broadcast_in_dim3A_707 = arith.constant 11 : i32
        %broadcast_in_dim3A_708 = vector.broadcast %broadcast_in_dim3A_707 : i32 to vector<16xi32>
        %gather3A_709 = arith.constant 0 : i32
        %gather3A_710 = arith.constant 0 : i32
        %gather3A_711 = tpu.memref_slice %arg6[%scan3A_250, %gather3A_709, %gather3A_710] : memref<4x400x24xi32, #tpu.memory_space<vmem>> -> memref<1x400x24xi32, #tpu.memory_space<vmem>>
        %gather3A_712 = tpu.memref_squeeze %gather3A_711 : memref<1x400x24xi32, #tpu.memory_space<vmem>> -> memref<400x24xi32, #tpu.memory_space<vmem>>
        %gather3A_713 = tpu.vector_load_idx %gather3A_712[%add3A_307, %broadcast_in_dim3A_708] : memref<400x24xi32, #tpu.memory_space<vmem>>[vector<16xi32>, vector<16xi32>], vector<16xi32>,
        %shift_left3A_714 = arith.constant 16 : i32
        %shift_left3A_715 = vector.broadcast %shift_left3A_714 : i32 to vector<16xi32>
        %shift_left3A_716 = arith.shli %gather3A_713, %shift_left3A_715 : vector<16xi32>
        %bitcast_convert_type3A_717 = tpu.bitcast %shift_left3A_716 : vector<16xi32> -> vector<16xf32>
        %and3A_718 = arith.constant -65536 : i32
        %and3A_719 = vector.broadcast %and3A_718 : i32 to vector<16xi32>
        %and3A_720 = arith.andi %gather3A_713, %and3A_719 : vector<16xi32>
        %bitcast_convert_type3A_721 = tpu.bitcast %and3A_720 : vector<16xi32> -> vector<16xf32>
        %slice3A_722 = vector.extract_strided_slice %bitcast_convert_type3A {offsets = [11], sizes = [1], strides = [1]} : vector<16xf32> to vector<1xf32>
        %squeeze3A_723 = vector.extract %slice3A_722[0] : f32 from vector<1xf32>
        %sub3A_724 = vector.broadcast %squeeze3A_723 : f32 to vector<16xf32>
        %sub3A_725 = arith.subf %bitcast_convert_type3A_717, %sub3A_724 : vector<16xf32>
        %abs3A_726 = math.absf %sub3A_725 : vector<16xf32>
        %slice3A_727 = vector.extract_strided_slice %bitcast_convert_type3A_320 {offsets = [11], sizes = [1], strides = [1]} : vector<16xf32> to vector<1xf32>
        %squeeze3A_728 = vector.extract %slice3A_727[0] : f32 from vector<1xf32>
        %sub3A_729 = vector.broadcast %squeeze3A_728 : f32 to vector<16xf32>
        %sub3A_730 = arith.subf %bitcast_convert_type3A_721, %sub3A_729 : vector<16xf32>
        %abs3A_731 = math.absf %sub3A_730 : vector<16xf32>
        %add3A_732 = arith.addf %add3A_705, %abs3A_726 : vector<16xf32>
        %add3A_733 = arith.addf %add3A_706, %abs3A_731 : vector<16xf32>
        %broadcast_in_dim3A_734 = arith.constant 12 : i32
        %broadcast_in_dim3A_735 = vector.broadcast %broadcast_in_dim3A_734 : i32 to vector<16xi32>
        %gather3A_736 = arith.constant 0 : i32
        %gather3A_737 = arith.constant 0 : i32
        %gather3A_738 = tpu.memref_slice %arg6[%scan3A_250, %gather3A_736, %gather3A_737] : memref<4x400x24xi32, #tpu.memory_space<vmem>> -> memref<1x400x24xi32, #tpu.memory_space<vmem>>
        %gather3A_739 = tpu.memref_squeeze %gather3A_738 : memref<1x400x24xi32, #tpu.memory_space<vmem>> -> memref<400x24xi32, #tpu.memory_space<vmem>>
        %gather3A_740 = tpu.vector_load_idx %gather3A_739[%add3A_307, %broadcast_in_dim3A_735] : memref<400x24xi32, #tpu.memory_space<vmem>>[vector<16xi32>, vector<16xi32>], vector<16xi32>,
        %shift_left3A_741 = arith.constant 16 : i32
        %shift_left3A_742 = vector.broadcast %shift_left3A_741 : i32 to vector<16xi32>
        %shift_left3A_743 = arith.shli %gather3A_740, %shift_left3A_742 : vector<16xi32>
        %bitcast_convert_type3A_744 = tpu.bitcast %shift_left3A_743 : vector<16xi32> -> vector<16xf32>
        %and3A_745 = arith.constant -65536 : i32
        %and3A_746 = vector.broadcast %and3A_745 : i32 to vector<16xi32>
        %and3A_747 = arith.andi %gather3A_740, %and3A_746 : vector<16xi32>
        %bitcast_convert_type3A_748 = tpu.bitcast %and3A_747 : vector<16xi32> -> vector<16xf32>
        %slice3A_749 = vector.extract_strided_slice %bitcast_convert_type3A {offsets = [12], sizes = [1], strides = [1]} : vector<16xf32> to vector<1xf32>
        %squeeze3A_750 = vector.extract %slice3A_749[0] : f32 from vector<1xf32>
        %sub3A_751 = vector.broadcast %squeeze3A_750 : f32 to vector<16xf32>
        %sub3A_752 = arith.subf %bitcast_convert_type3A_744, %sub3A_751 : vector<16xf32>
        %abs3A_753 = math.absf %sub3A_752 : vector<16xf32>
        %slice3A_754 = vector.extract_strided_slice %bitcast_convert_type3A_320 {offsets = [12], sizes = [1], strides = [1]} : vector<16xf32> to vector<1xf32>
        %squeeze3A_755 = vector.extract %slice3A_754[0] : f32 from vector<1xf32>
        %sub3A_756 = vector.broadcast %squeeze3A_755 : f32 to vector<16xf32>
        %sub3A_757 = arith.subf %bitcast_convert_type3A_748, %sub3A_756 : vector<16xf32>
        %abs3A_758 = math.absf %sub3A_757 : vector<16xf32>
        %add3A_759 = arith.addf %add3A_732, %abs3A_753 : vector<16xf32>
        %add3A_760 = arith.addf %add3A_733, %abs3A_758 : vector<16xf32>
        %broadcast_in_dim3A_761 = arith.constant 13 : i32
        %broadcast_in_dim3A_762 = vector.broadcast %broadcast_in_dim3A_761 : i32 to vector<16xi32>
        %gather3A_763 = arith.constant 0 : i32
        %gather3A_764 = arith.constant 0 : i32
        %gather3A_765 = tpu.memref_slice %arg6[%scan3A_250, %gather3A_763, %gather3A_764] : memref<4x400x24xi32, #tpu.memory_space<vmem>> -> memref<1x400x24xi32, #tpu.memory_space<vmem>>
        %gather3A_766 = tpu.memref_squeeze %gather3A_765 : memref<1x400x24xi32, #tpu.memory_space<vmem>> -> memref<400x24xi32, #tpu.memory_space<vmem>>
        %gather3A_767 = tpu.vector_load_idx %gather3A_766[%add3A_307, %broadcast_in_dim3A_762] : memref<400x24xi32, #tpu.memory_space<vmem>>[vector<16xi32>, vector<16xi32>], vector<16xi32>,
        %shift_left3A_768 = arith.constant 16 : i32
        %shift_left3A_769 = vector.broadcast %shift_left3A_768 : i32 to vector<16xi32>
        %shift_left3A_770 = arith.shli %gather3A_767, %shift_left3A_769 : vector<16xi32>
        %bitcast_convert_type3A_771 = tpu.bitcast %shift_left3A_770 : vector<16xi32> -> vector<16xf32>
        %and3A_772 = arith.constant -65536 : i32
        %and3A_773 = vector.broadcast %and3A_772 : i32 to vector<16xi32>
        %and3A_774 = arith.andi %gather3A_767, %and3A_773 : vector<16xi32>
        %bitcast_convert_type3A_775 = tpu.bitcast %and3A_774 : vector<16xi32> -> vector<16xf32>
        %slice3A_776 = vector.extract_strided_slice %bitcast_convert_type3A {offsets = [13], sizes = [1], strides = [1]} : vector<16xf32> to vector<1xf32>
        %squeeze3A_777 = vector.extract %slice3A_776[0] : f32 from vector<1xf32>
        %sub3A_778 = vector.broadcast %squeeze3A_777 : f32 to vector<16xf32>
        %sub3A_779 = arith.subf %bitcast_convert_type3A_771, %sub3A_778 : vector<16xf32>
        %abs3A_780 = math.absf %sub3A_779 : vector<16xf32>
        %slice3A_781 = vector.extract_strided_slice %bitcast_convert_type3A_320 {offsets = [13], sizes = [1], strides = [1]} : vector<16xf32> to vector<1xf32>
        %squeeze3A_782 = vector.extract %slice3A_781[0] : f32 from vector<1xf32>
        %sub3A_783 = vector.broadcast %squeeze3A_782 : f32 to vector<16xf32>
        %sub3A_784 = arith.subf %bitcast_convert_type3A_775, %sub3A_783 : vector<16xf32>
        %abs3A_785 = math.absf %sub3A_784 : vector<16xf32>
        %add3A_786 = arith.addf %add3A_759, %abs3A_780 : vector<16xf32>
        %add3A_787 = arith.addf %add3A_760, %abs3A_785 : vector<16xf32>
        %broadcast_in_dim3A_788 = arith.constant 14 : i32
        %broadcast_in_dim3A_789 = vector.broadcast %broadcast_in_dim3A_788 : i32 to vector<16xi32>
        %gather3A_790 = arith.constant 0 : i32
        %gather3A_791 = arith.constant 0 : i32
        %gather3A_792 = tpu.memref_slice %arg6[%scan3A_250, %gather3A_790, %gather3A_791] : memref<4x400x24xi32, #tpu.memory_space<vmem>> -> memref<1x400x24xi32, #tpu.memory_space<vmem>>
        %gather3A_793 = tpu.memref_squeeze %gather3A_792 : memref<1x400x24xi32, #tpu.memory_space<vmem>> -> memref<400x24xi32, #tpu.memory_space<vmem>>
        %gather3A_794 = tpu.vector_load_idx %gather3A_793[%add3A_307, %broadcast_in_dim3A_789] : memref<400x24xi32, #tpu.memory_space<vmem>>[vector<16xi32>, vector<16xi32>], vector<16xi32>,
        %shift_left3A_795 = arith.constant 16 : i32
        %shift_left3A_796 = vector.broadcast %shift_left3A_795 : i32 to vector<16xi32>
        %shift_left3A_797 = arith.shli %gather3A_794, %shift_left3A_796 : vector<16xi32>
        %bitcast_convert_type3A_798 = tpu.bitcast %shift_left3A_797 : vector<16xi32> -> vector<16xf32>
        %and3A_799 = arith.constant -65536 : i32
        %and3A_800 = vector.broadcast %and3A_799 : i32 to vector<16xi32>
        %and3A_801 = arith.andi %gather3A_794, %and3A_800 : vector<16xi32>
        %bitcast_convert_type3A_802 = tpu.bitcast %and3A_801 : vector<16xi32> -> vector<16xf32>
        %slice3A_803 = vector.extract_strided_slice %bitcast_convert_type3A {offsets = [14], sizes = [1], strides = [1]} : vector<16xf32> to vector<1xf32>
        %squeeze3A_804 = vector.extract %slice3A_803[0] : f32 from vector<1xf32>
        %sub3A_805 = vector.broadcast %squeeze3A_804 : f32 to vector<16xf32>
        %sub3A_806 = arith.subf %bitcast_convert_type3A_798, %sub3A_805 : vector<16xf32>
        %abs3A_807 = math.absf %sub3A_806 : vector<16xf32>
        %slice3A_808 = vector.extract_strided_slice %bitcast_convert_type3A_320 {offsets = [14], sizes = [1], strides = [1]} : vector<16xf32> to vector<1xf32>
        %squeeze3A_809 = vector.extract %slice3A_808[0] : f32 from vector<1xf32>
        %sub3A_810 = vector.broadcast %squeeze3A_809 : f32 to vector<16xf32>
        %sub3A_811 = arith.subf %bitcast_convert_type3A_802, %sub3A_810 : vector<16xf32>
        %abs3A_812 = math.absf %sub3A_811 : vector<16xf32>
        %add3A_813 = arith.addf %add3A_786, %abs3A_807 : vector<16xf32>
        %add3A_814 = arith.addf %add3A_787, %abs3A_812 : vector<16xf32>
        %broadcast_in_dim3A_815 = arith.constant 15 : i32
        %broadcast_in_dim3A_816 = vector.broadcast %broadcast_in_dim3A_815 : i32 to vector<16xi32>
        %gather3A_817 = arith.constant 0 : i32
        %gather3A_818 = arith.constant 0 : i32
        %gather3A_819 = tpu.memref_slice %arg6[%scan3A_250, %gather3A_817, %gather3A_818] : memref<4x400x24xi32, #tpu.memory_space<vmem>> -> memref<1x400x24xi32, #tpu.memory_space<vmem>>
        %gather3A_820 = tpu.memref_squeeze %gather3A_819 : memref<1x400x24xi32, #tpu.memory_space<vmem>> -> memref<400x24xi32, #tpu.memory_space<vmem>>
        %gather3A_821 = tpu.vector_load_idx %gather3A_820[%add3A_307, %broadcast_in_dim3A_816] : memref<400x24xi32, #tpu.memory_space<vmem>>[vector<16xi32>, vector<16xi32>], vector<16xi32>,
        %shift_left3A_822 = arith.constant 16 : i32
        %shift_left3A_823 = vector.broadcast %shift_left3A_822 : i32 to vector<16xi32>
        %shift_left3A_824 = arith.shli %gather3A_821, %shift_left3A_823 : vector<16xi32>
        %bitcast_convert_type3A_825 = tpu.bitcast %shift_left3A_824 : vector<16xi32> -> vector<16xf32>
        %and3A_826 = arith.constant -65536 : i32
        %and3A_827 = vector.broadcast %and3A_826 : i32 to vector<16xi32>
        %and3A_828 = arith.andi %gather3A_821, %and3A_827 : vector<16xi32>
        %bitcast_convert_type3A_829 = tpu.bitcast %and3A_828 : vector<16xi32> -> vector<16xf32>
        %slice3A_830 = vector.extract_strided_slice %bitcast_convert_type3A {offsets = [15], sizes = [1], strides = [1]} : vector<16xf32> to vector<1xf32>
        %squeeze3A_831 = vector.extract %slice3A_830[0] : f32 from vector<1xf32>
        %sub3A_832 = vector.broadcast %squeeze3A_831 : f32 to vector<16xf32>
        %sub3A_833 = arith.subf %bitcast_convert_type3A_825, %sub3A_832 : vector<16xf32>
        %abs3A_834 = math.absf %sub3A_833 : vector<16xf32>
        %slice3A_835 = vector.extract_strided_slice %bitcast_convert_type3A_320 {offsets = [15], sizes = [1], strides = [1]} : vector<16xf32> to vector<1xf32>
        %squeeze3A_836 = vector.extract %slice3A_835[0] : f32 from vector<1xf32>
        %sub3A_837 = vector.broadcast %squeeze3A_836 : f32 to vector<16xf32>
        %sub3A_838 = arith.subf %bitcast_convert_type3A_829, %sub3A_837 : vector<16xf32>
        %abs3A_839 = math.absf %sub3A_838 : vector<16xf32>
        %add3A_840 = arith.addf %add3A_813, %abs3A_834 : vector<16xf32>
        %add3A_841 = arith.addf %add3A_814, %abs3A_839 : vector<16xf32>
        %mul3A_842 = arith.mulf %add3A_840, %mul3A_412 : vector<16xf32>
        %add3A_843 = arith.addf %scan3A_299, %mul3A_842 : vector<16xf32>
        %mul3A_844 = arith.mulf %add3A_841, %mul3A_412 : vector<16xf32>
        %add3A_845 = arith.addf %scan3A_300, %mul3A_844 : vector<16xf32>
        %sub3A_846 = arith.subf %bitcast_convert_type3A, %bitcast_convert_type3A_320 : vector<16xf32>
        %mul3A_847 = arith.mulf %sub3A_846, %sub3A_846 : vector<16xf32>
        %mul3A_848 = vector.broadcast %select_n3A_410 : f32 to vector<16xf32>
        %mul3A_849 = arith.mulf %mul3A_847, %mul3A_848 : vector<16xf32>
        %add3A_850 = arith.addf %scan3A_301, %mul3A_849 : vector<16xf32>
        %mul3A_851 = arith.mulf %bitcast_convert_type3A_320, %bitcast_convert_type3A_320 : vector<16xf32>
        %mul3A_852 = vector.broadcast %select_n3A_410 : f32 to vector<16xf32>
        %mul3A_853 = arith.mulf %mul3A_851, %mul3A_852 : vector<16xf32>
        %add3A_854 = arith.addf %scan3A_302, %mul3A_853 : vector<16xf32>
        scf.yield %add3A_843, %add3A_845, %add3A_850, %add3A_854 : vector<16xf32>, vector<16xf32>, vector<16xf32>, vector<16xf32>
      }
      %scan3A_256 = arith.constant 25 : i32
      %add3A_257 = arith.constant 4 : i32
      %add3A_258 = arith.addi %add3A_233, %add3A_257 : i32
      %lt3A_259 = arith.constant 128 : i32
      %lt3A_260 = arith.cmpi slt, %add3A_258, %lt3A_259 : i32
      %convert_element_type3A_261 = arith.extui %lt3A_260 : i1 to i32
      %cond3A_262 = arith.constant 0 : i32
      %cond3A_263 = arith.cmpi ne, %convert_element_type3A_261, %cond3A_262 : i32
      scf.if %cond3A_263 {
        %add3A_298 = arith.constant 4 : i32
        %add3A_299 = arith.addi %add3A_233, %add3A_298 : i32
        %mul3A_300 = arith.constant 25 : i32
        %mul3A_301 = arith.muli %add3A_299, %mul3A_300 : i32
        %add3A_302 = arith.addi %mul3A_5, %mul3A_301 : i32
        %min3A_303 = arith.constant 49975 : i32
        %min3A_304 = arith.minsi %add3A_302, %min3A_303 : i32
        %mul3A_305 = arith.constant 800000 : i32
        %mul3A_306 = arith.muli %arg0, %mul3A_305 : i32
        %mul3A_307 = arith.constant 16 : i32
        %mul3A_308 = arith.muli %min3A_304, %mul3A_307 : i32
        %add3A_309 = arith.addi %mul3A_306, %mul3A_308 : i32
        %run_scoped3A_310 = arith.constant 2 : i32
        "tpu.region"() ({
          %run_scoped3A_329 = tpu.sem_alloc : memref<!tpu.dma_semaphore, #tpu.memory_space<semaphore_mem>>
          %dma_start3A_330 = arith.constant 0 : i32
          %dma_start3A_331 = tpu.memref_slice %arg8[%run_scoped3A_310, %dma_start3A_330] : memref<4x400xi32, #tpu.memory_space<vmem>> -> memref<1x400xi32, #tpu.memory_space<vmem>>
          %dma_start3A_332 = tpu.memref_squeeze %dma_start3A_331 : memref<1x400xi32, #tpu.memory_space<vmem>> -> memref<400xi32, #tpu.memory_space<vmem>>
          %dma_start3A_333 = tpu.memref_slice %arg3[%add3A_309] : memref<1600000xi32, #tpu.memory_space<hbm>> -> memref<400xi32, #tpu.memory_space<hbm>>
          %dma_start3A_334 = arith.constant 0 : i32
          %dma_start3A_335 = tpu.memref_slice %arg8[%run_scoped3A_310, %dma_start3A_334] : memref<4x400xi32, #tpu.memory_space<vmem>> -> memref<1x400xi32, #tpu.memory_space<vmem>>
          %dma_start3A_336 = tpu.memref_squeeze %dma_start3A_335 : memref<1x400xi32, #tpu.memory_space<vmem>> -> memref<400xi32, #tpu.memory_space<vmem>>
          %dma_start3A_337 = tpu.memref_slice %arg3[%add3A_309] : memref<1600000xi32, #tpu.memory_space<hbm>> -> memref<400xi32, #tpu.memory_space<hbm>>
          tpu.enqueue_dma source(%dma_start3A_337 : memref<400xi32, #tpu.memory_space<hbm>>) target(%dma_start3A_336 : memref<400xi32, #tpu.memory_space<vmem>>) target_semaphore(%run_scoped3A_329 : memref<!tpu.dma_semaphore, #tpu.memory_space<semaphore_mem>>)
          %dma_wait3A_338 = arith.constant 0 : i32
          %dma_wait3A_339 = tpu.memref_slice %arg8[%run_scoped3A_310, %dma_wait3A_338] : memref<4x400xi32, #tpu.memory_space<vmem>> -> memref<1x400xi32, #tpu.memory_space<vmem>>
          %dma_wait3A_340 = tpu.memref_squeeze %dma_wait3A_339 : memref<1x400xi32, #tpu.memory_space<vmem>> -> memref<400xi32, #tpu.memory_space<vmem>>
          %dma_wait3A_341 = tpu.memref_slice %arg3[%add3A_309] : memref<1600000xi32, #tpu.memory_space<hbm>> -> memref<400xi32, #tpu.memory_space<hbm>>
          %dma_wait3A_342 = arith.constant 0 : i32
          %dma_wait3A_343 = tpu.memref_slice %arg8[%run_scoped3A_310, %dma_wait3A_342] : memref<4x400xi32, #tpu.memory_space<vmem>> -> memref<1x400xi32, #tpu.memory_space<vmem>>
          %dma_wait3A_344 = tpu.memref_squeeze %dma_wait3A_343 : memref<1x400xi32, #tpu.memory_space<vmem>> -> memref<400xi32, #tpu.memory_space<vmem>>
          %dma_wait3A_345 = tpu.memref_slice %arg3[%add3A_309] : memref<1600000xi32, #tpu.memory_space<hbm>> -> memref<400xi32, #tpu.memory_space<hbm>>
          tpu.wait_dma2 semaphore(%run_scoped3A_329 : memref<!tpu.dma_semaphore, #tpu.memory_space<semaphore_mem>>) src(%dma_wait3A_345 : memref<400xi32, #tpu.memory_space<hbm>>) dst(%dma_wait3A_344 : memref<400xi32, #tpu.memory_space<vmem>>)
          tpu.yield
        }) : () -> ()
        %run_scoped3A_311 = arith.constant 2 : i32
        %run_scoped3A_312 = arith.constant 0 : i32
        "tpu.region"() ({
          %run_scoped3A_329 = tpu.sem_alloc : memref<!tpu.dma_semaphore, #tpu.memory_space<semaphore_mem>>
          %dma_start3A_330 = arith.constant 0 : i32
          %dma_start3A_331 = arith.constant 0 : i32
          %dma_start3A_332 = tpu.memref_slice %arg7[%run_scoped3A_311, %run_scoped3A_312, %dma_start3A_330, %dma_start3A_331] : memref<4x2x25x24xi32, #tpu.memory_space<vmem>> -> memref<1x1x25x24xi32, #tpu.memory_space<vmem>>
          %dma_start3A_333 = tpu.memref_squeeze %dma_start3A_332 : memref<1x1x25x24xi32, #tpu.memory_space<vmem>> -> memref<25x24xi32, #tpu.memory_space<vmem>>
          %dma_start3A_334 = arith.constant 0 : i32
          %dma_start3A_335 = tpu.memref_slice %arg2[%min3A_304, %dma_start3A_334] : memref<100000x24xi32, #tpu.memory_space<hbm>> -> memref<25x24xi32, #tpu.memory_space<hbm>>
          %dma_start3A_336 = arith.constant 0 : i32
          %dma_start3A_337 = arith.constant 0 : i32
          %dma_start3A_338 = tpu.memref_slice %arg7[%run_scoped3A_311, %run_scoped3A_312, %dma_start3A_336, %dma_start3A_337] : memref<4x2x25x24xi32, #tpu.memory_space<vmem>> -> memref<1x1x25x24xi32, #tpu.memory_space<vmem>>
          %dma_start3A_339 = tpu.memref_squeeze %dma_start3A_338 : memref<1x1x25x24xi32, #tpu.memory_space<vmem>> -> memref<25x24xi32, #tpu.memory_space<vmem>>
          %dma_start3A_340 = arith.constant 0 : i32
          %dma_start3A_341 = tpu.memref_slice %arg2[%min3A_304, %dma_start3A_340] : memref<100000x24xi32, #tpu.memory_space<hbm>> -> memref<25x24xi32, #tpu.memory_space<hbm>>
          tpu.enqueue_dma source(%dma_start3A_341 : memref<25x24xi32, #tpu.memory_space<hbm>>) target(%dma_start3A_339 : memref<25x24xi32, #tpu.memory_space<vmem>>) target_semaphore(%run_scoped3A_329 : memref<!tpu.dma_semaphore, #tpu.memory_space<semaphore_mem>>)
          %dma_wait3A_342 = arith.constant 0 : i32
          %dma_wait3A_343 = arith.constant 0 : i32
          %dma_wait3A_344 = tpu.memref_slice %arg7[%run_scoped3A_311, %run_scoped3A_312, %dma_wait3A_342, %dma_wait3A_343] : memref<4x2x25x24xi32, #tpu.memory_space<vmem>> -> memref<1x1x25x24xi32, #tpu.memory_space<vmem>>
          %dma_wait3A_345 = tpu.memref_squeeze %dma_wait3A_344 : memref<1x1x25x24xi32, #tpu.memory_space<vmem>> -> memref<25x24xi32, #tpu.memory_space<vmem>>
          %dma_wait3A_346 = arith.constant 0 : i32
          %dma_wait3A_347 = tpu.memref_slice %arg2[%min3A_304, %dma_wait3A_346] : memref<100000x24xi32, #tpu.memory_space<hbm>> -> memref<25x24xi32, #tpu.memory_space<hbm>>
          %dma_wait3A_348 = arith.constant 0 : i32
          %dma_wait3A_349 = arith.constant 0 : i32
          %dma_wait3A_350 = tpu.memref_slice %arg7[%run_scoped3A_311, %run_scoped3A_312, %dma_wait3A_348, %dma_wait3A_349] : memref<4x2x25x24xi32, #tpu.memory_space<vmem>> -> memref<1x1x25x24xi32, #tpu.memory_space<vmem>>
          %dma_wait3A_351 = tpu.memref_squeeze %dma_wait3A_350 : memref<1x1x25x24xi32, #tpu.memory_space<vmem>> -> memref<25x24xi32, #tpu.memory_space<vmem>>
          %dma_wait3A_352 = arith.constant 0 : i32
          %dma_wait3A_353 = tpu.memref_slice %arg2[%min3A_304, %dma_wait3A_352] : memref<100000x24xi32, #tpu.memory_space<hbm>> -> memref<25x24xi32, #tpu.memory_space<hbm>>
          tpu.wait_dma2 semaphore(%run_scoped3A_329 : memref<!tpu.dma_semaphore, #tpu.memory_space<semaphore_mem>>) src(%dma_wait3A_353 : memref<25x24xi32, #tpu.memory_space<hbm>>) dst(%dma_wait3A_351 : memref<25x24xi32, #tpu.memory_space<vmem>>)
          tpu.yield
        }) : () -> ()
        %add3A_313 = arith.constant 50000 : i32
        %add3A_314 = arith.addi %add3A_313, %min3A_304 : i32
        %run_scoped3A_315 = arith.constant 2 : i32
        %run_scoped3A_316 = arith.constant 1 : i32
        "tpu.region"() ({
          %run_scoped3A_329 = tpu.sem_alloc : memref<!tpu.dma_semaphore, #tpu.memory_space<semaphore_mem>>
          %dma_start3A_330 = arith.constant 0 : i32
          %dma_start3A_331 = arith.constant 0 : i32
          %dma_start3A_332 = tpu.memref_slice %arg7[%run_scoped3A_315, %run_scoped3A_316, %dma_start3A_330, %dma_start3A_331] : memref<4x2x25x24xi32, #tpu.memory_space<vmem>> -> memref<1x1x25x24xi32, #tpu.memory_space<vmem>>
          %dma_start3A_333 = tpu.memref_squeeze %dma_start3A_332 : memref<1x1x25x24xi32, #tpu.memory_space<vmem>> -> memref<25x24xi32, #tpu.memory_space<vmem>>
          %dma_start3A_334 = arith.constant 0 : i32
          %dma_start3A_335 = tpu.memref_slice %arg2[%add3A_314, %dma_start3A_334] : memref<100000x24xi32, #tpu.memory_space<hbm>> -> memref<25x24xi32, #tpu.memory_space<hbm>>
          %dma_start3A_336 = arith.constant 0 : i32
          %dma_start3A_337 = arith.constant 0 : i32
          %dma_start3A_338 = tpu.memref_slice %arg7[%run_scoped3A_315, %run_scoped3A_316, %dma_start3A_336, %dma_start3A_337] : memref<4x2x25x24xi32, #tpu.memory_space<vmem>> -> memref<1x1x25x24xi32, #tpu.memory_space<vmem>>
          %dma_start3A_339 = tpu.memref_squeeze %dma_start3A_338 : memref<1x1x25x24xi32, #tpu.memory_space<vmem>> -> memref<25x24xi32, #tpu.memory_space<vmem>>
          %dma_start3A_340 = arith.constant 0 : i32
          %dma_start3A_341 = tpu.memref_slice %arg2[%add3A_314, %dma_start3A_340] : memref<100000x24xi32, #tpu.memory_space<hbm>> -> memref<25x24xi32, #tpu.memory_space<hbm>>
          tpu.enqueue_dma source(%dma_start3A_341 : memref<25x24xi32, #tpu.memory_space<hbm>>) target(%dma_start3A_339 : memref<25x24xi32, #tpu.memory_space<vmem>>) target_semaphore(%run_scoped3A_329 : memref<!tpu.dma_semaphore, #tpu.memory_space<semaphore_mem>>)
          %dma_wait3A_342 = arith.constant 0 : i32
          %dma_wait3A_343 = arith.constant 0 : i32
          %dma_wait3A_344 = tpu.memref_slice %arg7[%run_scoped3A_315, %run_scoped3A_316, %dma_wait3A_342, %dma_wait3A_343] : memref<4x2x25x24xi32, #tpu.memory_space<vmem>> -> memref<1x1x25x24xi32, #tpu.memory_space<vmem>>
          %dma_wait3A_345 = tpu.memref_squeeze %dma_wait3A_344 : memref<1x1x25x24xi32, #tpu.memory_space<vmem>> -> memref<25x24xi32, #tpu.memory_space<vmem>>
          %dma_wait3A_346 = arith.constant 0 : i32
          %dma_wait3A_347 = tpu.memref_slice %arg2[%add3A_314, %dma_wait3A_346] : memref<100000x24xi32, #tpu.memory_space<hbm>> -> memref<25x24xi32, #tpu.memory_space<hbm>>
          %dma_wait3A_348 = arith.constant 0 : i32
          %dma_wait3A_349 = arith.constant 0 : i32
          %dma_wait3A_350 = tpu.memref_slice %arg7[%run_scoped3A_315, %run_scoped3A_316, %dma_wait3A_348, %dma_wait3A_349] : memref<4x2x25x24xi32, #tpu.memory_space<vmem>> -> memref<1x1x25x24xi32, #tpu.memory_space<vmem>>
          %dma_wait3A_351 = tpu.memref_squeeze %dma_wait3A_350 : memref<1x1x25x24xi32, #tpu.memory_space<vmem>> -> memref<25x24xi32, #tpu.memory_space<vmem>>
          %dma_wait3A_352 = arith.constant 0 : i32
          %dma_wait3A_353 = tpu.memref_slice %arg2[%add3A_314, %dma_wait3A_352] : memref<100000x24xi32, #tpu.memory_space<hbm>> -> memref<25x24xi32, #tpu.memory_space<hbm>>
          tpu.wait_dma2 semaphore(%run_scoped3A_329 : memref<!tpu.dma_semaphore, #tpu.memory_space<semaphore_mem>>) src(%dma_wait3A_353 : memref<25x24xi32, #tpu.memory_space<hbm>>) dst(%dma_wait3A_351 : memref<25x24xi32, #tpu.memory_space<vmem>>)
          tpu.yield
        }) : () -> ()
        %dma_start3A_317 = arith.constant 2 : i32
        %dma_start3A_318 = arith.constant 2 : i32
        %dma_start3A_319 = arith.constant 0 : i32
        %dma_start3A_320 = arith.constant 0 : i32
        %dma_start3A_321 = tpu.memref_slice %arg6[%dma_start3A_318, %dma_start3A_319, %dma_start3A_320] : memref<4x400x24xi32, #tpu.memory_space<vmem>> -> memref<1x400x24xi32, #tpu.memory_space<vmem>>
        %dma_start3A_322 = tpu.memref_squeeze %dma_start3A_321 : memref<1x400x24xi32, #tpu.memory_space<vmem>> -> memref<400x24xi32, #tpu.memory_space<vmem>>
        %dma_start3A_323 = arith.constant 0 : i32
        %dma_start3A_324 = tpu.memref_slice %arg8[%dma_start3A_317, %dma_start3A_323] : memref<4x400xi32, #tpu.memory_space<vmem>> -> memref<1x400xi32, #tpu.memory_space<vmem>>
        %dma_start3A_325 = tpu.memref_squeeze %dma_start3A_324 : memref<1x400xi32, #tpu.memory_space<vmem>> -> memref<400xi32, #tpu.memory_space<vmem>>
        %dma_start3A_326 = arith.constant 0 : i32
        %dma_start3A_327 = arith.constant 0 : i32
        %dma_start3A_328 = tpu.memref_slice %arg5[%dma_start3A_326, %dma_start3A_327] : memref<50000x24xi32, #tpu.memory_space<vmem_shared>> -> memref<50000x24xi32, #tpu.memory_space<vmem_shared>>
        tpu.enqueue_indirect_dma source(%dma_start3A_328 : memref<50000x24xi32, #tpu.memory_space<vmem_shared>>) target(%dma_start3A_322 : memref<400x24xi32, #tpu.memory_space<vmem>>) offsets(%dma_start3A_325 : memref<400xi32, #tpu.memory_space<vmem>>) semaphore(%arg12 : memref<!tpu.dma_semaphore, #tpu.memory_space<semaphore_mem>>)
      } else {
      }
      %mul3A_264 = arith.constant 4 : i32
      %mul3A_265 = arith.muli %scan3A_161, %mul3A_264 : i32
      %add3A_266 = arith.constant 3 : i32
      %add3A_267 = arith.addi %mul3A_265, %add3A_266 : i32
      %dma_wait3A_268 = arith.constant 3 : i32
      %dma_wait3A_269 = arith.constant 3 : i32
      %dma_wait3A_270 = arith.constant 0 : i32
      %dma_wait3A_271 = arith.constant 0 : i32
      %dma_wait3A_272 = tpu.memref_slice %arg6[%dma_wait3A_269, %dma_wait3A_270, %dma_wait3A_271] : memref<4x400x24xi32, #tpu.memory_space<vmem>> -> memref<1x400x24xi32, #tpu.memory_space<vmem>>
      %dma_wait3A_273 = tpu.memref_squeeze %dma_wait3A_272 : memref<1x400x24xi32, #tpu.memory_space<vmem>> -> memref<400x24xi32, #tpu.memory_space<vmem>>
      %dma_wait3A_274 = arith.constant 0 : i32
      %dma_wait3A_275 = tpu.memref_slice %arg8[%dma_wait3A_268, %dma_wait3A_274] : memref<4x400xi32, #tpu.memory_space<vmem>> -> memref<1x400xi32, #tpu.memory_space<vmem>>
      %dma_wait3A_276 = tpu.memref_squeeze %dma_wait3A_275 : memref<1x400xi32, #tpu.memory_space<vmem>> -> memref<400xi32, #tpu.memory_space<vmem>>
      %dma_wait3A_277 = arith.constant 0 : i32
      %dma_wait3A_278 = arith.constant 0 : i32
      %dma_wait3A_279 = tpu.memref_slice %arg5[%dma_wait3A_277, %dma_wait3A_278] : memref<50000x24xi32, #tpu.memory_space<vmem_shared>> -> memref<50000x24xi32, #tpu.memory_space<vmem_shared>>
      tpu.wait_indirect_dma semaphore(%arg13 : memref<!tpu.dma_semaphore, #tpu.memory_space<semaphore_mem>>) src(%dma_wait3A_279 : memref<50000x24xi32, #tpu.memory_space<vmem_shared>>) dst(%dma_wait3A_273 : memref<400x24xi32, #tpu.memory_space<vmem>>)
      %mul3A_280 = arith.constant 25 : i32
      %mul3A_281 = arith.muli %add3A_267, %mul3A_280 : i32
      %add3A_282 = arith.addi %mul3A_5, %mul3A_281 : i32
      %scan3A_283 = arith.constant 3 : i32
      %scan3A_284 = arith.constant 3 : i32
      %scan3A_285 = arith.constant 0 : i32
      %scan3A_286 = arith.constant 25 : i32
      %scan3A_287 = arith.addi %scan3A_285, %scan3A_286 : i32
      %scan3A_288 = arith.constant 1 : i32
      %scan3A_289:4 = scf.for %scan3A_298 = %scan3A_285 to %scan3A_287 step %scan3A_288 iter_args(%scan3A_299 = %scan3A_255#0, %scan3A_300 = %scan3A_255#1, %scan3A_301 = %scan3A_255#2, %scan3A_302 = %scan3A_255#3) -> (vector<16xf32>, vector<16xf32>, vector<16xf32>, vector<16xf32>)  : i32 {
        %iota3A_303 = tpu.iota {dimensions = array<i32: 0>} : vector<16xi32>
        %mul3A_304 = arith.constant 16 : i32
        %mul3A_305 = arith.muli %scan3A_298, %mul3A_304 : i32
        %add3A_306 = vector.broadcast %mul3A_305 : i32 to vector<16xi32>
        %add3A_307 = arith.addi %iota3A_303, %add3A_306 : vector<16xi32>
        %broadcast_in_dim3A_308 = vector.broadcast %scan3A_298 : i32 to vector<16xi32>
        %gather3A = arith.constant 0 : i32
        %gather3A_309 = arith.constant 0 : i32
        %gather3A_310 = arith.constant 0 : i32
        %gather3A_311 = tpu.memref_slice %arg7[%scan3A_283, %gather3A, %gather3A_309, %gather3A_310] : memref<4x2x25x24xi32, #tpu.memory_space<vmem>> -> memref<1x2x25x24xi32, #tpu.memory_space<vmem>>
        %gather3A_312 = tpu.memref_squeeze %gather3A_311 : memref<1x2x25x24xi32, #tpu.memory_space<vmem>> -> memref<2x25x24xi32, #tpu.memory_space<vmem>>
        %gather3A_313 = tpu.vector_load_idx %gather3A_312[%and3A_16, %broadcast_in_dim3A_308, %select_n3A] : memref<2x25x24xi32, #tpu.memory_space<vmem>>[vector<16xi32>, vector<16xi32>, vector<16xi32>], vector<16xi32>,
        %shift_left3A_314 = arith.constant 16 : i32
        %shift_left3A_315 = vector.broadcast %shift_left3A_314 : i32 to vector<16xi32>
        %shift_left3A_316 = arith.shli %gather3A_313, %shift_left3A_315 : vector<16xi32>
        %bitcast_convert_type3A = tpu.bitcast %shift_left3A_316 : vector<16xi32> -> vector<16xf32>
        %and3A_317 = arith.constant -65536 : i32
        %and3A_318 = vector.broadcast %and3A_317 : i32 to vector<16xi32>
        %and3A_319 = arith.andi %gather3A_313, %and3A_318 : vector<16xi32>
        %bitcast_convert_type3A_320 = tpu.bitcast %and3A_319 : vector<16xi32> -> vector<16xf32>
        %add3A_321 = arith.constant 8 : i32
        %add3A_322 = vector.broadcast %add3A_321 : i32 to vector<16xi32>
        %add3A_323 = arith.addi %iota3A, %add3A_322 : vector<16xi32>
        %gather3A_324 = arith.constant 0 : i32
        %gather3A_325 = arith.constant 0 : i32
        %gather3A_326 = arith.constant 0 : i32
        %gather3A_327 = tpu.memref_slice %arg7[%scan3A_283, %gather3A_324, %gather3A_325, %gather3A_326] : memref<4x2x25x24xi32, #tpu.memory_space<vmem>> -> memref<1x2x25x24xi32, #tpu.memory_space<vmem>>
        %gather3A_328 = tpu.memref_squeeze %gather3A_327 : memref<1x2x25x24xi32, #tpu.memory_space<vmem>> -> memref<2x25x24xi32, #tpu.memory_space<vmem>>
        %gather3A_329 = tpu.vector_load_idx %gather3A_328[%broadcast_in_dim3A, %broadcast_in_dim3A_308, %add3A_323] : memref<2x25x24xi32, #tpu.memory_space<vmem>>[vector<16xi32>, vector<16xi32>, vector<16xi32>], vector<16xi32>,
        %bitcast_convert_type3A_330 = tpu.bitcast %gather3A_329 : vector<16xi32> -> vector<16xf32>
        %broadcast_in_dim3A_331 = arith.constant 16 : i32
        %broadcast_in_dim3A_332 = vector.broadcast %broadcast_in_dim3A_331 : i32 to vector<16xi32>
        %gather3A_333 = arith.constant 0 : i32
        %gather3A_334 = arith.constant 0 : i32
        %gather3A_335 = tpu.memref_slice %arg6[%scan3A_284, %gather3A_333, %gather3A_334] : memref<4x400x24xi32, #tpu.memory_space<vmem>> -> memref<1x400x24xi32, #tpu.memory_space<vmem>>
        %gather3A_336 = tpu.memref_squeeze %gather3A_335 : memref<1x400x24xi32, #tpu.memory_space<vmem>> -> memref<400x24xi32, #tpu.memory_space<vmem>>
        %gather3A_337 = tpu.vector_load_idx %gather3A_336[%add3A_307, %broadcast_in_dim3A_332] : memref<400x24xi32, #tpu.memory_space<vmem>>[vector<16xi32>, vector<16xi32>], vector<16xi32>,
        %bitcast_convert_type3A_338 = tpu.bitcast %gather3A_337 : vector<16xi32> -> vector<16xf32>
        %slice3A = vector.extract_strided_slice %bitcast_convert_type3A_330 {offsets = [8], sizes = [1], strides = [1]} : vector<16xf32> to vector<1xf32>
        %squeeze3A = vector.extract %slice3A[0] : f32 from vector<1xf32>
        %sub3A = vector.broadcast %squeeze3A : f32 to vector<16xf32>
        %sub3A_339 = arith.subf %bitcast_convert_type3A_338, %sub3A : vector<16xf32>
        %mul3A_340 = arith.mulf %sub3A_339, %sub3A_339 : vector<16xf32>
        %broadcast_in_dim3A_341 = arith.constant 17 : i32
        %broadcast_in_dim3A_342 = vector.broadcast %broadcast_in_dim3A_341 : i32 to vector<16xi32>
        %gather3A_343 = arith.constant 0 : i32
        %gather3A_344 = arith.constant 0 : i32
        %gather3A_345 = tpu.memref_slice %arg6[%scan3A_284, %gather3A_343, %gather3A_344] : memref<4x400x24xi32, #tpu.memory_space<vmem>> -> memref<1x400x24xi32, #tpu.memory_space<vmem>>
        %gather3A_346 = tpu.memref_squeeze %gather3A_345 : memref<1x400x24xi32, #tpu.memory_space<vmem>> -> memref<400x24xi32, #tpu.memory_space<vmem>>
        %gather3A_347 = tpu.vector_load_idx %gather3A_346[%add3A_307, %broadcast_in_dim3A_342] : memref<400x24xi32, #tpu.memory_space<vmem>>[vector<16xi32>, vector<16xi32>], vector<16xi32>,
        %bitcast_convert_type3A_348 = tpu.bitcast %gather3A_347 : vector<16xi32> -> vector<16xf32>
        %slice3A_349 = vector.extract_strided_slice %bitcast_convert_type3A_330 {offsets = [9], sizes = [1], strides = [1]} : vector<16xf32> to vector<1xf32>
        %squeeze3A_350 = vector.extract %slice3A_349[0] : f32 from vector<1xf32>
        %sub3A_351 = vector.broadcast %squeeze3A_350 : f32 to vector<16xf32>
        %sub3A_352 = arith.subf %bitcast_convert_type3A_348, %sub3A_351 : vector<16xf32>
        %mul3A_353 = arith.mulf %sub3A_352, %sub3A_352 : vector<16xf32>
        %add3A_354 = arith.addf %mul3A_340, %mul3A_353 : vector<16xf32>
        %broadcast_in_dim3A_355 = arith.constant 18 : i32
        %broadcast_in_dim3A_356 = vector.broadcast %broadcast_in_dim3A_355 : i32 to vector<16xi32>
        %gather3A_357 = arith.constant 0 : i32
        %gather3A_358 = arith.constant 0 : i32
        %gather3A_359 = tpu.memref_slice %arg6[%scan3A_284, %gather3A_357, %gather3A_358] : memref<4x400x24xi32, #tpu.memory_space<vmem>> -> memref<1x400x24xi32, #tpu.memory_space<vmem>>
        %gather3A_360 = tpu.memref_squeeze %gather3A_359 : memref<1x400x24xi32, #tpu.memory_space<vmem>> -> memref<400x24xi32, #tpu.memory_space<vmem>>
        %gather3A_361 = tpu.vector_load_idx %gather3A_360[%add3A_307, %broadcast_in_dim3A_356] : memref<400x24xi32, #tpu.memory_space<vmem>>[vector<16xi32>, vector<16xi32>], vector<16xi32>,
        %bitcast_convert_type3A_362 = tpu.bitcast %gather3A_361 : vector<16xi32> -> vector<16xf32>
        %slice3A_363 = vector.extract_strided_slice %bitcast_convert_type3A_330 {offsets = [10], sizes = [1], strides = [1]} : vector<16xf32> to vector<1xf32>
        %squeeze3A_364 = vector.extract %slice3A_363[0] : f32 from vector<1xf32>
        %sub3A_365 = vector.broadcast %squeeze3A_364 : f32 to vector<16xf32>
        %sub3A_366 = arith.subf %bitcast_convert_type3A_362, %sub3A_365 : vector<16xf32>
        %mul3A_367 = arith.mulf %sub3A_366, %sub3A_366 : vector<16xf32>
        %add3A_368 = arith.addf %add3A_354, %mul3A_367 : vector<16xf32>
        %max3A = arith.constant 9.99999993E-9 : f32
        %max3A_369 = vector.broadcast %max3A : f32 to vector<16xf32>
        %max3A_370 = arith.maximumf %add3A_368, %max3A_369 : vector<16xf32>
        %bitcast_convert_type3A_371 = tpu.bitcast %max3A_370 : vector<16xf32> -> vector<16xi32>
        %shift_right_arithmetic3A_372 = arith.constant 1 : i32
        %shift_right_arithmetic3A_373 = vector.broadcast %shift_right_arithmetic3A_372 : i32 to vector<16xi32>
        %shift_right_arithmetic3A_374 = arith.shrsi %bitcast_convert_type3A_371, %shift_right_arithmetic3A_373 : vector<16xi32>
        %sub3A_375 = arith.constant 1597463007 : i32
        %sub3A_376 = vector.broadcast %sub3A_375 : i32 to vector<16xi32>
        %sub3A_377 = arith.subi %sub3A_376, %shift_right_arithmetic3A_374 : vector<16xi32>
        %bitcast_convert_type3A_378 = tpu.bitcast %sub3A_377 : vector<16xi32> -> vector<16xf32>
        %mul3A_379 = arith.constant 5.000000e-01 : f32
        %mul3A_380 = vector.broadcast %mul3A_379 : f32 to vector<16xf32>
        %mul3A_381 = arith.mulf %mul3A_380, %max3A_370 : vector<16xf32>
        %mul3A_382 = arith.mulf %mul3A_381, %bitcast_convert_type3A_378 : vector<16xf32>
        %mul3A_383 = arith.mulf %mul3A_382, %bitcast_convert_type3A_378 : vector<16xf32>
        %sub3A_384 = arith.constant 1.500000e+00 : f32
        %sub3A_385 = vector.broadcast %sub3A_384 : f32 to vector<16xf32>
        %sub3A_386 = arith.subf %sub3A_385, %mul3A_383 : vector<16xf32>
        %mul3A_387 = arith.mulf %bitcast_convert_type3A_378, %sub3A_386 : vector<16xf32>
        %mul3A_388 = arith.constant 5.000000e-01 : f32
        %mul3A_389 = vector.broadcast %mul3A_388 : f32 to vector<16xf32>
        %mul3A_390 = arith.mulf %mul3A_389, %max3A_370 : vector<16xf32>
        %mul3A_391 = arith.mulf %mul3A_390, %mul3A_387 : vector<16xf32>
        %mul3A_392 = arith.mulf %mul3A_391, %mul3A_387 : vector<16xf32>
        %sub3A_393 = arith.constant 1.500000e+00 : f32
        %sub3A_394 = vector.broadcast %sub3A_393 : f32 to vector<16xf32>
        %sub3A_395 = arith.subf %sub3A_394, %mul3A_392 : vector<16xf32>
        %mul3A_396 = arith.mulf %mul3A_387, %sub3A_395 : vector<16xf32>
        %mul3A_397 = arith.constant 5.000000e-01 : f32
        %mul3A_398 = vector.broadcast %mul3A_397 : f32 to vector<16xf32>
        %mul3A_399 = arith.mulf %mul3A_398, %max3A_370 : vector<16xf32>
        %mul3A_400 = arith.mulf %mul3A_399, %mul3A_396 : vector<16xf32>
        %mul3A_401 = arith.mulf %mul3A_400, %mul3A_396 : vector<16xf32>
        %sub3A_402 = arith.constant 1.500000e+00 : f32
        %sub3A_403 = vector.broadcast %sub3A_402 : f32 to vector<16xf32>
        %sub3A_404 = arith.subf %sub3A_403, %mul3A_401 : vector<16xf32>
        %mul3A_405 = arith.mulf %mul3A_396, %sub3A_404 : vector<16xf32>
        %add3A_406 = arith.addi %add3A_282, %scan3A_298 : i32
        %lt3A_407 = arith.constant 50000 : i32
        %lt3A_408 = arith.cmpi slt, %add3A_406, %lt3A_407 : i32
        %jit3A = arith.constant 1.000000e+00 : f32
        %jit3A_409 = arith.constant 0.000000e+00 : f32
        %select_n3A_410 = arith.select %lt3A_408, %jit3A, %jit3A_409 : f32
        %mul3A_411 = vector.broadcast %select_n3A_410 : f32 to vector<16xf32>
        %mul3A_412 = arith.mulf %mul3A_405, %mul3A_411 : vector<16xf32>
        %broadcast_in_dim3A_413 = arith.constant 0 : i32
        %broadcast_in_dim3A_414 = vector.broadcast %broadcast_in_dim3A_413 : i32 to vector<16xi32>
        %gather3A_415 = arith.constant 0 : i32
        %gather3A_416 = arith.constant 0 : i32
        %gather3A_417 = tpu.memref_slice %arg6[%scan3A_284, %gather3A_415, %gather3A_416] : memref<4x400x24xi32, #tpu.memory_space<vmem>> -> memref<1x400x24xi32, #tpu.memory_space<vmem>>
        %gather3A_418 = tpu.memref_squeeze %gather3A_417 : memref<1x400x24xi32, #tpu.memory_space<vmem>> -> memref<400x24xi32, #tpu.memory_space<vmem>>
        %gather3A_419 = tpu.vector_load_idx %gather3A_418[%add3A_307, %broadcast_in_dim3A_414] : memref<400x24xi32, #tpu.memory_space<vmem>>[vector<16xi32>, vector<16xi32>], vector<16xi32>,
        %shift_left3A_420 = arith.constant 16 : i32
        %shift_left3A_421 = vector.broadcast %shift_left3A_420 : i32 to vector<16xi32>
        %shift_left3A_422 = arith.shli %gather3A_419, %shift_left3A_421 : vector<16xi32>
        %bitcast_convert_type3A_423 = tpu.bitcast %shift_left3A_422 : vector<16xi32> -> vector<16xf32>
        %and3A_424 = arith.constant -65536 : i32
        %and3A_425 = vector.broadcast %and3A_424 : i32 to vector<16xi32>
        %and3A_426 = arith.andi %gather3A_419, %and3A_425 : vector<16xi32>
        %bitcast_convert_type3A_427 = tpu.bitcast %and3A_426 : vector<16xi32> -> vector<16xf32>
        %slice3A_428 = vector.extract_strided_slice %bitcast_convert_type3A {offsets = [0], sizes = [1], strides = [1]} : vector<16xf32> to vector<1xf32>
        %squeeze3A_429 = vector.extract %slice3A_428[0] : f32 from vector<1xf32>
        %sub3A_430 = vector.broadcast %squeeze3A_429 : f32 to vector<16xf32>
        %sub3A_431 = arith.subf %bitcast_convert_type3A_423, %sub3A_430 : vector<16xf32>
        %abs3A = math.absf %sub3A_431 : vector<16xf32>
        %slice3A_432 = vector.extract_strided_slice %bitcast_convert_type3A_320 {offsets = [0], sizes = [1], strides = [1]} : vector<16xf32> to vector<1xf32>
        %squeeze3A_433 = vector.extract %slice3A_432[0] : f32 from vector<1xf32>
        %sub3A_434 = vector.broadcast %squeeze3A_433 : f32 to vector<16xf32>
        %sub3A_435 = arith.subf %bitcast_convert_type3A_427, %sub3A_434 : vector<16xf32>
        %abs3A_436 = math.absf %sub3A_435 : vector<16xf32>
        %broadcast_in_dim3A_437 = arith.constant 1 : i32
        %broadcast_in_dim3A_438 = vector.broadcast %broadcast_in_dim3A_437 : i32 to vector<16xi32>
        %gather3A_439 = arith.constant 0 : i32
        %gather3A_440 = arith.constant 0 : i32
        %gather3A_441 = tpu.memref_slice %arg6[%scan3A_284, %gather3A_439, %gather3A_440] : memref<4x400x24xi32, #tpu.memory_space<vmem>> -> memref<1x400x24xi32, #tpu.memory_space<vmem>>
        %gather3A_442 = tpu.memref_squeeze %gather3A_441 : memref<1x400x24xi32, #tpu.memory_space<vmem>> -> memref<400x24xi32, #tpu.memory_space<vmem>>
        %gather3A_443 = tpu.vector_load_idx %gather3A_442[%add3A_307, %broadcast_in_dim3A_438] : memref<400x24xi32, #tpu.memory_space<vmem>>[vector<16xi32>, vector<16xi32>], vector<16xi32>,
        %shift_left3A_444 = arith.constant 16 : i32
        %shift_left3A_445 = vector.broadcast %shift_left3A_444 : i32 to vector<16xi32>
        %shift_left3A_446 = arith.shli %gather3A_443, %shift_left3A_445 : vector<16xi32>
        %bitcast_convert_type3A_447 = tpu.bitcast %shift_left3A_446 : vector<16xi32> -> vector<16xf32>
        %and3A_448 = arith.constant -65536 : i32
        %and3A_449 = vector.broadcast %and3A_448 : i32 to vector<16xi32>
        %and3A_450 = arith.andi %gather3A_443, %and3A_449 : vector<16xi32>
        %bitcast_convert_type3A_451 = tpu.bitcast %and3A_450 : vector<16xi32> -> vector<16xf32>
        %slice3A_452 = vector.extract_strided_slice %bitcast_convert_type3A {offsets = [1], sizes = [1], strides = [1]} : vector<16xf32> to vector<1xf32>
        %squeeze3A_453 = vector.extract %slice3A_452[0] : f32 from vector<1xf32>
        %sub3A_454 = vector.broadcast %squeeze3A_453 : f32 to vector<16xf32>
        %sub3A_455 = arith.subf %bitcast_convert_type3A_447, %sub3A_454 : vector<16xf32>
        %abs3A_456 = math.absf %sub3A_455 : vector<16xf32>
        %slice3A_457 = vector.extract_strided_slice %bitcast_convert_type3A_320 {offsets = [1], sizes = [1], strides = [1]} : vector<16xf32> to vector<1xf32>
        %squeeze3A_458 = vector.extract %slice3A_457[0] : f32 from vector<1xf32>
        %sub3A_459 = vector.broadcast %squeeze3A_458 : f32 to vector<16xf32>
        %sub3A_460 = arith.subf %bitcast_convert_type3A_451, %sub3A_459 : vector<16xf32>
        %abs3A_461 = math.absf %sub3A_460 : vector<16xf32>
        %add3A_462 = arith.addf %abs3A, %abs3A_456 : vector<16xf32>
        %add3A_463 = arith.addf %abs3A_436, %abs3A_461 : vector<16xf32>
        %broadcast_in_dim3A_464 = arith.constant 2 : i32
        %broadcast_in_dim3A_465 = vector.broadcast %broadcast_in_dim3A_464 : i32 to vector<16xi32>
        %gather3A_466 = arith.constant 0 : i32
        %gather3A_467 = arith.constant 0 : i32
        %gather3A_468 = tpu.memref_slice %arg6[%scan3A_284, %gather3A_466, %gather3A_467] : memref<4x400x24xi32, #tpu.memory_space<vmem>> -> memref<1x400x24xi32, #tpu.memory_space<vmem>>
        %gather3A_469 = tpu.memref_squeeze %gather3A_468 : memref<1x400x24xi32, #tpu.memory_space<vmem>> -> memref<400x24xi32, #tpu.memory_space<vmem>>
        %gather3A_470 = tpu.vector_load_idx %gather3A_469[%add3A_307, %broadcast_in_dim3A_465] : memref<400x24xi32, #tpu.memory_space<vmem>>[vector<16xi32>, vector<16xi32>], vector<16xi32>,
        %shift_left3A_471 = arith.constant 16 : i32
        %shift_left3A_472 = vector.broadcast %shift_left3A_471 : i32 to vector<16xi32>
        %shift_left3A_473 = arith.shli %gather3A_470, %shift_left3A_472 : vector<16xi32>
        %bitcast_convert_type3A_474 = tpu.bitcast %shift_left3A_473 : vector<16xi32> -> vector<16xf32>
        %and3A_475 = arith.constant -65536 : i32
        %and3A_476 = vector.broadcast %and3A_475 : i32 to vector<16xi32>
        %and3A_477 = arith.andi %gather3A_470, %and3A_476 : vector<16xi32>
        %bitcast_convert_type3A_478 = tpu.bitcast %and3A_477 : vector<16xi32> -> vector<16xf32>
        %slice3A_479 = vector.extract_strided_slice %bitcast_convert_type3A {offsets = [2], sizes = [1], strides = [1]} : vector<16xf32> to vector<1xf32>
        %squeeze3A_480 = vector.extract %slice3A_479[0] : f32 from vector<1xf32>
        %sub3A_481 = vector.broadcast %squeeze3A_480 : f32 to vector<16xf32>
        %sub3A_482 = arith.subf %bitcast_convert_type3A_474, %sub3A_481 : vector<16xf32>
        %abs3A_483 = math.absf %sub3A_482 : vector<16xf32>
        %slice3A_484 = vector.extract_strided_slice %bitcast_convert_type3A_320 {offsets = [2], sizes = [1], strides = [1]} : vector<16xf32> to vector<1xf32>
        %squeeze3A_485 = vector.extract %slice3A_484[0] : f32 from vector<1xf32>
        %sub3A_486 = vector.broadcast %squeeze3A_485 : f32 to vector<16xf32>
        %sub3A_487 = arith.subf %bitcast_convert_type3A_478, %sub3A_486 : vector<16xf32>
        %abs3A_488 = math.absf %sub3A_487 : vector<16xf32>
        %add3A_489 = arith.addf %add3A_462, %abs3A_483 : vector<16xf32>
        %add3A_490 = arith.addf %add3A_463, %abs3A_488 : vector<16xf32>
        %broadcast_in_dim3A_491 = arith.constant 3 : i32
        %broadcast_in_dim3A_492 = vector.broadcast %broadcast_in_dim3A_491 : i32 to vector<16xi32>
        %gather3A_493 = arith.constant 0 : i32
        %gather3A_494 = arith.constant 0 : i32
        %gather3A_495 = tpu.memref_slice %arg6[%scan3A_284, %gather3A_493, %gather3A_494] : memref<4x400x24xi32, #tpu.memory_space<vmem>> -> memref<1x400x24xi32, #tpu.memory_space<vmem>>
        %gather3A_496 = tpu.memref_squeeze %gather3A_495 : memref<1x400x24xi32, #tpu.memory_space<vmem>> -> memref<400x24xi32, #tpu.memory_space<vmem>>
        %gather3A_497 = tpu.vector_load_idx %gather3A_496[%add3A_307, %broadcast_in_dim3A_492] : memref<400x24xi32, #tpu.memory_space<vmem>>[vector<16xi32>, vector<16xi32>], vector<16xi32>,
        %shift_left3A_498 = arith.constant 16 : i32
        %shift_left3A_499 = vector.broadcast %shift_left3A_498 : i32 to vector<16xi32>
        %shift_left3A_500 = arith.shli %gather3A_497, %shift_left3A_499 : vector<16xi32>
        %bitcast_convert_type3A_501 = tpu.bitcast %shift_left3A_500 : vector<16xi32> -> vector<16xf32>
        %and3A_502 = arith.constant -65536 : i32
        %and3A_503 = vector.broadcast %and3A_502 : i32 to vector<16xi32>
        %and3A_504 = arith.andi %gather3A_497, %and3A_503 : vector<16xi32>
        %bitcast_convert_type3A_505 = tpu.bitcast %and3A_504 : vector<16xi32> -> vector<16xf32>
        %slice3A_506 = vector.extract_strided_slice %bitcast_convert_type3A {offsets = [3], sizes = [1], strides = [1]} : vector<16xf32> to vector<1xf32>
        %squeeze3A_507 = vector.extract %slice3A_506[0] : f32 from vector<1xf32>
        %sub3A_508 = vector.broadcast %squeeze3A_507 : f32 to vector<16xf32>
        %sub3A_509 = arith.subf %bitcast_convert_type3A_501, %sub3A_508 : vector<16xf32>
        %abs3A_510 = math.absf %sub3A_509 : vector<16xf32>
        %slice3A_511 = vector.extract_strided_slice %bitcast_convert_type3A_320 {offsets = [3], sizes = [1], strides = [1]} : vector<16xf32> to vector<1xf32>
        %squeeze3A_512 = vector.extract %slice3A_511[0] : f32 from vector<1xf32>
        %sub3A_513 = vector.broadcast %squeeze3A_512 : f32 to vector<16xf32>
        %sub3A_514 = arith.subf %bitcast_convert_type3A_505, %sub3A_513 : vector<16xf32>
        %abs3A_515 = math.absf %sub3A_514 : vector<16xf32>
        %add3A_516 = arith.addf %add3A_489, %abs3A_510 : vector<16xf32>
        %add3A_517 = arith.addf %add3A_490, %abs3A_515 : vector<16xf32>
        %broadcast_in_dim3A_518 = arith.constant 4 : i32
        %broadcast_in_dim3A_519 = vector.broadcast %broadcast_in_dim3A_518 : i32 to vector<16xi32>
        %gather3A_520 = arith.constant 0 : i32
        %gather3A_521 = arith.constant 0 : i32
        %gather3A_522 = tpu.memref_slice %arg6[%scan3A_284, %gather3A_520, %gather3A_521] : memref<4x400x24xi32, #tpu.memory_space<vmem>> -> memref<1x400x24xi32, #tpu.memory_space<vmem>>
        %gather3A_523 = tpu.memref_squeeze %gather3A_522 : memref<1x400x24xi32, #tpu.memory_space<vmem>> -> memref<400x24xi32, #tpu.memory_space<vmem>>
        %gather3A_524 = tpu.vector_load_idx %gather3A_523[%add3A_307, %broadcast_in_dim3A_519] : memref<400x24xi32, #tpu.memory_space<vmem>>[vector<16xi32>, vector<16xi32>], vector<16xi32>,
        %shift_left3A_525 = arith.constant 16 : i32
        %shift_left3A_526 = vector.broadcast %shift_left3A_525 : i32 to vector<16xi32>
        %shift_left3A_527 = arith.shli %gather3A_524, %shift_left3A_526 : vector<16xi32>
        %bitcast_convert_type3A_528 = tpu.bitcast %shift_left3A_527 : vector<16xi32> -> vector<16xf32>
        %and3A_529 = arith.constant -65536 : i32
        %and3A_530 = vector.broadcast %and3A_529 : i32 to vector<16xi32>
        %and3A_531 = arith.andi %gather3A_524, %and3A_530 : vector<16xi32>
        %bitcast_convert_type3A_532 = tpu.bitcast %and3A_531 : vector<16xi32> -> vector<16xf32>
        %slice3A_533 = vector.extract_strided_slice %bitcast_convert_type3A {offsets = [4], sizes = [1], strides = [1]} : vector<16xf32> to vector<1xf32>
        %squeeze3A_534 = vector.extract %slice3A_533[0] : f32 from vector<1xf32>
        %sub3A_535 = vector.broadcast %squeeze3A_534 : f32 to vector<16xf32>
        %sub3A_536 = arith.subf %bitcast_convert_type3A_528, %sub3A_535 : vector<16xf32>
        %abs3A_537 = math.absf %sub3A_536 : vector<16xf32>
        %slice3A_538 = vector.extract_strided_slice %bitcast_convert_type3A_320 {offsets = [4], sizes = [1], strides = [1]} : vector<16xf32> to vector<1xf32>
        %squeeze3A_539 = vector.extract %slice3A_538[0] : f32 from vector<1xf32>
        %sub3A_540 = vector.broadcast %squeeze3A_539 : f32 to vector<16xf32>
        %sub3A_541 = arith.subf %bitcast_convert_type3A_532, %sub3A_540 : vector<16xf32>
        %abs3A_542 = math.absf %sub3A_541 : vector<16xf32>
        %add3A_543 = arith.addf %add3A_516, %abs3A_537 : vector<16xf32>
        %add3A_544 = arith.addf %add3A_517, %abs3A_542 : vector<16xf32>
        %broadcast_in_dim3A_545 = arith.constant 5 : i32
        %broadcast_in_dim3A_546 = vector.broadcast %broadcast_in_dim3A_545 : i32 to vector<16xi32>
        %gather3A_547 = arith.constant 0 : i32
        %gather3A_548 = arith.constant 0 : i32
        %gather3A_549 = tpu.memref_slice %arg6[%scan3A_284, %gather3A_547, %gather3A_548] : memref<4x400x24xi32, #tpu.memory_space<vmem>> -> memref<1x400x24xi32, #tpu.memory_space<vmem>>
        %gather3A_550 = tpu.memref_squeeze %gather3A_549 : memref<1x400x24xi32, #tpu.memory_space<vmem>> -> memref<400x24xi32, #tpu.memory_space<vmem>>
        %gather3A_551 = tpu.vector_load_idx %gather3A_550[%add3A_307, %broadcast_in_dim3A_546] : memref<400x24xi32, #tpu.memory_space<vmem>>[vector<16xi32>, vector<16xi32>], vector<16xi32>,
        %shift_left3A_552 = arith.constant 16 : i32
        %shift_left3A_553 = vector.broadcast %shift_left3A_552 : i32 to vector<16xi32>
        %shift_left3A_554 = arith.shli %gather3A_551, %shift_left3A_553 : vector<16xi32>
        %bitcast_convert_type3A_555 = tpu.bitcast %shift_left3A_554 : vector<16xi32> -> vector<16xf32>
        %and3A_556 = arith.constant -65536 : i32
        %and3A_557 = vector.broadcast %and3A_556 : i32 to vector<16xi32>
        %and3A_558 = arith.andi %gather3A_551, %and3A_557 : vector<16xi32>
        %bitcast_convert_type3A_559 = tpu.bitcast %and3A_558 : vector<16xi32> -> vector<16xf32>
        %slice3A_560 = vector.extract_strided_slice %bitcast_convert_type3A {offsets = [5], sizes = [1], strides = [1]} : vector<16xf32> to vector<1xf32>
        %squeeze3A_561 = vector.extract %slice3A_560[0] : f32 from vector<1xf32>
        %sub3A_562 = vector.broadcast %squeeze3A_561 : f32 to vector<16xf32>
        %sub3A_563 = arith.subf %bitcast_convert_type3A_555, %sub3A_562 : vector<16xf32>
        %abs3A_564 = math.absf %sub3A_563 : vector<16xf32>
        %slice3A_565 = vector.extract_strided_slice %bitcast_convert_type3A_320 {offsets = [5], sizes = [1], strides = [1]} : vector<16xf32> to vector<1xf32>
        %squeeze3A_566 = vector.extract %slice3A_565[0] : f32 from vector<1xf32>
        %sub3A_567 = vector.broadcast %squeeze3A_566 : f32 to vector<16xf32>
        %sub3A_568 = arith.subf %bitcast_convert_type3A_559, %sub3A_567 : vector<16xf32>
        %abs3A_569 = math.absf %sub3A_568 : vector<16xf32>
        %add3A_570 = arith.addf %add3A_543, %abs3A_564 : vector<16xf32>
        %add3A_571 = arith.addf %add3A_544, %abs3A_569 : vector<16xf32>
        %broadcast_in_dim3A_572 = arith.constant 6 : i32
        %broadcast_in_dim3A_573 = vector.broadcast %broadcast_in_dim3A_572 : i32 to vector<16xi32>
        %gather3A_574 = arith.constant 0 : i32
        %gather3A_575 = arith.constant 0 : i32
        %gather3A_576 = tpu.memref_slice %arg6[%scan3A_284, %gather3A_574, %gather3A_575] : memref<4x400x24xi32, #tpu.memory_space<vmem>> -> memref<1x400x24xi32, #tpu.memory_space<vmem>>
        %gather3A_577 = tpu.memref_squeeze %gather3A_576 : memref<1x400x24xi32, #tpu.memory_space<vmem>> -> memref<400x24xi32, #tpu.memory_space<vmem>>
        %gather3A_578 = tpu.vector_load_idx %gather3A_577[%add3A_307, %broadcast_in_dim3A_573] : memref<400x24xi32, #tpu.memory_space<vmem>>[vector<16xi32>, vector<16xi32>], vector<16xi32>,
        %shift_left3A_579 = arith.constant 16 : i32
        %shift_left3A_580 = vector.broadcast %shift_left3A_579 : i32 to vector<16xi32>
        %shift_left3A_581 = arith.shli %gather3A_578, %shift_left3A_580 : vector<16xi32>
        %bitcast_convert_type3A_582 = tpu.bitcast %shift_left3A_581 : vector<16xi32> -> vector<16xf32>
        %and3A_583 = arith.constant -65536 : i32
        %and3A_584 = vector.broadcast %and3A_583 : i32 to vector<16xi32>
        %and3A_585 = arith.andi %gather3A_578, %and3A_584 : vector<16xi32>
        %bitcast_convert_type3A_586 = tpu.bitcast %and3A_585 : vector<16xi32> -> vector<16xf32>
        %slice3A_587 = vector.extract_strided_slice %bitcast_convert_type3A {offsets = [6], sizes = [1], strides = [1]} : vector<16xf32> to vector<1xf32>
        %squeeze3A_588 = vector.extract %slice3A_587[0] : f32 from vector<1xf32>
        %sub3A_589 = vector.broadcast %squeeze3A_588 : f32 to vector<16xf32>
        %sub3A_590 = arith.subf %bitcast_convert_type3A_582, %sub3A_589 : vector<16xf32>
        %abs3A_591 = math.absf %sub3A_590 : vector<16xf32>
        %slice3A_592 = vector.extract_strided_slice %bitcast_convert_type3A_320 {offsets = [6], sizes = [1], strides = [1]} : vector<16xf32> to vector<1xf32>
        %squeeze3A_593 = vector.extract %slice3A_592[0] : f32 from vector<1xf32>
        %sub3A_594 = vector.broadcast %squeeze3A_593 : f32 to vector<16xf32>
        %sub3A_595 = arith.subf %bitcast_convert_type3A_586, %sub3A_594 : vector<16xf32>
        %abs3A_596 = math.absf %sub3A_595 : vector<16xf32>
        %add3A_597 = arith.addf %add3A_570, %abs3A_591 : vector<16xf32>
        %add3A_598 = arith.addf %add3A_571, %abs3A_596 : vector<16xf32>
        %broadcast_in_dim3A_599 = arith.constant 7 : i32
        %broadcast_in_dim3A_600 = vector.broadcast %broadcast_in_dim3A_599 : i32 to vector<16xi32>
        %gather3A_601 = arith.constant 0 : i32
        %gather3A_602 = arith.constant 0 : i32
        %gather3A_603 = tpu.memref_slice %arg6[%scan3A_284, %gather3A_601, %gather3A_602] : memref<4x400x24xi32, #tpu.memory_space<vmem>> -> memref<1x400x24xi32, #tpu.memory_space<vmem>>
        %gather3A_604 = tpu.memref_squeeze %gather3A_603 : memref<1x400x24xi32, #tpu.memory_space<vmem>> -> memref<400x24xi32, #tpu.memory_space<vmem>>
        %gather3A_605 = tpu.vector_load_idx %gather3A_604[%add3A_307, %broadcast_in_dim3A_600] : memref<400x24xi32, #tpu.memory_space<vmem>>[vector<16xi32>, vector<16xi32>], vector<16xi32>,
        %shift_left3A_606 = arith.constant 16 : i32
        %shift_left3A_607 = vector.broadcast %shift_left3A_606 : i32 to vector<16xi32>
        %shift_left3A_608 = arith.shli %gather3A_605, %shift_left3A_607 : vector<16xi32>
        %bitcast_convert_type3A_609 = tpu.bitcast %shift_left3A_608 : vector<16xi32> -> vector<16xf32>
        %and3A_610 = arith.constant -65536 : i32
        %and3A_611 = vector.broadcast %and3A_610 : i32 to vector<16xi32>
        %and3A_612 = arith.andi %gather3A_605, %and3A_611 : vector<16xi32>
        %bitcast_convert_type3A_613 = tpu.bitcast %and3A_612 : vector<16xi32> -> vector<16xf32>
        %slice3A_614 = vector.extract_strided_slice %bitcast_convert_type3A {offsets = [7], sizes = [1], strides = [1]} : vector<16xf32> to vector<1xf32>
        %squeeze3A_615 = vector.extract %slice3A_614[0] : f32 from vector<1xf32>
        %sub3A_616 = vector.broadcast %squeeze3A_615 : f32 to vector<16xf32>
        %sub3A_617 = arith.subf %bitcast_convert_type3A_609, %sub3A_616 : vector<16xf32>
        %abs3A_618 = math.absf %sub3A_617 : vector<16xf32>
        %slice3A_619 = vector.extract_strided_slice %bitcast_convert_type3A_320 {offsets = [7], sizes = [1], strides = [1]} : vector<16xf32> to vector<1xf32>
        %squeeze3A_620 = vector.extract %slice3A_619[0] : f32 from vector<1xf32>
        %sub3A_621 = vector.broadcast %squeeze3A_620 : f32 to vector<16xf32>
        %sub3A_622 = arith.subf %bitcast_convert_type3A_613, %sub3A_621 : vector<16xf32>
        %abs3A_623 = math.absf %sub3A_622 : vector<16xf32>
        %add3A_624 = arith.addf %add3A_597, %abs3A_618 : vector<16xf32>
        %add3A_625 = arith.addf %add3A_598, %abs3A_623 : vector<16xf32>
        %broadcast_in_dim3A_626 = arith.constant 8 : i32
        %broadcast_in_dim3A_627 = vector.broadcast %broadcast_in_dim3A_626 : i32 to vector<16xi32>
        %gather3A_628 = arith.constant 0 : i32
        %gather3A_629 = arith.constant 0 : i32
        %gather3A_630 = tpu.memref_slice %arg6[%scan3A_284, %gather3A_628, %gather3A_629] : memref<4x400x24xi32, #tpu.memory_space<vmem>> -> memref<1x400x24xi32, #tpu.memory_space<vmem>>
        %gather3A_631 = tpu.memref_squeeze %gather3A_630 : memref<1x400x24xi32, #tpu.memory_space<vmem>> -> memref<400x24xi32, #tpu.memory_space<vmem>>
        %gather3A_632 = tpu.vector_load_idx %gather3A_631[%add3A_307, %broadcast_in_dim3A_627] : memref<400x24xi32, #tpu.memory_space<vmem>>[vector<16xi32>, vector<16xi32>], vector<16xi32>,
        %shift_left3A_633 = arith.constant 16 : i32
        %shift_left3A_634 = vector.broadcast %shift_left3A_633 : i32 to vector<16xi32>
        %shift_left3A_635 = arith.shli %gather3A_632, %shift_left3A_634 : vector<16xi32>
        %bitcast_convert_type3A_636 = tpu.bitcast %shift_left3A_635 : vector<16xi32> -> vector<16xf32>
        %and3A_637 = arith.constant -65536 : i32
        %and3A_638 = vector.broadcast %and3A_637 : i32 to vector<16xi32>
        %and3A_639 = arith.andi %gather3A_632, %and3A_638 : vector<16xi32>
        %bitcast_convert_type3A_640 = tpu.bitcast %and3A_639 : vector<16xi32> -> vector<16xf32>
        %slice3A_641 = vector.extract_strided_slice %bitcast_convert_type3A {offsets = [8], sizes = [1], strides = [1]} : vector<16xf32> to vector<1xf32>
        %squeeze3A_642 = vector.extract %slice3A_641[0] : f32 from vector<1xf32>
        %sub3A_643 = vector.broadcast %squeeze3A_642 : f32 to vector<16xf32>
        %sub3A_644 = arith.subf %bitcast_convert_type3A_636, %sub3A_643 : vector<16xf32>
        %abs3A_645 = math.absf %sub3A_644 : vector<16xf32>
        %slice3A_646 = vector.extract_strided_slice %bitcast_convert_type3A_320 {offsets = [8], sizes = [1], strides = [1]} : vector<16xf32> to vector<1xf32>
        %squeeze3A_647 = vector.extract %slice3A_646[0] : f32 from vector<1xf32>
        %sub3A_648 = vector.broadcast %squeeze3A_647 : f32 to vector<16xf32>
        %sub3A_649 = arith.subf %bitcast_convert_type3A_640, %sub3A_648 : vector<16xf32>
        %abs3A_650 = math.absf %sub3A_649 : vector<16xf32>
        %add3A_651 = arith.addf %add3A_624, %abs3A_645 : vector<16xf32>
        %add3A_652 = arith.addf %add3A_625, %abs3A_650 : vector<16xf32>
        %broadcast_in_dim3A_653 = arith.constant 9 : i32
        %broadcast_in_dim3A_654 = vector.broadcast %broadcast_in_dim3A_653 : i32 to vector<16xi32>
        %gather3A_655 = arith.constant 0 : i32
        %gather3A_656 = arith.constant 0 : i32
        %gather3A_657 = tpu.memref_slice %arg6[%scan3A_284, %gather3A_655, %gather3A_656] : memref<4x400x24xi32, #tpu.memory_space<vmem>> -> memref<1x400x24xi32, #tpu.memory_space<vmem>>
        %gather3A_658 = tpu.memref_squeeze %gather3A_657 : memref<1x400x24xi32, #tpu.memory_space<vmem>> -> memref<400x24xi32, #tpu.memory_space<vmem>>
        %gather3A_659 = tpu.vector_load_idx %gather3A_658[%add3A_307, %broadcast_in_dim3A_654] : memref<400x24xi32, #tpu.memory_space<vmem>>[vector<16xi32>, vector<16xi32>], vector<16xi32>,
        %shift_left3A_660 = arith.constant 16 : i32
        %shift_left3A_661 = vector.broadcast %shift_left3A_660 : i32 to vector<16xi32>
        %shift_left3A_662 = arith.shli %gather3A_659, %shift_left3A_661 : vector<16xi32>
        %bitcast_convert_type3A_663 = tpu.bitcast %shift_left3A_662 : vector<16xi32> -> vector<16xf32>
        %and3A_664 = arith.constant -65536 : i32
        %and3A_665 = vector.broadcast %and3A_664 : i32 to vector<16xi32>
        %and3A_666 = arith.andi %gather3A_659, %and3A_665 : vector<16xi32>
        %bitcast_convert_type3A_667 = tpu.bitcast %and3A_666 : vector<16xi32> -> vector<16xf32>
        %slice3A_668 = vector.extract_strided_slice %bitcast_convert_type3A {offsets = [9], sizes = [1], strides = [1]} : vector<16xf32> to vector<1xf32>
        %squeeze3A_669 = vector.extract %slice3A_668[0] : f32 from vector<1xf32>
        %sub3A_670 = vector.broadcast %squeeze3A_669 : f32 to vector<16xf32>
        %sub3A_671 = arith.subf %bitcast_convert_type3A_663, %sub3A_670 : vector<16xf32>
        %abs3A_672 = math.absf %sub3A_671 : vector<16xf32>
        %slice3A_673 = vector.extract_strided_slice %bitcast_convert_type3A_320 {offsets = [9], sizes = [1], strides = [1]} : vector<16xf32> to vector<1xf32>
        %squeeze3A_674 = vector.extract %slice3A_673[0] : f32 from vector<1xf32>
        %sub3A_675 = vector.broadcast %squeeze3A_674 : f32 to vector<16xf32>
        %sub3A_676 = arith.subf %bitcast_convert_type3A_667, %sub3A_675 : vector<16xf32>
        %abs3A_677 = math.absf %sub3A_676 : vector<16xf32>
        %add3A_678 = arith.addf %add3A_651, %abs3A_672 : vector<16xf32>
        %add3A_679 = arith.addf %add3A_652, %abs3A_677 : vector<16xf32>
        %broadcast_in_dim3A_680 = arith.constant 10 : i32
        %broadcast_in_dim3A_681 = vector.broadcast %broadcast_in_dim3A_680 : i32 to vector<16xi32>
        %gather3A_682 = arith.constant 0 : i32
        %gather3A_683 = arith.constant 0 : i32
        %gather3A_684 = tpu.memref_slice %arg6[%scan3A_284, %gather3A_682, %gather3A_683] : memref<4x400x24xi32, #tpu.memory_space<vmem>> -> memref<1x400x24xi32, #tpu.memory_space<vmem>>
        %gather3A_685 = tpu.memref_squeeze %gather3A_684 : memref<1x400x24xi32, #tpu.memory_space<vmem>> -> memref<400x24xi32, #tpu.memory_space<vmem>>
        %gather3A_686 = tpu.vector_load_idx %gather3A_685[%add3A_307, %broadcast_in_dim3A_681] : memref<400x24xi32, #tpu.memory_space<vmem>>[vector<16xi32>, vector<16xi32>], vector<16xi32>,
        %shift_left3A_687 = arith.constant 16 : i32
        %shift_left3A_688 = vector.broadcast %shift_left3A_687 : i32 to vector<16xi32>
        %shift_left3A_689 = arith.shli %gather3A_686, %shift_left3A_688 : vector<16xi32>
        %bitcast_convert_type3A_690 = tpu.bitcast %shift_left3A_689 : vector<16xi32> -> vector<16xf32>
        %and3A_691 = arith.constant -65536 : i32
        %and3A_692 = vector.broadcast %and3A_691 : i32 to vector<16xi32>
        %and3A_693 = arith.andi %gather3A_686, %and3A_692 : vector<16xi32>
        %bitcast_convert_type3A_694 = tpu.bitcast %and3A_693 : vector<16xi32> -> vector<16xf32>
        %slice3A_695 = vector.extract_strided_slice %bitcast_convert_type3A {offsets = [10], sizes = [1], strides = [1]} : vector<16xf32> to vector<1xf32>
        %squeeze3A_696 = vector.extract %slice3A_695[0] : f32 from vector<1xf32>
        %sub3A_697 = vector.broadcast %squeeze3A_696 : f32 to vector<16xf32>
        %sub3A_698 = arith.subf %bitcast_convert_type3A_690, %sub3A_697 : vector<16xf32>
        %abs3A_699 = math.absf %sub3A_698 : vector<16xf32>
        %slice3A_700 = vector.extract_strided_slice %bitcast_convert_type3A_320 {offsets = [10], sizes = [1], strides = [1]} : vector<16xf32> to vector<1xf32>
        %squeeze3A_701 = vector.extract %slice3A_700[0] : f32 from vector<1xf32>
        %sub3A_702 = vector.broadcast %squeeze3A_701 : f32 to vector<16xf32>
        %sub3A_703 = arith.subf %bitcast_convert_type3A_694, %sub3A_702 : vector<16xf32>
        %abs3A_704 = math.absf %sub3A_703 : vector<16xf32>
        %add3A_705 = arith.addf %add3A_678, %abs3A_699 : vector<16xf32>
        %add3A_706 = arith.addf %add3A_679, %abs3A_704 : vector<16xf32>
        %broadcast_in_dim3A_707 = arith.constant 11 : i32
        %broadcast_in_dim3A_708 = vector.broadcast %broadcast_in_dim3A_707 : i32 to vector<16xi32>
        %gather3A_709 = arith.constant 0 : i32
        %gather3A_710 = arith.constant 0 : i32
        %gather3A_711 = tpu.memref_slice %arg6[%scan3A_284, %gather3A_709, %gather3A_710] : memref<4x400x24xi32, #tpu.memory_space<vmem>> -> memref<1x400x24xi32, #tpu.memory_space<vmem>>
        %gather3A_712 = tpu.memref_squeeze %gather3A_711 : memref<1x400x24xi32, #tpu.memory_space<vmem>> -> memref<400x24xi32, #tpu.memory_space<vmem>>
        %gather3A_713 = tpu.vector_load_idx %gather3A_712[%add3A_307, %broadcast_in_dim3A_708] : memref<400x24xi32, #tpu.memory_space<vmem>>[vector<16xi32>, vector<16xi32>], vector<16xi32>,
        %shift_left3A_714 = arith.constant 16 : i32
        %shift_left3A_715 = vector.broadcast %shift_left3A_714 : i32 to vector<16xi32>
        %shift_left3A_716 = arith.shli %gather3A_713, %shift_left3A_715 : vector<16xi32>
        %bitcast_convert_type3A_717 = tpu.bitcast %shift_left3A_716 : vector<16xi32> -> vector<16xf32>
        %and3A_718 = arith.constant -65536 : i32
        %and3A_719 = vector.broadcast %and3A_718 : i32 to vector<16xi32>
        %and3A_720 = arith.andi %gather3A_713, %and3A_719 : vector<16xi32>
        %bitcast_convert_type3A_721 = tpu.bitcast %and3A_720 : vector<16xi32> -> vector<16xf32>
        %slice3A_722 = vector.extract_strided_slice %bitcast_convert_type3A {offsets = [11], sizes = [1], strides = [1]} : vector<16xf32> to vector<1xf32>
        %squeeze3A_723 = vector.extract %slice3A_722[0] : f32 from vector<1xf32>
        %sub3A_724 = vector.broadcast %squeeze3A_723 : f32 to vector<16xf32>
        %sub3A_725 = arith.subf %bitcast_convert_type3A_717, %sub3A_724 : vector<16xf32>
        %abs3A_726 = math.absf %sub3A_725 : vector<16xf32>
        %slice3A_727 = vector.extract_strided_slice %bitcast_convert_type3A_320 {offsets = [11], sizes = [1], strides = [1]} : vector<16xf32> to vector<1xf32>
        %squeeze3A_728 = vector.extract %slice3A_727[0] : f32 from vector<1xf32>
        %sub3A_729 = vector.broadcast %squeeze3A_728 : f32 to vector<16xf32>
        %sub3A_730 = arith.subf %bitcast_convert_type3A_721, %sub3A_729 : vector<16xf32>
        %abs3A_731 = math.absf %sub3A_730 : vector<16xf32>
        %add3A_732 = arith.addf %add3A_705, %abs3A_726 : vector<16xf32>
        %add3A_733 = arith.addf %add3A_706, %abs3A_731 : vector<16xf32>
        %broadcast_in_dim3A_734 = arith.constant 12 : i32
        %broadcast_in_dim3A_735 = vector.broadcast %broadcast_in_dim3A_734 : i32 to vector<16xi32>
        %gather3A_736 = arith.constant 0 : i32
        %gather3A_737 = arith.constant 0 : i32
        %gather3A_738 = tpu.memref_slice %arg6[%scan3A_284, %gather3A_736, %gather3A_737] : memref<4x400x24xi32, #tpu.memory_space<vmem>> -> memref<1x400x24xi32, #tpu.memory_space<vmem>>
        %gather3A_739 = tpu.memref_squeeze %gather3A_738 : memref<1x400x24xi32, #tpu.memory_space<vmem>> -> memref<400x24xi32, #tpu.memory_space<vmem>>
        %gather3A_740 = tpu.vector_load_idx %gather3A_739[%add3A_307, %broadcast_in_dim3A_735] : memref<400x24xi32, #tpu.memory_space<vmem>>[vector<16xi32>, vector<16xi32>], vector<16xi32>,
        %shift_left3A_741 = arith.constant 16 : i32
        %shift_left3A_742 = vector.broadcast %shift_left3A_741 : i32 to vector<16xi32>
        %shift_left3A_743 = arith.shli %gather3A_740, %shift_left3A_742 : vector<16xi32>
        %bitcast_convert_type3A_744 = tpu.bitcast %shift_left3A_743 : vector<16xi32> -> vector<16xf32>
        %and3A_745 = arith.constant -65536 : i32
        %and3A_746 = vector.broadcast %and3A_745 : i32 to vector<16xi32>
        %and3A_747 = arith.andi %gather3A_740, %and3A_746 : vector<16xi32>
        %bitcast_convert_type3A_748 = tpu.bitcast %and3A_747 : vector<16xi32> -> vector<16xf32>
        %slice3A_749 = vector.extract_strided_slice %bitcast_convert_type3A {offsets = [12], sizes = [1], strides = [1]} : vector<16xf32> to vector<1xf32>
        %squeeze3A_750 = vector.extract %slice3A_749[0] : f32 from vector<1xf32>
        %sub3A_751 = vector.broadcast %squeeze3A_750 : f32 to vector<16xf32>
        %sub3A_752 = arith.subf %bitcast_convert_type3A_744, %sub3A_751 : vector<16xf32>
        %abs3A_753 = math.absf %sub3A_752 : vector<16xf32>
        %slice3A_754 = vector.extract_strided_slice %bitcast_convert_type3A_320 {offsets = [12], sizes = [1], strides = [1]} : vector<16xf32> to vector<1xf32>
        %squeeze3A_755 = vector.extract %slice3A_754[0] : f32 from vector<1xf32>
        %sub3A_756 = vector.broadcast %squeeze3A_755 : f32 to vector<16xf32>
        %sub3A_757 = arith.subf %bitcast_convert_type3A_748, %sub3A_756 : vector<16xf32>
        %abs3A_758 = math.absf %sub3A_757 : vector<16xf32>
        %add3A_759 = arith.addf %add3A_732, %abs3A_753 : vector<16xf32>
        %add3A_760 = arith.addf %add3A_733, %abs3A_758 : vector<16xf32>
        %broadcast_in_dim3A_761 = arith.constant 13 : i32
        %broadcast_in_dim3A_762 = vector.broadcast %broadcast_in_dim3A_761 : i32 to vector<16xi32>
        %gather3A_763 = arith.constant 0 : i32
        %gather3A_764 = arith.constant 0 : i32
        %gather3A_765 = tpu.memref_slice %arg6[%scan3A_284, %gather3A_763, %gather3A_764] : memref<4x400x24xi32, #tpu.memory_space<vmem>> -> memref<1x400x24xi32, #tpu.memory_space<vmem>>
        %gather3A_766 = tpu.memref_squeeze %gather3A_765 : memref<1x400x24xi32, #tpu.memory_space<vmem>> -> memref<400x24xi32, #tpu.memory_space<vmem>>
        %gather3A_767 = tpu.vector_load_idx %gather3A_766[%add3A_307, %broadcast_in_dim3A_762] : memref<400x24xi32, #tpu.memory_space<vmem>>[vector<16xi32>, vector<16xi32>], vector<16xi32>,
        %shift_left3A_768 = arith.constant 16 : i32
        %shift_left3A_769 = vector.broadcast %shift_left3A_768 : i32 to vector<16xi32>
        %shift_left3A_770 = arith.shli %gather3A_767, %shift_left3A_769 : vector<16xi32>
        %bitcast_convert_type3A_771 = tpu.bitcast %shift_left3A_770 : vector<16xi32> -> vector<16xf32>
        %and3A_772 = arith.constant -65536 : i32
        %and3A_773 = vector.broadcast %and3A_772 : i32 to vector<16xi32>
        %and3A_774 = arith.andi %gather3A_767, %and3A_773 : vector<16xi32>
        %bitcast_convert_type3A_775 = tpu.bitcast %and3A_774 : vector<16xi32> -> vector<16xf32>
        %slice3A_776 = vector.extract_strided_slice %bitcast_convert_type3A {offsets = [13], sizes = [1], strides = [1]} : vector<16xf32> to vector<1xf32>
        %squeeze3A_777 = vector.extract %slice3A_776[0] : f32 from vector<1xf32>
        %sub3A_778 = vector.broadcast %squeeze3A_777 : f32 to vector<16xf32>
        %sub3A_779 = arith.subf %bitcast_convert_type3A_771, %sub3A_778 : vector<16xf32>
        %abs3A_780 = math.absf %sub3A_779 : vector<16xf32>
        %slice3A_781 = vector.extract_strided_slice %bitcast_convert_type3A_320 {offsets = [13], sizes = [1], strides = [1]} : vector<16xf32> to vector<1xf32>
        %squeeze3A_782 = vector.extract %slice3A_781[0] : f32 from vector<1xf32>
        %sub3A_783 = vector.broadcast %squeeze3A_782 : f32 to vector<16xf32>
        %sub3A_784 = arith.subf %bitcast_convert_type3A_775, %sub3A_783 : vector<16xf32>
        %abs3A_785 = math.absf %sub3A_784 : vector<16xf32>
        %add3A_786 = arith.addf %add3A_759, %abs3A_780 : vector<16xf32>
        %add3A_787 = arith.addf %add3A_760, %abs3A_785 : vector<16xf32>
        %broadcast_in_dim3A_788 = arith.constant 14 : i32
        %broadcast_in_dim3A_789 = vector.broadcast %broadcast_in_dim3A_788 : i32 to vector<16xi32>
        %gather3A_790 = arith.constant 0 : i32
        %gather3A_791 = arith.constant 0 : i32
        %gather3A_792 = tpu.memref_slice %arg6[%scan3A_284, %gather3A_790, %gather3A_791] : memref<4x400x24xi32, #tpu.memory_space<vmem>> -> memref<1x400x24xi32, #tpu.memory_space<vmem>>
        %gather3A_793 = tpu.memref_squeeze %gather3A_792 : memref<1x400x24xi32, #tpu.memory_space<vmem>> -> memref<400x24xi32, #tpu.memory_space<vmem>>
        %gather3A_794 = tpu.vector_load_idx %gather3A_793[%add3A_307, %broadcast_in_dim3A_789] : memref<400x24xi32, #tpu.memory_space<vmem>>[vector<16xi32>, vector<16xi32>], vector<16xi32>,
        %shift_left3A_795 = arith.constant 16 : i32
        %shift_left3A_796 = vector.broadcast %shift_left3A_795 : i32 to vector<16xi32>
        %shift_left3A_797 = arith.shli %gather3A_794, %shift_left3A_796 : vector<16xi32>
        %bitcast_convert_type3A_798 = tpu.bitcast %shift_left3A_797 : vector<16xi32> -> vector<16xf32>
        %and3A_799 = arith.constant -65536 : i32
        %and3A_800 = vector.broadcast %and3A_799 : i32 to vector<16xi32>
        %and3A_801 = arith.andi %gather3A_794, %and3A_800 : vector<16xi32>
        %bitcast_convert_type3A_802 = tpu.bitcast %and3A_801 : vector<16xi32> -> vector<16xf32>
        %slice3A_803 = vector.extract_strided_slice %bitcast_convert_type3A {offsets = [14], sizes = [1], strides = [1]} : vector<16xf32> to vector<1xf32>
        %squeeze3A_804 = vector.extract %slice3A_803[0] : f32 from vector<1xf32>
        %sub3A_805 = vector.broadcast %squeeze3A_804 : f32 to vector<16xf32>
        %sub3A_806 = arith.subf %bitcast_convert_type3A_798, %sub3A_805 : vector<16xf32>
        %abs3A_807 = math.absf %sub3A_806 : vector<16xf32>
        %slice3A_808 = vector.extract_strided_slice %bitcast_convert_type3A_320 {offsets = [14], sizes = [1], strides = [1]} : vector<16xf32> to vector<1xf32>
        %squeeze3A_809 = vector.extract %slice3A_808[0] : f32 from vector<1xf32>
        %sub3A_810 = vector.broadcast %squeeze3A_809 : f32 to vector<16xf32>
        %sub3A_811 = arith.subf %bitcast_convert_type3A_802, %sub3A_810 : vector<16xf32>
        %abs3A_812 = math.absf %sub3A_811 : vector<16xf32>
        %add3A_813 = arith.addf %add3A_786, %abs3A_807 : vector<16xf32>
        %add3A_814 = arith.addf %add3A_787, %abs3A_812 : vector<16xf32>
        %broadcast_in_dim3A_815 = arith.constant 15 : i32
        %broadcast_in_dim3A_816 = vector.broadcast %broadcast_in_dim3A_815 : i32 to vector<16xi32>
        %gather3A_817 = arith.constant 0 : i32
        %gather3A_818 = arith.constant 0 : i32
        %gather3A_819 = tpu.memref_slice %arg6[%scan3A_284, %gather3A_817, %gather3A_818] : memref<4x400x24xi32, #tpu.memory_space<vmem>> -> memref<1x400x24xi32, #tpu.memory_space<vmem>>
        %gather3A_820 = tpu.memref_squeeze %gather3A_819 : memref<1x400x24xi32, #tpu.memory_space<vmem>> -> memref<400x24xi32, #tpu.memory_space<vmem>>
        %gather3A_821 = tpu.vector_load_idx %gather3A_820[%add3A_307, %broadcast_in_dim3A_816] : memref<400x24xi32, #tpu.memory_space<vmem>>[vector<16xi32>, vector<16xi32>], vector<16xi32>,
        %shift_left3A_822 = arith.constant 16 : i32
        %shift_left3A_823 = vector.broadcast %shift_left3A_822 : i32 to vector<16xi32>
        %shift_left3A_824 = arith.shli %gather3A_821, %shift_left3A_823 : vector<16xi32>
        %bitcast_convert_type3A_825 = tpu.bitcast %shift_left3A_824 : vector<16xi32> -> vector<16xf32>
        %and3A_826 = arith.constant -65536 : i32
        %and3A_827 = vector.broadcast %and3A_826 : i32 to vector<16xi32>
        %and3A_828 = arith.andi %gather3A_821, %and3A_827 : vector<16xi32>
        %bitcast_convert_type3A_829 = tpu.bitcast %and3A_828 : vector<16xi32> -> vector<16xf32>
        %slice3A_830 = vector.extract_strided_slice %bitcast_convert_type3A {offsets = [15], sizes = [1], strides = [1]} : vector<16xf32> to vector<1xf32>
        %squeeze3A_831 = vector.extract %slice3A_830[0] : f32 from vector<1xf32>
        %sub3A_832 = vector.broadcast %squeeze3A_831 : f32 to vector<16xf32>
        %sub3A_833 = arith.subf %bitcast_convert_type3A_825, %sub3A_832 : vector<16xf32>
        %abs3A_834 = math.absf %sub3A_833 : vector<16xf32>
        %slice3A_835 = vector.extract_strided_slice %bitcast_convert_type3A_320 {offsets = [15], sizes = [1], strides = [1]} : vector<16xf32> to vector<1xf32>
        %squeeze3A_836 = vector.extract %slice3A_835[0] : f32 from vector<1xf32>
        %sub3A_837 = vector.broadcast %squeeze3A_836 : f32 to vector<16xf32>
        %sub3A_838 = arith.subf %bitcast_convert_type3A_829, %sub3A_837 : vector<16xf32>
        %abs3A_839 = math.absf %sub3A_838 : vector<16xf32>
        %add3A_840 = arith.addf %add3A_813, %abs3A_834 : vector<16xf32>
        %add3A_841 = arith.addf %add3A_814, %abs3A_839 : vector<16xf32>
        %mul3A_842 = arith.mulf %add3A_840, %mul3A_412 : vector<16xf32>
        %add3A_843 = arith.addf %scan3A_299, %mul3A_842 : vector<16xf32>
        %mul3A_844 = arith.mulf %add3A_841, %mul3A_412 : vector<16xf32>
        %add3A_845 = arith.addf %scan3A_300, %mul3A_844 : vector<16xf32>
        %sub3A_846 = arith.subf %bitcast_convert_type3A, %bitcast_convert_type3A_320 : vector<16xf32>
        %mul3A_847 = arith.mulf %sub3A_846, %sub3A_846 : vector<16xf32>
        %mul3A_848 = vector.broadcast %select_n3A_410 : f32 to vector<16xf32>
        %mul3A_849 = arith.mulf %mul3A_847, %mul3A_848 : vector<16xf32>
        %add3A_850 = arith.addf %scan3A_301, %mul3A_849 : vector<16xf32>
        %mul3A_851 = arith.mulf %bitcast_convert_type3A_320, %bitcast_convert_type3A_320 : vector<16xf32>
        %mul3A_852 = vector.broadcast %select_n3A_410 : f32 to vector<16xf32>
        %mul3A_853 = arith.mulf %mul3A_851, %mul3A_852 : vector<16xf32>
        %add3A_854 = arith.addf %scan3A_302, %mul3A_853 : vector<16xf32>
        scf.yield %add3A_843, %add3A_845, %add3A_850, %add3A_854 : vector<16xf32>, vector<16xf32>, vector<16xf32>, vector<16xf32>
      }
      %scan3A_290 = arith.constant 25 : i32
      %add3A_291 = arith.constant 4 : i32
      %add3A_292 = arith.addi %add3A_267, %add3A_291 : i32
      %lt3A_293 = arith.constant 128 : i32
      %lt3A_294 = arith.cmpi slt, %add3A_292, %lt3A_293 : i32
      %convert_element_type3A_295 = arith.extui %lt3A_294 : i1 to i32
      %cond3A_296 = arith.constant 0 : i32
      %cond3A_297 = arith.cmpi ne, %convert_element_type3A_295, %cond3A_296 : i32
      scf.if %cond3A_297 {
        %add3A_298 = arith.constant 4 : i32
        %add3A_299 = arith.addi %add3A_267, %add3A_298 : i32
        %mul3A_300 = arith.constant 25 : i32
        %mul3A_301 = arith.muli %add3A_299, %mul3A_300 : i32
        %add3A_302 = arith.addi %mul3A_5, %mul3A_301 : i32
        %min3A_303 = arith.constant 49975 : i32
        %min3A_304 = arith.minsi %add3A_302, %min3A_303 : i32
        %mul3A_305 = arith.constant 800000 : i32
        %mul3A_306 = arith.muli %arg0, %mul3A_305 : i32
        %mul3A_307 = arith.constant 16 : i32
        %mul3A_308 = arith.muli %min3A_304, %mul3A_307 : i32
        %add3A_309 = arith.addi %mul3A_306, %mul3A_308 : i32
        %run_scoped3A_310 = arith.constant 3 : i32
        "tpu.region"() ({
          %run_scoped3A_329 = tpu.sem_alloc : memref<!tpu.dma_semaphore, #tpu.memory_space<semaphore_mem>>
          %dma_start3A_330 = arith.constant 0 : i32
          %dma_start3A_331 = tpu.memref_slice %arg8[%run_scoped3A_310, %dma_start3A_330] : memref<4x400xi32, #tpu.memory_space<vmem>> -> memref<1x400xi32, #tpu.memory_space<vmem>>
          %dma_start3A_332 = tpu.memref_squeeze %dma_start3A_331 : memref<1x400xi32, #tpu.memory_space<vmem>> -> memref<400xi32, #tpu.memory_space<vmem>>
          %dma_start3A_333 = tpu.memref_slice %arg3[%add3A_309] : memref<1600000xi32, #tpu.memory_space<hbm>> -> memref<400xi32, #tpu.memory_space<hbm>>
          %dma_start3A_334 = arith.constant 0 : i32
          %dma_start3A_335 = tpu.memref_slice %arg8[%run_scoped3A_310, %dma_start3A_334] : memref<4x400xi32, #tpu.memory_space<vmem>> -> memref<1x400xi32, #tpu.memory_space<vmem>>
          %dma_start3A_336 = tpu.memref_squeeze %dma_start3A_335 : memref<1x400xi32, #tpu.memory_space<vmem>> -> memref<400xi32, #tpu.memory_space<vmem>>
          %dma_start3A_337 = tpu.memref_slice %arg3[%add3A_309] : memref<1600000xi32, #tpu.memory_space<hbm>> -> memref<400xi32, #tpu.memory_space<hbm>>
          tpu.enqueue_dma source(%dma_start3A_337 : memref<400xi32, #tpu.memory_space<hbm>>) target(%dma_start3A_336 : memref<400xi32, #tpu.memory_space<vmem>>) target_semaphore(%run_scoped3A_329 : memref<!tpu.dma_semaphore, #tpu.memory_space<semaphore_mem>>)
          %dma_wait3A_338 = arith.constant 0 : i32
          %dma_wait3A_339 = tpu.memref_slice %arg8[%run_scoped3A_310, %dma_wait3A_338] : memref<4x400xi32, #tpu.memory_space<vmem>> -> memref<1x400xi32, #tpu.memory_space<vmem>>
          %dma_wait3A_340 = tpu.memref_squeeze %dma_wait3A_339 : memref<1x400xi32, #tpu.memory_space<vmem>> -> memref<400xi32, #tpu.memory_space<vmem>>
          %dma_wait3A_341 = tpu.memref_slice %arg3[%add3A_309] : memref<1600000xi32, #tpu.memory_space<hbm>> -> memref<400xi32, #tpu.memory_space<hbm>>
          %dma_wait3A_342 = arith.constant 0 : i32
          %dma_wait3A_343 = tpu.memref_slice %arg8[%run_scoped3A_310, %dma_wait3A_342] : memref<4x400xi32, #tpu.memory_space<vmem>> -> memref<1x400xi32, #tpu.memory_space<vmem>>
          %dma_wait3A_344 = tpu.memref_squeeze %dma_wait3A_343 : memref<1x400xi32, #tpu.memory_space<vmem>> -> memref<400xi32, #tpu.memory_space<vmem>>
          %dma_wait3A_345 = tpu.memref_slice %arg3[%add3A_309] : memref<1600000xi32, #tpu.memory_space<hbm>> -> memref<400xi32, #tpu.memory_space<hbm>>
          tpu.wait_dma2 semaphore(%run_scoped3A_329 : memref<!tpu.dma_semaphore, #tpu.memory_space<semaphore_mem>>) src(%dma_wait3A_345 : memref<400xi32, #tpu.memory_space<hbm>>) dst(%dma_wait3A_344 : memref<400xi32, #tpu.memory_space<vmem>>)
          tpu.yield
        }) : () -> ()
        %run_scoped3A_311 = arith.constant 3 : i32
        %run_scoped3A_312 = arith.constant 0 : i32
        "tpu.region"() ({
          %run_scoped3A_329 = tpu.sem_alloc : memref<!tpu.dma_semaphore, #tpu.memory_space<semaphore_mem>>
          %dma_start3A_330 = arith.constant 0 : i32
          %dma_start3A_331 = arith.constant 0 : i32
          %dma_start3A_332 = tpu.memref_slice %arg7[%run_scoped3A_311, %run_scoped3A_312, %dma_start3A_330, %dma_start3A_331] : memref<4x2x25x24xi32, #tpu.memory_space<vmem>> -> memref<1x1x25x24xi32, #tpu.memory_space<vmem>>
          %dma_start3A_333 = tpu.memref_squeeze %dma_start3A_332 : memref<1x1x25x24xi32, #tpu.memory_space<vmem>> -> memref<25x24xi32, #tpu.memory_space<vmem>>
          %dma_start3A_334 = arith.constant 0 : i32
          %dma_start3A_335 = tpu.memref_slice %arg2[%min3A_304, %dma_start3A_334] : memref<100000x24xi32, #tpu.memory_space<hbm>> -> memref<25x24xi32, #tpu.memory_space<hbm>>
          %dma_start3A_336 = arith.constant 0 : i32
          %dma_start3A_337 = arith.constant 0 : i32
          %dma_start3A_338 = tpu.memref_slice %arg7[%run_scoped3A_311, %run_scoped3A_312, %dma_start3A_336, %dma_start3A_337] : memref<4x2x25x24xi32, #tpu.memory_space<vmem>> -> memref<1x1x25x24xi32, #tpu.memory_space<vmem>>
          %dma_start3A_339 = tpu.memref_squeeze %dma_start3A_338 : memref<1x1x25x24xi32, #tpu.memory_space<vmem>> -> memref<25x24xi32, #tpu.memory_space<vmem>>
          %dma_start3A_340 = arith.constant 0 : i32
          %dma_start3A_341 = tpu.memref_slice %arg2[%min3A_304, %dma_start3A_340] : memref<100000x24xi32, #tpu.memory_space<hbm>> -> memref<25x24xi32, #tpu.memory_space<hbm>>
          tpu.enqueue_dma source(%dma_start3A_341 : memref<25x24xi32, #tpu.memory_space<hbm>>) target(%dma_start3A_339 : memref<25x24xi32, #tpu.memory_space<vmem>>) target_semaphore(%run_scoped3A_329 : memref<!tpu.dma_semaphore, #tpu.memory_space<semaphore_mem>>)
          %dma_wait3A_342 = arith.constant 0 : i32
          %dma_wait3A_343 = arith.constant 0 : i32
          %dma_wait3A_344 = tpu.memref_slice %arg7[%run_scoped3A_311, %run_scoped3A_312, %dma_wait3A_342, %dma_wait3A_343] : memref<4x2x25x24xi32, #tpu.memory_space<vmem>> -> memref<1x1x25x24xi32, #tpu.memory_space<vmem>>
          %dma_wait3A_345 = tpu.memref_squeeze %dma_wait3A_344 : memref<1x1x25x24xi32, #tpu.memory_space<vmem>> -> memref<25x24xi32, #tpu.memory_space<vmem>>
          %dma_wait3A_346 = arith.constant 0 : i32
          %dma_wait3A_347 = tpu.memref_slice %arg2[%min3A_304, %dma_wait3A_346] : memref<100000x24xi32, #tpu.memory_space<hbm>> -> memref<25x24xi32, #tpu.memory_space<hbm>>
          %dma_wait3A_348 = arith.constant 0 : i32
          %dma_wait3A_349 = arith.constant 0 : i32
          %dma_wait3A_350 = tpu.memref_slice %arg7[%run_scoped3A_311, %run_scoped3A_312, %dma_wait3A_348, %dma_wait3A_349] : memref<4x2x25x24xi32, #tpu.memory_space<vmem>> -> memref<1x1x25x24xi32, #tpu.memory_space<vmem>>
          %dma_wait3A_351 = tpu.memref_squeeze %dma_wait3A_350 : memref<1x1x25x24xi32, #tpu.memory_space<vmem>> -> memref<25x24xi32, #tpu.memory_space<vmem>>
          %dma_wait3A_352 = arith.constant 0 : i32
          %dma_wait3A_353 = tpu.memref_slice %arg2[%min3A_304, %dma_wait3A_352] : memref<100000x24xi32, #tpu.memory_space<hbm>> -> memref<25x24xi32, #tpu.memory_space<hbm>>
          tpu.wait_dma2 semaphore(%run_scoped3A_329 : memref<!tpu.dma_semaphore, #tpu.memory_space<semaphore_mem>>) src(%dma_wait3A_353 : memref<25x24xi32, #tpu.memory_space<hbm>>) dst(%dma_wait3A_351 : memref<25x24xi32, #tpu.memory_space<vmem>>)
          tpu.yield
        }) : () -> ()
        %add3A_313 = arith.constant 50000 : i32
        %add3A_314 = arith.addi %add3A_313, %min3A_304 : i32
        %run_scoped3A_315 = arith.constant 3 : i32
        %run_scoped3A_316 = arith.constant 1 : i32
        "tpu.region"() ({
          %run_scoped3A_329 = tpu.sem_alloc : memref<!tpu.dma_semaphore, #tpu.memory_space<semaphore_mem>>
          %dma_start3A_330 = arith.constant 0 : i32
          %dma_start3A_331 = arith.constant 0 : i32
          %dma_start3A_332 = tpu.memref_slice %arg7[%run_scoped3A_315, %run_scoped3A_316, %dma_start3A_330, %dma_start3A_331] : memref<4x2x25x24xi32, #tpu.memory_space<vmem>> -> memref<1x1x25x24xi32, #tpu.memory_space<vmem>>
          %dma_start3A_333 = tpu.memref_squeeze %dma_start3A_332 : memref<1x1x25x24xi32, #tpu.memory_space<vmem>> -> memref<25x24xi32, #tpu.memory_space<vmem>>
          %dma_start3A_334 = arith.constant 0 : i32
          %dma_start3A_335 = tpu.memref_slice %arg2[%add3A_314, %dma_start3A_334] : memref<100000x24xi32, #tpu.memory_space<hbm>> -> memref<25x24xi32, #tpu.memory_space<hbm>>
          %dma_start3A_336 = arith.constant 0 : i32
          %dma_start3A_337 = arith.constant 0 : i32
          %dma_start3A_338 = tpu.memref_slice %arg7[%run_scoped3A_315, %run_scoped3A_316, %dma_start3A_336, %dma_start3A_337] : memref<4x2x25x24xi32, #tpu.memory_space<vmem>> -> memref<1x1x25x24xi32, #tpu.memory_space<vmem>>
          %dma_start3A_339 = tpu.memref_squeeze %dma_start3A_338 : memref<1x1x25x24xi32, #tpu.memory_space<vmem>> -> memref<25x24xi32, #tpu.memory_space<vmem>>
          %dma_start3A_340 = arith.constant 0 : i32
          %dma_start3A_341 = tpu.memref_slice %arg2[%add3A_314, %dma_start3A_340] : memref<100000x24xi32, #tpu.memory_space<hbm>> -> memref<25x24xi32, #tpu.memory_space<hbm>>
          tpu.enqueue_dma source(%dma_start3A_341 : memref<25x24xi32, #tpu.memory_space<hbm>>) target(%dma_start3A_339 : memref<25x24xi32, #tpu.memory_space<vmem>>) target_semaphore(%run_scoped3A_329 : memref<!tpu.dma_semaphore, #tpu.memory_space<semaphore_mem>>)
          %dma_wait3A_342 = arith.constant 0 : i32
          %dma_wait3A_343 = arith.constant 0 : i32
          %dma_wait3A_344 = tpu.memref_slice %arg7[%run_scoped3A_315, %run_scoped3A_316, %dma_wait3A_342, %dma_wait3A_343] : memref<4x2x25x24xi32, #tpu.memory_space<vmem>> -> memref<1x1x25x24xi32, #tpu.memory_space<vmem>>
          %dma_wait3A_345 = tpu.memref_squeeze %dma_wait3A_344 : memref<1x1x25x24xi32, #tpu.memory_space<vmem>> -> memref<25x24xi32, #tpu.memory_space<vmem>>
          %dma_wait3A_346 = arith.constant 0 : i32
          %dma_wait3A_347 = tpu.memref_slice %arg2[%add3A_314, %dma_wait3A_346] : memref<100000x24xi32, #tpu.memory_space<hbm>> -> memref<25x24xi32, #tpu.memory_space<hbm>>
          %dma_wait3A_348 = arith.constant 0 : i32
          %dma_wait3A_349 = arith.constant 0 : i32
          %dma_wait3A_350 = tpu.memref_slice %arg7[%run_scoped3A_315, %run_scoped3A_316, %dma_wait3A_348, %dma_wait3A_349] : memref<4x2x25x24xi32, #tpu.memory_space<vmem>> -> memref<1x1x25x24xi32, #tpu.memory_space<vmem>>
          %dma_wait3A_351 = tpu.memref_squeeze %dma_wait3A_350 : memref<1x1x25x24xi32, #tpu.memory_space<vmem>> -> memref<25x24xi32, #tpu.memory_space<vmem>>
          %dma_wait3A_352 = arith.constant 0 : i32
          %dma_wait3A_353 = tpu.memref_slice %arg2[%add3A_314, %dma_wait3A_352] : memref<100000x24xi32, #tpu.memory_space<hbm>> -> memref<25x24xi32, #tpu.memory_space<hbm>>
          tpu.wait_dma2 semaphore(%run_scoped3A_329 : memref<!tpu.dma_semaphore, #tpu.memory_space<semaphore_mem>>) src(%dma_wait3A_353 : memref<25x24xi32, #tpu.memory_space<hbm>>) dst(%dma_wait3A_351 : memref<25x24xi32, #tpu.memory_space<vmem>>)
          tpu.yield
        }) : () -> ()
        %dma_start3A_317 = arith.constant 3 : i32
        %dma_start3A_318 = arith.constant 3 : i32
        %dma_start3A_319 = arith.constant 0 : i32
        %dma_start3A_320 = arith.constant 0 : i32
        %dma_start3A_321 = tpu.memref_slice %arg6[%dma_start3A_318, %dma_start3A_319, %dma_start3A_320] : memref<4x400x24xi32, #tpu.memory_space<vmem>> -> memref<1x400x24xi32, #tpu.memory_space<vmem>>
        %dma_start3A_322 = tpu.memref_squeeze %dma_start3A_321 : memref<1x400x24xi32, #tpu.memory_space<vmem>> -> memref<400x24xi32, #tpu.memory_space<vmem>>
        %dma_start3A_323 = arith.constant 0 : i32
        %dma_start3A_324 = tpu.memref_slice %arg8[%dma_start3A_317, %dma_start3A_323] : memref<4x400xi32, #tpu.memory_space<vmem>> -> memref<1x400xi32, #tpu.memory_space<vmem>>
        %dma_start3A_325 = tpu.memref_squeeze %dma_start3A_324 : memref<1x400xi32, #tpu.memory_space<vmem>> -> memref<400xi32, #tpu.memory_space<vmem>>
        %dma_start3A_326 = arith.constant 0 : i32
        %dma_start3A_327 = arith.constant 0 : i32
        %dma_start3A_328 = tpu.memref_slice %arg5[%dma_start3A_326, %dma_start3A_327] : memref<50000x24xi32, #tpu.memory_space<vmem_shared>> -> memref<50000x24xi32, #tpu.memory_space<vmem_shared>>
        tpu.enqueue_indirect_dma source(%dma_start3A_328 : memref<50000x24xi32, #tpu.memory_space<vmem_shared>>) target(%dma_start3A_322 : memref<400x24xi32, #tpu.memory_space<vmem>>) offsets(%dma_start3A_325 : memref<400xi32, #tpu.memory_space<vmem>>) semaphore(%arg13 : memref<!tpu.dma_semaphore, #tpu.memory_space<semaphore_mem>>)
      } else {
      }
      scf.yield %scan3A_289#0, %scan3A_289#1, %scan3A_289#2, %scan3A_289#3 : vector<16xf32>, vector<16xf32>, vector<16xf32>, vector<16xf32>
    }
    %scan3A_145 = arith.constant 32 : i32
    %swap3A = arith.constant 0 : i32
    %swap3A_146 = arith.index_cast %swap3A : i32 to index
    %swap3A_147 = arith.constant 0 : index
    %swap3A_148 = tpu.vector_load %arg9[%swap3A_146, %swap3A_147] {strides = array<i32>} : memref<4x16xf32, #tpu.memory_space<vmem>>, vector<16xf32>,
    tpu.vector_store %arg9[%swap3A_146, %swap3A_147], %scan3A_144#0 {strides = array<i32>} : memref<4x16xf32, #tpu.memory_space<vmem>>, vector<16xf32>,
    %swap3A_149 = arith.constant 1 : i32
    %swap3A_150 = arith.index_cast %swap3A_149 : i32 to index
    %swap3A_151 = arith.constant 0 : index
    %swap3A_152 = tpu.vector_load %arg9[%swap3A_150, %swap3A_151] {strides = array<i32>} : memref<4x16xf32, #tpu.memory_space<vmem>>, vector<16xf32>,
    tpu.vector_store %arg9[%swap3A_150, %swap3A_151], %scan3A_144#1 {strides = array<i32>} : memref<4x16xf32, #tpu.memory_space<vmem>>, vector<16xf32>,
    %swap3A_153 = arith.constant 2 : i32
    %swap3A_154 = arith.index_cast %swap3A_153 : i32 to index
    %swap3A_155 = arith.constant 0 : index
    %swap3A_156 = tpu.vector_load %arg9[%swap3A_154, %swap3A_155] {strides = array<i32>} : memref<4x16xf32, #tpu.memory_space<vmem>>, vector<16xf32>,
    tpu.vector_store %arg9[%swap3A_154, %swap3A_155], %scan3A_144#2 {strides = array<i32>} : memref<4x16xf32, #tpu.memory_space<vmem>>, vector<16xf32>,
    %swap3A_157 = arith.constant 3 : i32
    %swap3A_158 = arith.index_cast %swap3A_157 : i32 to index
    %swap3A_159 = arith.constant 0 : index
    %swap3A_160 = tpu.vector_load %arg9[%swap3A_158, %swap3A_159] {strides = array<i32>} : memref<4x16xf32, #tpu.memory_space<vmem>>, vector<16xf32>,
    tpu.vector_store %arg9[%swap3A_158, %swap3A_159], %scan3A_144#3 {strides = array<i32>} : memref<4x16xf32, #tpu.memory_space<vmem>>, vector<16xf32>,
    "tpu.region"() ({
      %run_scoped3A_161 = tpu.sem_alloc : memref<!tpu.dma_semaphore, #tpu.memory_space<semaphore_mem>>
      %dma_start3A_162 = arith.constant 0 : i32
      %dma_start3A_163 = arith.constant 0 : i32
      %dma_start3A_164 = tpu.memref_slice %arg4[%add3A, %dma_start3A_162, %dma_start3A_163] : memref<32x4x16xf32, #tpu.memory_space<hbm>> -> memref<1x4x16xf32, #tpu.memory_space<hbm>>
      %dma_start3A_165 = tpu.memref_squeeze %dma_start3A_164 : memref<1x4x16xf32, #tpu.memory_space<hbm>> -> memref<4x16xf32, #tpu.memory_space<hbm>>
      %dma_start3A_166 = arith.constant 0 : i32
      %dma_start3A_167 = arith.constant 0 : i32
      %dma_start3A_168 = tpu.memref_slice %arg4[%add3A, %dma_start3A_166, %dma_start3A_167] : memref<32x4x16xf32, #tpu.memory_space<hbm>> -> memref<1x4x16xf32, #tpu.memory_space<hbm>>
      %dma_start3A_169 = tpu.memref_squeeze %dma_start3A_168 : memref<1x4x16xf32, #tpu.memory_space<hbm>> -> memref<4x16xf32, #tpu.memory_space<hbm>>
      tpu.enqueue_dma source(%arg9 : memref<4x16xf32, #tpu.memory_space<vmem>>) target(%dma_start3A_169 : memref<4x16xf32, #tpu.memory_space<hbm>>) target_semaphore(%run_scoped3A_161 : memref<!tpu.dma_semaphore, #tpu.memory_space<semaphore_mem>>)
      %dma_wait3A = arith.constant 0 : i32
      %dma_wait3A_170 = arith.constant 0 : i32
      %dma_wait3A_171 = tpu.memref_slice %arg4[%add3A, %dma_wait3A, %dma_wait3A_170] : memref<32x4x16xf32, #tpu.memory_space<hbm>> -> memref<1x4x16xf32, #tpu.memory_space<hbm>>
      %dma_wait3A_172 = tpu.memref_squeeze %dma_wait3A_171 : memref<1x4x16xf32, #tpu.memory_space<hbm>> -> memref<4x16xf32, #tpu.memory_space<hbm>>
      %dma_wait3A_173 = arith.constant 0 : i32
      %dma_wait3A_174 = arith.constant 0 : i32
      %dma_wait3A_175 = tpu.memref_slice %arg4[%add3A, %dma_wait3A_173, %dma_wait3A_174] : memref<32x4x16xf32, #tpu.memory_space<hbm>> -> memref<1x4x16xf32, #tpu.memory_space<hbm>>
      %dma_wait3A_176 = tpu.memref_squeeze %dma_wait3A_175 : memref<1x4x16xf32, #tpu.memory_space<hbm>> -> memref<4x16xf32, #tpu.memory_space<hbm>>
      tpu.wait_dma2 semaphore(%run_scoped3A_161 : memref<!tpu.dma_semaphore, #tpu.memory_space<semaphore_mem>>) src(%arg9 : memref<4x16xf32, #tpu.memory_space<vmem>>) dst(%dma_wait3A_176 : memref<4x16xf32, #tpu.memory_space<hbm>>)
      tpu.yield
    }) : () -> ()
    return
  }
}

module attributes {stable_mosaic.version = 14 : i64} {
  func.func @_epilogue(%arg0: memref<32x4x16xf32, #tpu.memory_space<vmem>>, %arg1: memref<1x1xf32, #tpu.memory_space<smem>>) attributes {dimension_semantics = [], scalar_prefetch = 0 : i64, scratch_operands = 0 : i64, tpu.core_type = #tpu.core_type<tc>} {
    %get3A = arith.constant 0 : index
    %get3A_0 = arith.constant 0 : index
    %get3A_1 = arith.constant 0 : index
    %get3A_2 = vector.load %arg0[%get3A, %get3A_0, %get3A_1] : memref<32x4x16xf32, #tpu.memory_space<vmem>>, vector<16x1x16xf32>
    %get3A_3 = vector.shape_cast %get3A_2 : vector<16x1x16xf32> to vector<16x16xf32>
    %reduce_sum3A = vector.shape_cast %get3A_3 : vector<16x16xf32> to vector<1x16x16xf32>
    %reduce_sum3A_4 = arith.constant dense<0.000000e+00> : vector<1xf32>
    %reduce_sum3A_5 = vector.multi_reduction <add>, %reduce_sum3A, %reduce_sum3A_4 [1, 2] : vector<1x16x16xf32> to vector<1xf32>
    %reduce_sum3A_6 = vector.shape_cast %reduce_sum3A_5 : vector<1xf32> to vector<1x1x1xf32>
    %reduce_sum3A_7 = vector.extract %reduce_sum3A_6[0, 0, 0] : f32 from vector<1x1x1xf32>
    %div3A = arith.constant 1.280000e+07 : f32
    %div3A_8 = arith.divf %reduce_sum3A_7, %div3A : f32
    %get3A_9 = arith.constant 16 : index
    %get3A_10 = arith.constant 0 : index
    %get3A_11 = arith.constant 0 : index
    %get3A_12 = vector.load %arg0[%get3A_9, %get3A_10, %get3A_11] : memref<32x4x16xf32, #tpu.memory_space<vmem>>, vector<16x1x16xf32>
    %get3A_13 = vector.shape_cast %get3A_12 : vector<16x1x16xf32> to vector<16x16xf32>
    %reduce_sum3A_14 = vector.shape_cast %get3A_13 : vector<16x16xf32> to vector<1x16x16xf32>
    %reduce_sum3A_15 = arith.constant dense<0.000000e+00> : vector<1xf32>
    %reduce_sum3A_16 = vector.multi_reduction <add>, %reduce_sum3A_14, %reduce_sum3A_15 [1, 2] : vector<1x16x16xf32> to vector<1xf32>
    %reduce_sum3A_17 = vector.shape_cast %reduce_sum3A_16 : vector<1xf32> to vector<1x1x1xf32>
    %reduce_sum3A_18 = vector.extract %reduce_sum3A_17[0, 0, 0] : f32 from vector<1x1x1xf32>
    %div3A_19 = arith.constant 1.280000e+07 : f32
    %div3A_20 = arith.divf %reduce_sum3A_18, %div3A_19 : f32
    %get3A_21 = arith.constant 0 : index
    %get3A_22 = arith.constant 1 : index
    %get3A_23 = arith.constant 0 : index
    %get3A_24 = vector.load %arg0[%get3A_21, %get3A_22, %get3A_23] : memref<32x4x16xf32, #tpu.memory_space<vmem>>, vector<16x1x16xf32>
    %get3A_25 = vector.shape_cast %get3A_24 : vector<16x1x16xf32> to vector<16x16xf32>
    %reduce_sum3A_26 = vector.shape_cast %get3A_25 : vector<16x16xf32> to vector<1x16x16xf32>
    %reduce_sum3A_27 = arith.constant dense<0.000000e+00> : vector<1xf32>
    %reduce_sum3A_28 = vector.multi_reduction <add>, %reduce_sum3A_26, %reduce_sum3A_27 [1, 2] : vector<1x16x16xf32> to vector<1xf32>
    %reduce_sum3A_29 = vector.shape_cast %reduce_sum3A_28 : vector<1xf32> to vector<1x1x1xf32>
    %reduce_sum3A_30 = vector.extract %reduce_sum3A_29[0, 0, 0] : f32 from vector<1x1x1xf32>
    %div3A_31 = arith.constant 1.280000e+07 : f32
    %div3A_32 = arith.divf %reduce_sum3A_30, %div3A_31 : f32
    %get3A_33 = arith.constant 16 : index
    %get3A_34 = arith.constant 1 : index
    %get3A_35 = arith.constant 0 : index
    %get3A_36 = vector.load %arg0[%get3A_33, %get3A_34, %get3A_35] : memref<32x4x16xf32, #tpu.memory_space<vmem>>, vector<16x1x16xf32>
    %get3A_37 = vector.shape_cast %get3A_36 : vector<16x1x16xf32> to vector<16x16xf32>
    %reduce_sum3A_38 = vector.shape_cast %get3A_37 : vector<16x16xf32> to vector<1x16x16xf32>
    %reduce_sum3A_39 = arith.constant dense<0.000000e+00> : vector<1xf32>
    %reduce_sum3A_40 = vector.multi_reduction <add>, %reduce_sum3A_38, %reduce_sum3A_39 [1, 2] : vector<1x16x16xf32> to vector<1xf32>
    %reduce_sum3A_41 = vector.shape_cast %reduce_sum3A_40 : vector<1xf32> to vector<1x1x1xf32>
    %reduce_sum3A_42 = vector.extract %reduce_sum3A_41[0, 0, 0] : f32 from vector<1x1x1xf32>
    %div3A_43 = arith.constant 1.280000e+07 : f32
    %div3A_44 = arith.divf %reduce_sum3A_42, %div3A_43 : f32
    %sub3A = arith.subf %div3A_8, %div3A_32 : f32
    %abs3A = math.absf %sub3A : f32
    %max3A = arith.constant 9.99999993E-9 : f32
    %max3A_45 = arith.maximumf %div3A_32, %max3A : f32
    %div3A_46 = arith.divf %abs3A, %max3A_45 : f32
    %sub3A_47 = arith.subf %div3A_20, %div3A_44 : f32
    %abs3A_48 = math.absf %sub3A_47 : f32
    %max3A_49 = arith.constant 9.99999993E-9 : f32
    %max3A_50 = arith.maximumf %div3A_44, %max3A_49 : f32
    %div3A_51 = arith.divf %abs3A_48, %max3A_50 : f32
    %add3A = arith.addf %div3A_46, %div3A_51 : f32
    %mul3A = arith.constant 5.000000e-01 : f32
    %mul3A_52 = arith.mulf %mul3A, %add3A : f32
    %get3A_53 = arith.constant 0 : index
    %get3A_54 = arith.constant 2 : index
    %get3A_55 = arith.constant 0 : index
    %get3A_56 = vector.load %arg0[%get3A_53, %get3A_54, %get3A_55] : memref<32x4x16xf32, #tpu.memory_space<vmem>>, vector<16x1x16xf32>
    %get3A_57 = vector.shape_cast %get3A_56 : vector<16x1x16xf32> to vector<16x16xf32>
    %reduce_sum3A_58 = vector.shape_cast %get3A_57 : vector<16x16xf32> to vector<1x16x16xf32>
    %reduce_sum3A_59 = arith.constant dense<0.000000e+00> : vector<1xf32>
    %reduce_sum3A_60 = vector.multi_reduction <add>, %reduce_sum3A_58, %reduce_sum3A_59 [1, 2] : vector<1x16x16xf32> to vector<1xf32>
    %reduce_sum3A_61 = vector.shape_cast %reduce_sum3A_60 : vector<1xf32> to vector<1x1x1xf32>
    %reduce_sum3A_62 = vector.extract %reduce_sum3A_61[0, 0, 0] : f32 from vector<1x1x1xf32>
    %sqrt3A = math.sqrt %reduce_sum3A_62 : f32
    %get3A_63 = arith.constant 0 : index
    %get3A_64 = arith.constant 3 : index
    %get3A_65 = arith.constant 0 : index
    %get3A_66 = vector.load %arg0[%get3A_63, %get3A_64, %get3A_65] : memref<32x4x16xf32, #tpu.memory_space<vmem>>, vector<16x1x16xf32>
    %get3A_67 = vector.shape_cast %get3A_66 : vector<16x1x16xf32> to vector<16x16xf32>
    %reduce_sum3A_68 = vector.shape_cast %get3A_67 : vector<16x16xf32> to vector<1x16x16xf32>
    %reduce_sum3A_69 = arith.constant dense<0.000000e+00> : vector<1xf32>
    %reduce_sum3A_70 = vector.multi_reduction <add>, %reduce_sum3A_68, %reduce_sum3A_69 [1, 2] : vector<1x16x16xf32> to vector<1xf32>
    %reduce_sum3A_71 = vector.shape_cast %reduce_sum3A_70 : vector<1xf32> to vector<1x1x1xf32>
    %reduce_sum3A_72 = vector.extract %reduce_sum3A_71[0, 0, 0] : f32 from vector<1x1x1xf32>
    %sqrt3A_73 = math.sqrt %reduce_sum3A_72 : f32
    %max3A_74 = arith.constant 9.99999993E-9 : f32
    %max3A_75 = arith.maximumf %sqrt3A_73, %max3A_74 : f32
    %div3A_76 = arith.divf %sqrt3A, %max3A_75 : f32
    %get3A_77 = arith.constant 16 : index
    %get3A_78 = arith.constant 2 : index
    %get3A_79 = arith.constant 0 : index
    %get3A_80 = vector.load %arg0[%get3A_77, %get3A_78, %get3A_79] : memref<32x4x16xf32, #tpu.memory_space<vmem>>, vector<16x1x16xf32>
    %get3A_81 = vector.shape_cast %get3A_80 : vector<16x1x16xf32> to vector<16x16xf32>
    %reduce_sum3A_82 = vector.shape_cast %get3A_81 : vector<16x16xf32> to vector<1x16x16xf32>
    %reduce_sum3A_83 = arith.constant dense<0.000000e+00> : vector<1xf32>
    %reduce_sum3A_84 = vector.multi_reduction <add>, %reduce_sum3A_82, %reduce_sum3A_83 [1, 2] : vector<1x16x16xf32> to vector<1xf32>
    %reduce_sum3A_85 = vector.shape_cast %reduce_sum3A_84 : vector<1xf32> to vector<1x1x1xf32>
    %reduce_sum3A_86 = vector.extract %reduce_sum3A_85[0, 0, 0] : f32 from vector<1x1x1xf32>
    %sqrt3A_87 = math.sqrt %reduce_sum3A_86 : f32
    %get3A_88 = arith.constant 16 : index
    %get3A_89 = arith.constant 3 : index
    %get3A_90 = arith.constant 0 : index
    %get3A_91 = vector.load %arg0[%get3A_88, %get3A_89, %get3A_90] : memref<32x4x16xf32, #tpu.memory_space<vmem>>, vector<16x1x16xf32>
    %get3A_92 = vector.shape_cast %get3A_91 : vector<16x1x16xf32> to vector<16x16xf32>
    %reduce_sum3A_93 = vector.shape_cast %get3A_92 : vector<16x16xf32> to vector<1x16x16xf32>
    %reduce_sum3A_94 = arith.constant dense<0.000000e+00> : vector<1xf32>
    %reduce_sum3A_95 = vector.multi_reduction <add>, %reduce_sum3A_93, %reduce_sum3A_94 [1, 2] : vector<1x16x16xf32> to vector<1xf32>
    %reduce_sum3A_96 = vector.shape_cast %reduce_sum3A_95 : vector<1xf32> to vector<1x1x1xf32>
    %reduce_sum3A_97 = vector.extract %reduce_sum3A_96[0, 0, 0] : f32 from vector<1x1x1xf32>
    %sqrt3A_98 = math.sqrt %reduce_sum3A_97 : f32
    %max3A_99 = arith.constant 9.99999993E-9 : f32
    %max3A_100 = arith.maximumf %sqrt3A_98, %max3A_99 : f32
    %div3A_101 = arith.divf %sqrt3A_87, %max3A_100 : f32
    %add3A_102 = arith.addf %div3A_76, %div3A_101 : f32
    %mul3A_103 = arith.constant 5.000000e-01 : f32
    %mul3A_104 = arith.mulf %mul3A_103, %add3A_102 : f32
    %mul3A_105 = arith.constant 1.000000e-01 : f32
    %mul3A_106 = arith.mulf %mul3A_105, %mul3A_52 : f32
    %add3A_107 = arith.addf %mul3A_104, %mul3A_106 : f32
    %swap3A = arith.constant 0 : index
    %swap3A_108 = arith.constant 0 : index
    %swap3A_109 = memref.load %arg1[%swap3A, %swap3A_108] : memref<1x1xf32, #tpu.memory_space<smem>>
    memref.store %add3A_107, %arg1[%swap3A, %swap3A_108] : memref<1x1xf32, #tpu.memory_space<smem>>
    return
  }
}

</mosaic_0001>

<sc_bundles>
// kernel: kernel.4.cloned.1.call-start
scs
__scs_entry_jumppad:
0x0: {  	(pc) =	sbr.rel $0x88, $3  }
0x1: {  	(tag) =	ssettag $0x0;
	lr =	simm.s32 $0x1  }
0x2: {  	[smem:$0x3F9D] =	sst lr;
	_ =	strace $0xD0000000  }
0x3: {  	_ = 	snop  }
0x4: {  	_ = 	snop  }
0x5: {  	_ = 	snop  }
0x6: {  	_ = 	snop  }
0x7: {  	_ = 	snop  }
__scs_overlays_trampoline_lowered:
0x8: {  	[smem:$0x3FAC] =	sst s0  }
0x9: {  	[smem:$0x3FAD] =	sst s1  }
0xa: {  	[smem:$0x3FAE] =	sst s2  }
0xb: {  	[smem:$0x3FAF] =	sst s3  }
0xc: {  	[smem:$0x3FB0] =	sst s4  }
0xd: {  	[smem:$0x3FB1] =	sst s5  }
0xe: {  	[smem:$0x3FB2] =	sst s6  }
0xf: {  	[smem:$0x3FB3] =	sst s7  }
0x10: {  	[smem:$0x3FB4] =	sst s8  }
0x11: {  	[smem:$0x3FB5] =	sst s9;
	s0 =	simm.s32 @!p0 $0x0  }
0x12: {  	s1 =	sld [smem:$0x3F9B];
	s0 =	simm.s32 @p0 $0x1  }
0x13: {  	[smem:$0x3FB6] =	sst s0;
	s0 =	simm.s32 @!p1 $0x0  }
0x14: {  	s2 =	sld [smem:$0x3F9A];
	s0 =	simm.s32 @p1 $0x1  }
0x15: {  	[smem:$0x3FB7] =	sst s0;
	s0 =	simm.s32 @!p2 $0x0  }
0x16: {  	s3 =	sld [smem:$0x3FDB];
	s0 =	simm.s32 @p2 $0x1  }
0x17: {  	s4 =	simm.s32 $0x1BF5;
	[smem:$0x3FB9] =	sst s0  }
0x18: {  	s0 =	sld [smem:$0x3F9C];
	_ =	swait.ge [sflag:s4], $0x0  }
0x19: {  	s7 =	sld [smem:$0x3F9D]  }
0x1a: {  	s8 =	sadd.s32 $0xFFFFE003, lr  }
0x1b: {  	s9 =	sadd.s32 $0xFFFFFEF7, lr;
	s5 =	simm.s32 $0xFFFFFFFF;
	p2 =	slt.u32 s8, $0xFFFFF086  }
0x1c: {  	p1 =	slt.u32 s9, $0xF7A;
	s5 =	simm.s32 @!p2 $0x0  }
0x1d: {  	s5 =	simm.s32 @p1 $0x1;
	p0 =	seq.s32 s7, s2  }
0x1e: {  	s7 =	smul.u32 @!p0 $0xF7A, s2;
	p2 =	seq.s32 @!p0 s5, $0x0  }
0x1f: {  	s9 =	smul.u32 $0xF7A, s1;
	s8 =	simm.s32 @!p0 $0x1BF5;
	p2 =	por !p2, p0  }
0x20: {  	[sflag:s8] =	ssyncset.s32 @!p0 $0xFFFFF086;
	s6 =	sadd.s32 @!p0 s3, s7;
	s7 =	simm.s32 @!p0 $0x108  }
0x21: {  	s3 =	sadd.s32 s3, s9;
	s6 =	sadd.s32 @!p0 $0x88, s6;
	s7 =	simm.s32 @p2 $0x1082  }
0x22: {  	[simem:s7], [sflag:s8] =	dma.local @!p0 [hbm:s6], $0xF7A  }
0x23: {  	s9 =	sor.u32 $0xD0000000, s2;
	s6 =	simm.s32 $0x108;
	_ =	swait.ge @!p0 [sflag:s8], $0x0  }
0x24: {  	s3 =	sadd.s32 $0x88, s3;
	s6 =	simm.s32 @!p1 $0x1082;
	[sflag:s4] =	ssyncset.s32 $0xFFFFF086  }
0x25: {  	[simem:s6], [sflag:s4] =	dma.local [hbm:s3], $0xF7A  }
0x26: {  	[smem:$0x3F9D] =	sst s1;
	(tag) =	ssettag s2;
	_ =	strace s9  }
0x27: {  	s1 =	sld [smem:$0x3FAD]  }
0x28: {  	s2 =	sld [smem:$0x3FAE]  }
0x29: {  	s4 =	sld [smem:$0x3FB0]  }
0x2a: {  	p0 =	seq.s32 s5, $0x0;
	s5 =	sld [smem:$0x3FB1]  }
0x2b: {  	s6 =	sld [smem:$0x3FB2]  }
0x2c: {  	s7 =	sld [smem:$0x3FB3]  }
0x2d: {  	s3 =	simm.s32 $0x108;
	s8 =	sld [smem:$0x3FB4]  }
0x2e: {  	s3 =	simm.s32 @!p0 $0x1082;
	s9 =	sld [smem:$0x3FB5]  }
0x2f: {  	lr =	sadd.s32 s0, s3;
	s0 =	sld [smem:$0x3FAC]  }
0x30: {  	s3 =	sld [smem:$0x3FAF]  }
0x31: {  	[smem:$0x3FB8] =	sst s10  }
0x32: {  	s10 =	sld [smem:$0x3FB6];
	_ =	sdelay $0x3  }
0x33: {  	p0 =	seq.s32 s10, $0x1;
	s10 =	sld [smem:$0x3FB8];
	_ =	sdelay $0x3  }
0x34: {  	[smem:$0x3FB8] =	sst s10  }
0x35: {  	s10 =	sld [smem:$0x3FB7];
	_ =	sdelay $0x3  }
0x36: {  	p1 =	seq.s32 s10, $0x1;
	s10 =	sld [smem:$0x3FB8];
	_ =	sdelay $0x3  }
0x37: {  	[smem:$0x3FB8] =	sst s10  }
0x38: {  	s10 =	sld [smem:$0x3FB9]  }
0x39: {  	_ = 	snop;
	(pc) =	sbr.ind lr, $3  }
0x3a: {  	_ = 	snop  }
0x3b: {  	_ = 	snop  }
0x3c: {  	p2 =	seq.s32 s10, $0x1;
	s10 =	sld [smem:$0x3FB8]  }
0x3d: {  	_ =	shalt  }
0x3e: {  	_ =	shalt  }
0x3f: {  	_ =	shalt  }
0x40: {  	_ =	shalt  }
0x41: {  	_ =	shalt  }
0x42: {  	_ =	shalt  }
0x43: {  	_ =	shalt  }
0x44: {  	_ =	shalt  }
0x45: {  	_ =	shalt  }
0x46: {  	_ =	shalt  }
0x47: {  	_ =	shalt  }
0x48: {  	_ =	shalt  }
0x49: {  	_ =	shalt  }
0x4a: {  	_ =	shalt  }
0x4b: {  	_ =	shalt  }
0x4c: {  	_ =	shalt  }
0x4d: {  	_ =	shalt  }
0x4e: {  	_ =	shalt  }
0x4f: {  	_ =	shalt  }
0x50: {  	_ =	shalt  }
0x51: {  	_ =	shalt  }
0x52: {  	_ =	shalt  }
0x53: {  	_ =	shalt  }
0x54: {  	_ =	shalt  }
0x55: {  	_ =	shalt  }
0x56: {  	_ =	shalt  }
0x57: {  	_ =	shalt  }
0x58: {  	_ =	shalt  }
0x59: {  	_ =	shalt  }
0x5a: {  	_ =	shalt  }
0x5b: {  	_ =	shalt  }
0x5c: {  	_ =	shalt  }
0x5d: {  	_ =	shalt  }
0x5e: {  	_ =	shalt  }
0x5f: {  	_ =	shalt  }
0x60: {  	_ =	shalt  }
0x61: {  	_ =	shalt  }
0x62: {  	_ =	shalt  }
0x63: {  	_ =	shalt  }
0x64: {  	_ =	shalt  }
0x65: {  	_ =	shalt  }
0x66: {  	_ =	shalt  }
0x67: {  	_ =	shalt  }
0x68: {  	_ =	shalt  }
0x69: {  	_ =	shalt  }
0x6a: {  	_ =	shalt  }
0x6b: {  	_ =	shalt  }
0x6c: {  	_ =	shalt  }
0x6d: {  	_ =	shalt  }
0x6e: {  	_ =	shalt  }
0x6f: {  	_ =	shalt  }
0x70: {  	_ =	shalt  }
0x71: {  	_ =	shalt  }
0x72: {  	_ =	shalt  }
0x73: {  	_ =	shalt  }
0x74: {  	_ =	shalt  }
0x75: {  	_ =	shalt  }
0x76: {  	_ =	shalt  }
0x77: {  	_ =	shalt  }
0x78: {  	_ =	shalt  }
0x79: {  	_ =	shalt  }
0x7a: {  	_ =	shalt  }
0x7b: {  	_ =	shalt  }
0x7c: {  	_ =	shalt  }
0x7d: {  	_ =	shalt  }
0x7e: {  	_ =	shalt  }
0x7f: {  	_ =	shalt  }
0x80: {  	_ =	shalt  }
0x81: {  	_ =	shalt  }
0x82: {  	_ =	shalt  }
0x83: {  	_ =	shalt  }
0x84: {  	_ =	shalt  }
0x85: {  	_ =	shalt  }
0x86: {  	_ =	shalt  }
0x87: {  	_ =	shalt  }
.Lfunc_end0:
.L_simem_size_0:
called_computation_lowered:
.L_overlay_start_0:
0x88: {  	s2 =	sld [smem:$0x3FD9]  }
0x89: {  	s3 =	sld [smem:$0x3FFE];
	_ =	sdelay $0x1  }
0x8a: {  	s1 =	srdreg.scid  }
0x8b: {  	s0 =	sand.u32 $0x1, s1  }
0x8c: {  	s16 =	sshll.u32 s0, $0xA;
	s2 =	sadd.s32 s3, s2  }
0x8d: {  	s2 =	sadd.s32 s2, s16  }
0x8e: {  	[smem:$0x3FC4] =	sst s2  }
0x8f: {  	_ = 	snop  }
0x90: {  	(tm) =	ssettm $0x1  }
0x91: {  	s17 =	sld [smem:$0x3FFB];
	_ =	sdelay $0x3  }
0x92: {  	_ =	strace s17  }
0x93: {  	s2 =	sld [smem:$0x3FFC];
	_ =	sdelay $0x3  }
0x94: {  	_ =	strace s2  }
0x95: {  	s2 =	sld [smem:$0x3FFD];
	_ =	sdelay $0x3  }
0x96: {  	_ =	strace s2  }
0x97: {  	_ =	strace $0x8FFFFFFF  }
0x98: {  	s18 =	sld [smem:$0x3FDB];
	_ =	sdelay $0x1  }
0x99: {  	s19 =	simm.s32 $_scs_section_size  }
0x9a: {  	s4 =	simm.s32 $_size__tile_overlayer_lowered;
	s5 =	simm.s32 $_tile_overlayer_lowered  }
0x9b: {  	s22 =	simm.s32 $0x1BFF;
	s21 =	sshll.u32 s5, $0x1;
	s2 =	sadd.s32 s19, s18  }
0x9c: {  	s6 =	simm.s32 $0x0;
	s20 =	sshll.u32 s4, $0x1;
	s4 =	sadd.s32 s21, s2  }
0x9d: {  	[timem:s6], [sflag:s22] =	dma.local [hbm:s4], s20  }
0x9e: {  	_ =	swait.ge [sflag:s22], s20  }
0x9f: {  	s3 =	ssub.s32 $0x0, s20;
	[sflag:s22] =	ssyncset.done $0x0  }
0xa0: {  	[sflag:s22] =	ssyncadd.s32 s3;
	_ =	sdelay $0x1  }
0xa1: {  	s23 =	simm.s32 $0x1B8B  }
0xa2: {  	_ =	swait.ge [sflag:s23], $0x1  }
0xa3: {  	[sflag:s23] =	ssyncset.done $0x0  }
0xa4: {  	s25 =	simm.s32 $0x1B8E;
	s24 =	sld [smem:$0x3FFE];
	[sflag:s23] =	ssyncadd.s32 $0xFFFFFFFF  }
0xa5: {  	s26 =	simm.s32 $execute0_lowered;
	[smem:$0x3FD2] =	sst s25  }
0xa6: {  	s4 =	sshll.u32 s26, $0x1;
	_ =	strace $0x80000046;
	[dreg:$0x1] =	wrdreg $0xFFFFFFFF  }
0xa7: {  	s28 =	simm.s32 $_size_execute0_lowered;
	s2 =	sadd.s32 s2, s4;
	[dreg:$0x0] =	wrdreg $0x0  }
0xa8: {  	s4 =	sshll.u32 s28, $0x1;
	[dreg:$0x2] =	wrdreg s2  }
0xa9: {  	[dreg:$0x3] =	wrdreg s4  }
0xaa: {  	[dreg:$0x4] =	wrdreg $0xC0  }
0xab: {  	_ =	task [dreg:s6], $0x5FFFF  }
0xac: {  	[dreg:$0x1] =	wrdreg $0xFFFFFFFF  }
0xad: {  	[dreg:$0x0] =	wrdreg $0x60  }
0xae: {  	[dreg:$0x2] =	wrdreg s24  }
0xaf: {  	[dreg:$0x3] =	wrdreg $0x0  }
0xb0: {  	[dreg:$0x4] =	wrdreg $0x9  }
0xb1: {  	_ =	task.clear_ibuf [dreg:s6], $0x5FFFF;
	_ =	strace $0x90000046  }
0xb2: {  	s29 =	simm.s32 $0x9;
	_ =	strace $0x80000048  }
0xb3: {  	_ =	swait.ge [sflag:s29], $0x1  }
0xb4: {  	[sflag:s29] =	ssyncadd.s32 $0xFFFFFFFF  }
0xb5: {  	_ =	strace $0x90000048  }
0xb6: {  	_ =	sfence  }
0xb7: {  	s30 =	sld [smem:$0x0];
	_ =	sdelay $0x2  }
0xb8: {  	s31 =	sshll.u32 s1, $0xD;
	s1 =	sshrl.u32 s1, $0x2  }
0xb9: {  	s3 =	sand.u32 $0x4000, s31;
	s1 =	sadd.s32 s1, s30  }
0xba: {  	s0 =	sor.u32 s3, s0;
	s1 =	sshll.u32 s1, $0x11  }
0xbb: {  	s0 =	sor.u32 s1, s0  }
0xbc: {  	s0 =	sadd.s32 $0x8F2B, s0  }
0xbd: {  	[sflag:s0] =	ssyncadd.remote.s32 $0x1  }
0xbe: {  	_ =	sfence.sel $0xFFFF  }
0xbf: {  	[dreg:$0x0] =	wrdreg $0xFFFFFFFF;
	(pc) =	sbr.abs _section_cstart, $3  }
0xc0: {  	[dreg:$0x1] =	wrdreg $0xFFFFFFFF  }
0xc1: {  	_ =	task.clear_ibuf [dreg:s6], $0x2FFFF;
	_ =	strace $0x9FFFFFFF  }
0xc2: {  	(tm) =	ssettm $0x7FFFFFFF  }
0xc3: {  	_ =	shalt  }
tec
execute0_lowered:
.L_overlay_start_1:
0x0: {  	(tag) =	ssettag $0x1  }
0x1: {  	s12 =	stileid.u32  }
0x2: {  	s0 =	rddreg [dreg:$0x0];
	s8 =	smul.u32 $0x249F, s12  }
0x3: {  	s1 =	rddreg [dreg:$0x1];
	s11 =	smul.u32 $0x493E0, s12  }
0x4: {  	s2 =	simm.s32 $0x0;
	s3 =	srdreg.scid;
	s16 =	smul.u32 $0xC800, s12  }
0x5: {  	[smem:$0x7FF] =	sst s2;
	s4 =	sadd.s32 $0x187400, s0;
	s13 =	smul.u32 $0xC80, s12  }
0x6: {  	s3 =	sand.u32 $0x1, s3;
	s5 =	sadd.s32 $0x1D0800, s0;
	s18 =	smul.u32 $0x2580, s12  }
0x7: {  	s9 =	sshll.u32 s12, $0x3;
	s17 =	sshll.u32 s12, $0x6;
	s20 =	smul.u32 $0x12C00, s12  }
0x8: {  	_ =	strace $0x80000047;
	s7 =	smul.u32 $0x249F0, s3;
	s6 =	ssub.s32 $0x2, s3  }
0x9: {  	s9 =	sadd.s32 s9, s0;
	p0 =	seq.s32 s3, $0x0;
	s12 =	sshll.u32 s3, $0x7  }
0xa: {  	s10 =	sshrl.u32 s6, $0x1;
	s15 =	sshrl.u32 s11, $0x2;
	s21 =	sor.u32 $0x19, s13  }
0xb: {  	s22 =	sadd.s32 s4, s18;
	s23 =	sshrl.u32 s20, $0x3;
	s14 =	sor.u32 $0x32, s13  }
0xc: {  	s9 =	sadd.s32 s12, s9;
	[dreg:$0x3] =	wrdreg s13;
	s12 =	simm.s32 $0x124F8  }
0xd: {  	s0 =	ssub.s32 s6, s10;
	s6 =	smul.u32 $0xC3500, s3;
	s8 =	sadd.s32 s8, s7  }
0xe: {  	s7 =	sadd.s32 s15, s1;
	[dreg:$0x8] =	wrdreg s22;
	s25 =	smul.u32 $0x18, s21  }
0xf: {  	s24 =	sshll.u32 s21, $0x4;
	[dreg:$0x7] =	wrdreg s21;
	s28 =	smul.u32 $0x3, s21  }
0x10: {  	s29 =	sshll.u32 s14, $0x4;
	[dreg:$0xa] =	wrdreg s14;
	s8 =	sadd.s32 s4, s8  }
0x11: {  	s15 =	smul.u32 $0x3, s14;
	s0 =	smax.u32 s0, $0x1;
	[dreg:$0x4] =	wrdreg s8  }
0x12: {  	s10 =	sadd.s32 s6, s16;
	s8 =	sor.u32 $0x1C05, s17;
	s11 =	sshrl.u32 s25, $0x3  }
0x13: {  	s31 =	sadd.s32 s6, s29;
	s16 =	sor.u32 $0x4B, s13;
	s25 =	sadd.s32 $0xA00, s9  }
0x14: {  	v0 =	vimm.s32 $0xB0A0908;
	[dreg:$0x16] =	wrdreg s0;
	s29 =	sor.u32 $0x7D, s13;
	s9 =	simm.s32 $0x1BAF8  }
0x15: {  	vm1 =	vcmask $0xF00;
	v0 =	vunpack.c.0.s8.s32 v0;
	[dreg:$0x5] =	wrdreg s8;
	s19 =	sshrl.u32 s10, $0x3;
	s10 =	sadd.s32 s6, s24  }
0x16: {  	vm2 =	vcmask $0x1310;
	vm0 =	vcmask $0x1714;
	v1 =	vimm.s32 $0x3020100;
	s30 =	sadd.s32 s4, s11;
	s11 =	smul.u32 $0x18, s14;
	[dreg:$0xf] =	wrdreg s16  }
0x17: {  	vm3 =	vcmask $0x1B18;
	v2 =	vimm.s32 $0xF0E0D0C;
	v0 =	vnsel vm1, $0x267, v0;
	s17 =	sshll.u32 s16, $0x4;
	s18 =	smul.u32 $0x18, s16;
	[dreg:$0x15] =	wrdreg s25  }
0x18: {  	vm4 =	vcmask $0x1F1C;
	v1 =	vunpack.c.0.s8.s32 v1;
	v0 =	vsel vm2, $0x260, v0;
	s20 =	smul.u32 $0x3, s16;
	[dreg:$0x19] =	wrdreg s29;
	s16 =	simm.s32 $0x1C908  }
0x19: {  	vm5 =	vcmask $0x2F20;
	vm13 =	vcmask $0x3330;
	v0 =	vsel vm0, $0x261, v0;
	s25 =	simm.s32 $0x4;
	s8 =	sadd.s32 s5, s19;
	s26 =	sshrl.u32 s10, $0x3  }
0x1a: {  	v2 =	vunpack.c.0.s8.s32 v2;
	v1 =	vnsel vm1, $0x25F, v1;
	v0 =	vsel vm3, $0x262, v0;
	s10 =	sadd.s32 s4, s28;
	s28 =	sor.u32 $0x64, s13;
	[dreg:$0x6] =	wrdreg s8  }
0x1b: {  	vm14 =	vcmask $0x3734;
	v1 =	vsel vm2, $0x258, v1;
	v0 =	vsel vm4, $0x263, v0;
	s8 =	sadd.s32 s4, s23;
	[dreg:$0xc] =	wrdreg s10;
	s10 =	sshrl.u32 s31, $0x3  }
0x1c: {  	v1 =	vsel vm0, $0x259, v1;
	v0 =	vsel vm5, v2, v0;
	v2 =	vimm.s32 $0x7060504;
	s19 =	sshrl.u32 s18, $0x3;
	s24 =	sadd.s32 s4, s20;
	[dreg:$0x18] =	wrdreg s28  }
0x1d: {  	vm15 =	vcmask $0x3B38;
	v1 =	vsel vm3, $0x25A, v1;
	v2 =	vunpack.c.0.s8.s32 v2;
	s31 =	sadd.s32 $0xAF, s13;
	s8 =	sadd.s32 $0x249F0, s8;
	[dreg:$0x13] =	wrdreg s24  }
0x1e: {  	v3 =	vmov s3;
	v1 =	vsel vm4, $0x25B, v1;
	v0 =	vsel vm13, $0x264, v0;
	s23 =	sadd.s32 s4, s19;
	[dreg:$0x1b] =	wrdreg s31;
	s24 =	simm.s32 $0x3  }
0x1f: {  	v0 =	vsel vm14, $0x265, v0;
	[dreg:$0x9] =	wrdreg s8;
	s8 =	sadd.s32 s5, s26;
	s3 =	sadd.s32 $0x249F0, s23;
	v1 =	vsel vm5, v2, v1;
	v2 =	vmul.u32 $0x258, v3  }
0x20: {  	v3 =	vsel vm15, $0x266, v0;
	s26 =	sshrl.u32 s7, $0x3;
	s23 =	simm.s32 $0x2;
	[dreg:$0xb] =	wrdreg s8;
	v0 =	vsel vm13, $0x25C, v1  }
0x21: {  	s7 =	simm.s32 $0x0;
	s8 =	sadd.s32 $0x249F0, s30;
	[dreg:$0x14] =	wrdreg s3;
	v1 =	vlaneseq.u32;
	v0 =	vsel vm14, $0x25D, v0;
	v2 =	vbroadcast v2, $0x0  }
0x22: {  	[dreg:$0x17] =	wrdreg s26;
	s30 =	sadd.s32 $0x96, s13;
	s3 =	simm.s32 $0x5;
	v5 =	vadd.s32 $0x8, v1;
	v4 =	vsel vm15, $0x25E, v0;
	v0 =	vmul.u32 $0x18, v1  }
0x23: {  	s13 =	simm.s32 $0x16FF8;
	[dreg:$0xd] =	wrdreg s8;
	s8 =	sadd.s32 s5, s10;
	v1 =	vpsel p0, v4, v3;
	v2 =	vadd.s32 v5, v2  }
0x24: {  	s10 =	sadd.s32 s6, s17;
	[dreg:$0x1a] =	wrdreg s30;
	s17 =	simm.s32 $0x1C458;
	v3 =	vadd.s32 $0x10, v0;
	v4 =	vadd.s32 $0x11, v0;
	v5 =	vadd.s32 $0x12, v0  }
.Ltmp0:
0x25: {  	[dreg:$0xe] =	wrdreg s8;
	s8 =	sshrl.u32 s11, $0x3;
	v6 =	vor.u32 $0x1, v0;
	v7 =	vor.u32 $0x2, v0;
	v8 =	vor.u32 $0x3, v0;
	(pc) =	sbr.rel .LBB2_1-.Ltmp0, $4  }
0x26: {  	s11 =	sadd.s32 s4, s15;
	s10 =	sshrl.u32 s10, $0x3;
	s15 =	simm.s32 $0x14A78;
	v9 =	vor.u32 $0x4, v0;
	v10 =	vor.u32 $0x5, v0;
	v11 =	vor.u32 $0x6, v0  }
0x27: {  	[dreg:$0x10] =	wrdreg s11;
	s8 =	sadd.s32 s4, s8;
	s22 =	sadd.s32 s5, s10;
	v12 =	vor.u32 $0x7, v0;
	v13 =	vadd.s32 $0x8, v0;
	v14 =	vadd.s32 $0x9, v0  }
0x28: {  	s21 =	sadd.s32 $0x249F0, s8;
	[dreg:$0x12] =	wrdreg s22;
	s8 =	simm.s32 $0x1BFA8;
	v15 =	vadd.s32 $0xA, v0;
	v16 =	vadd.s32 $0xB, v0;
	v17 =	vadd.s32 $0xC, v0  }
0x29: {  	s22 =	simm.s32 $0x1;
	v18 =	vadd.s32 $0xD, v0;
	v19 =	vadd.s32 $0xE, v0;
	v20 =	vadd.s32 $0xF, v0;
	[dreg:$0x11] =	wrdreg s21;
	s21 =	simm.s32 $0x19578  }
.LBB2_12:
0x2a: {  	[tilespmem:$0x1D3F8] =	vst v21  }
0x2b: {  	[tilespmem:$0x1D408] =	vst v24  }
0x2c: {  	[tilespmem:$0x1D418] =	vst v23  }
0x2d: {  	[tilespmem:$0x1D428] =	vst v22;
	s0 =	rddreg [dreg:$0x15];
	s7 =	simm.s32 $0x1D3F8  }
0x2e: {  	[hbm4b:s0+s2] =	stream.linear.scatter [tilespmem:s7], [sflag:$0x5], $0x40, $0x38;
	[tilespmem:$0x1D438] =	vst v63  }
0x2f: {  	_ =	swait.ge [sflag:s3], $0x40  }
0x30: {  	s30 =	rddreg [dreg:$0x1c]  }
0x31: {  	s31 =	rddreg [dreg:$0x16];
	s7 =	sadd.s32 $0x1, s30  }
0x32: {  	p0 =	sne.s32 s7, s31  }
.Ltmp1:
0x33: {  	_ = 	snop;
	(pc) =	sbr.rel @!p0 .LBB2_13-.Ltmp1, $3  }
0x34: {  	_ =	sdelay $0x1  }
0x35: {  	[sflag:s3] =	ssyncset.done $0x0  }
0x36: {  	[sflag:s3] =	ssyncadd.s32 $0xFFFFFFC0  }
.LBB2_1:
0x37: {  	[dreg:$0x1c] =	wrdreg s7  }
0x38: {  	s0 =	rddreg [dreg:$0x4]  }
0x39: {  	s29 =	rddreg [dreg:$0x5]  }
0x3a: {  	s10 =	rddreg [dreg:$0x17]  }
0x3b: {  	[spmem:s10], [sflag:s29] =	dma.local [hbm:s0], $0x249F  }
0x3c: {  	_ =	swait.ge [sflag:s3], $0x249F  }
0x3d: {  	[sflag:s3] =	ssyncset.done $0x0  }
0x3e: {  	[sflag:s3] =	ssyncadd.s32 $0xFFFFDB61  }
0x3f: {  	[bflag:$0x0] =	sbarrier.arrive $0xFFFF  }
0x40: {  	s31 =	simm.s32 $0x1CDB8;
	s30 =	rddreg [dreg:$0x6]  }
0x41: {  	[tilespmem:s31], [sflag:$0x5] =	stream.linear.gather [hbm4b:s30+s2], $0x190, $0x38;
	[tilespmem:$0x1D438] =	vst v63  }
0x42: {  	_ =	swait.ge [sflag:s3], $0x190  }
0x43: {  	[sflag:s3] =	ssyncset.done $0x0  }
0x44: {  	s11 =	rddreg [dreg:$0x8];
	[sflag:s3] =	ssyncadd.s32 $0xFFFFFE70  }
0x45: {  	[tilespmem:s9], [sflag:$0x5] =	stream.linear.gather [hbm4b:s11+s2], $0x258, $0x38;
	[tilespmem:$0x1D438] =	vst v63  }
0x46: {  	_ =	swait.ge [sflag:s3], $0x258  }
0x47: {  	[sflag:s3] =	ssyncset.done $0x0  }
0x48: {  	s18 =	simm.s32 $0x1BD50;
	s14 =	rddreg [dreg:$0x9];
	[sflag:s3] =	ssyncadd.s32 $0xFFFFFDA8  }
0x49: {  	[tilespmem:s18], [sflag:$0x5] =	stream.linear.gather [hbm4b:s14+s2], $0x258, $0x38;
	[tilespmem:$0x1D438] =	vst v63  }
0x4a: {  	_ =	swait.ge [sflag:s3], $0x258  }
0x4b: {  	[sflag:s3] =	ssyncset.done $0x0  }
0x4c: {  	s10 =	simm.s32 $0x190;
	[sflag:s3] =	ssyncadd.s32 $0xFFFFFDA8  }
0x4d: {  	[tilespmem:s12], [sflag:$0x1] =	stream.indirect.gather [spmem:s1], $0x18, s31, s10, $0xb8;
	[tilespmem:$0x1D438] =	vst v63  }
0x4e: {  	s20 =	simm.s32 $0x1CF48;
	s19 =	rddreg [dreg:$0xb]  }
0x4f: {  	[tilespmem:s20], [sflag:$0x5] =	stream.linear.gather [hbm4b:s19+s2], $0x190, $0x38;
	[tilespmem:$0x1D438] =	vst v63  }
0x50: {  	_ =	swait.ge [sflag:s3], $0x190  }
0x51: {  	[sflag:s3] =	ssyncset.done $0x0  }
0x52: {  	s26 =	rddreg [dreg:$0xc];
	[sflag:s3] =	ssyncadd.s32 $0xFFFFFE70  }
0x53: {  	[tilespmem:s8], [sflag:$0x5] =	stream.linear.gather [hbm4b:s26+s2], $0x258, $0x38;
	[tilespmem:$0x1D438] =	vst v63  }
0x54: {  	_ =	swait.ge [sflag:s3], $0x258  }
0x55: {  	[sflag:s3] =	ssyncset.done $0x0  }
0x56: {  	s11 =	simm.s32 $0x1C200;
	s29 =	rddreg [dreg:$0xd];
	[sflag:s3] =	ssyncadd.s32 $0xFFFFFDA8  }
0x57: {  	[tilespmem:s11], [sflag:$0x5] =	stream.linear.gather [hbm4b:s29+s2], $0x258, $0x38;
	[tilespmem:$0x1D438] =	vst v63  }
0x58: {  	_ =	swait.ge [sflag:s3], $0x258  }
0x59: {  	[sflag:s3] =	ssyncset.done $0x0  }
0x5a: {  	[sflag:s3] =	ssyncadd.s32 $0xFFFFFDA8  }
0x5b: {  	[tilespmem:s15], [sflag:$0x2] =	stream.indirect.gather [spmem:s1], $0x18, s20, s10, $0xb8;
	[tilespmem:$0x1D438] =	vst v63  }
0x5c: {  	s31 =	simm.s32 $0x1D0D8;
	s30 =	rddreg [dreg:$0xe]  }
0x5d: {  	[tilespmem:s31], [sflag:$0x5] =	stream.linear.gather [hbm4b:s30+s2], $0x190, $0x38;
	[tilespmem:$0x1D438] =	vst v63  }
0x5e: {  	_ =	swait.ge [sflag:s3], $0x190  }
0x5f: {  	[sflag:s3] =	ssyncset.done $0x0  }
0x60: {  	s14 =	rddreg [dreg:$0x10];
	[sflag:s3] =	ssyncadd.s32 $0xFFFFFE70  }
0x61: {  	[tilespmem:s17], [sflag:$0x5] =	stream.linear.gather [hbm4b:s14+s2], $0x258, $0x38;
	[tilespmem:$0x1D438] =	vst v63  }
0x62: {  	_ =	swait.ge [sflag:s3], $0x258  }
0x63: {  	[sflag:s3] =	ssyncset.done $0x0  }
0x64: {  	s19 =	simm.s32 $0x1C6B0;
	s18 =	rddreg [dreg:$0x11];
	[sflag:s3] =	ssyncadd.s32 $0xFFFFFDA8  }
0x65: {  	[tilespmem:s19], [sflag:$0x5] =	stream.linear.gather [hbm4b:s18+s2], $0x258, $0x38;
	[tilespmem:$0x1D438] =	vst v63  }
0x66: {  	_ =	swait.ge [sflag:s3], $0x258  }
0x67: {  	[sflag:s3] =	ssyncset.done $0x0  }
0x68: {  	[sflag:s3] =	ssyncadd.s32 $0xFFFFFDA8  }
0x69: {  	[tilespmem:s13], [sflag:$0x3] =	stream.indirect.gather [spmem:s1], $0x18, s31, s10, $0xb8;
	[tilespmem:$0x1D438] =	vst v63  }
0x6a: {  	s26 =	simm.s32 $0x1D268;
	s20 =	rddreg [dreg:$0x12]  }
0x6b: {  	[tilespmem:s26], [sflag:$0x5] =	stream.linear.gather [hbm4b:s20+s2], $0x190, $0x38;
	[tilespmem:$0x1D438] =	vst v63  }
0x6c: {  	_ =	swait.ge [sflag:s3], $0x190  }
0x6d: {  	[sflag:s3] =	ssyncset.done $0x0  }
0x6e: {  	s29 =	rddreg [dreg:$0x13];
	[sflag:s3] =	ssyncadd.s32 $0xFFFFFE70  }
0x6f: {  	[tilespmem:s16], [sflag:$0x5] =	stream.linear.gather [hbm4b:s29+s2], $0x258, $0x38;
	[tilespmem:$0x1D438] =	vst v63  }
0x70: {  	_ =	swait.ge [sflag:s3], $0x258  }
0x71: {  	[sflag:s3] =	ssyncset.done $0x0  }
0x72: {  	s31 =	simm.s32 $0x1CB60;
	s30 =	rddreg [dreg:$0x14];
	[sflag:s3] =	ssyncadd.s32 $0xFFFFFDA8  }
0x73: {  	[tilespmem:s31], [sflag:$0x5] =	stream.linear.gather [hbm4b:s30+s2], $0x258, $0x38;
	[tilespmem:$0x1D438] =	vst v63  }
0x74: {  	_ =	swait.ge [sflag:s3], $0x258  }
0x75: {  	s19 =	rddreg [dreg:$0xf]  }
0x76: {  	s14 =	rddreg [dreg:$0xa]  }
0x77: {  	[sflag:s3] =	ssyncset.done $0x0;
	s11 =	rddreg [dreg:$0x7]  }
0x78: {  	v22 =	vimm.f32 $0.0e+00;
	s28 =	simm.s32 $0x0;
	s7 =	rddreg [dreg:$0x3];
	[sflag:s3] =	ssyncadd.s32 $0xFFFFFDA8  }
0x79: {  	v23 =	vimm.f32 $0.0e+00;
	v24 =	vimm.f32 $0.0e+00;
	v21 =	vimm.f32 $0.0e+00;
	[tilespmem:s21], [sflag:$0x4] =	stream.indirect.gather [spmem:s1], $0x18, s26, s10, $0xb8;
	[tilespmem:$0x1D438] =	vst v63  }
.LBB2_2:
0x7a: {  	s0 =	simm.s32 $0x0  }
0x7b: {  	v25 =	vmov s0  }
0x7c: {  	v25 =	vmul.u32 $0x18, v25;
	_ =	sdelay $0x1  }
0x7d: {  	v30 =	vbroadcast v25, $0x0;
	_ =	sdelay $0x1  }
0x7e: {  	v25 =	vadd.s32 v30, v1  }
0x7f: {  	v26 =	vadd.s32 v30, v2  }
0x80: {  	_ =	swait.ge [sflag:s22], $0x2580;
	v28 =	vadd.s32 v7, v30  }
0x81: {  	[sflag:s22] =	ssyncset.done $0x0;
	v29 =	vadd.s32 v3, v30  }
0x82: {  	[sflag:s22] =	ssyncadd.s32 $0xFFFFDA80;
	v34 =	vadd.s32 v6, v30  }
0x83: {  	v40 =	vadd.s32 v8, v30;
	v27 =	vld.idx.msk [tilespmem:v25+s9+$0x0], $0xffff  }
0x84: {  	v31 =	vadd.s32 v4, v30;
	v32 =	vld.idx.msk [tilespmem:v26+s9+$0x0], $0xffff  }
0x85: {  	v33 =	vadd.s32 v5, v30;
	v26 =	vld.idx.msk [tilespmem:v28+s12+$0x0], $0xffff  }
0x86: {  	v25 =	vadd.s32 v0, v30;
	v28 =	vld.idx.msk [tilespmem:v29+s12+$0x0], $0xffff  }
0x87: {  	v35 =	vadd.s32 v18, v30;
	v36 =	vadd.s32 v19, v30;
	v37 =	vadd.s32 v9, v30;
	v34 =	vld.idx.msk [tilespmem:v34+s12+$0x0], $0xffff  }
0x88: {  	v38 =	vadd.s32 v16, v30;
	v39 =	vadd.s32 v17, v30;
	v43 =	vadd.s32 v11, v30;
	v40 =	vld.idx.msk [tilespmem:v40+s12+$0x0], $0xffff  }
0x89: {  	v41 =	vadd.s32 v14, v30;
	v42 =	vadd.s32 v15, v30;
	v44 =	vadd.s32 v12, v30;
	v31 =	vld.idx.msk [tilespmem:v31+s12+$0x0], $0xffff  }
0x8a: {  	v45 =	vadd.s32 v13, v30;
	v48 =	vadd.s32 v10, v30;
	v33 =	vld.idx.msk [tilespmem:v33+s12+$0x0], $0xffff;
	v30 =	vadd.s32 v20, v30  }
0x8b: {  	v29 =	vld.idx.msk [tilespmem:v25+s12+$0x0], $0xffff;
	v25 =	vand.u32 $0xFFFF0000, v27;
	v46 =	vbroadcast v32, $0x8;
	v47 =	vbroadcast v32, $0x9  }
0x8c: {  	v32 =	vbroadcast v32, $0xA;
	v59 =	vand.u32 $0xFFFF0000, v34;
	v60 =	vand.u32 $0xFFFF0000, v26  }
0x8d: {  	v43 =	vld.idx.msk [tilespmem:v43+s12+$0x0], $0xffff;
	v54 =	vand.u32 $0xFFFF0000, v40;
	v27 =	vshll.u32 v27, $0x10;
	v34 =	vshll.u32 v34, $0x10  }
0x8e: {  	v44 =	vld.idx.msk [tilespmem:v44+s12+$0x0], $0xffff;
	v26 =	vshll.u32 v26, $0x10;
	v49 =	vbroadcast v25, $0x5;
	v56 =	vbroadcast v25, $0x2  }
0x8f: {  	v36 =	vld.idx.msk [tilespmem:v36+s12+$0x0], $0xffff;
	v50 =	vbroadcast v25, $0x0;
	v51 =	vbroadcast v25, $0x1;
	v46 =	vsub.f32 v28, v46  }
0x90: {  	v62 =	vbroadcast v25, $0x3;
	v31 =	vsub.f32 v31, v47;
	v32 =	vsub.f32 v33, v32  }
0x91: {  	v63 =	vbroadcast v25, $0x4;
	v28 =	vld.idx.msk [tilespmem:v37+s12+$0x0], $0xffff;
	v37 =	vsub.f32 v59, v51;
	v61 =	vsub.f32 v60, v56  }
0x92: {  	v33 =	vsub.f32 v54, v62;
	v59 =	vbroadcast v25, $0x6;
	v60 =	vand.u32 $0xFFFF0000, v43  }
0x93: {  	v62 =	vand.u32 $0xFFFF0000, v44;
	v46 =	vmul.f32 v46, v46;
	v31 =	vmul.f32 v31, v31  }
0x94: {  	v51 =	vand.u32 $0xFFFF0000, v36;
	v36 =	vshll.u32 v36, $0x10;
	v32 =	vmul.f32 v32, v32  }
0x95: {  	v57 =	vand.u32 $0xFFFF0000, v29;
	v53 =	vand.u32 $0x7FFFFFFF, v37;
	v31 =	vadd.f32 v31, v46  }
0x96: {  	v48 =	vld.idx.msk [tilespmem:v48+s12+$0x0], $0xffff;
	v33 =	vand.u32 $0x7FFFFFFF, v33;
	v29 =	vshll.u32 v29, $0x10;
	v58 =	vsub.f32 v57, v50  }
0x97: {  	v41 =	vld.idx.msk [tilespmem:v41+s12+$0x0], $0xffff;
	v46 =	vand.u32 $0x7FFFFFFF, v61;
	v61 =	vbroadcast v25, $0x7;
	v31 =	vadd.f32 v32, v31  }
0x98: {  	v45 =	vld.idx.msk [tilespmem:v45+s12+$0x0], $0xffff;
	v50 =	vbroadcast v25, $0xE;
	v55 =	vand.u32 $0xFFFF0000, v28;
	v52 =	vand.u32 $0x7FFFFFFF, v58  }
0x99: {  	v28 =	vshll.u32 v28, $0x10;
	v32 =	vadd.f32 v53, v52;
	v31 =	vmax.f32 v31, $9.999999930e-09  }
0x9a: {  	v37 =	vsub.f32 v55, v63;
	v56 =	vshra.s32 v31, $0x1;
	v31 =	vmul.f32 $5.000000000e-01, v31  }
0x9b: {  	v58 =	vand.u32 $0xFFFF0000, v48;
	v32 =	vadd.f32 v46, v32;
	v57 =	vsub.s32 $0x5F3759DF, v56  }
0x9c: {  	v63 =	vbroadcast v25, $0x8;
	v55 =	vand.u32 $0xFFFF0000, v41;
	v47 =	vmul.f32 v57, v31  }
0x9d: {  	v39 =	vld.idx.msk [tilespmem:v39+s12+$0x0], $0xffff;
	v41 =	vshll.u32 v41, $0x10;
	v52 =	vand.u32 $0xFFFF0000, v45;
	v32 =	vadd.f32 v33, v32  }
0x9e: {  	v38 =	vld.idx.msk [tilespmem:v38+s12+$0x0], $0xffff;
	v37 =	vand.u32 $0x7FFFFFFF, v37;
	v33 =	vsub.f32 v58, v49;
	v47 =	vmul.f32 v57, v47  }
0x9f: {  	v53 =	vbroadcast v25, $0x9;
	v56 =	vbroadcast v25, $0xA;
	v32 =	vadd.f32 v37, v32  }
0xa0: {  	v58 =	vbroadcast v25, $0xB;
	v33 =	vand.u32 $0x7FFFFFFF, v33;
	v47 =	vsub.f32 $1.500000000e+00, v47  }
0xa1: {  	v42 =	vld.idx.msk [tilespmem:v42+s12+$0x0], $0xffff;
	v37 =	vsub.f32 v60, v59;
	v60 =	vbroadcast v25, $0xC;
	v32 =	vadd.f32 v33, v32  }
0xa2: {  	v33 =	vsub.f32 v62, v61;
	v61 =	vand.u32 $0xFFFF0000, v39;
	v46 =	vmul.f32 v57, v47  }
0xa3: {  	v59 =	vand.u32 $0xFFFF0000, v38;
	v37 =	vand.u32 $0x7FFFFFFF, v37;
	v62 =	vsub.f32 v61, v60  }
0xa4: {  	v60 =	vshll.u32 v43, $0x10;
	v32 =	vadd.f32 v37, v32;
	v54 =	vmul.f32 v46, v31  }
0xa5: {  	v35 =	vld.idx.msk [tilespmem:v35+s12+$0x0], $0xffff;
	v61 =	vbroadcast v27, $0x7;
	v33 =	vand.u32 $0x7FFFFFFF, v33;
	v37 =	vsub.f32 v52, v63  }
0xa6: {  	v43 =	vshll.u32 v42, $0x10;
	v32 =	vadd.f32 v33, v32;
	v49 =	vmul.f32 v54, v46  }
0xa7: {  	v57 =	vand.u32 $0xFFFF0000, v42;
	v37 =	vand.u32 $0x7FFFFFFF, v37;
	v33 =	vsub.f32 v55, v53  }
0xa8: {  	v63 =	vbroadcast v25, $0xD;
	v32 =	vadd.f32 v37, v32;
	v49 =	vsub.f32 $1.500000000e+00, v49  }
0xa9: {  	v52 =	vbroadcast v25, $0xF;
	v33 =	vand.u32 $0x7FFFFFFF, v33;
	v37 =	vsub.f32 v57, v56  }
0xaa: {  	v47 =	vshll.u32 v35, $0x10;
	v32 =	vadd.f32 v33, v32;
	v46 =	vmul.f32 v49, v46  }
0xab: {  	v55 =	vbroadcast v27, $0x1;
	v37 =	vand.u32 $0x7FFFFFFF, v37;
	v33 =	vsub.f32 v59, v58  }
0xac: {  	v54 =	vbroadcast v27, $0x0;
	v32 =	vadd.f32 v37, v32;
	v31 =	vmul.f32 v46, v31  }
0xad: {  	v34 =	vsub.f32 v34, v55;
	v56 =	vbroadcast v27, $0x2;
	v33 =	vand.u32 $0x7FFFFFFF, v33  }
0xae: {  	v49 =	vand.u32 $0xFFFF0000, v35;
	v32 =	vadd.f32 v33, v32;
	v31 =	vmul.f32 v31, v46  }
0xaf: {  	v29 =	vsub.f32 v29, v54;
	v37 =	vand.u32 $0x7FFFFFFF, v62;
	v33 =	vsub.f32 v49, v63  }
0xb0: {  	v57 =	vbroadcast v27, $0x3;
	v32 =	vadd.f32 v37, v32;
	v31 =	vsub.f32 $1.500000000e+00, v31  }
0xb1: {  	s26 =	sadd.s32 $0x0, s7;
	v30 =	vld.idx.msk [tilespmem:v30+s12+$0x0], $0xffff;
	v34 =	vand.u32 $0x7FFFFFFF, v34;
	v33 =	vand.u32 $0x7FFFFFFF, v33;
	v37 =	vsub.f32 v51, v50  }
0xb2: {  	p0 =	slt.u32 s26, $0xC350;
	s0 =	simm.f32 $1.000000000e+00;
	v29 =	vand.u32 $0x7FFFFFFF, v29;
	v32 =	vadd.f32 v33, v32;
	v31 =	vmul.f32 v31, v46  }
0xb3: {  	s0 =	simm.s32 @!p0 $0x0;
	v26 =	vsub.f32 v26, v56;
	v29 =	vadd.f32 v34, v29;
	v37 =	vand.u32 $0x7FFFFFFF, v37  }
0xb4: {  	v32 =	vadd.f32 v37, v32;
	v37 =	vmul.f32 s0, v31;
	v31 =	vshll.u32 v40, $0x10  }
0xb5: {  	v58 =	vbroadcast v27, $0x4;
	v26 =	vand.u32 $0x7FFFFFFF, v26;
	v31 =	vsub.f32 v31, v57  }
0xb6: {  	v53 =	vand.u32 $0xFFFF0000, v30;
	v30 =	vshll.u32 v30, $0x10;
	v26 =	vadd.f32 v26, v29  }
0xb7: {  	v28 =	vsub.f32 v28, v58;
	v29 =	vbroadcast v27, $0x5;
	v31 =	vand.u32 $0x7FFFFFFF, v31  }
0xb8: {  	v59 =	vshll.u32 v48, $0x10;
	v48 =	vbroadcast v27, $0xD;
	v26 =	vadd.f32 v31, v26  }
0xb9: {  	v28 =	vand.u32 $0x7FFFFFFF, v28;
	v29 =	vsub.f32 v59, v29;
	v31 =	vbroadcast v27, $0x6  }
0xba: {  	v62 =	vshll.u32 v45, $0x10;
	v34 =	vsub.f32 v47, v48;
	v26 =	vadd.f32 v28, v26  }
0xbb: {  	v33 =	vsub.f32 v53, v52;
	v28 =	vand.u32 $0x7FFFFFFF, v29;
	v29 =	vsub.f32 v60, v31  }
0xbc: {  	v63 =	vbroadcast v27, $0x8;
	v31 =	vshll.u32 v44, $0x10;
	v26 =	vadd.f32 v28, v26  }
0xbd: {  	v33 =	vand.u32 $0x7FFFFFFF, v33;
	v28 =	vand.u32 $0x7FFFFFFF, v29;
	v29 =	vsub.f32 v31, v61  }
0xbe: {  	v45 =	vbroadcast v27, $0xC;
	v32 =	vadd.f32 v33, v32;
	v26 =	vadd.f32 v28, v26  }
0xbf: {  	s10 =	simm.s32 $0x1;
	v33 =	vsub.f32 v62, v63;
	v31 =	vbroadcast v27, $0x9;
	v28 =	vand.u32 $0x7FFFFFFF, v29  }
0xc0: {  	v49 =	vmov s10;
	v34 =	vand.u32 $0x7FFFFFFF, v34;
	v26 =	vadd.f32 v28, v26  }
0xc1: {  	s30 =	simm.s32 $0x10;
	v33 =	vand.u32 $0x7FFFFFFF, v33;
	v29 =	vbroadcast v27, $0xA;
	v31 =	vsub.f32 v41, v31  }
0xc2: {  	v50 =	vbroadcast v27, $0xE;
	v51 =	vmov s30;
	v26 =	vadd.f32 v33, v26  }
0xc3: {  	v28 =	vsub.f32 v43, v29;
	v29 =	vbroadcast v27, $0xB;
	v31 =	vand.u32 $0x7FFFFFFF, v31  }
0xc4: {  	v52 =	vsub.f32 v36, v50;
	v44 =	vshll.u32 v38, $0x10;
	v26 =	vadd.f32 v31, v26  }
0xc5: {  	v53 =	vbroadcast v27, $0xF;
	v28 =	vand.u32 $0x7FFFFFFF, v28;
	v29 =	vsub.f32 v44, v29  }
0xc6: {  	v46 =	vshll.u32 v39, $0x10;
	v26 =	vadd.f32 v28, v26;
	v28 =	vmul.u32 $0x18, v49  }
0xc7: {  	v30 =	vsub.f32 v30, v53;
	v29 =	vand.u32 $0x7FFFFFFF, v29;
	v31 =	vsub.f32 v46, v45  }
0xc8: {  	v26 =	vadd.f32 v29, v26;
	v28 =	vbroadcast v28, $0x0;
	v29 =	vmul.u32 $0x18, v51  }
0xc9: {  	v30 =	vand.u32 $0x7FFFFFFF, v30;
	v27 =	vsub.f32 v27, v25;
	v31 =	vand.u32 $0x7FFFFFFF, v31  }
0xca: {  	v26 =	vadd.f32 v31, v26;
	v31 =	vadd.s32 v28, v1;
	v29 =	vbroadcast v29, $0x0  }
0xcb: {  	v32 =	vmul.f32 v37, v32;
	v25 =	vmul.f32 v25, v25;
	v54 =	vadd.s32 v28, v2  }
0xcc: {  	v27 =	vmul.f32 v27, v27;
	v26 =	vadd.f32 v34, v26;
	v56 =	vadd.s32 v3, v29  }
0xcd: {  	v25 =	vmul.f32 s0, v25;
	v28 =	vand.u32 $0x7FFFFFFF, v52;
	v57 =	vadd.s32 v4, v29  }
0xce: {  	v27 =	vmul.f32 s0, v27;
	v58 =	vadd.s32 v0, v29;
	v26 =	vadd.f32 v28, v26  }
0xcf: {  	v55 =	vadd.s32 v7, v29;
	v60 =	vadd.s32 v5, v29;
	v61 =	vadd.s32 v6, v29;
	v28 =	vld.idx.msk [tilespmem:v31+s9+$0x0], $0xffff  }
0xd0: {  	v34 =	vadd.s32 v18, v29;
	v59 =	vld.idx.msk [tilespmem:v54+s9+$0x0], $0xffff;
	v26 =	vadd.f32 v30, v26;
	v30 =	vadd.f32 v32, v24  }
0xd1: {  	v40 =	vadd.s32 v20, v29;
	v24 =	vadd.f32 v25, v22;
	v22 =	vadd.f32 v27, v23;
	v27 =	vld.idx.msk [tilespmem:v56+s12+$0x0], $0xffff  }
0xd2: {  	v62 =	vadd.s32 v9, v29;
	v42 =	vadd.s32 v16, v29;
	v43 =	vadd.s32 v17, v29;
	v35 =	vld.idx.msk [tilespmem:v57+s12+$0x0], $0xffff  }
0xd3: {  	v63 =	vadd.s32 v8, v29;
	v44 =	vadd.s32 v14, v29;
	v45 =	vadd.s32 v15, v29;
	v23 =	vld.idx.msk [tilespmem:v58+s12+$0x0], $0xffff  }
0xd4: {  	v46 =	vadd.s32 v11, v29;
	v47 =	vadd.s32 v12, v29;
	v48 =	vadd.s32 v13, v29;
	v36 =	vld.idx.msk [tilespmem:v60+s12+$0x0], $0xffff  }
0xd5: {  	v33 =	vld.idx.msk [tilespmem:v61+s12+$0x0], $0xffff;
	v25 =	vmul.f32 v37, v26;
	v37 =	vadd.s32 v19, v29;
	v54 =	vbroadcast v59, $0x8  }
0xd6: {  	v31 =	vld.idx.msk [tilespmem:v55+s12+$0x0], $0xffff;
	v26 =	vand.u32 $0xFFFF0000, v28;
	v55 =	vbroadcast v59, $0x9;
	v56 =	vbroadcast v59, $0xA  }
0xd7: {  	v29 =	vadd.s32 v10, v29;
	v51 =	vbroadcast v26, $0x5;
	v57 =	vbroadcast v26, $0x2  }
0xd8: {  	v59 =	vbroadcast v26, $0x0;
	v52 =	vbroadcast v26, $0x1;
	v27 =	vsub.f32 v27, v54  }
0xd9: {  	v35 =	vsub.f32 v35, v55;
	v58 =	vand.u32 $0xFFFF0000, v23;
	v36 =	vsub.f32 v36, v56  }
0xda: {  	v32 =	vld.idx.msk [tilespmem:v62+s12+$0x0], $0xffff;
	v60 =	vand.u32 $0xFFFF0000, v33;
	v56 =	vbroadcast v26, $0x3;
	v54 =	vbroadcast v26, $0x7  }
0xdb: {  	v38 =	vld.idx.msk [tilespmem:v63+s12+$0x0], $0xffff;
	v61 =	vand.u32 $0xFFFF0000, v31;
	v27 =	vmul.f32 v27, v27;
	v35 =	vmul.f32 v35, v35  }
0xdc: {  	v23 =	vshll.u32 v23, $0x10;
	v33 =	vshll.u32 v33, $0x10;
	v41 =	vsub.f32 v58, v59  }
0xdd: {  	v63 =	vsub.f32 v60, v52;
	v62 =	vmul.f32 v36, v36;
	v27 =	vadd.f32 v35, v27  }
0xde: {  	v31 =	vshll.u32 v31, $0x10;
	v39 =	vsub.f32 v61, v57;
	v57 =	vbroadcast v26, $0x4  }
0xdf: {  	v52 =	vld.idx.msk [tilespmem:v29+s12+$0x0], $0xffff;
	v29 =	vand.u32 $0x7FFFFFFF, v41;
	v58 =	vand.u32 $0x7FFFFFFF, v63;
	v27 =	vadd.f32 v62, v27  }
0xe0: {  	v59 =	vand.u32 $0xFFFF0000, v38;
	v60 =	vand.u32 $0xFFFF0000, v32;
	v29 =	vadd.f32 v58, v29  }
0xe1: {  	v41 =	vld.idx.msk [tilespmem:v46+s12+$0x0], $0xffff;
	v39 =	vand.u32 $0x7FFFFFFF, v39;
	v35 =	vsub.f32 v59, v56;
	v27 =	vmax.f32 v27, $9.999999930e-09  }
0xe2: {  	v44 =	vld.idx.msk [tilespmem:v44+s12+$0x0], $0xffff;
	v61 =	vshra.s32 v27, $0x1;
	v49 =	vmul.f32 $5.000000000e-01, v27;
	v27 =	vadd.f32 v39, v29  }
0xe3: {  	v36 =	vsub.f32 v60, v57;
	v35 =	vand.u32 $0x7FFFFFFF, v35;
	v39 =	vld.idx.msk [tilespmem:v47+s12+$0x0], $0xffff;
	v29 =	vsub.s32 $0x5F3759DF, v61  }
0xe4: {  	v62 =	vand.u32 $0xFFFF0000, v52;
	v46 =	vmul.f32 v29, v49;
	v27 =	vadd.f32 v35, v27  }
0xe5: {  	v63 =	vbroadcast v26, $0x6;
	v36 =	vand.u32 $0x7FFFFFFF, v36;
	v47 =	vld.idx.msk [tilespmem:v48+s12+$0x0], $0xffff;
	v35 =	vsub.f32 v62, v51  }
0xe6: {  	v53 =	vand.u32 $0xFFFF0000, v41;
	v46 =	vmul.f32 v29, v46;
	v27 =	vadd.f32 v36, v27  }
0xe7: {  	v60 =	vand.u32 $0xFFFF0000, v44;
	v35 =	vand.u32 $0x7FFFFFFF, v35;
	v36 =	vsub.f32 v53, v63  }
0xe8: {  	v45 =	vld.idx.msk [tilespmem:v45+s12+$0x0], $0xffff;
	v55 =	vand.u32 $0xFFFF0000, v39;
	v46 =	vsub.f32 $1.500000000e+00, v46;
	v27 =	vadd.f32 v35, v27  }
0xe9: {  	v56 =	vbroadcast v26, $0x8;
	v36 =	vand.u32 $0x7FFFFFFF, v36;
	v35 =	vsub.f32 v55, v54  }
0xea: {  	v42 =	vld.idx.msk [tilespmem:v42+s12+$0x0], $0xffff;
	v57 =	vand.u32 $0xFFFF0000, v47;
	v29 =	vmul.f32 v29, v46;
	v27 =	vadd.f32 v36, v27  }
0xeb: {  	v58 =	vbroadcast v26, $0x9;
	v35 =	vand.u32 $0x7FFFFFFF, v35;
	v36 =	vsub.f32 v57, v56  }
0xec: {  	v43 =	vld.idx.msk [tilespmem:v43+s12+$0x0], $0xffff;
	v61 =	vbroadcast v26, $0xA;
	v59 =	vmul.f32 v29, v49;
	v27 =	vadd.f32 v35, v27  }
0xed: {  	v62 =	vand.u32 $0xFFFF0000, v45;
	v36 =	vand.u32 $0x7FFFFFFF, v36;
	v35 =	vsub.f32 v60, v58  }
0xee: {  	v34 =	vld.idx.msk [tilespmem:v34+s12+$0x0], $0xffff;
	v63 =	vbroadcast v26, $0xB;
	v48 =	vmul.f32 v59, v29;
	v27 =	vadd.f32 v36, v27  }
0xef: {  	v37 =	vld.idx.msk [tilespmem:v37+s12+$0x0], $0xffff;
	v53 =	vand.u32 $0xFFFF0000, v42;
	v35 =	vand.u32 $0x7FFFFFFF, v35;
	v36 =	vsub.f32 v62, v61  }
0xf0: {  	v54 =	vbroadcast v26, $0xC;
	v48 =	vsub.f32 $1.500000000e+00, v48;
	v27 =	vadd.f32 v35, v27  }
0xf1: {  	v55 =	vand.u32 $0xFFFF0000, v43;
	v36 =	vand.u32 $0x7FFFFFFF, v36;
	v35 =	vsub.f32 v53, v63  }
0xf2: {  	v56 =	vbroadcast v26, $0xD;
	v48 =	vmul.f32 v48, v29;
	v29 =	vadd.f32 v36, v27;
	v27 =	vld.idx.msk [tilespmem:v40+s12+$0x0], $0xffff  }
0xf3: {  	v58 =	vand.u32 $0xFFFF0000, v34;
	v35 =	vand.u32 $0x7FFFFFFF, v35;
	v36 =	vsub.f32 v55, v54  }
0xf4: {  	v60 =	vand.u32 $0xFFFF0000, v37;
	v57 =	vmul.f32 v48, v49;
	v29 =	vadd.f32 v35, v29  }
0xf5: {  	v59 =	vbroadcast v26, $0xE;
	v36 =	vand.u32 $0x7FFFFFFF, v36;
	v35 =	vsub.f32 v58, v56  }
0xf6: {  	v61 =	vbroadcast v26, $0xF;
	v46 =	vmul.f32 v57, v48;
	v29 =	vadd.f32 v36, v29  }
0xf7: {  	v35 =	vand.u32 $0x7FFFFFFF, v35;
	v36 =	vsub.f32 v60, v59;
	v62 =	vand.u32 $0xFFFF0000, v27  }
0xf8: {  	v46 =	vsub.f32 $1.500000000e+00, v46;
	v35 =	vadd.f32 v35, v29;
	v29 =	vshll.u32 v28, $0x10  }
0xf9: {  	s31 =	sadd.s32 $0x1, s7;
	v28 =	vand.u32 $0x7FFFFFFF, v36;
	v63 =	vsub.f32 v62, v61;
	v54 =	vbroadcast v29, $0x0  }
0xfa: {  	s29 =	simm.f32 $1.000000000e+00;
	p0 =	slt.u32 s31, $0xC350;
	v55 =	vbroadcast v29, $0x1;
	v53 =	vmul.f32 v46, v48;
	v35 =	vadd.f32 v28, v35  }
0xfb: {  	s29 =	simm.s32 @!p0 $0x0;
	v56 =	vbroadcast v29, $0x2;
	v36 =	vand.u32 $0x7FFFFFFF, v63;
	v23 =	vsub.f32 v23, v54  }
0xfc: {  	v33 =	vsub.f32 v33, v55;
	v28 =	vmul.f32 s29, v53;
	v35 =	vadd.f32 v36, v35  }
0xfd: {  	v57 =	vbroadcast v29, $0x3;
	v31 =	vsub.f32 v31, v56  }
0xfe: {  	v23 =	vand.u32 $0x7FFFFFFF, v23;
	v33 =	vand.u32 $0x7FFFFFFF, v33;
	v35 =	vmul.f32 v28, v35  }
0xff: {  	v58 =	vshll.u32 v38, $0x10;
	v59 =	vbroadcast v29, $0x4;
	v33 =	vadd.f32 v33, v23  }
0x100: {  	v23 =	vadd.f32 v35, v30;
	v30 =	vand.u32 $0x7FFFFFFF, v31;
	v31 =	vsub.f32 v58, v57  }
0x101: {  	v32 =	vshll.u32 v32, $0x10;
	v34 =	vshll.u32 v34, $0x10;
	v30 =	vadd.f32 v30, v33  }
0x102: {  	v60 =	vbroadcast v29, $0x5;
	v32 =	vsub.f32 v32, v59;
	v31 =	vand.u32 $0x7FFFFFFF, v31  }
0x103: {  	v37 =	vshll.u32 v37, $0x10;
	v61 =	vshll.u32 v52, $0x10;
	v30 =	vadd.f32 v31, v30  }
0x104: {  	v62 =	vbroadcast v29, $0x6;
	v32 =	vand.u32 $0x7FFFFFFF, v32;
	v31 =	vsub.f32 v61, v60  }
0x105: {  	v52 =	vshll.u32 v44, $0x10;
	v63 =	vshll.u32 v41, $0x10;
	v30 =	vadd.f32 v32, v30  }
0x106: {  	v40 =	vbroadcast v29, $0x7;
	v41 =	vsub.f32 v63, v62;
	v31 =	vand.u32 $0x7FFFFFFF, v31  }
0x107: {  	v49 =	vbroadcast v29, $0x8;
	v46 =	vshll.u32 v39, $0x10;
	v30 =	vadd.f32 v31, v30  }
0x108: {  	v48 =	vshll.u32 v47, $0x10;
	v50 =	vsub.f32 v46, v40;
	v31 =	vand.u32 $0x7FFFFFFF, v41  }
0x109: {  	v51 =	vsub.f32 v48, v49;
	v54 =	vbroadcast v29, $0xA;
	v30 =	vadd.f32 v31, v30  }
0x10a: {  	v55 =	vshll.u32 v45, $0x10;
	v53 =	vbroadcast v29, $0x9;
	v31 =	vand.u32 $0x7FFFFFFF, v50  }
0x10b: {  	s20 =	simm.s32 $0x2;
	v56 =	vbroadcast v29, $0xB;
	v59 =	vshll.u32 v43, $0x10;
	v30 =	vadd.f32 v31, v30  }
0x10c: {  	s10 =	simm.s32 $0x20;
	v62 =	vmov s20;
	v35 =	vsub.f32 v52, v53;
	v33 =	vand.u32 $0x7FFFFFFF, v51  }
0x10d: {  	v36 =	vmov s10;
	v58 =	vbroadcast v29, $0xC;
	v30 =	vadd.f32 v33, v30  }
0x10e: {  	v35 =	vand.u32 $0x7FFFFFFF, v35;
	v60 =	vbroadcast v29, $0xD;
	v31 =	vsub.f32 v55, v54  }
0x10f: {  	v57 =	vshll.u32 v42, $0x10;
	v61 =	vsub.f32 v59, v58;
	v35 =	vadd.f32 v35, v30  }
0x110: {  	v32 =	vsub.f32 v57, v56;
	v63 =	vsub.f32 v34, v60;
	v31 =	vand.u32 $0x7FFFFFFF, v31  }
0x111: {  	v34 =	vmul.u32 $0x18, v62;
	v33 =	vbroadcast v29, $0xE;
	v35 =	vadd.f32 v31, v35  }
0x112: {  	s26 =	smul.u32 $0x64, s28;
	s0 =	simm.s32 $0x3;
	v30 =	vand.u32 $0x7FFFFFFF, v32;
	v32 =	vand.u32 $0x7FFFFFFF, v61;
	v31 =	vand.u32 $0x7FFFFFFF, v63  }
.LBB2_3:
0x113: {  	p0 =	sne.s32 s0, $0x18;
	v34 =	vbroadcast v34, $0x0;
	v36 =	vmul.u32 $0x18, v36;
	v30 =	vadd.f32 v30, v35  }
0x114: {  	v33 =	vsub.f32 v37, v33;
	v27 =	vshll.u32 v27, $0x10;
	v35 =	vbroadcast v29, $0xF  }
0x115: {  	v37 =	vadd.s32 v34, v1;
	v36 =	vbroadcast v36, $0x0;
	v30 =	vadd.f32 v32, v30  }
0x116: {  	v32 =	vadd.s32 v34, v2;
	v33 =	vand.u32 $0x7FFFFFFF, v33;
	v27 =	vsub.f32 v27, v35  }
0x117: {  	v29 =	vsub.f32 v29, v26;
	v34 =	vadd.s32 v7, v36;
	v30 =	vadd.f32 v31, v30  }
0x118: {  	v26 =	vmul.f32 v26, v26;
	v31 =	vadd.s32 v3, v36;
	v27 =	vand.u32 $0x7FFFFFFF, v27  }
0x119: {  	v35 =	vadd.s32 v4, v36;
	v30 =	vadd.f32 v33, v30;
	v33 =	vmul.f32 v29, v29  }
0x11a: {  	v21 =	vadd.f32 v25, v21;
	v26 =	vmul.f32 s29, v26;
	v29 =	vld.idx.msk [tilespmem:v37+s9+$0x0], $0xffff;
	v37 =	vadd.s32 v0, v36  }
0x11b: {  	v38 =	vld.idx.msk [tilespmem:v32+s9+$0x0], $0xffff;
	v32 =	vadd.s32 v5, v36;
	v25 =	vadd.f32 v27, v30;
	v27 =	vmul.f32 s29, v33  }
0x11c: {  	v24 =	vadd.f32 v26, v24;
	v33 =	vadd.s32 v6, v36;
	v30 =	vld.idx.msk [tilespmem:v34+s12+$0x0], $0xffff  }
0x11d: {  	v31 =	vld.idx.msk [tilespmem:v31+s12+$0x0], $0xffff;
	v25 =	vmul.f32 v28, v25;
	v22 =	vadd.f32 v27, v22  }
0x11e: {  	v43 =	vadd.s32 v18, v36;
	v41 =	vadd.s32 v19, v36;
	v27 =	vadd.s32 v20, v36;
	v34 =	vld.idx.msk [tilespmem:v35+s12+$0x0], $0xffff  }
0x11f: {  	v40 =	vadd.s32 v16, v36;
	v42 =	vadd.s32 v17, v36;
	v35 =	vadd.s32 v9, v36;
	v28 =	vld.idx.msk [tilespmem:v37+s12+$0x0], $0xffff  }
0x120: {  	v39 =	vadd.s32 v8, v36;
	v44 =	vadd.s32 v14, v36;
	v45 =	vadd.s32 v15, v36;
	v37 =	vld.idx.msk [tilespmem:v32+s12+$0x0], $0xffff  }
0x121: {  	v46 =	vadd.s32 v11, v36;
	v47 =	vadd.s32 v12, v36;
	v48 =	vadd.s32 v13, v36;
	v32 =	vld.idx.msk [tilespmem:v33+s12+$0x0], $0xffff  }
0x122: {  	v26 =	vand.u32 $0xFFFF0000, v29;
	v49 =	vbroadcast v38, $0x9;
	v33 =	vbroadcast v38, $0x8  }
0x123: {  	v36 =	vadd.s32 v10, v36;
	v50 =	vbroadcast v26, $0x5;
	v38 =	vbroadcast v38, $0xA  }
0x124: {  	v51 =	vsub.f32 v31, v33;
	v34 =	vsub.f32 v34, v49;
	v49 =	vbroadcast v26, $0x2;
	v31 =	vld.idx.msk [tilespmem:v35+s12+$0x0], $0xffff  }
0x125: {  	v52 =	vbroadcast v26, $0x0;
	v53 =	vbroadcast v26, $0x1;
	v35 =	vand.u32 $0xFFFF0000, v28;
	v33 =	vld.idx.msk [tilespmem:v39+s12+$0x0], $0xffff  }
0x126: {  	v39 =	vmul.f32 v51, v51;
	v34 =	vmul.f32 v34, v34;
	v37 =	vsub.f32 v37, v38  }
0x127: {  	v35 =	vsub.f32 v35, v52;
	v51 =	vand.u32 $0xFFFF0000, v30;
	v38 =	vand.u32 $0xFFFF0000, v32  }
0x128: {  	v39 =	vadd.f32 v34, v39;
	v37 =	vmul.f32 v37, v37;
	v38 =	vsub.f32 v38, v53  }
0x129: {  	v52 =	vbroadcast v26, $0x4;
	v49 =	vsub.f32 v51, v49;
	v51 =	vbroadcast v26, $0x3;
	v34 =	vld.idx.msk [tilespmem:v36+s12+$0x0], $0xffff  }
0x12a: {  	v35 =	vand.u32 $0x7FFFFFFF, v35;
	v36 =	vadd.f32 v37, v39;
	v37 =	vand.u32 $0x7FFFFFFF, v38  }
0x12b: {  	v39 =	vand.u32 $0xFFFF0000, v31;
	v37 =	vadd.f32 v37, v35;
	v38 =	vand.u32 $0xFFFF0000, v33;
	v35 =	vld.idx.msk [tilespmem:v46+s12+$0x0], $0xffff  }
0x12c: {  	v36 =	vmax.f32 v36, $9.999999930e-09;
	v46 =	vand.u32 $0x7FFFFFFF, v49;
	v38 =	vsub.f32 v38, v51  }
0x12d: {  	v49 =	vshra.s32 v36, $0x1;
	v51 =	vmul.f32 $5.000000000e-01, v36;
	v37 =	vadd.f32 v46, v37;
	v36 =	vld.idx.msk [tilespmem:v47+s12+$0x0], $0xffff  }
0x12e: {  	v39 =	vsub.f32 v39, v52;
	v46 =	vsub.s32 $0x5F3759DF, v49;
	v38 =	vand.u32 $0x7FFFFFFF, v38  }
0x12f: {  	v47 =	vmul.f32 v46, v51;
	v38 =	vadd.f32 v38, v37;
	v49 =	vand.u32 $0xFFFF0000, v34;
	v37 =	vld.idx.msk [tilespmem:v48+s12+$0x0], $0xffff  }
0x130: {  	v39 =	vand.u32 $0x7FFFFFFF, v39;
	v48 =	vsub.f32 v49, v50;
	v49 =	vbroadcast v26, $0x6  }
0x131: {  	v47 =	vmul.f32 v46, v47;
	v39 =	vadd.f32 v39, v38;
	v50 =	vand.u32 $0xFFFF0000, v35;
	v38 =	vld.idx.msk [tilespmem:v44+s12+$0x0], $0xffff  }
0x132: {  	v44 =	vand.u32 $0x7FFFFFFF, v48;
	v48 =	vsub.f32 v50, v49;
	v49 =	vbroadcast v26, $0x7  }
0x133: {  	v47 =	vsub.f32 $1.500000000e+00, v47;
	v44 =	vadd.f32 v44, v39;
	v50 =	vand.u32 $0xFFFF0000, v36;
	v39 =	vld.idx.msk [tilespmem:v45+s12+$0x0], $0xffff  }
0x134: {  	v45 =	vand.u32 $0x7FFFFFFF, v48;
	v48 =	vsub.f32 v50, v49;
	v49 =	vbroadcast v26, $0x8  }
0x135: {  	v46 =	vmul.f32 v46, v47;
	v44 =	vadd.f32 v45, v44;
	v45 =	vand.u32 $0xFFFF0000, v37;
	v40 =	vld.idx.msk [tilespmem:v40+s12+$0x0], $0xffff  }
0x136: {  	v47 =	vand.u32 $0x7FFFFFFF, v48;
	v45 =	vsub.f32 v45, v49;
	v48 =	vbroadcast v26, $0x9  }
0x137: {  	v49 =	vmul.f32 v46, v51;
	v44 =	vadd.f32 v47, v44;
	v47 =	vand.u32 $0xFFFF0000, v38;
	v42 =	vld.idx.msk [tilespmem:v42+s12+$0x0], $0xffff  }
0x138: {  	v45 =	vand.u32 $0x7FFFFFFF, v45;
	v47 =	vsub.f32 v47, v48;
	v48 =	vbroadcast v26, $0xA  }
0x139: {  	v49 =	vmul.f32 v49, v46;
	v44 =	vadd.f32 v45, v44;
	v45 =	vand.u32 $0xFFFF0000, v39;
	v43 =	vld.idx.msk [tilespmem:v43+s12+$0x0], $0xffff  }
0x13a: {  	v47 =	vand.u32 $0x7FFFFFFF, v47;
	v45 =	vsub.f32 v45, v48;
	v48 =	vbroadcast v26, $0xB  }
0x13b: {  	v49 =	vsub.f32 $1.500000000e+00, v49;
	v44 =	vadd.f32 v47, v44;
	v47 =	vand.u32 $0xFFFF0000, v40;
	v41 =	vld.idx.msk [tilespmem:v41+s12+$0x0], $0xffff  }
0x13c: {  	v45 =	vand.u32 $0x7FFFFFFF, v45;
	v47 =	vsub.f32 v47, v48;
	v48 =	vbroadcast v26, $0xC  }
0x13d: {  	v46 =	vmul.f32 v49, v46;
	v44 =	vadd.f32 v45, v44;
	v45 =	vand.u32 $0xFFFF0000, v42;
	v27 =	vld.idx.msk [tilespmem:v27+s12+$0x0], $0xffff  }
0x13e: {  	v47 =	vand.u32 $0x7FFFFFFF, v47;
	v45 =	vsub.f32 v45, v48;
	v48 =	vbroadcast v26, $0xD  }
0x13f: {  	v49 =	vmul.f32 v46, v51;
	v44 =	vadd.f32 v47, v44;
	v47 =	vand.u32 $0xFFFF0000, v43  }
0x140: {  	v45 =	vand.u32 $0x7FFFFFFF, v45;
	v47 =	vsub.f32 v47, v48;
	v48 =	vbroadcast v26, $0xE  }
0x141: {  	v49 =	vmul.f32 v49, v46;
	v44 =	vadd.f32 v45, v44;
	v45 =	vand.u32 $0xFFFF0000, v41  }
0x142: {  	v47 =	vand.u32 $0x7FFFFFFF, v47;
	v45 =	vsub.f32 v45, v48;
	v48 =	vbroadcast v26, $0xF  }
0x143: {  	v49 =	vsub.f32 $1.500000000e+00, v49;
	v44 =	vadd.f32 v47, v44;
	v47 =	vand.u32 $0xFFFF0000, v27  }
0x144: {  	s29 =	sadd.s32 s20, s7;
	s20 =	smov.u32 s0;
	v29 =	vshll.u32 v29, $0x10;
	v45 =	vand.u32 $0x7FFFFFFF, v45;
	v47 =	vsub.f32 v47, v48  }
0x145: {  	p1 =	slt.u32 s29, $0xC350;
	s29 =	simm.f32 $1.000000000e+00;
	v48 =	vbroadcast v29, $0x0;
	v46 =	vmul.f32 v49, v46;
	v44 =	vadd.f32 v45, v44  }
0x146: {  	s29 =	simm.s32 @!p1 $0x0;
	v45 =	vshll.u32 v28, $0x10;
	v49 =	vbroadcast v29, $0x1;
	v47 =	vand.u32 $0x7FFFFFFF, v47  }
0x147: {  	v32 =	vshll.u32 v32, $0x10;
	v28 =	vmul.f32 s29, v46;
	v44 =	vadd.f32 v47, v44  }
0x148: {  	v45 =	vsub.f32 v45, v48;
	v32 =	vsub.f32 v32, v49;
	v46 =	vbroadcast v29, $0x2  }
0x149: {  	v30 =	vshll.u32 v30, $0x10;
	v47 =	vbroadcast v29, $0x3;
	v44 =	vmul.f32 v28, v44  }
0x14a: {  	v45 =	vand.u32 $0x7FFFFFFF, v45;
	v32 =	vand.u32 $0x7FFFFFFF, v32;
	v30 =	vsub.f32 v30, v46  }
0x14b: {  	v33 =	vshll.u32 v33, $0x10;
	v32 =	vadd.f32 v32, v45;
	v23 =	vadd.f32 v44, v23  }
0x14c: {  	v33 =	vsub.f32 v33, v47;
	v30 =	vand.u32 $0x7FFFFFFF, v30;
	v44 =	vbroadcast v29, $0x4  }
0x14d: {  	v31 =	vshll.u32 v31, $0x10;
	v30 =	vadd.f32 v30, v32;
	v32 =	vbroadcast v29, $0x5  }
0x14e: {  	v34 =	vshll.u32 v34, $0x10;
	v33 =	vand.u32 $0x7FFFFFFF, v33;
	v31 =	vsub.f32 v31, v44  }
0x14f: {  	v30 =	vadd.f32 v33, v30;
	v32 =	vsub.f32 v34, v32;
	v33 =	vbroadcast v29, $0x6  }
0x150: {  	v34 =	vshll.u32 v35, $0x10;
	v35 =	vbroadcast v29, $0x7;
	v31 =	vand.u32 $0x7FFFFFFF, v31  }
0x151: {  	v30 =	vadd.f32 v31, v30;
	v31 =	vand.u32 $0x7FFFFFFF, v32;
	v32 =	vsub.f32 v34, v33  }
0x152: {  	v33 =	vshll.u32 v36, $0x10;
	v34 =	vshll.u32 v37, $0x10;
	v36 =	vbroadcast v29, $0x8  }
0x153: {  	v30 =	vadd.f32 v31, v30;
	v31 =	vand.u32 $0x7FFFFFFF, v32;
	v32 =	vsub.f32 v33, v35  }
0x154: {  	v33 =	vsub.f32 v34, v36;
	v34 =	vshll.u32 v38, $0x10;
	v35 =	vbroadcast v29, $0x9  }
0x155: {  	v30 =	vadd.f32 v31, v30;
	v31 =	vand.u32 $0x7FFFFFFF, v32;
	v32 =	vbroadcast v29, $0xA  }
0x156: {  	v33 =	vand.u32 $0x7FFFFFFF, v33;
	v34 =	vsub.f32 v34, v35;
	v35 =	vshll.u32 v39, $0x10  }
0x157: {  	v30 =	vadd.f32 v31, v30;
	v31 =	vsub.f32 v35, v32;
	v32 =	vbroadcast v29, $0xB  }
0x158: {  	v36 =	vbroadcast v29, $0xC;
	v34 =	vand.u32 $0x7FFFFFFF, v34;
	v35 =	vshll.u32 v40, $0x10  }
0x159: {  	v30 =	vadd.f32 v33, v30;
	v31 =	vand.u32 $0x7FFFFFFF, v31;
	v32 =	vsub.f32 v35, v32  }
.Ltmp2:
0x15a: {  	v37 =	vbroadcast v29, $0xD;
	v33 =	vshll.u32 v42, $0x10;
	v35 =	vshll.u32 v43, $0x10;
	(pc) =	sbr.rel @p0 .LBB2_3-.Ltmp2, $4  }
0x15b: {  	v38 =	vadd.f32 v34, v30;
	v30 =	vand.u32 $0x7FFFFFFF, v32;
	v32 =	vsub.f32 v33, v36  }
0x15c: {  	v37 =	vsub.f32 v35, v37;
	v34 =	vmov s0;
	v33 =	vbroadcast v29, $0xE  }
0x15d: {  	s10 =	sadd.s32 $0x10, s10;
	v34 =	vmul.u32 $0x18, v34;
	v35 =	vadd.f32 v31, v38;
	v32 =	vand.u32 $0x7FFFFFFF, v32  }
0x15e: {  	v36 =	vmov s10;
	s0 =	sadd.s32 $0x1, s0;
	v31 =	vand.u32 $0x7FFFFFFF, v37;
	v37 =	vshll.u32 v41, $0x10  }
0x15f: {  	v30 =	vadd.f32 v30, v35;
	v34 =	vbroadcast v34, $0x0;
	v53 =	vmul.u32 $0x18, v36  }
0x160: {  	v33 =	vsub.f32 v37, v33;
	v27 =	vshll.u32 v27, $0x10;
	v54 =	vbroadcast v29, $0xF  }
0x161: {  	v29 =	vsub.f32 v29, v26;
	v26 =	vmul.f32 v26, v26;
	v30 =	vadd.f32 v32, v30  }
0x162: {  	v55 =	vadd.s32 v34, v1;
	v35 =	vbroadcast v53, $0x0;
	v34 =	vadd.s32 v34, v2  }
0x163: {  	v21 =	vadd.f32 v25, v21;
	v33 =	vand.u32 $0x7FFFFFFF, v33;
	v27 =	vsub.f32 v27, v54  }
0x164: {  	v58 =	vmul.f32 v29, v29;
	v30 =	vadd.f32 v31, v30;
	v31 =	vadd.s32 v3, v35  }
0x165: {  	v26 =	vmul.f32 s29, v26;
	v56 =	vadd.s32 v4, v35;
	v59 =	vadd.s32 v0, v35  }
0x166: {  	v57 =	vadd.s32 v7, v35;
	v27 =	vand.u32 $0x7FFFFFFF, v27;
	v38 =	vadd.s32 v5, v35  }
0x167: {  	v39 =	vadd.s32 v6, v35;
	v24 =	vadd.f32 v26, v24;
	v32 =	vadd.s32 v18, v35;
	v34 =	vld.idx.msk [tilespmem:v34+s9+$0x0], $0xffff  }
0x168: {  	v40 =	vadd.s32 v19, v35;
	v60 =	vadd.s32 v8, v35;
	v30 =	vadd.f32 v33, v30;
	v29 =	vld.idx.msk [tilespmem:v55+s9+$0x0], $0xffff  }
0x169: {  	v41 =	vadd.s32 v20, v35;
	v42 =	vadd.s32 v16, v35;
	v43 =	vadd.s32 v17, v35;
	v31 =	vld.idx.msk [tilespmem:v31+s12+$0x0], $0xffff  }
0x16a: {  	v44 =	vadd.s32 v14, v35;
	v45 =	vadd.s32 v15, v35;
	v30 =	vadd.f32 v27, v30;
	v33 =	vld.idx.msk [tilespmem:v59+s12+$0x0], $0xffff  }
0x16b: {  	v46 =	vadd.s32 v11, v35;
	v49 =	vadd.s32 v12, v35;
	v27 =	vmul.f32 s29, v58;
	v38 =	vld.idx.msk [tilespmem:v38+s12+$0x0], $0xffff  }
0x16c: {  	v39 =	vld.idx.msk [tilespmem:v39+s12+$0x0], $0xffff;
	v25 =	vmul.f32 v28, v30;
	v30 =	vadd.s32 v9, v35;
	v47 =	vbroadcast v34, $0x8  }
0x16d: {  	v53 =	vld.idx.msk [tilespmem:v60+s12+$0x0], $0xffff;
	v48 =	vbroadcast v34, $0x9;
	v26 =	vand.u32 $0xFFFF0000, v29;
	v34 =	vbroadcast v34, $0xA  }
0x16e: {  	v28 =	vld.idx.msk [tilespmem:v56+s12+$0x0], $0xffff;
	v27 =	vadd.f32 v27, v22;
	v37 =	vbroadcast v26, $0x5;
	v61 =	vbroadcast v26, $0x2  }
0x16f: {  	v50 =	vld.idx.msk [tilespmem:v57+s12+$0x0], $0xffff;
	v29 =	vshll.u32 v29, $0x10;
	v51 =	vbroadcast v26, $0x0;
	v62 =	vbroadcast v26, $0x1  }
0x170: {  	v36 =	vld.idx.msk [tilespmem:v49+s12+$0x0], $0xffff;
	v56 =	vbroadcast v26, $0x3;
	v57 =	vbroadcast v26, $0x4;
	v31 =	vsub.f32 v31, v47  }
0x171: {  	v47 =	vadd.s32 v13, v35;
	v35 =	vadd.s32 v10, v35;
	v52 =	vand.u32 $0xFFFF0000, v33  }
0x172: {  	v34 =	vsub.f32 v38, v34;
	v55 =	vand.u32 $0xFFFF0000, v39;
	v60 =	vand.u32 $0xFFFF0000, v53  }
0x173: {  	v33 =	vshll.u32 v33, $0x10;
	v28 =	vsub.f32 v28, v48;
	v63 =	vsub.f32 v52, v51  }
0x174: {  	v39 =	vshll.u32 v39, $0x10;
	v38 =	vsub.f32 v55, v62;
	v62 =	vsub.f32 v60, v56  }
0x175: {  	v30 =	vld.idx.msk [tilespmem:v30+s12+$0x0], $0xffff;
	v60 =	vand.u32 $0xFFFF0000, v36;
	v31 =	vmul.f32 v31, v31;
	v28 =	vmul.f32 v28, v28  }
0x176: {  	v48 =	vbroadcast v26, $0xC;
	v51 =	vbroadcast v26, $0xD;
	v36 =	vshll.u32 v36, $0x10  }
0x177: {  	v34 =	vmul.f32 v34, v34;
	v58 =	vand.u32 $0x7FFFFFFF, v63;
	v28 =	vadd.f32 v28, v31  }
0x178: {  	v59 =	vand.u32 $0x7FFFFFFF, v38;
	v49 =	vand.u32 $0x7FFFFFFF, v62;
	v31 =	vand.u32 $0xFFFF0000, v50  }
0x179: {  	v62 =	vbroadcast v26, $0x9;
	v52 =	vld.idx.msk [tilespmem:v35+s12+$0x0], $0xffff;
	v31 =	vsub.f32 v31, v61;
	v28 =	vadd.f32 v34, v28  }
0x17a: {  	v61 =	vand.u32 $0xFFFF0000, v30;
	v30 =	vshll.u32 v30, $0x10;
	v34 =	vadd.f32 v59, v58  }
0x17b: {  	v35 =	vld.idx.msk [tilespmem:v46+s12+$0x0], $0xffff;
	v38 =	vsub.f32 v61, v57;
	v57 =	vbroadcast v26, $0x6;
	v28 =	vmax.f32 v28, $9.999999930e-09  }
0x17c: {  	v31 =	vand.u32 $0x7FFFFFFF, v31;
	v63 =	vshra.s32 v28, $0x1;
	v54 =	vmul.f32 $5.000000000e-01, v28  }
0x17d: {  	v59 =	vbroadcast v26, $0x7;
	v28 =	vadd.f32 v31, v34;
	v31 =	vsub.s32 $0x5F3759DF, v63  }
0x17e: {  	v45 =	vld.idx.msk [tilespmem:v45+s12+$0x0], $0xffff;
	v61 =	vbroadcast v26, $0x8;
	v56 =	vand.u32 $0xFFFF0000, v52;
	v55 =	vmul.f32 v31, v54  }
0x17f: {  	v38 =	vand.u32 $0x7FFFFFFF, v38;
	v34 =	vsub.f32 v56, v37;
	v37 =	vld.idx.msk [tilespmem:v44+s12+$0x0], $0xffff;
	v28 =	vadd.f32 v49, v28  }
0x180: {  	v47 =	vld.idx.msk [tilespmem:v47+s12+$0x0], $0xffff;
	v58 =	vand.u32 $0xFFFF0000, v35;
	v52 =	vshll.u32 v52, $0x10;
	v46 =	vmul.f32 v31, v55  }
0x181: {  	v35 =	vshll.u32 v35, $0x10;
	v28 =	vadd.f32 v38, v28;
	v38 =	vsub.f32 v58, v57  }
0x182: {  	v56 =	vbroadcast v26, $0xA;
	v34 =	vand.u32 $0x7FFFFFFF, v34;
	v46 =	vsub.f32 $1.500000000e+00, v46  }
0x183: {  	v57 =	vand.u32 $0xFFFF0000, v45;
	v28 =	vadd.f32 v34, v28;
	v38 =	vand.u32 $0x7FFFFFFF, v38  }
0x184: {  	v34 =	vsub.f32 v60, v59;
	v55 =	vand.u32 $0xFFFF0000, v37;
	v46 =	vmul.f32 v31, v46  }
0x185: {  	v59 =	vsub.f32 v57, v56;
	v28 =	vadd.f32 v38, v28;
	v31 =	vand.u32 $0xFFFF0000, v47;
	v38 =	vld.idx.msk [tilespmem:v42+s12+$0x0], $0xffff  }
0x186: {  	v34 =	vand.u32 $0x7FFFFFFF, v34;
	v31 =	vsub.f32 v31, v61;
	v63 =	vmul.f32 v46, v54  }
0x187: {  	v60 =	vbroadcast v26, $0xB;
	v56 =	vbroadcast v26, $0xE;
	v28 =	vadd.f32 v34, v28;
	v34 =	vld.idx.msk [tilespmem:v43+s12+$0x0], $0xffff  }
0x188: {  	v42 =	vsub.f32 v55, v62;
	v31 =	vand.u32 $0x7FFFFFFF, v31;
	v44 =	vmul.f32 v63, v46  }
0x189: {  	v62 =	vand.u32 $0x7FFFFFFF, v59;
	v59 =	vbroadcast v26, $0xF;
	v28 =	vadd.f32 v31, v28  }
0x18a: {  	v58 =	vand.u32 $0x7FFFFFFF, v42;
	v61 =	vand.u32 $0xFFFF0000, v38;
	v44 =	vsub.f32 $1.500000000e+00, v44  }
0x18b: {  	s0 =	sadd.s32 s20, s7;
	p0 =	seq.s32 s28, $0x1F;
	s10 =	rddreg [dreg:$0x18];
	v31 =	vld.idx.msk [tilespmem:v32+s12+$0x0], $0xffff;
	v38 =	vshll.u32 v38, $0x10;
	v32 =	vadd.f32 v58, v28;
	v63 =	vsub.f32 v61, v60  }
0x18c: {  	p1 =	slt.u32 s0, $0xC350;
	s0 =	simm.f32 $1.000000000e+00;
	s20 =	sadd.s32 @!p0 s26, s10;
	v61 =	vbroadcast v29, $0x0;
	v49 =	vand.u32 $0xFFFF0000, v34;
	v34 =	vshll.u32 v34, $0x10  }
0x18d: {  	s0 =	simm.s32 @!p1 $0x0;
	p1 =	slt.s32 @!p0 s20, $0xC337;
	v28 =	vld.idx.msk [tilespmem:v40+s12+$0x0], $0xffff;
	v44 =	vmul.f32 v44, v46;
	v40 =	vadd.f32 v62, v32;
	v42 =	vand.u32 $0x7FFFFFFF, v63  }
0x18e: {  	p1 =	por !p1, p0;
	v43 =	vsub.f32 v49, v48;
	v62 =	vbroadcast v29, $0x1;
	v33 =	vsub.f32 v33, v61  }
0x18f: {  	s20 =	simm.s32 @p1 $0xC337;
	v63 =	vbroadcast v29, $0x2;
	v48 =	vbroadcast v29, $0x3;
	v49 =	vshll.u32 v53, $0x10  }
0x190: {  	s10 =	sshll.u32 @!p0 s20, $0x4;
	v61 =	vbroadcast v29, $0xA;
	v55 =	vand.u32 $0xFFFF0000, v31;
	v31 =	vshll.u32 v31, $0x10  }
0x191: {  	s10 =	sadd.s32 @!p0 s6, s10;
	v54 =	vmul.f32 v44, v54;
	v40 =	vadd.f32 v42, v40;
	v43 =	vand.u32 $0x7FFFFFFF, v43  }
0x192: {  	s10 =	sshrl.u32 @!p0 s10, $0x3;
	v42 =	vsub.f32 v55, v51;
	v39 =	vsub.f32 v39, v62;
	v33 =	vand.u32 $0x7FFFFFFF, v33  }
0x193: {  	s30 =	simm.s32 @!p0 $0x0;
	s29 =	sadd.s32 @!p0 s5, s10;
	s10 =	simm.s32 @!p0 $0x1CDB8;
	v51 =	vbroadcast v29, $0x5;
	v57 =	vand.u32 $0xFFFF0000, v28;
	v40 =	vadd.f32 v43, v40  }
0x194: {  	v32 =	vld.idx.msk [tilespmem:v41+s12+$0x0], $0xffff;
	[tilespmem:s10], [sflag:$0x5] =	stream.linear.gather @!p0 [hbm4b:s29+s30], $0x190, $0x38;
	v55 =	vbroadcast v29, $0x7;
	v22 =	vand.u32 $0x7FFFFFFF, v42;
	v58 =	vsub.f32 v57, v56  }
0x195: {  	s29 =	simm.s32 @!p0 $0x5;
	v62 =	vshll.u32 v45, $0x10;
	v41 =	vmul.f32 v54, v44;
	v22 =	vadd.f32 v22, v40  }
0x196: {  	s31 =	smul.u32 @!p0 $0x3, s20;
	_ =	swait.ge @!p0 [sflag:s29], $0x190;
	v39 =	vand.u32 $0x7FFFFFFF, v39;
	v53 =	vsub.f32 v52, v51;
	v42 =	vand.u32 $0x7FFFFFFF, v58  }
0x197: {  	[sflag:s29] =	ssyncset.done @!p0 $0x0;
	v54 =	vbroadcast v29, $0x6;
	v42 =	vadd.f32 v42, v22;
	v22 =	vshll.u32 v50, $0x10  }
0x198: {  	s18 =	simm.s32 @!p0 $0x1BAF8;
	s31 =	sadd.s32 @!p0 s4, s31;
	[sflag:s29] =	ssyncadd.s32 @!p0 $0xFFFFFE70;
	v56 =	vbroadcast v29, $0x8;
	v57 =	vshll.u32 v47, $0x10;
	v22 =	vsub.f32 v22, v63  }
0x199: {  	[tilespmem:s18], [sflag:$0x5] =	stream.linear.gather @!p0 [hbm4b:s31+s30], $0x258, $0x38;
	v47 =	vbroadcast v29, $0xE;
	v60 =	vand.u32 $0xFFFF0000, v32;
	v33 =	vadd.f32 v39, v33;
	[tilespmem:$0x1D438] =	vst v63  }
0x19a: {  	s31 =	simm.s32 $0x0;
	v39 =	vsub.f32 v49, v48;
	v50 =	vbroadcast v29, $0x4;
	v43 =	vand.u32 $0x7FFFFFFF, v22  }
0x19b: {  	v46 =	vmov s31;
	v48 =	vshll.u32 v28, $0x10;
	v33 =	vadd.f32 v43, v33  }
0x19c: {  	v41 =	vsub.f32 $1.500000000e+00, v41;
	v39 =	vand.u32 $0x7FFFFFFF, v39;
	v30 =	vsub.f32 v30, v50  }
0x19d: {  	v32 =	vshll.u32 v32, $0x10;
	v40 =	vsub.f32 v60, v59;
	v33 =	vadd.f32 v39, v33  }
0x19e: {  	v35 =	vsub.f32 v35, v54;
	v58 =	vsub.f32 v57, v56;
	v30 =	vand.u32 $0x7FFFFFFF, v30  }
0x19f: {  	v59 =	vbroadcast v29, $0x9;
	v60 =	vshll.u32 v37, $0x10;
	v30 =	vadd.f32 v30, v33  }
0x1a0: {  	v49 =	vsub.f32 v48, v47;
	v41 =	vmul.f32 v41, v44;
	v39 =	vand.u32 $0x7FFFFFFF, v53  }
0x1a1: {  	v40 =	vand.u32 $0x7FFFFFFF, v40;
	v35 =	vand.u32 $0x7FFFFFFF, v35;
	v30 =	vadd.f32 v39, v30  }
0x1a2: {  	s20 =	smul.u32 @!p0 $0x18, s20;
	v44 =	vbroadcast v29, $0xD;
	v63 =	vand.u32 $0x7FFFFFFF, v58;
	v33 =	vsub.f32 v36, v55  }
0x1a3: {  	v40 =	vadd.f32 v40, v42;
	v42 =	vbroadcast v29, $0xB;
	v30 =	vadd.f32 v35, v30  }
0x1a4: {  	s18 =	sshrl.u32 @!p0 s20, $0x3;
	_ =	swait.ge @!p0 [sflag:s29], $0x258;
	v31 =	vsub.f32 v31, v44;
	v43 =	vbroadcast v29, $0xC;
	v33 =	vand.u32 $0x7FFFFFFF, v33  }
0x1a5: {  	s18 =	sadd.s32 @!p0 s4, s18;
	[sflag:s29] =	ssyncset.done @!p0 $0x0;
	v22 =	vmul.f32 s0, v41;
	v41 =	vsub.f32 v62, v61;
	v30 =	vadd.f32 v33, v30  }
0x1a6: {  	s20 =	simm.s32 @!p0 $0x1BD50;
	s18 =	sadd.s32 @!p0 $0x249F0, s18;
	[sflag:s29] =	ssyncadd.s32 @!p0 $0xFFFFFDA8;
	v35 =	vsub.f32 v60, v59;
	v33 =	vsub.f32 v34, v43;
	v34 =	vmul.u32 $0x18, v46  }
0x1a7: {  	[tilespmem:s20], [sflag:$0x5] =	stream.linear.gather @!p0 [hbm4b:s18+s30], $0x258, $0x38;
	v50 =	vbroadcast v29, $0xF;
	v37 =	vsub.f32 v38, v42;
	v30 =	vadd.f32 v63, v30;
	[tilespmem:$0x1D438] =	vst v63  }
0x1a8: {  	_ =	swait.ge @!p0 [sflag:s29], $0x258;
	v29 =	vsub.f32 v29, v26;
	v35 =	vand.u32 $0x7FFFFFFF, v35;
	v28 =	vbroadcast v34, $0x0  }
0x1a9: {  	[sflag:s29] =	ssyncset.done @!p0 $0x0;
	v31 =	vand.u32 $0x7FFFFFFF, v31;
	v32 =	vsub.f32 v32, v50;
	v30 =	vadd.f32 v35, v30  }
0x1aa: {  	s18 =	simm.s32 @!p0 $0x190;
	s20 =	simm.s32 @!p0 $0x124F8;
	[sflag:s29] =	ssyncadd.s32 @!p0 $0xFFFFFDA8;
	v26 =	vmul.f32 v26, v26;
	v36 =	vand.u32 $0x7FFFFFFF, v41;
	v52 =	vadd.s32 v28, v2  }
0x1ab: {  	[tilespmem:s20], [sflag:$0x1] =	stream.indirect.gather @!p0 [spmem:s1], $0x18, s10, s18, $0xb8;
	v40 =	vmul.f32 v22, v40;
	v45 =	vand.u32 $0x7FFFFFFF, v37;
	v30 =	vadd.f32 v36, v30;
	[tilespmem:$0x1D438] =	vst v63  }
0x1ac: {  	_ =	swait.ge [sflag:s23], $0x2580;
	v29 =	vmul.f32 v29, v29;
	v32 =	vand.u32 $0x7FFFFFFF, v32;
	v53 =	vadd.s32 v4, v28  }
0x1ad: {  	[sflag:s23] =	ssyncset.done $0x0;
	v54 =	vmul.f32 s0, v26;
	v23 =	vadd.f32 v40, v23;
	v30 =	vadd.f32 v45, v30  }
0x1ae: {  	[sflag:s23] =	ssyncadd.s32 $0xFFFFDA80;
	v29 =	vmul.f32 s0, v29;
	v33 =	vand.u32 $0x7FFFFFFF, v33;
	v51 =	vadd.s32 v28, v1  }
0x1af: {  	v24 =	vadd.f32 v54, v24;
	v34 =	vand.u32 $0x7FFFFFFF, v49;
	v56 =	vld.idx.msk [tilespmem:v52+s8+$0x0], $0xffff;
	v30 =	vadd.f32 v33, v30  }
0x1b0: {  	v55 =	vadd.s32 v0, v28;
	v37 =	vadd.s32 v18, v28;
	v38 =	vadd.s32 v19, v28  }
0x1b1: {  	v58 =	vadd.s32 v9, v28;
	v35 =	vld.idx.msk [tilespmem:v53+s15+$0x0], $0xffff;
	v33 =	vadd.s32 v8, v28;
	v30 =	vadd.f32 v31, v30  }
0x1b2: {  	v40 =	vadd.s32 v16, v28;
	v41 =	vadd.s32 v17, v28;
	v31 =	vadd.s32 v3, v28  }
0x1b3: {  	v26 =	vld.idx.msk [tilespmem:v51+s8+$0x0], $0xffff;
	v34 =	vadd.f32 v34, v30;
	v30 =	vadd.f32 v25, v21;
	v25 =	vadd.s32 v5, v28  }
0x1b4: {  	v21 =	vadd.f32 v29, v27;
	v27 =	vadd.s32 v6, v28;
	v61 =	vbroadcast v56, $0x9  }
0x1b5: {  	v42 =	vadd.s32 v14, v28;
	v43 =	vadd.s32 v15, v28;
	v49 =	vadd.s32 v12, v28;
	v29 =	vld.idx.msk [tilespmem:v55+s15+$0x0], $0xffff  }
0x1b6: {  	v46 =	vadd.s32 v13, v28;
	v45 =	vadd.s32 v11, v28;
	v33 =	vld.idx.msk [tilespmem:v33+s15+$0x0], $0xffff;
	v35 =	vsub.f32 v35, v61  }
0x1b7: {  	v60 =	vbroadcast v56, $0x8;
	v32 =	vadd.f32 v32, v34;
	v34 =	vbroadcast v56, $0xA;
	v57 =	vld.idx.msk [tilespmem:v31+s15+$0x0], $0xffff  }
0x1b8: {  	v31 =	vadd.s32 v7, v28;
	v35 =	vmul.f32 v35, v35;
	v59 =	vld.idx.msk [tilespmem:v25+s15+$0x0], $0xffff;
	v25 =	vand.u32 $0xFFFF0000, v26  }
0x1b9: {  	v56 =	vadd.s32 v10, v28;
	v22 =	vmul.f32 v22, v32;
	v48 =	vld.idx.msk [tilespmem:v27+s15+$0x0], $0xffff;
	v50 =	vbroadcast v25, $0x5  }
0x1ba: {  	v28 =	vadd.s32 v20, v28;
	v27 =	vld.idx.msk [tilespmem:v58+s15+$0x0], $0xffff;
	v62 =	vbroadcast v25, $0x2;
	v63 =	vbroadcast v25, $0x0  }
0x1bb: {  	v26 =	vshll.u32 v26, $0x10;
	v58 =	vbroadcast v25, $0x1;
	v61 =	vbroadcast v25, $0x3  }
0x1bc: {  	v54 =	vand.u32 $0xFFFF0000, v33;
	v51 =	vbroadcast v25, $0xD;
	v36 =	vsub.f32 v57, v60  }
0x1bd: {  	v22 =	vadd.f32 v22, v30;
	v31 =	vld.idx.msk [tilespmem:v31+s15+$0x0], $0xffff;
	v57 =	vand.u32 $0xFFFF0000, v29;
	v29 =	vshll.u32 v29, $0x10  }
0x1be: {  	v52 =	vld.idx.msk [tilespmem:v56+s15+$0x0], $0xffff;
	v39 =	vsub.f32 v57, v63;
	v36 =	vmul.f32 v36, v36;
	v34 =	vsub.f32 v59, v34  }
0x1bf: {  	v59 =	vand.u32 $0xFFFF0000, v48;
	v55 =	vand.u32 $0xFFFF0000, v27;
	v27 =	vshll.u32 v27, $0x10  }
0x1c0: {  	v44 =	vsub.f32 v59, v58;
	v63 =	vand.u32 $0x7FFFFFFF, v39;
	v59 =	vbroadcast v25, $0x6  }
0x1c1: {  	v45 =	vld.idx.msk [tilespmem:v45+s15+$0x0], $0xffff;
	v39 =	vsub.f32 v54, v61;
	v61 =	vbroadcast v25, $0x7;
	v54 =	vbroadcast v25, $0x9  }
0x1c2: {  	v35 =	vadd.f32 v35, v36;
	v34 =	vmul.f32 v34, v34;
	v60 =	vand.u32 $0xFFFF0000, v31  }
0x1c3: {  	v58 =	vand.u32 $0xFFFF0000, v52;
	v53 =	vand.u32 $0x7FFFFFFF, v44;
	v36 =	vsub.f32 v60, v62  }
0x1c4: {  	v46 =	vld.idx.msk [tilespmem:v46+s15+$0x0], $0xffff;
	v39 =	vand.u32 $0x7FFFFFFF, v39;
	v34 =	vadd.f32 v34, v35;
	v35 =	vadd.f32 v53, v63  }
0x1c5: {  	v42 =	vld.idx.msk [tilespmem:v42+s15+$0x0], $0xffff;
	v31 =	vshll.u32 v31, $0x10;
	v62 =	vbroadcast v25, $0x4;
	v36 =	vand.u32 $0x7FFFFFFF, v36  }
0x1c6: {  	v43 =	vld.idx.msk [tilespmem:v43+s15+$0x0], $0xffff;
	v60 =	vand.u32 $0xFFFF0000, v45;
	v34 =	vmax.f32 v34, $9.999999930e-09;
	v35 =	vadd.f32 v36, v35  }
0x1c7: {  	v44 =	vsub.f32 v55, v62;
	v56 =	vshra.s32 v34, $0x1;
	v34 =	vmul.f32 $5.000000000e-01, v34;
	v36 =	vld.idx.msk [tilespmem:v49+s15+$0x0], $0xffff  }
0x1c8: {  	v63 =	vbroadcast v25, $0x8;
	v47 =	vsub.s32 $0x5F3759DF, v56;
	v35 =	vadd.f32 v39, v35  }
0x1c9: {  	v44 =	vand.u32 $0x7FFFFFFF, v44;
	v57 =	vmul.f32 v47, v34;
	v39 =	vsub.f32 v58, v50  }
0x1ca: {  	v53 =	vand.u32 $0xFFFF0000, v46;
	v56 =	vand.u32 $0xFFFF0000, v42;
	v35 =	vadd.f32 v44, v35  }
0x1cb: {  	v40 =	vld.idx.msk [tilespmem:v40+s15+$0x0], $0xffff;
	v49 =	vmul.f32 v47, v57;
	v39 =	vand.u32 $0x7FFFFFFF, v39;
	v44 =	vsub.f32 v60, v59  }
0x1cc: {  	v41 =	vld.idx.msk [tilespmem:v41+s15+$0x0], $0xffff;
	v58 =	vand.u32 $0xFFFF0000, v43;
	v62 =	vand.u32 $0xFFFF0000, v36;
	v35 =	vadd.f32 v39, v35  }
0x1cd: {  	v37 =	vld.idx.msk [tilespmem:v37+s15+$0x0], $0xffff;
	v49 =	vsub.f32 $1.500000000e+00, v49;
	v44 =	vand.u32 $0x7FFFFFFF, v44;
	v39 =	vsub.f32 v62, v61  }
0x1ce: {  	v57 =	vbroadcast v25, $0xA;
	v59 =	vbroadcast v25, $0xB;
	v35 =	vadd.f32 v44, v35  }
0x1cf: {  	v47 =	vmul.f32 v47, v49;
	v39 =	vand.u32 $0x7FFFFFFF, v39;
	v44 =	vsub.f32 v53, v63  }
0x1d0: {  	v60 =	vand.u32 $0xFFFF0000, v40;
	v61 =	vbroadcast v25, $0xC;
	v35 =	vadd.f32 v39, v35  }
0x1d1: {  	v38 =	vld.idx.msk [tilespmem:v38+s15+$0x0], $0xffff;
	v55 =	vmul.f32 v47, v34;
	v44 =	vand.u32 $0x7FFFFFFF, v44;
	v39 =	vsub.f32 v56, v54  }
0x1d2: {  	v62 =	vand.u32 $0xFFFF0000, v41;
	v53 =	vand.u32 $0xFFFF0000, v37;
	v35 =	vadd.f32 v44, v35  }
0x1d3: {  	v28 =	vld.idx.msk [tilespmem:v28+s15+$0x0], $0xffff;
	v50 =	vmul.f32 v55, v47;
	v39 =	vand.u32 $0x7FFFFFFF, v39;
	v44 =	vsub.f32 v58, v57  }
0x1d4: {  	v49 =	vshll.u32 v52, $0x10;
	v52 =	vbroadcast v26, $0x7;
	v35 =	vadd.f32 v39, v35  }
0x1d5: {  	v50 =	vsub.f32 $1.500000000e+00, v50;
	v44 =	vand.u32 $0x7FFFFFFF, v44;
	v39 =	vsub.f32 v60, v59  }
0x1d6: {  	v54 =	vbroadcast v25, $0xE;
	v55 =	vand.u32 $0xFFFF0000, v38;
	v63 =	vadd.f32 v44, v35  }
0x1d7: {  	v47 =	vmul.f32 v50, v47;
	v50 =	vsub.f32 v62, v61;
	v39 =	vand.u32 $0x7FFFFFFF, v39  }
0x1d8: {  	v57 =	vbroadcast v25, $0xF;
	v58 =	vand.u32 $0xFFFF0000, v28;
	v32 =	vadd.f32 v39, v63  }
0x1d9: {  	v28 =	vshll.u32 v28, $0x10;
	v35 =	vand.u32 $0x7FFFFFFF, v50;
	v39 =	vsub.f32 v53, v51  }
0x1da: {  	v59 =	vbroadcast v26, $0x0;
	v60 =	vbroadcast v26, $0x1;
	v30 =	vadd.f32 v35, v32  }
0x1db: {  	v34 =	vmul.f32 v47, v34;
	v56 =	vand.u32 $0x7FFFFFFF, v39;
	v32 =	vsub.f32 v55, v54  }
0x1dc: {  	v61 =	vshll.u32 v48, $0x10;
	v29 =	vsub.f32 v29, v59;
	v30 =	vadd.f32 v56, v30  }
0x1dd: {  	v62 =	vbroadcast v26, $0x2;
	v34 =	vmul.f32 v34, v47;
	v32 =	vand.u32 $0x7FFFFFFF, v32  }
0x1de: {  	v48 =	vbroadcast v26, $0x4;
	v30 =	vadd.f32 v32, v30;
	v32 =	vsub.f32 v61, v60  }
0x1df: {  	v59 =	vshll.u32 v40, $0x10;
	v63 =	vbroadcast v26, $0x3;
	v34 =	vsub.f32 $1.500000000e+00, v34  }
0x1e0: {  	v29 =	vand.u32 $0x7FFFFFFF, v29;
	v31 =	vsub.f32 v31, v62;
	v32 =	vand.u32 $0x7FFFFFFF, v32  }
0x1e1: {  	v34 =	vmul.f32 v34, v47;
	v47 =	vshll.u32 v33, $0x10;
	v29 =	vadd.f32 v32, v29  }
0x1e2: {  	v44 =	vshll.u32 v38, $0x10;
	v31 =	vand.u32 $0x7FFFFFFF, v31;
	v32 =	vsub.f32 v47, v63  }
0x1e3: {  	v27 =	vsub.f32 v27, v48;
	v50 =	vbroadcast v26, $0x6;
	v29 =	vadd.f32 v31, v29  }
0x1e4: {  	v51 =	vshll.u32 v45, $0x10;
	v31 =	vbroadcast v26, $0x5;
	v32 =	vand.u32 $0x7FFFFFFF, v32  }
0x1e5: {  	v53 =	vshll.u32 v36, $0x10;
	v62 =	vshll.u32 v37, $0x10;
	v29 =	vadd.f32 v32, v29  }
0x1e6: {  	v35 =	vsub.f32 v58, v57;
	v27 =	vand.u32 $0x7FFFFFFF, v27;
	v31 =	vsub.f32 v49, v31  }
0x1e7: {  	v54 =	vshll.u32 v46, $0x10;
	v55 =	vbroadcast v26, $0x8;
	v27 =	vadd.f32 v27, v29  }
0x1e8: {  	v57 =	vshll.u32 v42, $0x10;
	v29 =	vand.u32 $0x7FFFFFFF, v31;
	v31 =	vsub.f32 v51, v50  }
0x1e9: {  	s30 =	simm.s32 $0x10;
	v58 =	vshll.u32 v43, $0x10;
	v42 =	vbroadcast v26, $0xE;
	v27 =	vadd.f32 v29, v27  }
0x1ea: {  	v43 =	vmov s30;
	v29 =	vand.u32 $0x7FFFFFFF, v31;
	v31 =	vsub.f32 v53, v52  }
0x1eb: {  	v46 =	vbroadcast v26, $0xF;
	v56 =	vbroadcast v26, $0x9;
	v27 =	vadd.f32 v29, v27  }
0x1ec: {  	v45 =	vsub.f32 v44, v42;
	v33 =	vsub.f32 v54, v55;
	v29 =	vand.u32 $0x7FFFFFFF, v31  }
0x1ed: {  	v35 =	vand.u32 $0x7FFFFFFF, v35;
	v28 =	vsub.f32 v28, v46;
	v27 =	vadd.f32 v29, v27  }
0x1ee: {  	s18 =	sadd.s32 $0x0, s11;
	s20 =	simm.s32 $0x1;
	v33 =	vand.u32 $0x7FFFFFFF, v33;
	v32 =	vsub.f32 v57, v56;
	v31 =	vbroadcast v26, $0xA  }
0x1ef: {  	p1 =	slt.u32 s18, $0xC350;
	s0 =	simm.f32 $1.000000000e+00;
	v61 =	vshll.u32 v41, $0x10;
	v41 =	vmov s20;
	v27 =	vadd.f32 v33, v27  }
0x1f0: {  	s0 =	simm.s32 @!p1 $0x0;
	v32 =	vand.u32 $0x7FFFFFFF, v32;
	v29 =	vsub.f32 v58, v31;
	v31 =	vbroadcast v26, $0xB  }
0x1f1: {  	v34 =	vmul.f32 s0, v34;
	v30 =	vadd.f32 v35, v30;
	v27 =	vadd.f32 v32, v27  }
0x1f2: {  	v63 =	vbroadcast v26, $0xD;
	v29 =	vand.u32 $0x7FFFFFFF, v29;
	v31 =	vsub.f32 v59, v31  }
0x1f3: {  	v60 =	vbroadcast v26, $0xC;
	v27 =	vadd.f32 v29, v27;
	v29 =	vmul.u32 $0x18, v41  }
0x1f4: {  	v30 =	vmul.f32 v34, v30;
	v35 =	vsub.f32 v62, v63;
	v31 =	vand.u32 $0x7FFFFFFF, v31  }
0x1f5: {  	v27 =	vadd.f32 v31, v27;
	v29 =	vbroadcast v29, $0x0;
	v31 =	vmul.u32 $0x18, v43  }
0x1f6: {  	v40 =	vsub.f32 v61, v60;
	v23 =	vadd.f32 v30, v23;
	v35 =	vand.u32 $0x7FFFFFFF, v35  }
0x1f7: {  	v26 =	vsub.f32 v26, v25;
	v47 =	vadd.s32 v29, v1;
	v31 =	vbroadcast v31, $0x0  }
0x1f8: {  	v25 =	vmul.f32 v25, v25;
	v32 =	vand.u32 $0x7FFFFFFF, v40;
	v29 =	vadd.s32 v29, v2  }
0x1f9: {  	v26 =	vmul.f32 v26, v26;
	v27 =	vadd.f32 v32, v27;
	v51 =	vadd.s32 v4, v31  }
0x1fa: {  	v50 =	vand.u32 $0x7FFFFFFF, v28;
	v25 =	vmul.f32 s0, v25;
	v52 =	vadd.s32 v0, v31  }
0x1fb: {  	v26 =	vmul.f32 s0, v26;
	v27 =	vadd.f32 v35, v27;
	v53 =	vadd.s32 v5, v31  }
0x1fc: {  	v33 =	vand.u32 $0x7FFFFFFF, v45;
	v24 =	vadd.f32 v25, v24;
	v49 =	vadd.s32 v3, v31;
	v28 =	vld.idx.msk [tilespmem:v47+s8+$0x0], $0xffff  }
0x1fd: {  	v21 =	vadd.f32 v26, v21;
	v54 =	vadd.s32 v6, v31;
	v27 =	vadd.f32 v33, v27;
	v29 =	vld.idx.msk [tilespmem:v29+s8+$0x0], $0xffff  }
0x1fe: {  	v48 =	vadd.s32 v7, v31;
	v35 =	vadd.s32 v19, v31;
	v36 =	vadd.s32 v20, v31;
	v37 =	vld.idx.msk [tilespmem:v51+s15+$0x0], $0xffff  }
0x1ff: {  	v55 =	vadd.s32 v9, v31;
	v38 =	vadd.s32 v8, v31;
	v27 =	vadd.f32 v50, v27;
	v32 =	vld.idx.msk [tilespmem:v52+s15+$0x0], $0xffff  }
0x200: {  	v41 =	vadd.s32 v16, v31;
	v42 =	vadd.s32 v17, v31;
	v43 =	vadd.s32 v14, v31;
	v56 =	vld.idx.msk [tilespmem:v53+s15+$0x0], $0xffff  }
0x201: {  	v44 =	vadd.s32 v15, v31;
	v46 =	vadd.s32 v11, v31;
	v25 =	vmul.f32 v34, v27;
	v27 =	vld.idx.msk [tilespmem:v49+s15+$0x0], $0xffff  }
0x202: {  	v59 =	vadd.s32 v10, v31;
	v47 =	vadd.s32 v12, v31;
	v33 =	vld.idx.msk [tilespmem:v54+s15+$0x0], $0xffff;
	v57 =	vbroadcast v29, $0x8  }
0x203: {  	v30 =	vld.idx.msk [tilespmem:v48+s15+$0x0], $0xffff;
	v26 =	vand.u32 $0xFFFF0000, v28;
	v58 =	vbroadcast v29, $0x9;
	v29 =	vbroadcast v29, $0xA  }
0x204: {  	v48 =	vadd.s32 v13, v31;
	v38 =	vld.idx.msk [tilespmem:v38+s15+$0x0], $0xffff;
	v51 =	vbroadcast v26, $0x5;
	v60 =	vbroadcast v26, $0x2  }
0x205: {  	v34 =	vadd.s32 v18, v31;
	v62 =	vbroadcast v26, $0x0;
	v63 =	vbroadcast v26, $0x1  }
0x206: {  	v53 =	vbroadcast v26, $0x7;
	v37 =	vsub.f32 v37, v58;
	v27 =	vsub.f32 v27, v57  }
0x207: {  	v61 =	vand.u32 $0xFFFF0000, v32;
	v29 =	vsub.f32 v56, v29;
	v54 =	vand.u32 $0xFFFF0000, v33  }
0x208: {  	v31 =	vld.idx.msk [tilespmem:v55+s15+$0x0], $0xffff;
	v55 =	vand.u32 $0xFFFF0000, v30;
	v37 =	vmul.f32 v37, v37;
	v27 =	vmul.f32 v27, v27  }
0x209: {  	v50 =	vld.idx.msk [tilespmem:v59+s15+$0x0], $0xffff;
	v58 =	vbroadcast v26, $0x4;
	v59 =	vand.u32 $0xFFFF0000, v38;
	v40 =	vsub.f32 v61, v62  }
0x20a: {  	v56 =	vsub.f32 v54, v63;
	v29 =	vmul.f32 v29, v29;
	v27 =	vadd.f32 v37, v27  }
0x20b: {  	v32 =	vshll.u32 v32, $0x10;
	v39 =	vsub.f32 v55, v60;
	v57 =	vbroadcast v26, $0x3  }
0x20c: {  	v37 =	vand.u32 $0x7FFFFFFF, v56;
	v27 =	vadd.f32 v29, v27;
	v29 =	vand.u32 $0x7FFFFFFF, v40  }
0x20d: {  	v33 =	vshll.u32 v33, $0x10;
	v60 =	vand.u32 $0xFFFF0000, v31;
	v29 =	vadd.f32 v37, v29  }
0x20e: {  	v46 =	vld.idx.msk [tilespmem:v46+s15+$0x0], $0xffff;
	v39 =	vand.u32 $0x7FFFFFFF, v39;
	v37 =	vsub.f32 v59, v57;
	v27 =	vmax.f32 v27, $9.999999930e-09  }
0x20f: {  	v61 =	vshra.s32 v27, $0x1;
	v52 =	vmul.f32 $5.000000000e-01, v27;
	v27 =	vadd.f32 v39, v29  }
0x210: {  	v40 =	vsub.f32 v60, v58;
	v39 =	vld.idx.msk [tilespmem:v47+s15+$0x0], $0xffff;
	v37 =	vand.u32 $0x7FFFFFFF, v37;
	v29 =	vsub.s32 $0x5F3759DF, v61  }
0x211: {  	v62 =	vand.u32 $0xFFFF0000, v50;
	v45 =	vmul.f32 v29, v52;
	v27 =	vadd.f32 v37, v27  }
0x212: {  	v63 =	vbroadcast v26, $0x6;
	v40 =	vand.u32 $0x7FFFFFFF, v40;
	v47 =	vld.idx.msk [tilespmem:v48+s15+$0x0], $0xffff;
	v37 =	vsub.f32 v62, v51  }
0x213: {  	v51 =	vand.u32 $0xFFFF0000, v46;
	v45 =	vmul.f32 v29, v45;
	v27 =	vadd.f32 v40, v27  }
0x214: {  	v43 =	vld.idx.msk [tilespmem:v43+s15+$0x0], $0xffff;
	v30 =	vshll.u32 v30, $0x10;
	v37 =	vand.u32 $0x7FFFFFFF, v37;
	v40 =	vsub.f32 v51, v63  }
0x215: {  	v54 =	vand.u32 $0xFFFF0000, v39;
	v45 =	vsub.f32 $1.500000000e+00, v45;
	v27 =	vadd.f32 v37, v27  }
0x216: {  	v44 =	vld.idx.msk [tilespmem:v44+s15+$0x0], $0xffff;
	v55 =	vbroadcast v26, $0x8;
	v40 =	vand.u32 $0x7FFFFFFF, v40;
	v37 =	vsub.f32 v54, v53  }
0x217: {  	v56 =	vand.u32 $0xFFFF0000, v47;
	v29 =	vmul.f32 v29, v45;
	v27 =	vadd.f32 v40, v27  }
0x218: {  	v41 =	vld.idx.msk [tilespmem:v41+s15+$0x0], $0xffff;
	v57 =	vbroadcast v26, $0x9;
	v37 =	vand.u32 $0x7FFFFFFF, v37;
	v40 =	vsub.f32 v56, v55  }
0x219: {  	v59 =	vand.u32 $0xFFFF0000, v43;
	v58 =	vmul.f32 v29, v52;
	v27 =	vadd.f32 v37, v27  }
0x21a: {  	v42 =	vld.idx.msk [tilespmem:v42+s15+$0x0], $0xffff;
	v60 =	vbroadcast v26, $0xA;
	v40 =	vand.u32 $0x7FFFFFFF, v40;
	v37 =	vsub.f32 v59, v57  }
0x21b: {  	v61 =	vand.u32 $0xFFFF0000, v44;
	v48 =	vmul.f32 v58, v29;
	v27 =	vadd.f32 v40, v27  }
0x21c: {  	v34 =	vld.idx.msk [tilespmem:v34+s15+$0x0], $0xffff;
	v62 =	vbroadcast v26, $0xB;
	v37 =	vand.u32 $0x7FFFFFFF, v37;
	v40 =	vsub.f32 v61, v60  }
0x21d: {  	v63 =	vand.u32 $0xFFFF0000, v41;
	v48 =	vsub.f32 $1.500000000e+00, v48;
	v27 =	vadd.f32 v37, v27  }
0x21e: {  	v53 =	vbroadcast v26, $0xC;
	v51 =	vand.u32 $0x7FFFFFFF, v40;
	v37 =	vsub.f32 v63, v62  }
0x21f: {  	v49 =	vld.idx.msk [tilespmem:v35+s15+$0x0], $0xffff;
	v55 =	vand.u32 $0xFFFF0000, v42;
	v54 =	vmul.f32 v48, v29;
	v29 =	vadd.f32 v51, v27  }
0x220: {  	v35 =	vsub.f32 v55, v53;
	v57 =	vbroadcast v26, $0xD;
	v56 =	vand.u32 $0x7FFFFFFF, v37  }
0x221: {  	v59 =	vand.u32 $0xFFFF0000, v34;
	v58 =	vmul.f32 v54, v52;
	v29 =	vadd.f32 v56, v29  }
0x222: {  	v31 =	vshll.u32 v31, $0x10;
	v35 =	vand.u32 $0x7FFFFFFF, v35;
	v27 =	vld.idx.msk [tilespmem:v36+s15+$0x0], $0xffff;
	v36 =	vsub.f32 v59, v57  }
0x223: {  	v45 =	vshll.u32 v39, $0x10;
	v40 =	vmul.f32 v58, v54;
	v29 =	vadd.f32 v35, v29  }
0x224: {  	v60 =	vbroadcast v26, $0xE;
	v61 =	vand.u32 $0xFFFF0000, v49;
	v36 =	vand.u32 $0x7FFFFFFF, v36  }
0x225: {  	v40 =	vsub.f32 $1.500000000e+00, v40;
	v36 =	vadd.f32 v36, v29;
	v29 =	vshll.u32 v28, $0x10  }
0x226: {  	v62 =	vbroadcast v26, $0xF;
	v57 =	vshll.u32 v38, $0x10;
	v53 =	vbroadcast v29, $0x0  }
0x227: {  	v37 =	vshll.u32 v49, $0x10;
	v52 =	vmul.f32 v40, v54;
	v54 =	vbroadcast v29, $0x1  }
0x228: {  	v35 =	vsub.f32 v61, v60;
	v60 =	vshll.u32 v50, $0x10;
	v63 =	vand.u32 $0xFFFF0000, v27  }
0x229: {  	v55 =	vbroadcast v29, $0x2;
	v32 =	vsub.f32 v32, v53;
	v33 =	vsub.f32 v33, v54  }
0x22a: {  	v28 =	vand.u32 $0x7FFFFFFF, v35;
	v51 =	vsub.f32 v63, v62;
	v56 =	vbroadcast v29, $0x3  }
0x22b: {  	v30 =	vsub.f32 v30, v55;
	v32 =	vand.u32 $0x7FFFFFFF, v32;
	v33 =	vand.u32 $0x7FFFFFFF, v33  }
0x22c: {  	v62 =	vshll.u32 v46, $0x10;
	v46 =	vshll.u32 v47, $0x10;
	v32 =	vadd.f32 v33, v32  }
0x22d: {  	v58 =	vbroadcast v29, $0x4;
	v30 =	vand.u32 $0x7FFFFFFF, v30;
	v33 =	vsub.f32 v57, v56  }
0x22e: {  	v59 =	vbroadcast v29, $0x5;
	v61 =	vbroadcast v29, $0x6;
	v30 =	vadd.f32 v30, v32  }
0x22f: {  	v63 =	vbroadcast v29, $0x7;
	v31 =	vsub.f32 v31, v58;
	v33 =	vand.u32 $0x7FFFFFFF, v33  }
0x230: {  	v47 =	vbroadcast v29, $0x8;
	v36 =	vadd.f32 v28, v36;
	v30 =	vadd.f32 v33, v30  }
0x231: {  	v35 =	vand.u32 $0x7FFFFFFF, v51;
	v31 =	vand.u32 $0x7FFFFFFF, v31;
	v32 =	vsub.f32 v60, v59  }
0x232: {  	s31 =	sadd.s32 $0x1, s11;
	v51 =	vshll.u32 v43, $0x10;
	v40 =	vsub.f32 v62, v61;
	v30 =	vadd.f32 v31, v30  }
0x233: {  	s29 =	simm.f32 $1.000000000e+00;
	p1 =	slt.u32 s31, $0xC350;
	v48 =	vsub.f32 v45, v63;
	v50 =	vsub.f32 v46, v47;
	v31 =	vand.u32 $0x7FFFFFFF, v32  }
0x234: {  	s29 =	simm.s32 @!p1 $0x0;
	v53 =	vbroadcast v29, $0xA;
	v55 =	vbroadcast v29, $0xB;
	v30 =	vadd.f32 v31, v30  }
0x235: {  	s20 =	simm.s32 $0x2;
	v28 =	vmul.f32 s29, v52;
	v35 =	vadd.f32 v35, v36;
	v31 =	vand.u32 $0x7FFFFFFF, v40  }
0x236: {  	v61 =	vbroadcast v29, $0xD;
	v62 =	vmov s20;
	v30 =	vadd.f32 v31, v30  }
0x237: {  	s10 =	simm.s32 $0x20;
	v52 =	vbroadcast v29, $0x9;
	v35 =	vmul.f32 v28, v35;
	v31 =	vand.u32 $0x7FFFFFFF, v48  }
0x238: {  	v54 =	vshll.u32 v44, $0x10;
	v36 =	vmov s10;
	v30 =	vadd.f32 v31, v30  }
0x239: {  	v23 =	vadd.f32 v35, v23;
	v35 =	vsub.f32 v51, v52;
	v33 =	vand.u32 $0x7FFFFFFF, v50  }
0x23a: {  	v56 =	vshll.u32 v41, $0x10;
	v57 =	vbroadcast v29, $0xC;
	v30 =	vadd.f32 v33, v30  }
0x23b: {  	v59 =	vshll.u32 v42, $0x10;
	v35 =	vand.u32 $0x7FFFFFFF, v35;
	v31 =	vsub.f32 v54, v53  }
0x23c: {  	v60 =	vshll.u32 v34, $0x10;
	v32 =	vsub.f32 v59, v57;
	v30 =	vadd.f32 v35, v30  }
0x23d: {  	v63 =	vsub.f32 v60, v61;
	v58 =	vand.u32 $0x7FFFFFFF, v31;
	v31 =	vsub.f32 v56, v55  }
0x23e: {  	v34 =	vmul.u32 $0x18, v62;
	v32 =	vand.u32 $0x7FFFFFFF, v32;
	v35 =	vadd.f32 v58, v30  }
0x23f: {  	s0 =	simm.s32 $0x3;
	v33 =	vbroadcast v29, $0xE;
	v31 =	vand.u32 $0x7FFFFFFF, v31;
	v30 =	vand.u32 $0x7FFFFFFF, v63  }
.LBB2_5:
0x240: {  	p1 =	sne.s32 s0, $0x18;
	v34 =	vbroadcast v34, $0x0;
	v36 =	vmul.u32 $0x18, v36;
	v31 =	vadd.f32 v31, v35  }
0x241: {  	v33 =	vsub.f32 v37, v33;
	v27 =	vshll.u32 v27, $0x10;
	v35 =	vbroadcast v29, $0xF  }
0x242: {  	v37 =	vadd.s32 v34, v1;
	v36 =	vbroadcast v36, $0x0;
	v31 =	vadd.f32 v32, v31  }
0x243: {  	v32 =	vadd.s32 v34, v2;
	v33 =	vand.u32 $0x7FFFFFFF, v33;
	v27 =	vsub.f32 v27, v35  }
0x244: {  	v29 =	vsub.f32 v29, v26;
	v34 =	vadd.s32 v7, v36;
	v30 =	vadd.f32 v30, v31  }
0x245: {  	v26 =	vmul.f32 v26, v26;
	v31 =	vadd.s32 v3, v36;
	v27 =	vand.u32 $0x7FFFFFFF, v27  }
0x246: {  	v35 =	vadd.s32 v4, v36;
	v30 =	vadd.f32 v33, v30;
	v33 =	vmul.f32 v29, v29  }
0x247: {  	v22 =	vadd.f32 v25, v22;
	v26 =	vmul.f32 s29, v26;
	v29 =	vld.idx.msk [tilespmem:v37+s8+$0x0], $0xffff;
	v37 =	vadd.s32 v0, v36  }
0x248: {  	v38 =	vld.idx.msk [tilespmem:v32+s8+$0x0], $0xffff;
	v32 =	vadd.s32 v5, v36;
	v25 =	vadd.f32 v27, v30;
	v27 =	vmul.f32 s29, v33  }
0x249: {  	v24 =	vadd.f32 v26, v24;
	v33 =	vadd.s32 v6, v36;
	v30 =	vld.idx.msk [tilespmem:v34+s15+$0x0], $0xffff  }
0x24a: {  	v31 =	vld.idx.msk [tilespmem:v31+s15+$0x0], $0xffff;
	v25 =	vmul.f32 v28, v25;
	v21 =	vadd.f32 v27, v21  }
0x24b: {  	v43 =	vadd.s32 v18, v36;
	v41 =	vadd.s32 v19, v36;
	v27 =	vadd.s32 v20, v36;
	v34 =	vld.idx.msk [tilespmem:v35+s15+$0x0], $0xffff  }
0x24c: {  	v40 =	vadd.s32 v16, v36;
	v42 =	vadd.s32 v17, v36;
	v35 =	vadd.s32 v9, v36;
	v28 =	vld.idx.msk [tilespmem:v37+s15+$0x0], $0xffff  }
0x24d: {  	v39 =	vadd.s32 v8, v36;
	v44 =	vadd.s32 v14, v36;
	v45 =	vadd.s32 v15, v36;
	v37 =	vld.idx.msk [tilespmem:v32+s15+$0x0], $0xffff  }
0x24e: {  	v46 =	vadd.s32 v11, v36;
	v47 =	vadd.s32 v12, v36;
	v48 =	vadd.s32 v13, v36;
	v32 =	vld.idx.msk [tilespmem:v33+s15+$0x0], $0xffff  }
0x24f: {  	v26 =	vand.u32 $0xFFFF0000, v29;
	v49 =	vbroadcast v38, $0x9;
	v33 =	vbroadcast v38, $0x8  }
0x250: {  	v36 =	vadd.s32 v10, v36;
	v50 =	vbroadcast v26, $0x5;
	v38 =	vbroadcast v38, $0xA  }
0x251: {  	v51 =	vsub.f32 v31, v33;
	v34 =	vsub.f32 v34, v49;
	v49 =	vbroadcast v26, $0x2;
	v31 =	vld.idx.msk [tilespmem:v35+s15+$0x0], $0xffff  }
0x252: {  	v52 =	vbroadcast v26, $0x0;
	v53 =	vbroadcast v26, $0x1;
	v35 =	vand.u32 $0xFFFF0000, v28;
	v33 =	vld.idx.msk [tilespmem:v39+s15+$0x0], $0xffff  }
0x253: {  	v39 =	vmul.f32 v51, v51;
	v34 =	vmul.f32 v34, v34;
	v37 =	vsub.f32 v37, v38  }
0x254: {  	v35 =	vsub.f32 v35, v52;
	v51 =	vand.u32 $0xFFFF0000, v30;
	v38 =	vand.u32 $0xFFFF0000, v32  }
0x255: {  	v39 =	vadd.f32 v34, v39;
	v37 =	vmul.f32 v37, v37;
	v38 =	vsub.f32 v38, v53  }
0x256: {  	v52 =	vbroadcast v26, $0x4;
	v49 =	vsub.f32 v51, v49;
	v51 =	vbroadcast v26, $0x3;
	v34 =	vld.idx.msk [tilespmem:v36+s15+$0x0], $0xffff  }
0x257: {  	v35 =	vand.u32 $0x7FFFFFFF, v35;
	v36 =	vadd.f32 v37, v39;
	v37 =	vand.u32 $0x7FFFFFFF, v38  }
0x258: {  	v39 =	vand.u32 $0xFFFF0000, v31;
	v37 =	vadd.f32 v37, v35;
	v38 =	vand.u32 $0xFFFF0000, v33;
	v35 =	vld.idx.msk [tilespmem:v46+s15+$0x0], $0xffff  }
0x259: {  	v36 =	vmax.f32 v36, $9.999999930e-09;
	v46 =	vand.u32 $0x7FFFFFFF, v49;
	v38 =	vsub.f32 v38, v51  }
0x25a: {  	v49 =	vshra.s32 v36, $0x1;
	v51 =	vmul.f32 $5.000000000e-01, v36;
	v37 =	vadd.f32 v46, v37;
	v36 =	vld.idx.msk [tilespmem:v47+s15+$0x0], $0xffff  }
0x25b: {  	v39 =	vsub.f32 v39, v52;
	v46 =	vsub.s32 $0x5F3759DF, v49;
	v38 =	vand.u32 $0x7FFFFFFF, v38  }
0x25c: {  	v47 =	vmul.f32 v46, v51;
	v38 =	vadd.f32 v38, v37;
	v49 =	vand.u32 $0xFFFF0000, v34;
	v37 =	vld.idx.msk [tilespmem:v48+s15+$0x0], $0xffff  }
0x25d: {  	v39 =	vand.u32 $0x7FFFFFFF, v39;
	v48 =	vsub.f32 v49, v50;
	v49 =	vbroadcast v26, $0x6  }
0x25e: {  	v47 =	vmul.f32 v46, v47;
	v39 =	vadd.f32 v39, v38;
	v50 =	vand.u32 $0xFFFF0000, v35;
	v38 =	vld.idx.msk [tilespmem:v44+s15+$0x0], $0xffff  }
0x25f: {  	v44 =	vand.u32 $0x7FFFFFFF, v48;
	v48 =	vsub.f32 v50, v49;
	v49 =	vbroadcast v26, $0x7  }
0x260: {  	v47 =	vsub.f32 $1.500000000e+00, v47;
	v44 =	vadd.f32 v44, v39;
	v50 =	vand.u32 $0xFFFF0000, v36;
	v39 =	vld.idx.msk [tilespmem:v45+s15+$0x0], $0xffff  }
0x261: {  	v45 =	vand.u32 $0x7FFFFFFF, v48;
	v48 =	vsub.f32 v50, v49;
	v49 =	vbroadcast v26, $0x8  }
0x262: {  	v46 =	vmul.f32 v46, v47;
	v44 =	vadd.f32 v45, v44;
	v45 =	vand.u32 $0xFFFF0000, v37;
	v40 =	vld.idx.msk [tilespmem:v40+s15+$0x0], $0xffff  }
0x263: {  	v47 =	vand.u32 $0x7FFFFFFF, v48;
	v45 =	vsub.f32 v45, v49;
	v48 =	vbroadcast v26, $0x9  }
0x264: {  	v49 =	vmul.f32 v46, v51;
	v44 =	vadd.f32 v47, v44;
	v47 =	vand.u32 $0xFFFF0000, v38;
	v42 =	vld.idx.msk [tilespmem:v42+s15+$0x0], $0xffff  }
0x265: {  	v45 =	vand.u32 $0x7FFFFFFF, v45;
	v47 =	vsub.f32 v47, v48;
	v48 =	vbroadcast v26, $0xA  }
0x266: {  	v49 =	vmul.f32 v49, v46;
	v44 =	vadd.f32 v45, v44;
	v45 =	vand.u32 $0xFFFF0000, v39;
	v43 =	vld.idx.msk [tilespmem:v43+s15+$0x0], $0xffff  }
0x267: {  	v47 =	vand.u32 $0x7FFFFFFF, v47;
	v45 =	vsub.f32 v45, v48;
	v48 =	vbroadcast v26, $0xB  }
0x268: {  	v49 =	vsub.f32 $1.500000000e+00, v49;
	v44 =	vadd.f32 v47, v44;
	v47 =	vand.u32 $0xFFFF0000, v40;
	v41 =	vld.idx.msk [tilespmem:v41+s15+$0x0], $0xffff  }
0x269: {  	v45 =	vand.u32 $0x7FFFFFFF, v45;
	v47 =	vsub.f32 v47, v48;
	v48 =	vbroadcast v26, $0xC  }
0x26a: {  	v46 =	vmul.f32 v49, v46;
	v44 =	vadd.f32 v45, v44;
	v45 =	vand.u32 $0xFFFF0000, v42;
	v27 =	vld.idx.msk [tilespmem:v27+s15+$0x0], $0xffff  }
0x26b: {  	v47 =	vand.u32 $0x7FFFFFFF, v47;
	v45 =	vsub.f32 v45, v48;
	v48 =	vbroadcast v26, $0xD  }
0x26c: {  	v49 =	vmul.f32 v46, v51;
	v44 =	vadd.f32 v47, v44;
	v47 =	vand.u32 $0xFFFF0000, v43  }
0x26d: {  	v45 =	vand.u32 $0x7FFFFFFF, v45;
	v47 =	vsub.f32 v47, v48;
	v48 =	vbroadcast v26, $0xE  }
0x26e: {  	v49 =	vmul.f32 v49, v46;
	v44 =	vadd.f32 v45, v44;
	v45 =	vand.u32 $0xFFFF0000, v41  }
0x26f: {  	v47 =	vand.u32 $0x7FFFFFFF, v47;
	v45 =	vsub.f32 v45, v48;
	v48 =	vbroadcast v26, $0xF  }
0x270: {  	v49 =	vsub.f32 $1.500000000e+00, v49;
	v44 =	vadd.f32 v47, v44;
	v47 =	vand.u32 $0xFFFF0000, v27  }
0x271: {  	s18 =	sadd.s32 s20, s11;
	s20 =	smov.u32 s0;
	v29 =	vshll.u32 v29, $0x10;
	v45 =	vand.u32 $0x7FFFFFFF, v45;
	v47 =	vsub.f32 v47, v48  }
0x272: {  	p2 =	slt.u32 s18, $0xC350;
	s29 =	simm.f32 $1.000000000e+00;
	v48 =	vbroadcast v29, $0x0;
	v46 =	vmul.f32 v49, v46;
	v44 =	vadd.f32 v45, v44  }
0x273: {  	s29 =	simm.s32 @!p2 $0x0;
	v45 =	vshll.u32 v28, $0x10;
	v49 =	vbroadcast v29, $0x1;
	v47 =	vand.u32 $0x7FFFFFFF, v47  }
0x274: {  	v32 =	vshll.u32 v32, $0x10;
	v28 =	vmul.f32 s29, v46;
	v44 =	vadd.f32 v47, v44  }
0x275: {  	v45 =	vsub.f32 v45, v48;
	v32 =	vsub.f32 v32, v49;
	v46 =	vbroadcast v29, $0x2  }
0x276: {  	v30 =	vshll.u32 v30, $0x10;
	v47 =	vbroadcast v29, $0x3;
	v44 =	vmul.f32 v28, v44  }
0x277: {  	v45 =	vand.u32 $0x7FFFFFFF, v45;
	v32 =	vand.u32 $0x7FFFFFFF, v32;
	v30 =	vsub.f32 v30, v46  }
0x278: {  	v33 =	vshll.u32 v33, $0x10;
	v32 =	vadd.f32 v32, v45;
	v23 =	vadd.f32 v44, v23  }
0x279: {  	v33 =	vsub.f32 v33, v47;
	v30 =	vand.u32 $0x7FFFFFFF, v30;
	v44 =	vbroadcast v29, $0x4  }
0x27a: {  	v31 =	vshll.u32 v31, $0x10;
	v30 =	vadd.f32 v30, v32;
	v32 =	vbroadcast v29, $0x5  }
0x27b: {  	v34 =	vshll.u32 v34, $0x10;
	v33 =	vand.u32 $0x7FFFFFFF, v33;
	v31 =	vsub.f32 v31, v44  }
0x27c: {  	v30 =	vadd.f32 v33, v30;
	v32 =	vsub.f32 v34, v32;
	v33 =	vbroadcast v29, $0x6  }
0x27d: {  	v34 =	vshll.u32 v35, $0x10;
	v35 =	vbroadcast v29, $0x7;
	v31 =	vand.u32 $0x7FFFFFFF, v31  }
0x27e: {  	v30 =	vadd.f32 v31, v30;
	v31 =	vand.u32 $0x7FFFFFFF, v32;
	v32 =	vsub.f32 v34, v33  }
0x27f: {  	v33 =	vshll.u32 v36, $0x10;
	v34 =	vshll.u32 v37, $0x10;
	v36 =	vbroadcast v29, $0x8  }
0x280: {  	v30 =	vadd.f32 v31, v30;
	v31 =	vand.u32 $0x7FFFFFFF, v32;
	v32 =	vsub.f32 v33, v35  }
0x281: {  	v33 =	vsub.f32 v34, v36;
	v34 =	vshll.u32 v38, $0x10;
	v35 =	vbroadcast v29, $0x9  }
0x282: {  	v30 =	vadd.f32 v31, v30;
	v31 =	vand.u32 $0x7FFFFFFF, v32;
	v32 =	vbroadcast v29, $0xA  }
0x283: {  	v33 =	vand.u32 $0x7FFFFFFF, v33;
	v34 =	vsub.f32 v34, v35;
	v35 =	vshll.u32 v39, $0x10  }
0x284: {  	v30 =	vadd.f32 v31, v30;
	v31 =	vsub.f32 v35, v32;
	v32 =	vbroadcast v29, $0xB  }
0x285: {  	v36 =	vbroadcast v29, $0xC;
	v34 =	vand.u32 $0x7FFFFFFF, v34;
	v35 =	vshll.u32 v40, $0x10  }
0x286: {  	v30 =	vadd.f32 v33, v30;
	v37 =	vand.u32 $0x7FFFFFFF, v31;
	v31 =	vsub.f32 v35, v32  }
.Ltmp3:
0x287: {  	v32 =	vshll.u32 v42, $0x10;
	v33 =	vshll.u32 v43, $0x10;
	v35 =	vbroadcast v29, $0xD;
	(pc) =	sbr.rel @p1 .LBB2_5-.Ltmp3, $4  }
0x288: {  	v32 =	vsub.f32 v32, v36;
	v30 =	vadd.f32 v34, v30;
	v31 =	vand.u32 $0x7FFFFFFF, v31  }
0x289: {  	v34 =	vmov s0;
	v38 =	vsub.f32 v33, v35;
	v33 =	vbroadcast v29, $0xE  }
0x28a: {  	s10 =	sadd.s32 $0x10, s10;
	v34 =	vmul.u32 $0x18, v34;
	v32 =	vand.u32 $0x7FFFFFFF, v32;
	v35 =	vadd.f32 v37, v30  }
0x28b: {  	v36 =	vmov s10;
	s0 =	sadd.s32 $0x1, s0;
	v30 =	vand.u32 $0x7FFFFFFF, v38;
	v37 =	vshll.u32 v41, $0x10  }
0x28c: {  	v31 =	vadd.f32 v31, v35  }
0x28d: {  	v34 =	vbroadcast v34, $0x0;
	v50 =	vmul.u32 $0x18, v36;
	v33 =	vsub.f32 v37, v33  }
0x28e: {  	v27 =	vshll.u32 v27, $0x10;
	v51 =	vbroadcast v29, $0xF;
	v29 =	vsub.f32 v29, v26  }
0x28f: {  	v26 =	vmul.f32 v26, v26;
	v52 =	vadd.s32 v34, v1;
	v34 =	vadd.s32 v34, v2  }
0x290: {  	v22 =	vadd.f32 v25, v22;
	v31 =	vadd.f32 v32, v31;
	v35 =	vbroadcast v50, $0x0  }
0x291: {  	v33 =	vand.u32 $0x7FFFFFFF, v33;
	v27 =	vsub.f32 v27, v51;
	v29 =	vmul.f32 v29, v29  }
0x292: {  	v26 =	vmul.f32 s29, v26;
	v30 =	vadd.f32 v30, v31;
	v31 =	vadd.s32 v3, v35  }
0x293: {  	v53 =	vadd.s32 v4, v35;
	v54 =	vadd.s32 v7, v35;
	v56 =	vadd.s32 v0, v35  }
0x294: {  	v55 =	vand.u32 $0x7FFFFFFF, v27;
	v39 =	vadd.s32 v5, v35;
	v24 =	vadd.f32 v26, v24;
	v38 =	vld.idx.msk [tilespmem:v34+s8+$0x0], $0xffff  }
0x295: {  	v32 =	vadd.s32 v18, v35;
	v40 =	vadd.s32 v19, v35;
	v30 =	vadd.f32 v33, v30;
	v27 =	vld.idx.msk [tilespmem:v52+s8+$0x0], $0xffff  }
0x296: {  	v41 =	vadd.s32 v20, v35;
	v42 =	vadd.s32 v16, v35;
	v57 =	vadd.s32 v8, v35  }
0x297: {  	v34 =	vmul.f32 s29, v29;
	v29 =	vadd.s32 v6, v35;
	v30 =	vadd.f32 v55, v30;
	v31 =	vld.idx.msk [tilespmem:v31+s15+$0x0], $0xffff  }
0x298: {  	v43 =	vadd.s32 v17, v35;
	v44 =	vadd.s32 v14, v35;
	v45 =	vadd.s32 v15, v35;
	v33 =	vld.idx.msk [tilespmem:v56+s15+$0x0], $0xffff  }
0x299: {  	v39 =	vld.idx.msk [tilespmem:v39+s15+$0x0], $0xffff;
	v25 =	vmul.f32 v28, v30;
	v30 =	vadd.s32 v9, v35;
	v47 =	vbroadcast v38, $0x8  }
0x29a: {  	v28 =	vld.idx.msk [tilespmem:v53+s15+$0x0], $0xffff;
	v48 =	vbroadcast v38, $0x9;
	v26 =	vand.u32 $0xFFFF0000, v27;
	v38 =	vbroadcast v38, $0xA  }
0x29b: {  	v46 =	vadd.s32 v11, v35;
	v36 =	vld.idx.msk [tilespmem:v57+s15+$0x0], $0xffff;
	v50 =	vbroadcast v26, $0x5;
	v58 =	vbroadcast v26, $0x2  }
0x29c: {  	v49 =	vld.idx.msk [tilespmem:v29+s15+$0x0], $0xffff;
	v29 =	vadd.s32 v12, v35;
	v51 =	vbroadcast v26, $0x0;
	v59 =	vbroadcast v26, $0x1  }
0x29d: {  	v22 =	vadd.f32 v25, v22;
	v61 =	vbroadcast v26, $0x3;
	v62 =	vbroadcast v26, $0x4  }
0x29e: {  	v37 =	vld.idx.msk [tilespmem:v54+s15+$0x0], $0xffff;
	v31 =	vsub.f32 v31, v47;
	v47 =	vadd.s32 v13, v35;
	v35 =	vadd.s32 v10, v35  }
0x29f: {  	v52 =	vand.u32 $0xFFFF0000, v33;
	v38 =	vsub.f32 v39, v38;
	v28 =	vsub.f32 v28, v48;
	v30 =	vld.idx.msk [tilespmem:v30+s15+$0x0], $0xffff  }
0x2a0: {  	v54 =	vand.u32 $0xFFFF0000, v36;
	v33 =	vshll.u32 v33, $0x10;
	v51 =	vsub.f32 v52, v51  }
0x2a1: {  	v31 =	vmul.f32 v31, v31;
	v28 =	vmul.f32 v28, v28;
	v60 =	vand.u32 $0xFFFF0000, v49  }
0x2a2: {  	v46 =	vld.idx.msk [tilespmem:v46+s15+$0x0], $0xffff;
	v36 =	vshll.u32 v36, $0x10;
	v38 =	vmul.f32 v38, v38;
	v39 =	vsub.f32 v60, v59  }
0x2a3: {  	v63 =	vand.u32 $0x7FFFFFFF, v51;
	v28 =	vadd.f32 v28, v31;
	v31 =	vand.u32 $0xFFFF0000, v37  }
0x2a4: {  	v31 =	vsub.f32 v31, v58;
	v51 =	vand.u32 $0x7FFFFFFF, v39;
	v55 =	vand.u32 $0xFFFF0000, v30  }
0x2a5: {  	v53 =	vld.idx.msk [tilespmem:v35+s15+$0x0], $0xffff;
	v30 =	vshll.u32 v30, $0x10;
	v28 =	vadd.f32 v38, v28;
	v35 =	vadd.f32 v51, v63  }
0x2a6: {  	v38 =	vsub.f32 v54, v61;
	v58 =	vsub.f32 v55, v62;
	v61 =	vbroadcast v26, $0x6  }
0x2a7: {  	v62 =	vand.u32 $0xFFFF0000, v46;
	v63 =	vbroadcast v26, $0x7;
	v28 =	vmax.f32 v28, $9.999999930e-09  }
0x2a8: {  	v44 =	vld.idx.msk [tilespmem:v44+s15+$0x0], $0xffff;
	v31 =	vand.u32 $0x7FFFFFFF, v31;
	v56 =	vshra.s32 v28, $0x1;
	v28 =	vmul.f32 $5.000000000e-01, v28  }
0x2a9: {  	v51 =	vld.idx.msk [tilespmem:v29+s15+$0x0], $0xffff;
	v54 =	vbroadcast v26, $0x8;
	v31 =	vadd.f32 v31, v35;
	v29 =	vsub.s32 $0x5F3759DF, v56  }
0x2aa: {  	v45 =	vld.idx.msk [tilespmem:v45+s15+$0x0], $0xffff;
	v55 =	vbroadcast v26, $0x9;
	v57 =	vand.u32 $0x7FFFFFFF, v38;
	v59 =	vmul.f32 v29, v28  }
0x2ab: {  	v38 =	vand.u32 $0x7FFFFFFF, v58;
	v60 =	vand.u32 $0xFFFF0000, v53;
	v31 =	vadd.f32 v57, v31  }
0x2ac: {  	v47 =	vld.idx.msk [tilespmem:v47+s15+$0x0], $0xffff;
	v58 =	vbroadcast v26, $0xA;
	v35 =	vsub.f32 v60, v50;
	v39 =	vmul.f32 v29, v59  }
0x2ad: {  	v57 =	vand.u32 $0xFFFF0000, v44;
	v50 =	vbroadcast v26, $0xF;
	v31 =	vadd.f32 v38, v31  }
0x2ae: {  	v35 =	vand.u32 $0x7FFFFFFF, v35;
	v38 =	vsub.f32 v62, v61;
	v39 =	vsub.f32 $1.500000000e+00, v39  }
0x2af: {  	v52 =	vand.u32 $0xFFFF0000, v51;
	v59 =	vand.u32 $0xFFFF0000, v45;
	v31 =	vadd.f32 v35, v31  }
0x2b0: {  	v38 =	vand.u32 $0x7FFFFFFF, v38;
	v35 =	vsub.f32 v52, v63;
	v39 =	vmul.f32 v29, v39  }
0x2b1: {  	v61 =	vsub.f32 v59, v58;
	v29 =	vadd.f32 v38, v31;
	v31 =	vand.u32 $0xFFFF0000, v47;
	v38 =	vld.idx.msk [tilespmem:v42+s15+$0x0], $0xffff  }
0x2b2: {  	v35 =	vand.u32 $0x7FFFFFFF, v35;
	v31 =	vsub.f32 v31, v54;
	v56 =	vmul.f32 v39, v28  }
0x2b3: {  	v62 =	vbroadcast v26, $0xB;
	v52 =	vand.u32 $0x7FFFFFFF, v61;
	v29 =	vadd.f32 v35, v29;
	v35 =	vld.idx.msk [tilespmem:v43+s15+$0x0], $0xffff  }
0x2b4: {  	v42 =	vsub.f32 v57, v55;
	v31 =	vand.u32 $0x7FFFFFFF, v31;
	v48 =	vmul.f32 v56, v39  }
0x2b5: {  	v55 =	vbroadcast v26, $0xC;
	v57 =	vbroadcast v26, $0xD;
	v29 =	vadd.f32 v31, v29  }
0x2b6: {  	v60 =	vand.u32 $0x7FFFFFFF, v42;
	v31 =	vld.idx.msk [tilespmem:v32+s15+$0x0], $0xffff;
	v63 =	vand.u32 $0xFFFF0000, v38;
	v48 =	vsub.f32 $1.500000000e+00, v48  }
0x2b7: {  	v38 =	vshll.u32 v38, $0x10;
	v32 =	vadd.f32 v60, v29;
	v54 =	vsub.f32 v63, v62  }
0x2b8: {  	v60 =	vbroadcast v26, $0xE;
	v56 =	vand.u32 $0xFFFF0000, v35;
	v35 =	vshll.u32 v35, $0x10  }
0x2b9: {  	v29 =	vld.idx.msk [tilespmem:v40+s15+$0x0], $0xffff;
	v39 =	vmul.f32 v48, v39;
	v40 =	vadd.f32 v52, v32;
	v42 =	vand.u32 $0x7FFFFFFF, v54  }
0x2ba: {  	v43 =	vsub.f32 v56, v55;
	v48 =	vshll.u32 v53, $0x10;
	v53 =	vshll.u32 v51, $0x10  }
0x2bb: {  	v58 =	vand.u32 $0xFFFF0000, v31;
	v31 =	vshll.u32 v31, $0x10;
	v28 =	vmul.f32 v39, v28  }
0x2bc: {  	v32 =	vld.idx.msk [tilespmem:v41+s15+$0x0], $0xffff;
	v40 =	vadd.f32 v42, v40;
	v59 =	vand.u32 $0x7FFFFFFF, v43;
	v43 =	vshll.u32 v27, $0x10  }
0x2bd: {  	v41 =	vsub.f32 v58, v57;
	v58 =	vshll.u32 v49, $0x10;
	v56 =	vbroadcast v43, $0x0  }
0x2be: {  	v62 =	vand.u32 $0xFFFF0000, v29;
	v57 =	vbroadcast v43, $0x1;
	v42 =	vbroadcast v43, $0x5  }
0x2bf: {  	v49 =	vbroadcast v43, $0x6;
	v61 =	vmul.f32 v28, v39;
	v40 =	vadd.f32 v59, v40  }
0x2c0: {  	v28 =	vadd.f32 v34, v21;
	v21 =	vand.u32 $0x7FFFFFFF, v41;
	v63 =	vsub.f32 v62, v60  }
0x2c1: {  	s0 =	sadd.s32 s20, s11;
	s10 =	rddreg [dreg:$0x19];
	v60 =	vbroadcast v43, $0x2;
	v54 =	vand.u32 $0xFFFF0000, v32;
	v33 =	vsub.f32 v33, v56  }
0x2c2: {  	p1 =	slt.u32 s0, $0xC350;
	s0 =	simm.f32 $1.000000000e+00;
	s18 =	sadd.s32 @!p0 s26, s10;
	v59 =	vsub.f32 v58, v57;
	v56 =	vbroadcast v43, $0x9;
	v57 =	vshll.u32 v44, $0x10  }
0x2c3: {  	s0 =	simm.s32 @!p1 $0x0;
	p1 =	slt.s32 @!p0 s18, $0xC337;
	v58 =	vbroadcast v43, $0xA;
	v32 =	vshll.u32 v32, $0x10;
	v21 =	vadd.f32 v21, v40  }
0x2c4: {  	p1 =	por !p1, p0;
	v52 =	vsub.f32 $1.500000000e+00, v61;
	v27 =	vand.u32 $0x7FFFFFFF, v63;
	v55 =	vsub.f32 v54, v50  }
0x2c5: {  	s18 =	simm.s32 @p1 $0xC337;
	v61 =	vbroadcast v43, $0x3;
	v21 =	vadd.f32 v27, v21;
	v27 =	vshll.u32 v37, $0x10  }
0x2c6: {  	s10 =	sshll.u32 @!p0 s18, $0x4;
	v33 =	vand.u32 $0x7FFFFFFF, v33;
	v40 =	vand.u32 $0x7FFFFFFF, v59;
	v27 =	vsub.f32 v27, v60  }
0x2c7: {  	s10 =	sadd.s32 @!p0 s6, s10;
	v63 =	vbroadcast v43, $0x4;
	v50 =	vshll.u32 v46, $0x10;
	v33 =	vadd.f32 v40, v33  }
0x2c8: {  	s10 =	sshrl.u32 @!p0 s10, $0x3;
	v54 =	vbroadcast v43, $0x8;
	v36 =	vsub.f32 v36, v61;
	v62 =	vand.u32 $0x7FFFFFFF, v27  }
0x2c9: {  	s29 =	simm.s32 @!p0 $0x0;
	s20 =	sadd.s32 @!p0 s5, s10;
	s10 =	simm.s32 @!p0 $0x1CF48;
	v46 =	vshll.u32 v29, $0x10;
	v59 =	vshll.u32 v45, $0x10;
	v33 =	vadd.f32 v62, v33  }
0x2ca: {  	[tilespmem:s10], [sflag:$0x5] =	stream.linear.gather @!p0 [hbm4b:s20+s29], $0x190, $0x38;
	v45 =	vbroadcast v43, $0xE;
	v30 =	vsub.f32 v30, v63;
	v36 =	vand.u32 $0x7FFFFFFF, v36;
	[tilespmem:$0x1D438] =	vst v63  }
0x2cb: {  	s20 =	simm.s32 @!p0 $0x5;
	v39 =	vmul.f32 v52, v39;
	v34 =	vand.u32 $0x7FFFFFFF, v55;
	v33 =	vadd.f32 v36, v33  }
0x2cc: {  	s30 =	smul.u32 @!p0 $0x3, s18;
	_ =	swait.ge @!p0 [sflag:s20], $0x190;
	v21 =	vadd.f32 v34, v21;
	v34 =	vsub.f32 v48, v42;
	v30 =	vand.u32 $0x7FFFFFFF, v30  }
0x2cd: {  	[sflag:s20] =	ssyncset.done @!p0 $0x0;
	v52 =	vbroadcast v43, $0x7;
	v55 =	vshll.u32 v47, $0x10;
	v30 =	vadd.f32 v30, v33  }
0x2ce: {  	s31 =	simm.s32 @!p0 $0x1BFA8;
	s30 =	sadd.s32 @!p0 s4, s30;
	[sflag:s20] =	ssyncadd.s32 @!p0 $0xFFFFFE70;
	v61 =	vsub.f32 v59, v58;
	v34 =	vand.u32 $0x7FFFFFFF, v34;
	v36 =	vsub.f32 v50, v49  }
0x2cf: {  	[tilespmem:s31], [sflag:$0x5] =	stream.linear.gather @!p0 [hbm4b:s30+s29], $0x258, $0x38;
	v63 =	vbroadcast v43, $0xC;
	v40 =	vbroadcast v43, $0xD;
	v30 =	vadd.f32 v34, v30;
	[tilespmem:$0x1D438] =	vst v63  }
0x2d0: {  	s18 =	smul.u32 @!p0 $0x18, s18;
	s31 =	simm.s32 $0x0;
	v47 =	vsub.f32 v46, v45;
	v36 =	vand.u32 $0x7FFFFFFF, v36;
	v33 =	vsub.f32 v53, v52  }
0x2d1: {  	v42 =	vmov s31;
	v31 =	vsub.f32 v31, v40;
	v30 =	vadd.f32 v36, v30  }
0x2d2: {  	s18 =	sshrl.u32 @!p0 s18, $0x3;
	_ =	swait.ge @!p0 [sflag:s20], $0x258;
	v48 =	vbroadcast v43, $0xF;
	v34 =	vsub.f32 v55, v54;
	v33 =	vand.u32 $0x7FFFFFFF, v33  }
0x2d3: {  	s18 =	sadd.s32 @!p0 s4, s18;
	[sflag:s20] =	ssyncset.done @!p0 $0x0;
	v27 =	vmul.f32 s0, v39;
	v44 =	vmul.u32 $0x18, v42;
	v30 =	vadd.f32 v33, v30  }
0x2d4: {  	s18 =	sadd.s32 @!p0 $0x249F0, s18;
	s30 =	simm.s32 @!p0 $0x1C200;
	[sflag:s20] =	ssyncadd.s32 @!p0 $0xFFFFFDA8;
	v62 =	vbroadcast v43, $0xB;
	v36 =	vsub.f32 v57, v56;
	v60 =	vand.u32 $0x7FFFFFFF, v34  }
0x2d5: {  	[tilespmem:s30], [sflag:$0x5] =	stream.linear.gather @!p0 [hbm4b:s18+s29], $0x258, $0x38;
	v31 =	vand.u32 $0x7FFFFFFF, v31;
	v32 =	vsub.f32 v32, v48;
	v30 =	vadd.f32 v60, v30;
	[tilespmem:$0x1D438] =	vst v63  }
0x2d6: {  	_ =	swait.ge @!p0 [sflag:s20], $0x258;
	v29 =	vbroadcast v44, $0x0;
	v37 =	vsub.f32 v38, v62;
	v36 =	vand.u32 $0x7FFFFFFF, v36  }
0x2d7: {  	[sflag:s20] =	ssyncset.done @!p0 $0x0;
	v21 =	vmul.f32 v27, v21;
	v50 =	vsub.f32 v43, v26;
	v30 =	vadd.f32 v36, v30  }
0x2d8: {  	s18 =	simm.s32 @!p0 $0x190;
	[sflag:s20] =	ssyncadd.s32 @!p0 $0xFFFFFDA8;
	s20 =	simm.s32 @!p0 $0x14A78;
	v26 =	vmul.f32 v26, v26;
	v51 =	vadd.s32 v29, v2;
	v34 =	vand.u32 $0x7FFFFFFF, v61  }
0x2d9: {  	[tilespmem:s20], [sflag:$0x2] =	stream.indirect.gather @!p0 [spmem:s1], $0x18, s10, s18, $0xb8;
	v49 =	vadd.s32 v29, v1;
	v21 =	vadd.f32 v21, v23;
	v30 =	vadd.f32 v34, v30;
	[tilespmem:$0x1D438] =	vst v63  }
0x2da: {  	_ =	swait.ge [sflag:s24], $0x2580;
	v23 =	vand.u32 $0x7FFFFFFF, v32;
	v41 =	vand.u32 $0x7FFFFFFF, v37;
	v33 =	vsub.f32 v35, v63  }
0x2db: {  	[sflag:s24] =	ssyncset.done $0x0;
	v25 =	vadd.s32 v5, v29;
	v38 =	vadd.s32 v19, v29;
	v30 =	vadd.f32 v41, v30  }
0x2dc: {  	[sflag:s24] =	ssyncadd.s32 $0xFFFFDA80;
	v59 =	vadd.s32 v9, v29;
	v40 =	vadd.s32 v16, v29;
	v33 =	vand.u32 $0x7FFFFFFF, v33  }
0x2dd: {  	v42 =	vadd.s32 v14, v29;
	v53 =	vadd.s32 v4, v29;
	v37 =	vld.idx.msk [tilespmem:v51+s17+$0x0], $0xffff;
	v30 =	vadd.f32 v33, v30  }
0x2de: {  	v43 =	vadd.s32 v15, v29;
	v45 =	vadd.s32 v11, v29;
	v52 =	vmul.f32 v50, v50  }
0x2df: {  	v54 =	vmul.f32 s0, v26;
	v26 =	vld.idx.msk [tilespmem:v49+s17+$0x0], $0xffff;
	v56 =	vadd.s32 v0, v29;
	v30 =	vadd.f32 v31, v30  }
0x2e0: {  	v46 =	vadd.s32 v13, v29;
	v34 =	vand.u32 $0x7FFFFFFF, v47;
	v31 =	vadd.s32 v3, v29  }
0x2e1: {  	v55 =	vmul.f32 s0, v52;
	v24 =	vadd.f32 v54, v24;
	v60 =	vld.idx.msk [tilespmem:v25+s13+$0x0], $0xffff;
	v30 =	vadd.f32 v34, v30  }
0x2e2: {  	v49 =	vadd.s32 v12, v29;
	v58 =	vld.idx.msk [tilespmem:v53+s13+$0x0], $0xffff;
	v61 =	vbroadcast v37, $0x8;
	v33 =	vadd.s32 v8, v29  }
0x2e3: {  	v35 =	vadd.f32 v23, v30;
	v23 =	vadd.f32 v55, v28;
	v28 =	vadd.s32 v6, v29  }
0x2e4: {  	v62 =	vbroadcast v37, $0x9;
	v25 =	vand.u32 $0xFFFF0000, v26;
	v37 =	vbroadcast v37, $0xA;
	v30 =	vld.idx.msk [tilespmem:v56+s13+$0x0], $0xffff  }
0x2e5: {  	v26 =	vshll.u32 v26, $0x10;
	v36 =	vadd.s32 v18, v29;
	v57 =	vld.idx.msk [tilespmem:v31+s13+$0x0], $0xffff;
	v31 =	vadd.s32 v7, v29  }
0x2e6: {  	v45 =	vld.idx.msk [tilespmem:v45+s13+$0x0], $0xffff;
	v50 =	vbroadcast v25, $0x5;
	v63 =	vbroadcast v25, $0x2;
	v37 =	vsub.f32 v60, v37  }
0x2e7: {  	v51 =	vbroadcast v26, $0x4;
	v34 =	vsub.f32 v58, v62;
	v33 =	vld.idx.msk [tilespmem:v33+s13+$0x0], $0xffff;
	v27 =	vmul.f32 v27, v35  }
0x2e8: {  	v41 =	vadd.s32 v17, v29;
	v37 =	vmul.f32 v37, v37;
	v62 =	vbroadcast v25, $0x3;
	v48 =	vld.idx.msk [tilespmem:v28+s13+$0x0], $0xffff  }
0x2e9: {  	v56 =	vbroadcast v25, $0x0;
	v34 =	vmul.f32 v34, v34;
	v22 =	vadd.f32 v27, v22;
	v28 =	vld.idx.msk [tilespmem:v59+s13+$0x0], $0xffff  }
0x2ea: {  	v58 =	vand.u32 $0xFFFF0000, v30;
	v59 =	vbroadcast v25, $0x1;
	v30 =	vshll.u32 v30, $0x10;
	v31 =	vld.idx.msk [tilespmem:v31+s13+$0x0], $0xffff  }
0x2eb: {  	v32 =	vsub.f32 v57, v61;
	v57 =	vadd.s32 v10, v29;
	v39 =	vsub.f32 v58, v56  }
0x2ec: {  	v56 =	vand.u32 $0xFFFF0000, v33;
	v29 =	vadd.s32 v20, v29;
	v33 =	vshll.u32 v33, $0x10  }
0x2ed: {  	v32 =	vmul.f32 v32, v32;
	v54 =	vand.u32 $0x7FFFFFFF, v39;
	v60 =	vand.u32 $0xFFFF0000, v48  }
0x2ee: {  	v39 =	vsub.f32 v56, v62;
	v62 =	vand.u32 $0xFFFF0000, v45;
	v44 =	vsub.f32 v60, v59  }
0x2ef: {  	v56 =	vbroadcast v25, $0x9;
	v32 =	vadd.f32 v34, v32;
	v61 =	vand.u32 $0xFFFF0000, v31  }
0x2f0: {  	v39 =	vand.u32 $0x7FFFFFFF, v39;
	v52 =	vld.idx.msk [tilespmem:v57+s13+$0x0], $0xffff;
	v34 =	vsub.f32 v61, v63;
	v55 =	vand.u32 $0x7FFFFFFF, v44  }
0x2f1: {  	v48 =	vshll.u32 v48, $0x10;
	v32 =	vadd.f32 v37, v32;
	v37 =	vadd.f32 v55, v54  }
0x2f2: {  	v57 =	vand.u32 $0xFFFF0000, v28;
	v63 =	vbroadcast v25, $0x4;
	v34 =	vand.u32 $0x7FFFFFFF, v34  }
0x2f3: {  	v31 =	vshll.u32 v31, $0x10;
	v28 =	vshll.u32 v28, $0x10;
	v34 =	vadd.f32 v34, v37  }
0x2f4: {  	v61 =	vbroadcast v25, $0x6;
	v28 =	vsub.f32 v28, v51;
	v44 =	vsub.f32 v57, v63;
	v37 =	vld.idx.msk [tilespmem:v49+s13+$0x0], $0xffff  }
0x2f5: {  	v51 =	vbroadcast v26, $0xF;
	v60 =	vand.u32 $0xFFFF0000, v52;
	v34 =	vadd.f32 v39, v34  }
0x2f6: {  	v46 =	vld.idx.msk [tilespmem:v46+s13+$0x0], $0xffff;
	v32 =	vmax.f32 v32, $9.999999930e-09;
	v44 =	vand.u32 $0x7FFFFFFF, v44;
	v39 =	vsub.f32 v60, v50  }
0x2f7: {  	v42 =	vld.idx.msk [tilespmem:v42+s13+$0x0], $0xffff;
	v63 =	vbroadcast v25, $0x7;
	v54 =	vbroadcast v25, $0x8;
	v34 =	vadd.f32 v44, v34  }
0x2f8: {  	v43 =	vld.idx.msk [tilespmem:v43+s13+$0x0], $0xffff;
	v58 =	vshra.s32 v32, $0x1;
	v39 =	vand.u32 $0x7FFFFFFF, v39;
	v44 =	vsub.f32 v62, v61  }
0x2f9: {  	v32 =	vmul.f32 $5.000000000e-01, v32;
	v53 =	vand.u32 $0xFFFF0000, v37;
	v34 =	vadd.f32 v39, v34  }
0x2fa: {  	v40 =	vld.idx.msk [tilespmem:v40+s13+$0x0], $0xffff;
	v47 =	vsub.s32 $0x5F3759DF, v58;
	v44 =	vand.u32 $0x7FFFFFFF, v44;
	v39 =	vsub.f32 v53, v63  }
0x2fb: {  	v55 =	vand.u32 $0xFFFF0000, v46;
	v59 =	vmul.f32 v47, v32;
	v34 =	vadd.f32 v44, v34  }
0x2fc: {  	v41 =	vld.idx.msk [tilespmem:v41+s13+$0x0], $0xffff;
	v58 =	vand.u32 $0xFFFF0000, v42;
	v39 =	vand.u32 $0x7FFFFFFF, v39;
	v44 =	vsub.f32 v55, v54  }
0x2fd: {  	v60 =	vand.u32 $0xFFFF0000, v43;
	v49 =	vmul.f32 v47, v59;
	v34 =	vadd.f32 v39, v34  }
0x2fe: {  	v59 =	vbroadcast v25, $0xA;
	v44 =	vand.u32 $0x7FFFFFFF, v44;
	v39 =	vsub.f32 v58, v56  }
0x2ff: {  	v61 =	vbroadcast v25, $0xB;
	v62 =	vand.u32 $0xFFFF0000, v40;
	v34 =	vadd.f32 v44, v34  }
0x300: {  	v36 =	vld.idx.msk [tilespmem:v36+s13+$0x0], $0xffff;
	v49 =	vsub.f32 $1.500000000e+00, v49;
	v39 =	vand.u32 $0x7FFFFFFF, v39;
	v44 =	vsub.f32 v60, v59  }
0x301: {  	v63 =	vbroadcast v25, $0xC;
	v53 =	vand.u32 $0xFFFF0000, v41;
	v34 =	vadd.f32 v39, v34  }
0x302: {  	v38 =	vld.idx.msk [tilespmem:v38+s13+$0x0], $0xffff;
	v47 =	vmul.f32 v47, v49;
	v44 =	vand.u32 $0x7FFFFFFF, v44;
	v39 =	vsub.f32 v62, v61  }
0x303: {  	v28 =	vand.u32 $0x7FFFFFFF, v28;
	v54 =	vsub.f32 v53, v63;
	v34 =	vadd.f32 v44, v34  }
0x304: {  	v55 =	vbroadcast v25, $0xD;
	v57 =	vmul.f32 v47, v32;
	v39 =	vand.u32 $0x7FFFFFFF, v39  }
0x305: {  	v56 =	vand.u32 $0xFFFF0000, v36;
	v35 =	vand.u32 $0x7FFFFFFF, v54;
	v34 =	vadd.f32 v39, v34  }
0x306: {  	v50 =	vmul.f32 v57, v47;
	v57 =	vbroadcast v25, $0xE;
	v39 =	vsub.f32 v56, v55  }
0x307: {  	v49 =	vbroadcast v26, $0x2;
	v58 =	vand.u32 $0xFFFF0000, v38;
	v27 =	vadd.f32 v35, v34  }
0x308: {  	v62 =	vbroadcast v26, $0x0;
	v59 =	vand.u32 $0x7FFFFFFF, v39;
	v34 =	vsub.f32 v58, v57  }
0x309: {  	v63 =	vbroadcast v26, $0x1;
	v31 =	vsub.f32 v31, v49;
	v27 =	vadd.f32 v59, v27  }
0x30a: {  	v29 =	vld.idx.msk [tilespmem:v29+s13+$0x0], $0xffff;
	v50 =	vsub.f32 $1.500000000e+00, v50;
	v30 =	vsub.f32 v30, v62;
	v34 =	vand.u32 $0x7FFFFFFF, v34  }
0x30b: {  	v53 =	vshll.u32 v52, $0x10;
	v27 =	vadd.f32 v34, v27;
	v34 =	vsub.f32 v48, v63  }
0x30c: {  	v49 =	vshll.u32 v38, $0x10;
	v54 =	vbroadcast v26, $0x6;
	v47 =	vmul.f32 v50, v47  }
0x30d: {  	v50 =	vbroadcast v26, $0x3;
	v30 =	vand.u32 $0x7FFFFFFF, v30;
	v34 =	vand.u32 $0x7FFFFFFF, v34  }
0x30e: {  	v31 =	vand.u32 $0x7FFFFFFF, v31;
	v60 =	vbroadcast v25, $0xF;
	v30 =	vadd.f32 v34, v30  }
0x30f: {  	v61 =	vand.u32 $0xFFFF0000, v29;
	v29 =	vshll.u32 v29, $0x10;
	v33 =	vsub.f32 v33, v50  }
0x310: {  	v29 =	vsub.f32 v29, v51;
	v62 =	vshll.u32 v43, $0x10;
	v30 =	vadd.f32 v31, v30  }
0x311: {  	v43 =	vshll.u32 v36, $0x10;
	v33 =	vand.u32 $0x7FFFFFFF, v33;
	v31 =	vbroadcast v26, $0x5  }
0x312: {  	v44 =	vbroadcast v26, $0xD;
	v32 =	vmul.f32 v47, v32;
	v30 =	vadd.f32 v33, v30  }
0x313: {  	v29 =	vand.u32 $0x7FFFFFFF, v29;
	v55 =	vshll.u32 v45, $0x10;
	v31 =	vsub.f32 v53, v31  }
0x314: {  	v56 =	vbroadcast v26, $0x7;
	v32 =	vmul.f32 v32, v47;
	v28 =	vadd.f32 v28, v30  }
0x315: {  	v35 =	vsub.f32 v61, v60;
	v30 =	vand.u32 $0x7FFFFFFF, v31;
	v31 =	vsub.f32 v55, v54  }
0x316: {  	v57 =	vshll.u32 v37, $0x10;
	v58 =	vshll.u32 v46, $0x10;
	v28 =	vadd.f32 v30, v28  }
0x317: {  	v59 =	vbroadcast v26, $0x8;
	v30 =	vand.u32 $0x7FFFFFFF, v31;
	v31 =	vsub.f32 v57, v56  }
0x318: {  	v60 =	vbroadcast v26, $0x9;
	v61 =	vshll.u32 v42, $0x10;
	v28 =	vadd.f32 v30, v28  }
0x319: {  	s20 =	simm.s32 $0x1;
	v42 =	vshll.u32 v41, $0x10;
	v34 =	vsub.f32 v58, v59;
	v30 =	vand.u32 $0x7FFFFFFF, v31  }
0x31a: {  	v46 =	vmov s20;
	v32 =	vsub.f32 $1.500000000e+00, v32;
	v28 =	vadd.f32 v30, v28  }
0x31b: {  	v34 =	vand.u32 $0x7FFFFFFF, v34;
	v33 =	vsub.f32 v61, v60;
	v31 =	vbroadcast v26, $0xA  }
0x31c: {  	v35 =	vand.u32 $0x7FFFFFFF, v35;
	v32 =	vmul.f32 v32, v47;
	v28 =	vadd.f32 v34, v28  }
0x31d: {  	v33 =	vand.u32 $0x7FFFFFFF, v33;
	v30 =	vsub.f32 v62, v31;
	v31 =	vbroadcast v26, $0xB  }
0x31e: {  	s18 =	sadd.s32 $0x0, s14;
	v47 =	vbroadcast v26, $0xE;
	v63 =	vshll.u32 v40, $0x10;
	v28 =	vadd.f32 v33, v28  }
0x31f: {  	s30 =	simm.s32 $0x10;
	p1 =	slt.u32 s18, $0xC350;
	s0 =	simm.f32 $1.000000000e+00;
	v40 =	vbroadcast v26, $0xC;
	v30 =	vand.u32 $0x7FFFFFFF, v30;
	v31 =	vsub.f32 v63, v31  }
0x320: {  	s0 =	simm.s32 @!p1 $0x0;
	v48 =	vmov s30;
	v28 =	vadd.f32 v30, v28;
	v30 =	vmul.u32 $0x18, v46  }
0x321: {  	v32 =	vmul.f32 s0, v32;
	v45 =	vsub.f32 v42, v40;
	v31 =	vand.u32 $0x7FFFFFFF, v31  }
0x322: {  	v28 =	vadd.f32 v31, v28;
	v30 =	vbroadcast v30, $0x0;
	v31 =	vmul.u32 $0x18, v48  }
0x323: {  	v27 =	vadd.f32 v35, v27;
	v35 =	vsub.f32 v43, v44;
	v33 =	vand.u32 $0x7FFFFFFF, v45  }
0x324: {  	v28 =	vadd.f32 v33, v28;
	v52 =	vadd.s32 v30, v1;
	v53 =	vbroadcast v31, $0x0  }
0x325: {  	v50 =	vsub.f32 v49, v47;
	v35 =	vand.u32 $0x7FFFFFFF, v35;
	v31 =	vadd.s32 v30, v2  }
0x326: {  	v26 =	vsub.f32 v26, v25;
	v28 =	vadd.f32 v35, v28;
	v54 =	vadd.s32 v7, v53  }
0x327: {  	v25 =	vmul.f32 v25, v25;
	v30 =	vand.u32 $0x7FFFFFFF, v50;
	v56 =	vadd.s32 v4, v53  }
0x328: {  	v27 =	vmul.f32 v32, v27;
	v57 =	vadd.s32 v0, v53;
	v30 =	vadd.f32 v30, v28  }
0x329: {  	v26 =	vmul.f32 v26, v26;
	v25 =	vmul.f32 s0, v25;
	v59 =	vadd.s32 v6, v53;
	v28 =	vld.idx.msk [tilespmem:v52+s17+$0x0], $0xffff  }
0x32a: {  	v55 =	vadd.s32 v3, v53;
	v29 =	vadd.f32 v29, v30;
	v30 =	vadd.f32 v27, v21;
	v27 =	vld.idx.msk [tilespmem:v31+s17+$0x0], $0xffff  }
0x32b: {  	v26 =	vmul.f32 s0, v26;
	v24 =	vadd.f32 v25, v24;
	v46 =	vadd.s32 v11, v53;
	v31 =	vld.idx.msk [tilespmem:v54+s13+$0x0], $0xffff  }
0x32c: {  	v58 =	vadd.s32 v5, v53;
	v34 =	vadd.s32 v18, v53;
	v35 =	vadd.s32 v19, v53;
	v60 =	vld.idx.msk [tilespmem:v56+s13+$0x0], $0xffff  }
0x32d: {  	v40 =	vadd.s32 v20, v53;
	v61 =	vadd.s32 v9, v53;
	v21 =	vadd.f32 v26, v23;
	v23 =	vld.idx.msk [tilespmem:v57+s13+$0x0], $0xffff  }
0x32e: {  	v41 =	vadd.s32 v16, v53;
	v42 =	vadd.s32 v17, v53;
	v62 =	vadd.s32 v8, v53;
	v33 =	vld.idx.msk [tilespmem:v59+s13+$0x0], $0xffff  }
0x32f: {  	v43 =	vadd.s32 v14, v53;
	v44 =	vadd.s32 v15, v53;
	v25 =	vmul.f32 v32, v29;
	v29 =	vld.idx.msk [tilespmem:v55+s13+$0x0], $0xffff  }
0x330: {  	v47 =	vadd.s32 v12, v53;
	v48 =	vadd.s32 v13, v53;
	v46 =	vld.idx.msk [tilespmem:v46+s13+$0x0], $0xffff;
	v54 =	vbroadcast v27, $0x8  }
0x331: {  	v63 =	vld.idx.msk [tilespmem:v58+s13+$0x0], $0xffff;
	v26 =	vand.u32 $0xFFFF0000, v28;
	v55 =	vbroadcast v27, $0x9;
	v27 =	vbroadcast v27, $0xA  }
0x332: {  	v37 =	vadd.s32 v10, v53;
	v50 =	vbroadcast v26, $0x5;
	v57 =	vbroadcast v26, $0x2  }
0x333: {  	v38 =	vld.idx.msk [tilespmem:v62+s13+$0x0], $0xffff;
	v59 =	vbroadcast v26, $0x0;
	v53 =	vbroadcast v26, $0x7;
	v58 =	vand.u32 $0xFFFF0000, v23  }
0x334: {  	v32 =	vld.idx.msk [tilespmem:v61+s13+$0x0], $0xffff;
	v61 =	vand.u32 $0xFFFF0000, v33;
	v29 =	vsub.f32 v29, v54;
	v56 =	vsub.f32 v60, v55  }
0x335: {  	v62 =	vand.u32 $0xFFFF0000, v31;
	v51 =	vand.u32 $0xFFFF0000, v46;
	v60 =	vbroadcast v26, $0x1  }
0x336: {  	v27 =	vsub.f32 v63, v27;
	v29 =	vmul.f32 v29, v29;
	v39 =	vmul.f32 v56, v56  }
0x337: {  	v23 =	vshll.u32 v23, $0x10;
	v33 =	vshll.u32 v33, $0x10;
	v36 =	vsub.f32 v58, v59  }
0x338: {  	v27 =	vmul.f32 v27, v27;
	v63 =	vsub.f32 v61, v60;
	v29 =	vadd.f32 v39, v29  }
0x339: {  	v54 =	vsub.f32 v62, v57;
	v55 =	vbroadcast v26, $0x3;
	v58 =	vand.u32 $0xFFFF0000, v38  }
0x33a: {  	v37 =	vld.idx.msk [tilespmem:v37+s13+$0x0], $0xffff;
	v57 =	vand.u32 $0x7FFFFFFF, v63;
	v27 =	vadd.f32 v27, v29;
	v29 =	vand.u32 $0x7FFFFFFF, v36  }
0x33b: {  	v59 =	vand.u32 $0xFFFF0000, v32;
	v56 =	vbroadcast v26, $0x4;
	v29 =	vadd.f32 v57, v29  }
0x33c: {  	v45 =	vand.u32 $0x7FFFFFFF, v54;
	v36 =	vsub.f32 v58, v55;
	v27 =	vmax.f32 v27, $9.999999930e-09  }
0x33d: {  	v48 =	vld.idx.msk [tilespmem:v48+s13+$0x0], $0xffff;
	v60 =	vshra.s32 v27, $0x1;
	v52 =	vmul.f32 $5.000000000e-01, v27;
	v27 =	vadd.f32 v45, v29  }
0x33e: {  	v39 =	vsub.f32 v59, v56;
	v36 =	vand.u32 $0x7FFFFFFF, v36;
	v45 =	vld.idx.msk [tilespmem:v47+s13+$0x0], $0xffff;
	v29 =	vsub.s32 $0x5F3759DF, v60  }
0x33f: {  	v62 =	vand.u32 $0xFFFF0000, v37;
	v61 =	vmul.f32 v29, v52;
	v27 =	vadd.f32 v36, v27  }
0x340: {  	v43 =	vld.idx.msk [tilespmem:v43+s13+$0x0], $0xffff;
	v63 =	vbroadcast v26, $0x6;
	v39 =	vand.u32 $0x7FFFFFFF, v39;
	v36 =	vsub.f32 v62, v50  }
0x341: {  	v31 =	vshll.u32 v31, $0x10;
	v47 =	vmul.f32 v29, v61;
	v27 =	vadd.f32 v39, v27  }
0x342: {  	v56 =	vand.u32 $0xFFFF0000, v48;
	v36 =	vand.u32 $0x7FFFFFFF, v36;
	v39 =	vsub.f32 v51, v63  }
0x343: {  	v54 =	vand.u32 $0xFFFF0000, v45;
	v47 =	vsub.f32 $1.500000000e+00, v47;
	v27 =	vadd.f32 v36, v27  }
0x344: {  	v44 =	vld.idx.msk [tilespmem:v44+s13+$0x0], $0xffff;
	v55 =	vbroadcast v26, $0x8;
	v39 =	vand.u32 $0x7FFFFFFF, v39;
	v36 =	vsub.f32 v54, v53  }
0x345: {  	v41 =	vld.idx.msk [tilespmem:v41+s13+$0x0], $0xffff;
	v59 =	vand.u32 $0xFFFF0000, v43;
	v29 =	vmul.f32 v29, v47;
	v27 =	vadd.f32 v39, v27  }
0x346: {  	v57 =	vbroadcast v26, $0x9;
	v36 =	vand.u32 $0x7FFFFFFF, v36;
	v39 =	vsub.f32 v56, v55  }
0x347: {  	v42 =	vld.idx.msk [tilespmem:v42+s13+$0x0], $0xffff;
	v60 =	vbroadcast v26, $0xA;
	v58 =	vmul.f32 v29, v52;
	v27 =	vadd.f32 v36, v27  }
0x348: {  	v62 =	vbroadcast v26, $0xB;
	v39 =	vand.u32 $0x7FFFFFFF, v39;
	v36 =	vsub.f32 v59, v57  }
0x349: {  	v34 =	vld.idx.msk [tilespmem:v34+s13+$0x0], $0xffff;
	v61 =	vand.u32 $0xFFFF0000, v44;
	v49 =	vmul.f32 v58, v29;
	v27 =	vadd.f32 v39, v27  }
0x34a: {  	v63 =	vand.u32 $0xFFFF0000, v41;
	v36 =	vand.u32 $0x7FFFFFFF, v36;
	v39 =	vsub.f32 v61, v60  }
0x34b: {  	v50 =	vld.idx.msk [tilespmem:v35+s13+$0x0], $0xffff;
	v54 =	vbroadcast v26, $0xC;
	v49 =	vsub.f32 $1.500000000e+00, v49;
	v27 =	vadd.f32 v36, v27  }
0x34c: {  	v56 =	vand.u32 $0xFFFF0000, v42;
	v53 =	vand.u32 $0x7FFFFFFF, v39;
	v36 =	vsub.f32 v63, v62  }
0x34d: {  	v35 =	vsub.f32 v56, v54;
	v55 =	vmul.f32 v49, v29;
	v29 =	vadd.f32 v53, v27;
	v27 =	vld.idx.msk [tilespmem:v40+s13+$0x0], $0xffff  }
0x34e: {  	v57 =	vbroadcast v26, $0xD;
	v59 =	vand.u32 $0xFFFF0000, v34;
	v36 =	vand.u32 $0x7FFFFFFF, v36  }
0x34f: {  	v35 =	vand.u32 $0x7FFFFFFF, v35;
	v58 =	vmul.f32 v55, v52;
	v29 =	vadd.f32 v36, v29  }
0x350: {  	v60 =	vbroadcast v26, $0xE;
	v61 =	vand.u32 $0xFFFF0000, v50;
	v36 =	vsub.f32 v59, v57  }
0x351: {  	v62 =	vbroadcast v26, $0xF;
	v40 =	vmul.f32 v58, v55;
	v29 =	vadd.f32 v35, v29  }
0x352: {  	v36 =	vand.u32 $0x7FFFFFFF, v36;
	v35 =	vsub.f32 v61, v60;
	v63 =	vand.u32 $0xFFFF0000, v27  }
0x353: {  	v40 =	vsub.f32 $1.500000000e+00, v40;
	v36 =	vadd.f32 v36, v29;
	v29 =	vshll.u32 v28, $0x10  }
0x354: {  	s31 =	sadd.s32 $0x1, s14;
	v28 =	vand.u32 $0x7FFFFFFF, v35;
	v51 =	vsub.f32 v63, v62;
	v53 =	vbroadcast v29, $0x0  }
0x355: {  	s29 =	simm.f32 $1.000000000e+00;
	p1 =	slt.u32 s31, $0xC350;
	v54 =	vbroadcast v29, $0x1;
	v52 =	vmul.f32 v40, v55;
	v36 =	vadd.f32 v28, v36  }
0x356: {  	s29 =	simm.s32 @!p1 $0x0;
	v35 =	vand.u32 $0x7FFFFFFF, v51;
	v55 =	vbroadcast v29, $0x2;
	v23 =	vsub.f32 v23, v53  }
0x357: {  	v33 =	vsub.f32 v33, v54;
	v28 =	vmul.f32 s29, v52;
	v35 =	vadd.f32 v35, v36  }
0x358: {  	v56 =	vbroadcast v29, $0x3;
	v31 =	vsub.f32 v31, v55  }
0x359: {  	v23 =	vand.u32 $0x7FFFFFFF, v23;
	v33 =	vand.u32 $0x7FFFFFFF, v33;
	v35 =	vmul.f32 v28, v35  }
0x35a: {  	v57 =	vshll.u32 v38, $0x10;
	v58 =	vbroadcast v29, $0x4;
	v33 =	vadd.f32 v33, v23  }
0x35b: {  	v23 =	vadd.f32 v35, v30;
	v30 =	vand.u32 $0x7FFFFFFF, v31;
	v31 =	vsub.f32 v57, v56  }
0x35c: {  	v32 =	vshll.u32 v32, $0x10;
	v45 =	vshll.u32 v45, $0x10;
	v30 =	vadd.f32 v30, v33  }
0x35d: {  	v59 =	vbroadcast v29, $0x5;
	v32 =	vsub.f32 v32, v58;
	v31 =	vand.u32 $0x7FFFFFFF, v31  }
0x35e: {  	v60 =	vshll.u32 v37, $0x10;
	v37 =	vshll.u32 v50, $0x10;
	v30 =	vadd.f32 v31, v30  }
0x35f: {  	v61 =	vbroadcast v29, $0x6;
	v32 =	vand.u32 $0x7FFFFFFF, v32;
	v31 =	vsub.f32 v60, v59  }
0x360: {  	v62 =	vshll.u32 v46, $0x10;
	v63 =	vbroadcast v29, $0x7;
	v30 =	vadd.f32 v32, v30  }
0x361: {  	v47 =	vbroadcast v29, $0x8;
	v40 =	vsub.f32 v62, v61;
	v31 =	vand.u32 $0x7FFFFFFF, v31  }
0x362: {  	v46 =	vshll.u32 v48, $0x10;
	v51 =	vshll.u32 v43, $0x10;
	v30 =	vadd.f32 v31, v30  }
0x363: {  	v48 =	vsub.f32 v45, v63;
	v49 =	vsub.f32 v46, v47;
	v31 =	vand.u32 $0x7FFFFFFF, v40  }
0x364: {  	v53 =	vbroadcast v29, $0xA;
	v54 =	vshll.u32 v44, $0x10;
	v30 =	vadd.f32 v31, v30  }
0x365: {  	s20 =	simm.s32 $0x2;
	v61 =	vbroadcast v29, $0xD;
	v52 =	vbroadcast v29, $0x9;
	v31 =	vand.u32 $0x7FFFFFFF, v48  }
0x366: {  	s10 =	simm.s32 $0x20;
	v62 =	vmov s20;
	v55 =	vbroadcast v29, $0xB;
	v30 =	vadd.f32 v31, v30  }
0x367: {  	v36 =	vmov s10;
	v35 =	vsub.f32 v51, v52;
	v33 =	vand.u32 $0x7FFFFFFF, v49  }
0x368: {  	v56 =	vshll.u32 v41, $0x10;
	v57 =	vbroadcast v29, $0xC;
	v30 =	vadd.f32 v33, v30  }
0x369: {  	v35 =	vand.u32 $0x7FFFFFFF, v35;
	v59 =	vshll.u32 v42, $0x10;
	v31 =	vsub.f32 v54, v53  }
0x36a: {  	v60 =	vshll.u32 v34, $0x10;
	v32 =	vsub.f32 v59, v57;
	v30 =	vadd.f32 v35, v30  }
0x36b: {  	v63 =	vsub.f32 v60, v61;
	v58 =	vand.u32 $0x7FFFFFFF, v31;
	v31 =	vsub.f32 v56, v55  }
0x36c: {  	v34 =	vmul.u32 $0x18, v62;
	v32 =	vand.u32 $0x7FFFFFFF, v32;
	v35 =	vadd.f32 v58, v30  }
0x36d: {  	s0 =	simm.s32 $0x3;
	v33 =	vbroadcast v29, $0xE;
	v31 =	vand.u32 $0x7FFFFFFF, v31;
	v30 =	vand.u32 $0x7FFFFFFF, v63  }
.LBB2_7:
0x36e: {  	p1 =	sne.s32 s0, $0x18;
	v34 =	vbroadcast v34, $0x0;
	v36 =	vmul.u32 $0x18, v36;
	v31 =	vadd.f32 v31, v35  }
0x36f: {  	v33 =	vsub.f32 v37, v33;
	v27 =	vshll.u32 v27, $0x10;
	v35 =	vbroadcast v29, $0xF  }
0x370: {  	v37 =	vadd.s32 v34, v1;
	v36 =	vbroadcast v36, $0x0;
	v31 =	vadd.f32 v32, v31  }
0x371: {  	v32 =	vadd.s32 v34, v2;
	v33 =	vand.u32 $0x7FFFFFFF, v33;
	v27 =	vsub.f32 v27, v35  }
0x372: {  	v29 =	vsub.f32 v29, v26;
	v34 =	vadd.s32 v7, v36;
	v30 =	vadd.f32 v30, v31  }
0x373: {  	v26 =	vmul.f32 v26, v26;
	v31 =	vadd.s32 v3, v36;
	v27 =	vand.u32 $0x7FFFFFFF, v27  }
0x374: {  	v35 =	vadd.s32 v4, v36;
	v30 =	vadd.f32 v33, v30;
	v33 =	vmul.f32 v29, v29  }
0x375: {  	v22 =	vadd.f32 v25, v22;
	v26 =	vmul.f32 s29, v26;
	v29 =	vld.idx.msk [tilespmem:v37+s17+$0x0], $0xffff;
	v37 =	vadd.s32 v0, v36  }
0x376: {  	v38 =	vld.idx.msk [tilespmem:v32+s17+$0x0], $0xffff;
	v32 =	vadd.s32 v5, v36;
	v25 =	vadd.f32 v27, v30;
	v27 =	vmul.f32 s29, v33  }
0x377: {  	v24 =	vadd.f32 v26, v24;
	v33 =	vadd.s32 v6, v36;
	v30 =	vld.idx.msk [tilespmem:v34+s13+$0x0], $0xffff  }
0x378: {  	v31 =	vld.idx.msk [tilespmem:v31+s13+$0x0], $0xffff;
	v25 =	vmul.f32 v28, v25;
	v21 =	vadd.f32 v27, v21  }
0x379: {  	v43 =	vadd.s32 v18, v36;
	v41 =	vadd.s32 v19, v36;
	v27 =	vadd.s32 v20, v36;
	v34 =	vld.idx.msk [tilespmem:v35+s13+$0x0], $0xffff  }
0x37a: {  	v40 =	vadd.s32 v16, v36;
	v42 =	vadd.s32 v17, v36;
	v35 =	vadd.s32 v9, v36;
	v28 =	vld.idx.msk [tilespmem:v37+s13+$0x0], $0xffff  }
0x37b: {  	v39 =	vadd.s32 v8, v36;
	v44 =	vadd.s32 v14, v36;
	v45 =	vadd.s32 v15, v36;
	v37 =	vld.idx.msk [tilespmem:v32+s13+$0x0], $0xffff  }
0x37c: {  	v46 =	vadd.s32 v11, v36;
	v47 =	vadd.s32 v12, v36;
	v48 =	vadd.s32 v13, v36;
	v32 =	vld.idx.msk [tilespmem:v33+s13+$0x0], $0xffff  }
0x37d: {  	v26 =	vand.u32 $0xFFFF0000, v29;
	v49 =	vbroadcast v38, $0x9;
	v33 =	vbroadcast v38, $0x8  }
0x37e: {  	v36 =	vadd.s32 v10, v36;
	v50 =	vbroadcast v26, $0x5;
	v38 =	vbroadcast v38, $0xA  }
0x37f: {  	v51 =	vsub.f32 v31, v33;
	v34 =	vsub.f32 v34, v49;
	v49 =	vbroadcast v26, $0x2;
	v31 =	vld.idx.msk [tilespmem:v35+s13+$0x0], $0xffff  }
0x380: {  	v52 =	vbroadcast v26, $0x0;
	v53 =	vbroadcast v26, $0x1;
	v35 =	vand.u32 $0xFFFF0000, v28;
	v33 =	vld.idx.msk [tilespmem:v39+s13+$0x0], $0xffff  }
0x381: {  	v39 =	vmul.f32 v51, v51;
	v34 =	vmul.f32 v34, v34;
	v37 =	vsub.f32 v37, v38  }
0x382: {  	v35 =	vsub.f32 v35, v52;
	v51 =	vand.u32 $0xFFFF0000, v30;
	v38 =	vand.u32 $0xFFFF0000, v32  }
0x383: {  	v39 =	vadd.f32 v34, v39;
	v37 =	vmul.f32 v37, v37;
	v38 =	vsub.f32 v38, v53  }
0x384: {  	v52 =	vbroadcast v26, $0x4;
	v49 =	vsub.f32 v51, v49;
	v51 =	vbroadcast v26, $0x3;
	v34 =	vld.idx.msk [tilespmem:v36+s13+$0x0], $0xffff  }
0x385: {  	v35 =	vand.u32 $0x7FFFFFFF, v35;
	v36 =	vadd.f32 v37, v39;
	v37 =	vand.u32 $0x7FFFFFFF, v38  }
0x386: {  	v39 =	vand.u32 $0xFFFF0000, v31;
	v37 =	vadd.f32 v37, v35;
	v38 =	vand.u32 $0xFFFF0000, v33;
	v35 =	vld.idx.msk [tilespmem:v46+s13+$0x0], $0xffff  }
0x387: {  	v36 =	vmax.f32 v36, $9.999999930e-09;
	v46 =	vand.u32 $0x7FFFFFFF, v49;
	v38 =	vsub.f32 v38, v51  }
0x388: {  	v49 =	vshra.s32 v36, $0x1;
	v51 =	vmul.f32 $5.000000000e-01, v36;
	v37 =	vadd.f32 v46, v37;
	v36 =	vld.idx.msk [tilespmem:v47+s13+$0x0], $0xffff  }
0x389: {  	v39 =	vsub.f32 v39, v52;
	v46 =	vsub.s32 $0x5F3759DF, v49;
	v38 =	vand.u32 $0x7FFFFFFF, v38  }
0x38a: {  	v47 =	vmul.f32 v46, v51;
	v38 =	vadd.f32 v38, v37;
	v49 =	vand.u32 $0xFFFF0000, v34;
	v37 =	vld.idx.msk [tilespmem:v48+s13+$0x0], $0xffff  }
0x38b: {  	v39 =	vand.u32 $0x7FFFFFFF, v39;
	v48 =	vsub.f32 v49, v50;
	v49 =	vbroadcast v26, $0x6  }
0x38c: {  	v47 =	vmul.f32 v46, v47;
	v39 =	vadd.f32 v39, v38;
	v50 =	vand.u32 $0xFFFF0000, v35;
	v38 =	vld.idx.msk [tilespmem:v44+s13+$0x0], $0xffff  }
0x38d: {  	v44 =	vand.u32 $0x7FFFFFFF, v48;
	v48 =	vsub.f32 v50, v49;
	v49 =	vbroadcast v26, $0x7  }
0x38e: {  	v47 =	vsub.f32 $1.500000000e+00, v47;
	v44 =	vadd.f32 v44, v39;
	v50 =	vand.u32 $0xFFFF0000, v36;
	v39 =	vld.idx.msk [tilespmem:v45+s13+$0x0], $0xffff  }
0x38f: {  	v45 =	vand.u32 $0x7FFFFFFF, v48;
	v48 =	vsub.f32 v50, v49;
	v49 =	vbroadcast v26, $0x8  }
0x390: {  	v46 =	vmul.f32 v46, v47;
	v44 =	vadd.f32 v45, v44;
	v45 =	vand.u32 $0xFFFF0000, v37;
	v40 =	vld.idx.msk [tilespmem:v40+s13+$0x0], $0xffff  }
0x391: {  	v47 =	vand.u32 $0x7FFFFFFF, v48;
	v45 =	vsub.f32 v45, v49;
	v48 =	vbroadcast v26, $0x9  }
0x392: {  	v49 =	vmul.f32 v46, v51;
	v44 =	vadd.f32 v47, v44;
	v47 =	vand.u32 $0xFFFF0000, v38;
	v42 =	vld.idx.msk [tilespmem:v42+s13+$0x0], $0xffff  }
0x393: {  	v45 =	vand.u32 $0x7FFFFFFF, v45;
	v47 =	vsub.f32 v47, v48;
	v48 =	vbroadcast v26, $0xA  }
0x394: {  	v49 =	vmul.f32 v49, v46;
	v44 =	vadd.f32 v45, v44;
	v45 =	vand.u32 $0xFFFF0000, v39;
	v43 =	vld.idx.msk [tilespmem:v43+s13+$0x0], $0xffff  }
0x395: {  	v47 =	vand.u32 $0x7FFFFFFF, v47;
	v45 =	vsub.f32 v45, v48;
	v48 =	vbroadcast v26, $0xB  }
0x396: {  	v49 =	vsub.f32 $1.500000000e+00, v49;
	v44 =	vadd.f32 v47, v44;
	v47 =	vand.u32 $0xFFFF0000, v40;
	v41 =	vld.idx.msk [tilespmem:v41+s13+$0x0], $0xffff  }
0x397: {  	v45 =	vand.u32 $0x7FFFFFFF, v45;
	v47 =	vsub.f32 v47, v48;
	v48 =	vbroadcast v26, $0xC  }
0x398: {  	v46 =	vmul.f32 v49, v46;
	v44 =	vadd.f32 v45, v44;
	v45 =	vand.u32 $0xFFFF0000, v42;
	v27 =	vld.idx.msk [tilespmem:v27+s13+$0x0], $0xffff  }
0x399: {  	v47 =	vand.u32 $0x7FFFFFFF, v47;
	v45 =	vsub.f32 v45, v48;
	v48 =	vbroadcast v26, $0xD  }
0x39a: {  	v49 =	vmul.f32 v46, v51;
	v44 =	vadd.f32 v47, v44;
	v47 =	vand.u32 $0xFFFF0000, v43  }
0x39b: {  	v45 =	vand.u32 $0x7FFFFFFF, v45;
	v47 =	vsub.f32 v47, v48;
	v48 =	vbroadcast v26, $0xE  }
0x39c: {  	v49 =	vmul.f32 v49, v46;
	v44 =	vadd.f32 v45, v44;
	v45 =	vand.u32 $0xFFFF0000, v41  }
0x39d: {  	v47 =	vand.u32 $0x7FFFFFFF, v47;
	v45 =	vsub.f32 v45, v48;
	v48 =	vbroadcast v26, $0xF  }
0x39e: {  	v49 =	vsub.f32 $1.500000000e+00, v49;
	v44 =	vadd.f32 v47, v44;
	v47 =	vand.u32 $0xFFFF0000, v27  }
0x39f: {  	s18 =	sadd.s32 s20, s14;
	s20 =	smov.u32 s0;
	v29 =	vshll.u32 v29, $0x10;
	v45 =	vand.u32 $0x7FFFFFFF, v45;
	v47 =	vsub.f32 v47, v48  }
0x3a0: {  	p2 =	slt.u32 s18, $0xC350;
	s29 =	simm.f32 $1.000000000e+00;
	v48 =	vbroadcast v29, $0x0;
	v46 =	vmul.f32 v49, v46;
	v44 =	vadd.f32 v45, v44  }
0x3a1: {  	s29 =	simm.s32 @!p2 $0x0;
	v45 =	vshll.u32 v28, $0x10;
	v49 =	vbroadcast v29, $0x1;
	v47 =	vand.u32 $0x7FFFFFFF, v47  }
0x3a2: {  	v32 =	vshll.u32 v32, $0x10;
	v28 =	vmul.f32 s29, v46;
	v44 =	vadd.f32 v47, v44  }
0x3a3: {  	v45 =	vsub.f32 v45, v48;
	v32 =	vsub.f32 v32, v49;
	v46 =	vbroadcast v29, $0x2  }
0x3a4: {  	v30 =	vshll.u32 v30, $0x10;
	v47 =	vbroadcast v29, $0x3;
	v44 =	vmul.f32 v28, v44  }
0x3a5: {  	v45 =	vand.u32 $0x7FFFFFFF, v45;
	v32 =	vand.u32 $0x7FFFFFFF, v32;
	v30 =	vsub.f32 v30, v46  }
0x3a6: {  	v33 =	vshll.u32 v33, $0x10;
	v32 =	vadd.f32 v32, v45;
	v23 =	vadd.f32 v44, v23  }
0x3a7: {  	v33 =	vsub.f32 v33, v47;
	v30 =	vand.u32 $0x7FFFFFFF, v30;
	v44 =	vbroadcast v29, $0x4  }
0x3a8: {  	v31 =	vshll.u32 v31, $0x10;
	v30 =	vadd.f32 v30, v32;
	v32 =	vbroadcast v29, $0x5  }
0x3a9: {  	v34 =	vshll.u32 v34, $0x10;
	v33 =	vand.u32 $0x7FFFFFFF, v33;
	v31 =	vsub.f32 v31, v44  }
0x3aa: {  	v30 =	vadd.f32 v33, v30;
	v32 =	vsub.f32 v34, v32;
	v33 =	vbroadcast v29, $0x6  }
0x3ab: {  	v34 =	vshll.u32 v35, $0x10;
	v35 =	vbroadcast v29, $0x7;
	v31 =	vand.u32 $0x7FFFFFFF, v31  }
0x3ac: {  	v30 =	vadd.f32 v31, v30;
	v31 =	vand.u32 $0x7FFFFFFF, v32;
	v32 =	vsub.f32 v34, v33  }
0x3ad: {  	v33 =	vshll.u32 v36, $0x10;
	v34 =	vshll.u32 v37, $0x10;
	v36 =	vbroadcast v29, $0x8  }
0x3ae: {  	v30 =	vadd.f32 v31, v30;
	v31 =	vand.u32 $0x7FFFFFFF, v32;
	v32 =	vsub.f32 v33, v35  }
0x3af: {  	v33 =	vsub.f32 v34, v36;
	v34 =	vshll.u32 v38, $0x10;
	v35 =	vbroadcast v29, $0x9  }
0x3b0: {  	v30 =	vadd.f32 v31, v30;
	v31 =	vand.u32 $0x7FFFFFFF, v32;
	v32 =	vbroadcast v29, $0xA  }
0x3b1: {  	v33 =	vand.u32 $0x7FFFFFFF, v33;
	v34 =	vsub.f32 v34, v35;
	v35 =	vshll.u32 v39, $0x10  }
0x3b2: {  	v30 =	vadd.f32 v31, v30;
	v31 =	vsub.f32 v35, v32;
	v32 =	vbroadcast v29, $0xB  }
0x3b3: {  	v36 =	vbroadcast v29, $0xC;
	v34 =	vand.u32 $0x7FFFFFFF, v34;
	v35 =	vshll.u32 v40, $0x10  }
0x3b4: {  	v30 =	vadd.f32 v33, v30;
	v37 =	vand.u32 $0x7FFFFFFF, v31;
	v31 =	vsub.f32 v35, v32  }
.Ltmp4:
0x3b5: {  	v32 =	vshll.u32 v42, $0x10;
	v33 =	vshll.u32 v43, $0x10;
	v35 =	vbroadcast v29, $0xD;
	(pc) =	sbr.rel @p1 .LBB2_7-.Ltmp4, $4  }
0x3b6: {  	v32 =	vsub.f32 v32, v36;
	v30 =	vadd.f32 v34, v30;
	v31 =	vand.u32 $0x7FFFFFFF, v31  }
0x3b7: {  	v34 =	vmov s0;
	v38 =	vsub.f32 v33, v35;
	v33 =	vbroadcast v29, $0xE  }
0x3b8: {  	s10 =	sadd.s32 $0x10, s10;
	v34 =	vmul.u32 $0x18, v34;
	v32 =	vand.u32 $0x7FFFFFFF, v32;
	v35 =	vadd.f32 v37, v30  }
0x3b9: {  	v36 =	vmov s10;
	s0 =	sadd.s32 $0x1, s0;
	v30 =	vand.u32 $0x7FFFFFFF, v38;
	v37 =	vshll.u32 v41, $0x10  }
0x3ba: {  	v31 =	vadd.f32 v31, v35  }
0x3bb: {  	v34 =	vbroadcast v34, $0x0;
	v50 =	vmul.u32 $0x18, v36;
	v33 =	vsub.f32 v37, v33  }
0x3bc: {  	v27 =	vshll.u32 v27, $0x10;
	v51 =	vbroadcast v29, $0xF;
	v29 =	vsub.f32 v29, v26  }
0x3bd: {  	v26 =	vmul.f32 v26, v26;
	v52 =	vadd.s32 v34, v1;
	v34 =	vadd.s32 v34, v2  }
0x3be: {  	v22 =	vadd.f32 v25, v22;
	v31 =	vadd.f32 v32, v31;
	v35 =	vbroadcast v50, $0x0  }
0x3bf: {  	v33 =	vand.u32 $0x7FFFFFFF, v33;
	v27 =	vsub.f32 v27, v51;
	v29 =	vmul.f32 v29, v29  }
0x3c0: {  	v26 =	vmul.f32 s29, v26;
	v30 =	vadd.f32 v30, v31;
	v31 =	vadd.s32 v3, v35  }
0x3c1: {  	v53 =	vadd.s32 v4, v35;
	v54 =	vadd.s32 v7, v35;
	v56 =	vadd.s32 v0, v35  }
0x3c2: {  	v55 =	vand.u32 $0x7FFFFFFF, v27;
	v39 =	vadd.s32 v5, v35;
	v24 =	vadd.f32 v26, v24;
	v38 =	vld.idx.msk [tilespmem:v34+s17+$0x0], $0xffff  }
0x3c3: {  	v32 =	vadd.s32 v18, v35;
	v40 =	vadd.s32 v19, v35;
	v30 =	vadd.f32 v33, v30;
	v27 =	vld.idx.msk [tilespmem:v52+s17+$0x0], $0xffff  }
0x3c4: {  	v41 =	vadd.s32 v20, v35;
	v42 =	vadd.s32 v16, v35;
	v57 =	vadd.s32 v8, v35  }
0x3c5: {  	v34 =	vmul.f32 s29, v29;
	v29 =	vadd.s32 v6, v35;
	v30 =	vadd.f32 v55, v30;
	v31 =	vld.idx.msk [tilespmem:v31+s13+$0x0], $0xffff  }
0x3c6: {  	v43 =	vadd.s32 v17, v35;
	v44 =	vadd.s32 v14, v35;
	v45 =	vadd.s32 v15, v35;
	v33 =	vld.idx.msk [tilespmem:v56+s13+$0x0], $0xffff  }
0x3c7: {  	v46 =	vadd.s32 v11, v35;
	v39 =	vld.idx.msk [tilespmem:v39+s13+$0x0], $0xffff;
	v25 =	vmul.f32 v28, v30;
	v47 =	vbroadcast v38, $0x8  }
0x3c8: {  	v28 =	vld.idx.msk [tilespmem:v53+s13+$0x0], $0xffff;
	v48 =	vbroadcast v38, $0x9;
	v26 =	vand.u32 $0xFFFF0000, v27;
	v38 =	vbroadcast v38, $0xA  }
0x3c9: {  	v36 =	vld.idx.msk [tilespmem:v57+s13+$0x0], $0xffff;
	v30 =	vadd.s32 v9, v35;
	v50 =	vbroadcast v26, $0x5;
	v58 =	vbroadcast v26, $0x2  }
0x3ca: {  	v49 =	vld.idx.msk [tilespmem:v29+s13+$0x0], $0xffff;
	v29 =	vadd.s32 v12, v35;
	v51 =	vbroadcast v26, $0x0;
	v59 =	vbroadcast v26, $0x1  }
0x3cb: {  	v22 =	vadd.f32 v25, v22;
	v61 =	vbroadcast v26, $0x3;
	v62 =	vbroadcast v26, $0x4  }
0x3cc: {  	v37 =	vld.idx.msk [tilespmem:v54+s13+$0x0], $0xffff;
	v31 =	vsub.f32 v31, v47;
	v47 =	vadd.s32 v13, v35;
	v35 =	vadd.s32 v10, v35  }
0x3cd: {  	v52 =	vand.u32 $0xFFFF0000, v33;
	v38 =	vsub.f32 v39, v38;
	v28 =	vsub.f32 v28, v48  }
0x3ce: {  	v54 =	vand.u32 $0xFFFF0000, v36;
	v33 =	vshll.u32 v33, $0x10;
	v36 =	vshll.u32 v36, $0x10;
	v30 =	vld.idx.msk [tilespmem:v30+s13+$0x0], $0xffff  }
0x3cf: {  	v31 =	vmul.f32 v31, v31;
	v28 =	vmul.f32 v28, v28;
	v60 =	vand.u32 $0xFFFF0000, v49  }
0x3d0: {  	v46 =	vld.idx.msk [tilespmem:v46+s13+$0x0], $0xffff;
	v51 =	vsub.f32 v52, v51;
	v52 =	vbroadcast v26, $0x8;
	v39 =	vsub.f32 v60, v59  }
0x3d1: {  	v38 =	vmul.f32 v38, v38;
	v28 =	vadd.f32 v28, v31;
	v31 =	vand.u32 $0xFFFF0000, v37  }
0x3d2: {  	v63 =	vand.u32 $0x7FFFFFFF, v51;
	v31 =	vsub.f32 v31, v58;
	v51 =	vand.u32 $0x7FFFFFFF, v39  }
0x3d3: {  	v53 =	vld.idx.msk [tilespmem:v35+s13+$0x0], $0xffff;
	v55 =	vand.u32 $0xFFFF0000, v30;
	v28 =	vadd.f32 v38, v28;
	v35 =	vadd.f32 v51, v63  }
0x3d4: {  	v30 =	vshll.u32 v30, $0x10;
	v38 =	vsub.f32 v54, v61;
	v58 =	vsub.f32 v55, v62  }
0x3d5: {  	v45 =	vld.idx.msk [tilespmem:v45+s13+$0x0], $0xffff;
	v61 =	vbroadcast v26, $0x6;
	v62 =	vand.u32 $0xFFFF0000, v46;
	v28 =	vmax.f32 v28, $9.999999930e-09  }
0x3d6: {  	v44 =	vld.idx.msk [tilespmem:v44+s13+$0x0], $0xffff;
	v31 =	vand.u32 $0x7FFFFFFF, v31;
	v56 =	vshra.s32 v28, $0x1;
	v28 =	vmul.f32 $5.000000000e-01, v28  }
0x3d7: {  	v51 =	vld.idx.msk [tilespmem:v29+s13+$0x0], $0xffff;
	v63 =	vbroadcast v26, $0x7;
	v31 =	vadd.f32 v31, v35;
	v29 =	vsub.s32 $0x5F3759DF, v56  }
0x3d8: {  	v54 =	vbroadcast v26, $0x9;
	v57 =	vand.u32 $0x7FFFFFFF, v38;
	v59 =	vmul.f32 v29, v28  }
0x3d9: {  	v38 =	vand.u32 $0x7FFFFFFF, v58;
	v60 =	vand.u32 $0xFFFF0000, v53;
	v31 =	vadd.f32 v57, v31  }
0x3da: {  	v47 =	vld.idx.msk [tilespmem:v47+s13+$0x0], $0xffff;
	v58 =	vand.u32 $0xFFFF0000, v45;
	v35 =	vsub.f32 v60, v50;
	v39 =	vmul.f32 v29, v59  }
0x3db: {  	v56 =	vand.u32 $0xFFFF0000, v44;
	v57 =	vbroadcast v26, $0xA;
	v31 =	vadd.f32 v38, v31  }
0x3dc: {  	v35 =	vand.u32 $0x7FFFFFFF, v35;
	v38 =	vsub.f32 v62, v61;
	v39 =	vsub.f32 $1.500000000e+00, v39  }
0x3dd: {  	v50 =	vand.u32 $0xFFFF0000, v51;
	v51 =	vshll.u32 v51, $0x10;
	v31 =	vadd.f32 v35, v31  }
0x3de: {  	v38 =	vand.u32 $0x7FFFFFFF, v38;
	v35 =	vsub.f32 v50, v63;
	v39 =	vmul.f32 v29, v39  }
0x3df: {  	v60 =	vsub.f32 v58, v57;
	v29 =	vadd.f32 v38, v31;
	v31 =	vand.u32 $0xFFFF0000, v47;
	v38 =	vld.idx.msk [tilespmem:v42+s13+$0x0], $0xffff  }
0x3e0: {  	v35 =	vand.u32 $0x7FFFFFFF, v35;
	v31 =	vsub.f32 v31, v52;
	v55 =	vmul.f32 v39, v28  }
0x3e1: {  	v61 =	vbroadcast v26, $0xB;
	v63 =	vand.u32 $0x7FFFFFFF, v60;
	v29 =	vadd.f32 v35, v29;
	v35 =	vld.idx.msk [tilespmem:v43+s13+$0x0], $0xffff  }
0x3e2: {  	v42 =	vsub.f32 v56, v54;
	v31 =	vand.u32 $0x7FFFFFFF, v31;
	v48 =	vmul.f32 v55, v39  }
0x3e3: {  	v54 =	vbroadcast v26, $0xC;
	v56 =	vbroadcast v26, $0xD;
	v29 =	vadd.f32 v31, v29;
	v31 =	vld.idx.msk [tilespmem:v32+s13+$0x0], $0xffff  }
0x3e4: {  	v59 =	vand.u32 $0x7FFFFFFF, v42;
	v62 =	vand.u32 $0xFFFF0000, v38;
	v48 =	vsub.f32 $1.500000000e+00, v48  }
0x3e5: {  	v38 =	vshll.u32 v38, $0x10;
	v32 =	vadd.f32 v59, v29;
	v52 =	vsub.f32 v62, v61  }
0x3e6: {  	v59 =	vbroadcast v26, $0xE;
	v55 =	vand.u32 $0xFFFF0000, v35;
	v35 =	vshll.u32 v35, $0x10  }
0x3e7: {  	v29 =	vld.idx.msk [tilespmem:v40+s13+$0x0], $0xffff;
	v39 =	vmul.f32 v48, v39;
	v40 =	vadd.f32 v63, v32;
	v42 =	vand.u32 $0x7FFFFFFF, v52  }
0x3e8: {  	v43 =	vsub.f32 v55, v54;
	v63 =	vbroadcast v26, $0xF;
	v57 =	vand.u32 $0xFFFF0000, v31  }
0x3e9: {  	v31 =	vshll.u32 v31, $0x10;
	v28 =	vmul.f32 v39, v28;
	v40 =	vadd.f32 v42, v40  }
0x3ea: {  	v32 =	vld.idx.msk [tilespmem:v41+s13+$0x0], $0xffff;
	v58 =	vand.u32 $0x7FFFFFFF, v43;
	v41 =	vsub.f32 v57, v56;
	v43 =	vshll.u32 v27, $0x10  }
0x3eb: {  	v57 =	vshll.u32 v49, $0x10;
	v42 =	vshll.u32 v53, $0x10;
	v49 =	vshll.u32 v46, $0x10  }
0x3ec: {  	v53 =	vshll.u32 v47, $0x10;
	v61 =	vand.u32 $0xFFFF0000, v29;
	v55 =	vbroadcast v43, $0x0  }
0x3ed: {  	v56 =	vbroadcast v43, $0x1;
	v48 =	vbroadcast v43, $0x6;
	v47 =	vsub.f32 v43, v26  }
0x3ee: {  	v26 =	vmul.f32 v26, v26;
	v60 =	vmul.f32 v28, v39;
	v40 =	vadd.f32 v58, v40  }
0x3ef: {  	v28 =	vadd.f32 v34, v21;
	v21 =	vand.u32 $0x7FFFFFFF, v41;
	v62 =	vsub.f32 v61, v59  }
0x3f0: {  	v59 =	vbroadcast v43, $0x2;
	v41 =	vbroadcast v43, $0xE;
	v33 =	vsub.f32 v33, v55  }
0x3f1: {  	v52 =	vand.u32 $0xFFFF0000, v32;
	v58 =	vsub.f32 v57, v56;
	v21 =	vadd.f32 v21, v40  }
0x3f2: {  	v55 =	vshll.u32 v44, $0x10;
	v50 =	vsub.f32 $1.500000000e+00, v60;
	v27 =	vand.u32 $0x7FFFFFFF, v62  }
0x3f3: {  	s0 =	sadd.s32 s20, s14;
	s10 =	rddreg [dreg:$0x1a];
	v60 =	vbroadcast v43, $0x3;
	v21 =	vadd.f32 v27, v21;
	v27 =	vshll.u32 v37, $0x10  }
0x3f4: {  	p1 =	slt.u32 s0, $0xC350;
	s0 =	simm.f32 $1.000000000e+00;
	s18 =	sadd.s32 @!p0 s26, s10;
	v33 =	vand.u32 $0x7FFFFFFF, v33;
	v40 =	vand.u32 $0x7FFFFFFF, v58;
	v27 =	vsub.f32 v27, v59  }
0x3f5: {  	s0 =	simm.s32 @!p1 $0x0;
	p1 =	slt.s32 @!p0 s18, $0xC337;
	v56 =	vbroadcast v43, $0xA;
	v57 =	vshll.u32 v45, $0x10;
	v33 =	vadd.f32 v40, v33  }
0x3f6: {  	p1 =	por !p1, p0;
	v62 =	vbroadcast v43, $0x4;
	v36 =	vsub.f32 v36, v60;
	v61 =	vand.u32 $0x7FFFFFFF, v27  }
0x3f7: {  	s18 =	simm.s32 @p1 $0xC337;
	v32 =	vshll.u32 v32, $0x10;
	v54 =	vsub.f32 v52, v63;
	v33 =	vadd.f32 v61, v33  }
0x3f8: {  	s10 =	sshll.u32 @!p0 s18, $0x4;
	v63 =	vbroadcast v43, $0x5;
	v30 =	vsub.f32 v30, v62;
	v36 =	vand.u32 $0x7FFFFFFF, v36  }
0x3f9: {  	s10 =	sadd.s32 @!p0 s6, s10;
	v45 =	vbroadcast v43, $0xF;
	v34 =	vand.u32 $0x7FFFFFFF, v54;
	v33 =	vadd.f32 v36, v33  }
0x3fa: {  	s10 =	sshrl.u32 @!p0 s10, $0x3;
	v21 =	vadd.f32 v34, v21;
	v34 =	vsub.f32 v42, v63;
	v30 =	vand.u32 $0x7FFFFFFF, v30  }
0x3fb: {  	s29 =	simm.s32 @!p0 $0x0;
	s20 =	sadd.s32 @!p0 s5, s10;
	s10 =	simm.s32 @!p0 $0x1D0D8;
	v52 =	vbroadcast v43, $0x8;
	v39 =	vmul.f32 v50, v39;
	v30 =	vadd.f32 v30, v33  }
0x3fc: {  	[tilespmem:s10], [sflag:$0x5] =	stream.linear.gather @!p0 [hbm4b:s20+s29], $0x190, $0x38;
	v50 =	vbroadcast v43, $0x7;
	v34 =	vand.u32 $0x7FFFFFFF, v34;
	v36 =	vsub.f32 v49, v48;
	[tilespmem:$0x1D438] =	vst v63  }
0x3fd: {  	s30 =	smul.u32 @!p0 $0x3, s18;
	s20 =	simm.s32 @!p0 $0x5;
	v32 =	vsub.f32 v32, v45;
	v54 =	vbroadcast v43, $0x9;
	v30 =	vadd.f32 v34, v30  }
0x3fe: {  	s18 =	smul.u32 @!p0 $0x18, s18;
	_ =	swait.ge @!p0 [sflag:s20], $0x190;
	v60 =	vbroadcast v43, $0xB;
	v36 =	vand.u32 $0x7FFFFFFF, v36;
	v33 =	vsub.f32 v51, v50  }
0x3ff: {  	s31 =	simm.s32 @!p0 $0x1C458;
	[sflag:s20] =	ssyncset.done @!p0 $0x0;
	v62 =	vbroadcast v43, $0xD;
	v59 =	vsub.f32 v57, v56;
	v30 =	vadd.f32 v36, v30  }
0x400: {  	s30 =	sadd.s32 @!p0 s4, s30;
	s18 =	sshrl.u32 @!p0 s18, $0x3;
	[sflag:s20] =	ssyncadd.s32 @!p0 $0xFFFFFE70;
	v37 =	vsub.f32 v38, v60;
	v34 =	vsub.f32 v53, v52;
	v33 =	vand.u32 $0x7FFFFFFF, v33  }
0x401: {  	[tilespmem:s31], [sflag:$0x5] =	stream.linear.gather @!p0 [hbm4b:s30+s29], $0x258, $0x38;
	v31 =	vsub.f32 v31, v62;
	v42 =	vshll.u32 v29, $0x10;
	v30 =	vadd.f32 v33, v30;
	[tilespmem:$0x1D438] =	vst v63  }
0x402: {  	s18 =	sadd.s32 @!p0 s4, s18;
	s31 =	simm.s32 $0x0;
	_ =	swait.ge @!p0 [sflag:s20], $0x258;
	v27 =	vmul.f32 s0, v39;
	v36 =	vsub.f32 v55, v54;
	v58 =	vand.u32 $0x7FFFFFFF, v34  }
0x403: {  	s18 =	sadd.s32 @!p0 $0x249F0, s18;
	[sflag:s20] =	ssyncset.done @!p0 $0x0;
	v39 =	vmov s31;
	v44 =	vsub.f32 v42, v41;
	v30 =	vadd.f32 v58, v30  }
0x404: {  	s30 =	simm.s32 @!p0 $0x1C6B0;
	[sflag:s20] =	ssyncadd.s32 @!p0 $0xFFFFFDA8;
	v61 =	vbroadcast v43, $0xC;
	v40 =	vmul.u32 $0x18, v39;
	v36 =	vand.u32 $0x7FFFFFFF, v36  }
0x405: {  	[tilespmem:s30], [sflag:$0x5] =	stream.linear.gather @!p0 [hbm4b:s18+s29], $0x258, $0x38;
	v63 =	vand.u32 $0x7FFFFFFF, v37;
	v21 =	vmul.f32 v27, v21;
	v30 =	vadd.f32 v36, v30;
	[tilespmem:$0x1D438] =	vst v63  }
0x406: {  	_ =	swait.ge @!p0 [sflag:s20], $0x258;
	v31 =	vand.u32 $0x7FFFFFFF, v31;
	v29 =	vbroadcast v40, $0x0;
	v34 =	vand.u32 $0x7FFFFFFF, v59  }
0x407: {  	[sflag:s20] =	ssyncset.done @!p0 $0x0;
	v49 =	vmul.f32 v47, v47;
	v21 =	vadd.f32 v21, v23;
	v30 =	vadd.f32 v34, v30  }
0x408: {  	s18 =	simm.s32 @!p0 $0x190;
	[sflag:s20] =	ssyncadd.s32 @!p0 $0xFFFFFDA8;
	s20 =	simm.s32 @!p0 $0x16FF8;
	v23 =	vand.u32 $0x7FFFFFFF, v32;
	v48 =	vadd.s32 v29, v2;
	v33 =	vsub.f32 v35, v61  }
0x409: {  	[tilespmem:s20], [sflag:$0x3] =	stream.indirect.gather @!p0 [spmem:s1], $0x18, s10, s18, $0xb8;
	v46 =	vadd.s32 v29, v1;
	v50 =	vadd.s32 v4, v29;
	v30 =	vadd.f32 v63, v30;
	[tilespmem:$0x1D438] =	vst v63  }
0x40a: {  	_ =	swait.ge [sflag:s25], $0x2580;
	v51 =	vmul.f32 s0, v26;
	v42 =	vadd.s32 v14, v29;
	v33 =	vand.u32 $0x7FFFFFFF, v33  }
0x40b: {  	[sflag:s25] =	ssyncset.done $0x0;
	v25 =	vadd.s32 v5, v29;
	v38 =	vadd.s32 v19, v29;
	v30 =	vadd.f32 v33, v30  }
0x40c: {  	[sflag:s25] =	ssyncadd.s32 $0xFFFFDA80;
	v56 =	vadd.s32 v9, v29;
	v40 =	vadd.s32 v16, v29;
	v41 =	vadd.s32 v17, v29  }
0x40d: {  	v57 =	vadd.s32 v8, v29;
	v43 =	vadd.s32 v15, v29;
	v37 =	vld.idx.msk [tilespmem:v48+s16+$0x0], $0xffff;
	v30 =	vadd.f32 v31, v30  }
0x40e: {  	v45 =	vadd.s32 v11, v29;
	v26 =	vld.idx.msk [tilespmem:v46+s16+$0x0], $0xffff;
	v34 =	vand.u32 $0x7FFFFFFF, v44;
	v31 =	vadd.s32 v3, v29  }
0x40f: {  	v52 =	vmul.f32 s0, v49;
	v53 =	vadd.s32 v0, v29;
	v42 =	vld.idx.msk [tilespmem:v42+s21+$0x0], $0xffff;
	v30 =	vadd.f32 v34, v30  }
0x410: {  	v24 =	vadd.f32 v51, v24;
	v49 =	vadd.s32 v12, v29;
	v46 =	vadd.s32 v13, v29;
	v58 =	vld.idx.msk [tilespmem:v25+s21+$0x0], $0xffff  }
0x411: {  	v55 =	vld.idx.msk [tilespmem:v50+s21+$0x0], $0xffff;
	v35 =	vadd.f32 v23, v30;
	v23 =	vadd.f32 v52, v28;
	v28 =	vadd.s32 v6, v29  }
0x412: {  	v36 =	vadd.s32 v18, v29;
	v59 =	vbroadcast v37, $0x8;
	v60 =	vbroadcast v37, $0x9  }
0x413: {  	v25 =	vand.u32 $0xFFFF0000, v26;
	v37 =	vbroadcast v37, $0xA;
	v54 =	vld.idx.msk [tilespmem:v31+s21+$0x0], $0xffff;
	v31 =	vadd.s32 v7, v29  }
0x414: {  	v51 =	vand.u32 $0xFFFF0000, v42;
	v26 =	vshll.u32 v26, $0x10;
	v50 =	vbroadcast v25, $0x5;
	v30 =	vld.idx.msk [tilespmem:v53+s21+$0x0], $0xffff  }
0x415: {  	v61 =	vbroadcast v25, $0x2;
	v62 =	vbroadcast v25, $0x0;
	v37 =	vsub.f32 v58, v37;
	v33 =	vld.idx.msk [tilespmem:v57+s21+$0x0], $0xffff  }
0x416: {  	v58 =	vbroadcast v25, $0x3;
	v34 =	vsub.f32 v55, v60;
	v27 =	vmul.f32 v27, v35;
	v48 =	vld.idx.msk [tilespmem:v28+s21+$0x0], $0xffff  }
0x417: {  	v63 =	vadd.s32 v10, v29;
	v37 =	vmul.f32 v37, v37;
	v55 =	vbroadcast v25, $0x1  }
0x418: {  	v34 =	vmul.f32 v34, v34;
	v29 =	vadd.s32 v20, v29;
	v22 =	vadd.f32 v27, v22;
	v31 =	vld.idx.msk [tilespmem:v31+s21+$0x0], $0xffff  }
0x419: {  	v32 =	vsub.f32 v54, v59;
	v54 =	vand.u32 $0xFFFF0000, v30;
	v59 =	vbroadcast v25, $0x4  }
0x41a: {  	v28 =	vld.idx.msk [tilespmem:v56+s21+$0x0], $0xffff;
	v30 =	vshll.u32 v30, $0x10;
	v39 =	vsub.f32 v54, v62;
	v62 =	vand.u32 $0xFFFF0000, v33  }
0x41b: {  	v33 =	vshll.u32 v33, $0x10;
	v32 =	vmul.f32 v32, v32;
	v56 =	vand.u32 $0xFFFF0000, v48  }
0x41c: {  	v52 =	vld.idx.msk [tilespmem:v63+s21+$0x0], $0xffff;
	v60 =	vand.u32 $0x7FFFFFFF, v39;
	v39 =	vsub.f32 v62, v58;
	v44 =	vsub.f32 v56, v55  }
0x41d: {  	v58 =	vbroadcast v25, $0x7;
	v32 =	vadd.f32 v34, v32;
	v57 =	vand.u32 $0xFFFF0000, v31  }
0x41e: {  	v45 =	vld.idx.msk [tilespmem:v45+s21+$0x0], $0xffff;
	v62 =	vbroadcast v25, $0x9;
	v34 =	vsub.f32 v57, v61;
	v61 =	vand.u32 $0x7FFFFFFF, v44  }
0x41f: {  	v63 =	vand.u32 $0xFFFF0000, v28;
	v32 =	vadd.f32 v37, v32;
	v37 =	vadd.f32 v61, v60  }
0x420: {  	v28 =	vshll.u32 v28, $0x10;
	v39 =	vand.u32 $0x7FFFFFFF, v39;
	v34 =	vand.u32 $0x7FFFFFFF, v34  }
0x421: {  	v46 =	vld.idx.msk [tilespmem:v46+s21+$0x0], $0xffff;
	v55 =	vand.u32 $0xFFFF0000, v52;
	v56 =	vbroadcast v25, $0x6;
	v34 =	vadd.f32 v34, v37  }
0x422: {  	v31 =	vshll.u32 v31, $0x10;
	v44 =	vsub.f32 v63, v59;
	v32 =	vmax.f32 v32, $9.999999930e-09;
	v37 =	vld.idx.msk [tilespmem:v49+s21+$0x0], $0xffff  }
0x423: {  	v57 =	vand.u32 $0xFFFF0000, v45;
	v53 =	vshra.s32 v32, $0x1;
	v34 =	vadd.f32 v39, v34  }
0x424: {  	v32 =	vmul.f32 $5.000000000e-01, v32;
	v44 =	vand.u32 $0x7FFFFFFF, v44;
	v39 =	vsub.f32 v55, v50  }
0x425: {  	v43 =	vld.idx.msk [tilespmem:v43+s21+$0x0], $0xffff;
	v60 =	vbroadcast v25, $0x8;
	v47 =	vsub.s32 $0x5F3759DF, v53;
	v34 =	vadd.f32 v44, v34  }
0x426: {  	v40 =	vld.idx.msk [tilespmem:v40+s21+$0x0], $0xffff;
	v54 =	vmul.f32 v47, v32;
	v39 =	vand.u32 $0x7FFFFFFF, v39;
	v44 =	vsub.f32 v57, v56  }
0x427: {  	v61 =	vand.u32 $0xFFFF0000, v46;
	v59 =	vand.u32 $0xFFFF0000, v37;
	v34 =	vadd.f32 v39, v34  }
0x428: {  	v41 =	vld.idx.msk [tilespmem:v41+s21+$0x0], $0xffff;
	v49 =	vmul.f32 v47, v54;
	v44 =	vand.u32 $0x7FFFFFFF, v44;
	v39 =	vsub.f32 v59, v58  }
0x429: {  	v53 =	vbroadcast v25, $0xA;
	v55 =	vbroadcast v25, $0xB;
	v34 =	vadd.f32 v44, v34  }
0x42a: {  	v49 =	vsub.f32 $1.500000000e+00, v49;
	v39 =	vand.u32 $0x7FFFFFFF, v39;
	v44 =	vsub.f32 v61, v60  }
0x42b: {  	v54 =	vand.u32 $0xFFFF0000, v43;
	v56 =	vand.u32 $0xFFFF0000, v40;
	v34 =	vadd.f32 v39, v34  }
0x42c: {  	v47 =	vmul.f32 v47, v49;
	v44 =	vand.u32 $0x7FFFFFFF, v44;
	v39 =	vsub.f32 v51, v62  }
0x42d: {  	v36 =	vld.idx.msk [tilespmem:v36+s21+$0x0], $0xffff;
	v57 =	vbroadcast v25, $0xC;
	v58 =	vand.u32 $0xFFFF0000, v41;
	v34 =	vadd.f32 v44, v34  }
0x42e: {  	v63 =	vmul.f32 v47, v32;
	v39 =	vand.u32 $0x7FFFFFFF, v39;
	v44 =	vsub.f32 v54, v53  }
0x42f: {  	v38 =	vld.idx.msk [tilespmem:v38+s21+$0x0], $0xffff;
	v59 =	vsub.f32 v58, v57;
	v57 =	vbroadcast v26, $0x3;
	v34 =	vadd.f32 v39, v34  }
0x430: {  	v50 =	vmul.f32 v63, v47;
	v44 =	vand.u32 $0x7FFFFFFF, v44;
	v39 =	vsub.f32 v56, v55  }
0x431: {  	v58 =	vbroadcast v26, $0x4;
	v60 =	vbroadcast v25, $0xD;
	v34 =	vadd.f32 v44, v34  }
0x432: {  	v61 =	vand.u32 $0xFFFF0000, v36;
	v50 =	vsub.f32 $1.500000000e+00, v50;
	v39 =	vand.u32 $0x7FFFFFFF, v39  }
0x433: {  	v35 =	vand.u32 $0x7FFFFFFF, v59;
	v62 =	vbroadcast v25, $0xE;
	v34 =	vadd.f32 v39, v34  }
0x434: {  	v63 =	vand.u32 $0xFFFF0000, v38;
	v47 =	vmul.f32 v50, v47;
	v39 =	vsub.f32 v61, v60  }
0x435: {  	v29 =	vld.idx.msk [tilespmem:v29+s21+$0x0], $0xffff;
	v53 =	vbroadcast v26, $0x0;
	v54 =	vbroadcast v26, $0x1;
	v27 =	vadd.f32 v35, v34  }
0x436: {  	v32 =	vmul.f32 v47, v32;
	v49 =	vand.u32 $0x7FFFFFFF, v39;
	v34 =	vsub.f32 v63, v62  }
0x437: {  	v55 =	vshll.u32 v48, $0x10;
	v30 =	vsub.f32 v30, v53;
	v27 =	vadd.f32 v49, v27  }
0x438: {  	v56 =	vbroadcast v26, $0x2;
	v32 =	vmul.f32 v32, v47;
	v34 =	vand.u32 $0x7FFFFFFF, v34  }
0x439: {  	v50 =	vbroadcast v25, $0xF;
	v27 =	vadd.f32 v34, v27;
	v34 =	vsub.f32 v55, v54  }
0x43a: {  	v51 =	vand.u32 $0xFFFF0000, v29;
	v30 =	vand.u32 $0x7FFFFFFF, v30;
	v32 =	vsub.f32 $1.500000000e+00, v32  }
0x43b: {  	s18 =	sadd.s32 $0x0, s19;
	v31 =	vsub.f32 v31, v56;
	v35 =	vsub.f32 v51, v50;
	v34 =	vand.u32 $0x7FFFFFFF, v34  }
0x43c: {  	p1 =	slt.u32 s18, $0xC350;
	s0 =	simm.f32 $1.000000000e+00;
	v33 =	vsub.f32 v33, v57;
	v32 =	vmul.f32 v32, v47;
	v30 =	vadd.f32 v34, v30  }
0x43d: {  	s0 =	simm.s32 @!p1 $0x0;
	v28 =	vsub.f32 v28, v58;
	v31 =	vand.u32 $0x7FFFFFFF, v31;
	v35 =	vand.u32 $0x7FFFFFFF, v35  }
0x43e: {  	v32 =	vmul.f32 s0, v32;
	v27 =	vadd.f32 v35, v27;
	v30 =	vadd.f32 v31, v30  }
0x43f: {  	v29 =	vshll.u32 v29, $0x10;
	v33 =	vand.u32 $0x7FFFFFFF, v33;
	v31 =	vbroadcast v26, $0x5  }
0x440: {  	v59 =	vmul.f32 v32, v27;
	v27 =	vshll.u32 v52, $0x10;
	v30 =	vadd.f32 v33, v30  }
0x441: {  	s20 =	simm.s32 $0x1;
	v28 =	vand.u32 $0x7FFFFFFF, v28;
	v27 =	vsub.f32 v27, v31;
	v31 =	vbroadcast v26, $0x6  }
0x442: {  	v48 =	vmov s20;
	v60 =	vshll.u32 v45, $0x10;
	v28 =	vadd.f32 v28, v30  }
0x443: {  	v61 =	vbroadcast v26, $0x7;
	v27 =	vand.u32 $0x7FFFFFFF, v27;
	v30 =	vsub.f32 v60, v31  }
0x444: {  	v53 =	vbroadcast v26, $0xF;
	v31 =	vshll.u32 v37, $0x10;
	v27 =	vadd.f32 v27, v28  }
0x445: {  	v63 =	vbroadcast v26, $0x8;
	v28 =	vand.u32 $0x7FFFFFFF, v30;
	v30 =	vsub.f32 v31, v61  }
0x446: {  	v44 =	vbroadcast v26, $0xC;
	v62 =	vshll.u32 v46, $0x10;
	v27 =	vadd.f32 v28, v27  }
0x447: {  	v33 =	vsub.f32 v62, v63;
	v31 =	vbroadcast v26, $0x9;
	v28 =	vand.u32 $0x7FFFFFFF, v30  }
0x448: {  	v29 =	vsub.f32 v29, v53;
	v39 =	vshll.u32 v42, $0x10;
	v27 =	vadd.f32 v28, v27  }
0x449: {  	v33 =	vand.u32 $0x7FFFFFFF, v33;
	v30 =	vbroadcast v26, $0xA;
	v31 =	vsub.f32 v39, v31  }
0x44a: {  	v45 =	vshll.u32 v41, $0x10;
	v42 =	vshll.u32 v43, $0x10;
	v27 =	vadd.f32 v33, v27  }
0x44b: {  	v28 =	vsub.f32 v42, v30;
	v30 =	vbroadcast v26, $0xB;
	v31 =	vand.u32 $0x7FFFFFFF, v31  }
0x44c: {  	s30 =	simm.s32 $0x10;
	v43 =	vshll.u32 v40, $0x10;
	v46 =	vshll.u32 v36, $0x10;
	v27 =	vadd.f32 v31, v27  }
0x44d: {  	v50 =	vmov s30;
	v28 =	vand.u32 $0x7FFFFFFF, v28;
	v30 =	vsub.f32 v43, v30  }
0x44e: {  	v51 =	vshll.u32 v38, $0x10;
	v27 =	vadd.f32 v28, v27;
	v28 =	vmul.u32 $0x18, v48  }
0x44f: {  	v47 =	vbroadcast v26, $0xD;
	v30 =	vand.u32 $0x7FFFFFFF, v30;
	v31 =	vsub.f32 v45, v44  }
0x450: {  	v27 =	vadd.f32 v30, v27;
	v28 =	vbroadcast v28, $0x0;
	v30 =	vmul.u32 $0x18, v50  }
0x451: {  	v49 =	vbroadcast v26, $0xE;
	v35 =	vsub.f32 v46, v47;
	v31 =	vand.u32 $0x7FFFFFFF, v31  }
0x452: {  	v27 =	vadd.f32 v31, v27;
	v31 =	vadd.s32 v28, v1;
	v54 =	vbroadcast v30, $0x0  }
0x453: {  	v35 =	vand.u32 $0x7FFFFFFF, v35;
	v26 =	vsub.f32 v26, v25;
	v28 =	vadd.s32 v28, v2  }
0x454: {  	v52 =	vsub.f32 v51, v49;
	v25 =	vmul.f32 v25, v25;
	v55 =	vadd.s32 v7, v54  }
0x455: {  	v26 =	vmul.f32 v26, v26;
	v27 =	vadd.f32 v35, v27;
	v57 =	vadd.s32 v4, v54  }
0x456: {  	v25 =	vmul.f32 s0, v25;
	v30 =	vand.u32 $0x7FFFFFFF, v52;
	v58 =	vadd.s32 v0, v54  }
0x457: {  	v29 =	vand.u32 $0x7FFFFFFF, v29;
	v60 =	vadd.s32 v6, v54;
	v30 =	vadd.f32 v30, v27;
	v27 =	vld.idx.msk [tilespmem:v31+s16+$0x0], $0xffff  }
0x458: {  	v26 =	vmul.f32 s0, v26;
	v24 =	vadd.f32 v25, v24;
	v56 =	vadd.s32 v3, v54;
	v28 =	vld.idx.msk [tilespmem:v28+s16+$0x0], $0xffff  }
0x459: {  	v35 =	vadd.s32 v18, v54;
	v40 =	vadd.s32 v19, v54;
	v37 =	vadd.s32 v10, v54;
	v31 =	vld.idx.msk [tilespmem:v55+s21+$0x0], $0xffff  }
0x45a: {  	v29 =	vadd.f32 v29, v30;
	v30 =	vadd.f32 v59, v21;
	v59 =	vadd.s32 v5, v54;
	v61 =	vld.idx.msk [tilespmem:v57+s21+$0x0], $0xffff  }
0x45b: {  	v41 =	vadd.s32 v20, v54;
	v45 =	vadd.s32 v15, v54;
	v21 =	vadd.f32 v26, v23;
	v23 =	vld.idx.msk [tilespmem:v58+s21+$0x0], $0xffff  }
0x45c: {  	v62 =	vadd.s32 v9, v54;
	v42 =	vadd.s32 v16, v54;
	v43 =	vadd.s32 v17, v54;
	v33 =	vld.idx.msk [tilespmem:v60+s21+$0x0], $0xffff  }
0x45d: {  	v63 =	vadd.s32 v8, v54;
	v44 =	vadd.s32 v14, v54;
	v25 =	vmul.f32 v32, v29;
	v29 =	vld.idx.msk [tilespmem:v56+s21+$0x0], $0xffff  }
0x45e: {  	v46 =	vadd.s32 v11, v54;
	v47 =	vadd.s32 v12, v54;
	v37 =	vld.idx.msk [tilespmem:v37+s21+$0x0], $0xffff;
	v56 =	vbroadcast v28, $0x8  }
0x45f: {  	v26 =	vand.u32 $0xFFFF0000, v27;
	v57 =	vbroadcast v28, $0x9;
	v28 =	vbroadcast v28, $0xA;
	v34 =	vld.idx.msk [tilespmem:v59+s21+$0x0], $0xffff  }
0x460: {  	v48 =	vadd.s32 v13, v54;
	v45 =	vld.idx.msk [tilespmem:v45+s21+$0x0], $0xffff;
	v50 =	vbroadcast v26, $0x5;
	v59 =	vbroadcast v26, $0x2  }
0x461: {  	v32 =	vld.idx.msk [tilespmem:v62+s21+$0x0], $0xffff;
	v62 =	vbroadcast v26, $0x1;
	v58 =	vsub.f32 v61, v57;
	v60 =	vand.u32 $0xFFFF0000, v23  }
0x462: {  	v61 =	vbroadcast v26, $0x0;
	v54 =	vand.u32 $0xFFFF0000, v33;
	v29 =	vsub.f32 v29, v56  }
0x463: {  	v55 =	vand.u32 $0xFFFF0000, v31;
	v57 =	vbroadcast v26, $0x3;
	v53 =	vand.u32 $0xFFFF0000, v37  }
0x464: {  	v38 =	vld.idx.msk [tilespmem:v63+s21+$0x0], $0xffff;
	v39 =	vmul.f32 v58, v58;
	v29 =	vmul.f32 v29, v29;
	v28 =	vsub.f32 v34, v28  }
0x465: {  	v51 =	vand.u32 $0xFFFF0000, v45;
	v23 =	vshll.u32 v23, $0x10;
	v36 =	vsub.f32 v54, v62  }
0x466: {  	v63 =	vsub.f32 v60, v61;
	v29 =	vadd.f32 v39, v29;
	v28 =	vmul.f32 v28, v28  }
0x467: {  	v33 =	vshll.u32 v33, $0x10;
	v56 =	vsub.f32 v55, v59;
	v58 =	vbroadcast v26, $0x4  }
0x468: {  	v59 =	vand.u32 $0x7FFFFFFF, v36;
	v28 =	vadd.f32 v28, v29;
	v29 =	vand.u32 $0x7FFFFFFF, v63  }
0x469: {  	v60 =	vand.u32 $0xFFFF0000, v38;
	v61 =	vand.u32 $0xFFFF0000, v32;
	v29 =	vadd.f32 v59, v29  }
0x46a: {  	v46 =	vld.idx.msk [tilespmem:v46+s21+$0x0], $0xffff;
	v34 =	vsub.f32 v60, v57;
	v39 =	vand.u32 $0x7FFFFFFF, v56;
	v28 =	vmax.f32 v28, $9.999999930e-09  }
0x46b: {  	v62 =	vshra.s32 v28, $0x1;
	v52 =	vmul.f32 $5.000000000e-01, v28;
	v28 =	vadd.f32 v39, v29  }
0x46c: {  	v36 =	vsub.f32 v61, v58;
	v34 =	vand.u32 $0x7FFFFFFF, v34;
	v39 =	vld.idx.msk [tilespmem:v47+s21+$0x0], $0xffff;
	v29 =	vsub.s32 $0x5F3759DF, v62  }
0x46d: {  	v31 =	vshll.u32 v31, $0x10;
	v63 =	vmul.f32 v29, v52;
	v28 =	vadd.f32 v34, v28  }
0x46e: {  	v48 =	vld.idx.msk [tilespmem:v48+s21+$0x0], $0xffff;
	v54 =	vbroadcast v26, $0x6;
	v36 =	vand.u32 $0x7FFFFFFF, v36;
	v34 =	vsub.f32 v53, v50  }
0x46f: {  	v55 =	vand.u32 $0xFFFF0000, v46;
	v47 =	vmul.f32 v29, v63;
	v28 =	vadd.f32 v36, v28  }
0x470: {  	v44 =	vld.idx.msk [tilespmem:v44+s21+$0x0], $0xffff;
	v56 =	vbroadcast v26, $0x7;
	v34 =	vand.u32 $0x7FFFFFFF, v34;
	v36 =	vsub.f32 v55, v54  }
0x471: {  	v57 =	vand.u32 $0xFFFF0000, v39;
	v47 =	vsub.f32 $1.500000000e+00, v47;
	v28 =	vadd.f32 v34, v28  }
0x472: {  	v58 =	vbroadcast v26, $0x8;
	v36 =	vand.u32 $0x7FFFFFFF, v36;
	v34 =	vsub.f32 v57, v56  }
0x473: {  	v42 =	vld.idx.msk [tilespmem:v42+s21+$0x0], $0xffff;
	v59 =	vand.u32 $0xFFFF0000, v48;
	v29 =	vmul.f32 v29, v47;
	v28 =	vadd.f32 v36, v28  }
0x474: {  	v60 =	vbroadcast v26, $0x9;
	v34 =	vand.u32 $0x7FFFFFFF, v34;
	v36 =	vsub.f32 v59, v58  }
0x475: {  	v43 =	vld.idx.msk [tilespmem:v43+s21+$0x0], $0xffff;
	v62 =	vand.u32 $0xFFFF0000, v44;
	v61 =	vmul.f32 v29, v52;
	v28 =	vadd.f32 v34, v28  }
0x476: {  	v63 =	vbroadcast v26, $0xA;
	v36 =	vand.u32 $0x7FFFFFFF, v36;
	v34 =	vsub.f32 v62, v60  }
0x477: {  	v35 =	vld.idx.msk [tilespmem:v35+s21+$0x0], $0xffff;
	v53 =	vbroadcast v26, $0xB;
	v49 =	vmul.f32 v61, v29;
	v28 =	vadd.f32 v36, v28  }
0x478: {  	v54 =	vand.u32 $0xFFFF0000, v42;
	v34 =	vand.u32 $0x7FFFFFFF, v34;
	v36 =	vsub.f32 v51, v63  }
0x479: {  	v55 =	vbroadcast v26, $0xC;
	v49 =	vsub.f32 $1.500000000e+00, v49;
	v28 =	vadd.f32 v34, v28  }
0x47a: {  	v40 =	vld.idx.msk [tilespmem:v40+s21+$0x0], $0xffff;
	v56 =	vand.u32 $0xFFFF0000, v43;
	v36 =	vand.u32 $0x7FFFFFFF, v36;
	v34 =	vsub.f32 v54, v53  }
0x47b: {  	v57 =	vbroadcast v26, $0xD;
	v49 =	vmul.f32 v49, v29;
	v29 =	vadd.f32 v36, v28;
	v28 =	vld.idx.msk [tilespmem:v41+s21+$0x0], $0xffff  }
0x47c: {  	v59 =	vand.u32 $0xFFFF0000, v35;
	v34 =	vand.u32 $0x7FFFFFFF, v34;
	v36 =	vsub.f32 v56, v55  }
0x47d: {  	v60 =	vbroadcast v26, $0xE;
	v58 =	vmul.f32 v49, v52;
	v29 =	vadd.f32 v34, v29  }
0x47e: {  	v62 =	vbroadcast v26, $0xF;
	v36 =	vand.u32 $0x7FFFFFFF, v36;
	v34 =	vsub.f32 v59, v57  }
0x47f: {  	v61 =	vand.u32 $0xFFFF0000, v40;
	v47 =	vmul.f32 v58, v49;
	v29 =	vadd.f32 v36, v29  }
0x480: {  	v34 =	vand.u32 $0x7FFFFFFF, v34;
	v36 =	vsub.f32 v61, v60;
	v63 =	vand.u32 $0xFFFF0000, v28  }
0x481: {  	v47 =	vsub.f32 $1.500000000e+00, v47;
	v34 =	vadd.f32 v34, v29;
	v29 =	vshll.u32 v27, $0x10  }
0x482: {  	s31 =	sadd.s32 $0x1, s19;
	v27 =	vand.u32 $0x7FFFFFFF, v36;
	v52 =	vsub.f32 v63, v62;
	v54 =	vbroadcast v29, $0x0  }
0x483: {  	s29 =	simm.f32 $1.000000000e+00;
	p1 =	slt.u32 s31, $0xC350;
	v55 =	vbroadcast v29, $0x1;
	v53 =	vmul.f32 v47, v49;
	v34 =	vadd.f32 v27, v34  }
0x484: {  	s29 =	simm.s32 @!p1 $0x0;
	v56 =	vbroadcast v29, $0x2;
	v36 =	vand.u32 $0x7FFFFFFF, v52;
	v23 =	vsub.f32 v23, v54  }
0x485: {  	v33 =	vsub.f32 v33, v55;
	v27 =	vmul.f32 s29, v53;
	v34 =	vadd.f32 v36, v34  }
0x486: {  	v57 =	vbroadcast v29, $0x3;
	v31 =	vsub.f32 v31, v56  }
0x487: {  	v23 =	vand.u32 $0x7FFFFFFF, v23;
	v33 =	vand.u32 $0x7FFFFFFF, v33;
	v34 =	vmul.f32 v27, v34  }
0x488: {  	v58 =	vshll.u32 v38, $0x10;
	v59 =	vbroadcast v29, $0x4;
	v33 =	vadd.f32 v33, v23  }
0x489: {  	v23 =	vadd.f32 v34, v30;
	v30 =	vand.u32 $0x7FFFFFFF, v31;
	v31 =	vsub.f32 v58, v57  }
0x48a: {  	v32 =	vshll.u32 v32, $0x10;
	v48 =	vshll.u32 v48, $0x10;
	v30 =	vadd.f32 v30, v33  }
0x48b: {  	v60 =	vbroadcast v29, $0x5;
	v32 =	vsub.f32 v32, v59;
	v31 =	vand.u32 $0x7FFFFFFF, v31  }
0x48c: {  	v35 =	vshll.u32 v35, $0x10;
	v61 =	vshll.u32 v37, $0x10;
	v30 =	vadd.f32 v31, v30  }
0x48d: {  	v62 =	vbroadcast v29, $0x6;
	v32 =	vand.u32 $0x7FFFFFFF, v32;
	v31 =	vsub.f32 v61, v60  }
0x48e: {  	v37 =	vshll.u32 v40, $0x10;
	v63 =	vshll.u32 v46, $0x10;
	v30 =	vadd.f32 v32, v30  }
0x48f: {  	v41 =	vbroadcast v29, $0x7;
	v46 =	vsub.f32 v63, v62;
	v31 =	vand.u32 $0x7FFFFFFF, v31  }
0x490: {  	v47 =	vshll.u32 v39, $0x10;
	v49 =	vbroadcast v29, $0x8;
	v30 =	vadd.f32 v31, v30  }
0x491: {  	v52 =	vshll.u32 v44, $0x10;
	v50 =	vsub.f32 v47, v41;
	v31 =	vand.u32 $0x7FFFFFFF, v46  }
0x492: {  	v54 =	vbroadcast v29, $0xA;
	v55 =	vshll.u32 v45, $0x10;
	v30 =	vadd.f32 v31, v30  }
0x493: {  	v51 =	vsub.f32 v48, v49;
	v53 =	vbroadcast v29, $0x9;
	v31 =	vand.u32 $0x7FFFFFFF, v50  }
0x494: {  	s20 =	simm.s32 $0x2;
	v56 =	vbroadcast v29, $0xB;
	v59 =	vshll.u32 v43, $0x10;
	v30 =	vadd.f32 v31, v30  }
0x495: {  	s10 =	simm.s32 $0x20;
	v62 =	vmov s20;
	v34 =	vsub.f32 v52, v53;
	v33 =	vand.u32 $0x7FFFFFFF, v51  }
0x496: {  	v36 =	vmov s10;
	v58 =	vbroadcast v29, $0xC;
	v30 =	vadd.f32 v33, v30  }
0x497: {  	v34 =	vand.u32 $0x7FFFFFFF, v34;
	v60 =	vbroadcast v29, $0xD;
	v31 =	vsub.f32 v55, v54  }
0x498: {  	v57 =	vshll.u32 v42, $0x10;
	v61 =	vsub.f32 v59, v58;
	v34 =	vadd.f32 v34, v30  }
0x499: {  	v32 =	vsub.f32 v57, v56;
	v63 =	vsub.f32 v35, v60;
	v31 =	vand.u32 $0x7FFFFFFF, v31  }
0x49a: {  	v35 =	vmul.u32 $0x18, v62;
	v33 =	vbroadcast v29, $0xE;
	v34 =	vadd.f32 v31, v34  }
0x49b: {  	s0 =	simm.s32 $0x3;
	v30 =	vand.u32 $0x7FFFFFFF, v32;
	v32 =	vand.u32 $0x7FFFFFFF, v61;
	v31 =	vand.u32 $0x7FFFFFFF, v63  }
.LBB2_9:
0x49c: {  	p1 =	sne.s32 s0, $0x18;
	v35 =	vbroadcast v35, $0x0;
	v36 =	vmul.u32 $0x18, v36;
	v30 =	vadd.f32 v30, v34  }
0x49d: {  	v33 =	vsub.f32 v37, v33;
	v28 =	vshll.u32 v28, $0x10;
	v34 =	vbroadcast v29, $0xF  }
0x49e: {  	v37 =	vadd.s32 v35, v1;
	v36 =	vbroadcast v36, $0x0;
	v30 =	vadd.f32 v32, v30  }
0x49f: {  	v32 =	vadd.s32 v35, v2;
	v33 =	vand.u32 $0x7FFFFFFF, v33;
	v28 =	vsub.f32 v28, v34  }
0x4a0: {  	v29 =	vsub.f32 v29, v26;
	v34 =	vadd.s32 v7, v36;
	v30 =	vadd.f32 v31, v30  }
0x4a1: {  	v26 =	vmul.f32 v26, v26;
	v31 =	vadd.s32 v3, v36;
	v28 =	vand.u32 $0x7FFFFFFF, v28  }
0x4a2: {  	v35 =	vadd.s32 v4, v36;
	v30 =	vadd.f32 v33, v30;
	v33 =	vmul.f32 v29, v29  }
0x4a3: {  	v22 =	vadd.f32 v25, v22;
	v26 =	vmul.f32 s29, v26;
	v29 =	vld.idx.msk [tilespmem:v37+s16+$0x0], $0xffff;
	v37 =	vadd.s32 v0, v36  }
0x4a4: {  	v38 =	vld.idx.msk [tilespmem:v32+s16+$0x0], $0xffff;
	v32 =	vadd.s32 v5, v36;
	v25 =	vadd.f32 v28, v30;
	v28 =	vmul.f32 s29, v33  }
0x4a5: {  	v24 =	vadd.f32 v26, v24;
	v33 =	vadd.s32 v6, v36;
	v30 =	vld.idx.msk [tilespmem:v34+s21+$0x0], $0xffff  }
0x4a6: {  	v31 =	vld.idx.msk [tilespmem:v31+s21+$0x0], $0xffff;
	v25 =	vmul.f32 v27, v25;
	v21 =	vadd.f32 v28, v21  }
0x4a7: {  	v43 =	vadd.s32 v18, v36;
	v41 =	vadd.s32 v19, v36;
	v28 =	vadd.s32 v20, v36;
	v34 =	vld.idx.msk [tilespmem:v35+s21+$0x0], $0xffff  }
0x4a8: {  	v40 =	vadd.s32 v16, v36;
	v42 =	vadd.s32 v17, v36;
	v35 =	vadd.s32 v9, v36;
	v27 =	vld.idx.msk [tilespmem:v37+s21+$0x0], $0xffff  }
0x4a9: {  	v39 =	vadd.s32 v8, v36;
	v44 =	vadd.s32 v14, v36;
	v45 =	vadd.s32 v15, v36;
	v37 =	vld.idx.msk [tilespmem:v32+s21+$0x0], $0xffff  }
0x4aa: {  	v46 =	vadd.s32 v11, v36;
	v47 =	vadd.s32 v12, v36;
	v48 =	vadd.s32 v13, v36;
	v32 =	vld.idx.msk [tilespmem:v33+s21+$0x0], $0xffff  }
0x4ab: {  	v26 =	vand.u32 $0xFFFF0000, v29;
	v49 =	vbroadcast v38, $0x9;
	v33 =	vbroadcast v38, $0x8  }
0x4ac: {  	v36 =	vadd.s32 v10, v36;
	v50 =	vbroadcast v26, $0x5;
	v38 =	vbroadcast v38, $0xA  }
0x4ad: {  	v51 =	vsub.f32 v31, v33;
	v34 =	vsub.f32 v34, v49;
	v49 =	vbroadcast v26, $0x2;
	v31 =	vld.idx.msk [tilespmem:v35+s21+$0x0], $0xffff  }
0x4ae: {  	v52 =	vbroadcast v26, $0x0;
	v53 =	vbroadcast v26, $0x1;
	v35 =	vand.u32 $0xFFFF0000, v27;
	v33 =	vld.idx.msk [tilespmem:v39+s21+$0x0], $0xffff  }
0x4af: {  	v39 =	vmul.f32 v51, v51;
	v34 =	vmul.f32 v34, v34;
	v37 =	vsub.f32 v37, v38  }
0x4b0: {  	v35 =	vsub.f32 v35, v52;
	v51 =	vand.u32 $0xFFFF0000, v30;
	v38 =	vand.u32 $0xFFFF0000, v32  }
0x4b1: {  	v39 =	vadd.f32 v34, v39;
	v37 =	vmul.f32 v37, v37;
	v38 =	vsub.f32 v38, v53  }
0x4b2: {  	v52 =	vbroadcast v26, $0x4;
	v49 =	vsub.f32 v51, v49;
	v51 =	vbroadcast v26, $0x3;
	v34 =	vld.idx.msk [tilespmem:v36+s21+$0x0], $0xffff  }
0x4b3: {  	v35 =	vand.u32 $0x7FFFFFFF, v35;
	v36 =	vadd.f32 v37, v39;
	v37 =	vand.u32 $0x7FFFFFFF, v38  }
0x4b4: {  	v39 =	vand.u32 $0xFFFF0000, v31;
	v37 =	vadd.f32 v37, v35;
	v38 =	vand.u32 $0xFFFF0000, v33;
	v35 =	vld.idx.msk [tilespmem:v46+s21+$0x0], $0xffff  }
0x4b5: {  	v36 =	vmax.f32 v36, $9.999999930e-09;
	v46 =	vand.u32 $0x7FFFFFFF, v49;
	v38 =	vsub.f32 v38, v51  }
0x4b6: {  	v49 =	vshra.s32 v36, $0x1;
	v51 =	vmul.f32 $5.000000000e-01, v36;
	v37 =	vadd.f32 v46, v37;
	v36 =	vld.idx.msk [tilespmem:v47+s21+$0x0], $0xffff  }
0x4b7: {  	v39 =	vsub.f32 v39, v52;
	v46 =	vsub.s32 $0x5F3759DF, v49;
	v38 =	vand.u32 $0x7FFFFFFF, v38  }
0x4b8: {  	v47 =	vmul.f32 v46, v51;
	v38 =	vadd.f32 v38, v37;
	v49 =	vand.u32 $0xFFFF0000, v34;
	v37 =	vld.idx.msk [tilespmem:v48+s21+$0x0], $0xffff  }
0x4b9: {  	v39 =	vand.u32 $0x7FFFFFFF, v39;
	v48 =	vsub.f32 v49, v50;
	v49 =	vbroadcast v26, $0x6  }
0x4ba: {  	v47 =	vmul.f32 v46, v47;
	v39 =	vadd.f32 v39, v38;
	v50 =	vand.u32 $0xFFFF0000, v35;
	v38 =	vld.idx.msk [tilespmem:v44+s21+$0x0], $0xffff  }
0x4bb: {  	v44 =	vand.u32 $0x7FFFFFFF, v48;
	v48 =	vsub.f32 v50, v49;
	v49 =	vbroadcast v26, $0x7  }
0x4bc: {  	v47 =	vsub.f32 $1.500000000e+00, v47;
	v44 =	vadd.f32 v44, v39;
	v50 =	vand.u32 $0xFFFF0000, v36;
	v39 =	vld.idx.msk [tilespmem:v45+s21+$0x0], $0xffff  }
0x4bd: {  	v45 =	vand.u32 $0x7FFFFFFF, v48;
	v48 =	vsub.f32 v50, v49;
	v49 =	vbroadcast v26, $0x8  }
0x4be: {  	v46 =	vmul.f32 v46, v47;
	v44 =	vadd.f32 v45, v44;
	v45 =	vand.u32 $0xFFFF0000, v37;
	v40 =	vld.idx.msk [tilespmem:v40+s21+$0x0], $0xffff  }
0x4bf: {  	v47 =	vand.u32 $0x7FFFFFFF, v48;
	v45 =	vsub.f32 v45, v49;
	v48 =	vbroadcast v26, $0x9  }
0x4c0: {  	v49 =	vmul.f32 v46, v51;
	v44 =	vadd.f32 v47, v44;
	v47 =	vand.u32 $0xFFFF0000, v38;
	v42 =	vld.idx.msk [tilespmem:v42+s21+$0x0], $0xffff  }
0x4c1: {  	v45 =	vand.u32 $0x7FFFFFFF, v45;
	v47 =	vsub.f32 v47, v48;
	v48 =	vbroadcast v26, $0xA  }
0x4c2: {  	v49 =	vmul.f32 v49, v46;
	v44 =	vadd.f32 v45, v44;
	v45 =	vand.u32 $0xFFFF0000, v39;
	v43 =	vld.idx.msk [tilespmem:v43+s21+$0x0], $0xffff  }
0x4c3: {  	v47 =	vand.u32 $0x7FFFFFFF, v47;
	v45 =	vsub.f32 v45, v48;
	v48 =	vbroadcast v26, $0xB  }
0x4c4: {  	v49 =	vsub.f32 $1.500000000e+00, v49;
	v44 =	vadd.f32 v47, v44;
	v47 =	vand.u32 $0xFFFF0000, v40;
	v41 =	vld.idx.msk [tilespmem:v41+s21+$0x0], $0xffff  }
0x4c5: {  	v45 =	vand.u32 $0x7FFFFFFF, v45;
	v47 =	vsub.f32 v47, v48;
	v48 =	vbroadcast v26, $0xC  }
0x4c6: {  	v46 =	vmul.f32 v49, v46;
	v44 =	vadd.f32 v45, v44;
	v45 =	vand.u32 $0xFFFF0000, v42;
	v28 =	vld.idx.msk [tilespmem:v28+s21+$0x0], $0xffff  }
0x4c7: {  	v47 =	vand.u32 $0x7FFFFFFF, v47;
	v45 =	vsub.f32 v45, v48;
	v48 =	vbroadcast v26, $0xD  }
0x4c8: {  	v49 =	vmul.f32 v46, v51;
	v44 =	vadd.f32 v47, v44;
	v47 =	vand.u32 $0xFFFF0000, v43  }
0x4c9: {  	v45 =	vand.u32 $0x7FFFFFFF, v45;
	v47 =	vsub.f32 v47, v48;
	v48 =	vbroadcast v26, $0xE  }
0x4ca: {  	v49 =	vmul.f32 v49, v46;
	v44 =	vadd.f32 v45, v44;
	v45 =	vand.u32 $0xFFFF0000, v41  }
0x4cb: {  	v47 =	vand.u32 $0x7FFFFFFF, v47;
	v45 =	vsub.f32 v45, v48;
	v48 =	vbroadcast v26, $0xF  }
0x4cc: {  	v49 =	vsub.f32 $1.500000000e+00, v49;
	v44 =	vadd.f32 v47, v44;
	v47 =	vand.u32 $0xFFFF0000, v28  }
0x4cd: {  	s18 =	sadd.s32 s20, s19;
	s20 =	smov.u32 s0;
	v29 =	vshll.u32 v29, $0x10;
	v45 =	vand.u32 $0x7FFFFFFF, v45;
	v47 =	vsub.f32 v47, v48  }
0x4ce: {  	p2 =	slt.u32 s18, $0xC350;
	s29 =	simm.f32 $1.000000000e+00;
	v48 =	vbroadcast v29, $0x0;
	v46 =	vmul.f32 v49, v46;
	v44 =	vadd.f32 v45, v44  }
0x4cf: {  	s29 =	simm.s32 @!p2 $0x0;
	v45 =	vshll.u32 v27, $0x10;
	v49 =	vbroadcast v29, $0x1;
	v47 =	vand.u32 $0x7FFFFFFF, v47  }
0x4d0: {  	v32 =	vshll.u32 v32, $0x10;
	v27 =	vmul.f32 s29, v46;
	v44 =	vadd.f32 v47, v44  }
0x4d1: {  	v45 =	vsub.f32 v45, v48;
	v32 =	vsub.f32 v32, v49;
	v46 =	vbroadcast v29, $0x2  }
0x4d2: {  	v30 =	vshll.u32 v30, $0x10;
	v47 =	vbroadcast v29, $0x3;
	v44 =	vmul.f32 v27, v44  }
0x4d3: {  	v45 =	vand.u32 $0x7FFFFFFF, v45;
	v32 =	vand.u32 $0x7FFFFFFF, v32;
	v30 =	vsub.f32 v30, v46  }
0x4d4: {  	v33 =	vshll.u32 v33, $0x10;
	v32 =	vadd.f32 v32, v45;
	v23 =	vadd.f32 v44, v23  }
0x4d5: {  	v33 =	vsub.f32 v33, v47;
	v30 =	vand.u32 $0x7FFFFFFF, v30;
	v44 =	vbroadcast v29, $0x4  }
0x4d6: {  	v31 =	vshll.u32 v31, $0x10;
	v30 =	vadd.f32 v30, v32;
	v32 =	vbroadcast v29, $0x5  }
0x4d7: {  	v34 =	vshll.u32 v34, $0x10;
	v33 =	vand.u32 $0x7FFFFFFF, v33;
	v31 =	vsub.f32 v31, v44  }
0x4d8: {  	v30 =	vadd.f32 v33, v30;
	v32 =	vsub.f32 v34, v32;
	v33 =	vbroadcast v29, $0x6  }
0x4d9: {  	v34 =	vshll.u32 v35, $0x10;
	v35 =	vbroadcast v29, $0x7;
	v31 =	vand.u32 $0x7FFFFFFF, v31  }
0x4da: {  	v30 =	vadd.f32 v31, v30;
	v31 =	vand.u32 $0x7FFFFFFF, v32;
	v32 =	vsub.f32 v34, v33  }
0x4db: {  	v33 =	vshll.u32 v36, $0x10;
	v34 =	vshll.u32 v37, $0x10;
	v36 =	vbroadcast v29, $0x8  }
0x4dc: {  	v30 =	vadd.f32 v31, v30;
	v31 =	vand.u32 $0x7FFFFFFF, v32;
	v32 =	vsub.f32 v33, v35  }
0x4dd: {  	v33 =	vsub.f32 v34, v36;
	v34 =	vshll.u32 v38, $0x10;
	v35 =	vbroadcast v29, $0x9  }
0x4de: {  	v30 =	vadd.f32 v31, v30;
	v31 =	vand.u32 $0x7FFFFFFF, v32;
	v32 =	vbroadcast v29, $0xA  }
0x4df: {  	v33 =	vand.u32 $0x7FFFFFFF, v33;
	v34 =	vsub.f32 v34, v35;
	v35 =	vshll.u32 v39, $0x10  }
0x4e0: {  	v30 =	vadd.f32 v31, v30;
	v31 =	vsub.f32 v35, v32;
	v32 =	vbroadcast v29, $0xB  }
0x4e1: {  	v36 =	vbroadcast v29, $0xC;
	v34 =	vand.u32 $0x7FFFFFFF, v34;
	v35 =	vshll.u32 v40, $0x10  }
0x4e2: {  	v30 =	vadd.f32 v33, v30;
	v31 =	vand.u32 $0x7FFFFFFF, v31;
	v32 =	vsub.f32 v35, v32  }
.Ltmp5:
0x4e3: {  	v37 =	vbroadcast v29, $0xD;
	v33 =	vshll.u32 v42, $0x10;
	v35 =	vshll.u32 v43, $0x10;
	(pc) =	sbr.rel @p1 .LBB2_9-.Ltmp5, $4  }
0x4e4: {  	v34 =	vadd.f32 v34, v30;
	v30 =	vand.u32 $0x7FFFFFFF, v32;
	v32 =	vsub.f32 v33, v36  }
0x4e5: {  	v37 =	vsub.f32 v35, v37;
	v36 =	vmov s0;
	v33 =	vbroadcast v29, $0xE  }
0x4e6: {  	s10 =	sadd.s32 $0x10, s10;
	v35 =	vmul.u32 $0x18, v36;
	v34 =	vadd.f32 v31, v34;
	v32 =	vand.u32 $0x7FFFFFFF, v32  }
0x4e7: {  	s0 =	sadd.s32 $0x1, s0;
	v36 =	vmov s10;
	v31 =	vand.u32 $0x7FFFFFFF, v37;
	v37 =	vshll.u32 v41, $0x10  }
0x4e8: {  	v35 =	vbroadcast v35, $0x0;
	v36 =	vmul.u32 $0x18, v36  }
0x4e9: {  	v34 =	vadd.f32 v30, v34;
	v33 =	vsub.f32 v37, v33;
	v48 =	vbroadcast v29, $0xF  }
0x4ea: {  	v28 =	vshll.u32 v28, $0x10;
	v30 =	vbroadcast v36, $0x0;
	v49 =	vadd.s32 v35, v2  }
0x4eb: {  	v53 =	vsub.f32 v29, v26;
	v26 =	vmul.f32 v26, v26;
	v47 =	vadd.s32 v35, v1  }
0x4ec: {  	v22 =	vadd.f32 v25, v22;
	v32 =	vadd.f32 v32, v34;
	v50 =	vadd.s32 v3, v30  }
0x4ed: {  	v33 =	vand.u32 $0x7FFFFFFF, v33;
	v28 =	vsub.f32 v28, v48;
	v51 =	vadd.s32 v4, v30  }
0x4ee: {  	v29 =	vmul.f32 v53, v53;
	v31 =	vadd.f32 v31, v32;
	v54 =	vadd.s32 v0, v30  }
0x4ef: {  	v38 =	vmul.f32 s29, v26;
	v52 =	vadd.s32 v7, v30;
	v39 =	vadd.s32 v5, v30;
	v34 =	vld.idx.msk [tilespmem:v49+s16+$0x0], $0xffff  }
0x4f0: {  	v28 =	vand.u32 $0x7FFFFFFF, v28;
	v55 =	vadd.s32 v6, v30;
	v31 =	vadd.f32 v33, v31;
	v33 =	vld.idx.msk [tilespmem:v47+s16+$0x0], $0xffff  }
0x4f1: {  	v25 =	vadd.f32 v38, v24;
	v32 =	vadd.s32 v18, v30;
	v57 =	vadd.s32 v9, v30;
	v35 =	vld.idx.msk [tilespmem:v50+s21+$0x0], $0xffff  }
0x4f2: {  	v40 =	vadd.s32 v16, v30;
	v41 =	vadd.s32 v17, v30;
	v42 =	vadd.s32 v8, v30;
	v56 =	vld.idx.msk [tilespmem:v51+s21+$0x0], $0xffff  }
0x4f3: {  	v43 =	vadd.s32 v14, v30;
	v44 =	vadd.s32 v15, v30;
	v45 =	vadd.s32 v11, v30;
	v37 =	vld.idx.msk [tilespmem:v54+s21+$0x0], $0xffff  }
0x4f4: {  	v26 =	vadd.f32 v28, v31;
	v28 =	vmul.f32 s29, v29;
	v39 =	vld.idx.msk [tilespmem:v39+s21+$0x0], $0xffff;
	v46 =	vbroadcast v34, $0x8  }
0x4f5: {  	v31 =	vld.idx.msk [tilespmem:v55+s21+$0x0], $0xffff;
	v47 =	vbroadcast v34, $0x9;
	v24 =	vand.u32 $0xFFFF0000, v33;
	v34 =	vbroadcast v34, $0xA  }
0x4f6: {  	v48 =	vadd.s32 v12, v30;
	v36 =	vld.idx.msk [tilespmem:v52+s21+$0x0], $0xffff;
	v49 =	vbroadcast v24, $0x5;
	v58 =	vbroadcast v24, $0x2  }
0x4f7: {  	v51 =	vadd.s32 v10, v30;
	v42 =	vld.idx.msk [tilespmem:v42+s21+$0x0], $0xffff;
	v50 =	vbroadcast v24, $0x0;
	v59 =	vbroadcast v24, $0x1  }
0x4f8: {  	v33 =	vshll.u32 v33, $0x10;
	v62 =	vbroadcast v24, $0x3;
	v63 =	vbroadcast v24, $0x4  }
0x4f9: {  	v53 =	vbroadcast v24, $0x7;
	v55 =	vbroadcast v24, $0x8;
	v35 =	vsub.f32 v35, v46  }
0x4fa: {  	v45 =	vld.idx.msk [tilespmem:v45+s21+$0x0], $0xffff;
	v29 =	vsub.f32 v56, v47;
	v46 =	vadd.s32 v13, v30;
	v52 =	vand.u32 $0xFFFF0000, v37  }
0x4fb: {  	v38 =	vld.idx.msk [tilespmem:v57+s21+$0x0], $0xffff;
	v34 =	vsub.f32 v39, v34;
	v60 =	vand.u32 $0xFFFF0000, v31;
	v61 =	vand.u32 $0xFFFF0000, v36  }
0x4fc: {  	v57 =	vand.u32 $0xFFFF0000, v42;
	v37 =	vshll.u32 v37, $0x10;
	v31 =	vshll.u32 v31, $0x10  }
0x4fd: {  	v43 =	vld.idx.msk [tilespmem:v43+s21+$0x0], $0xffff;
	v36 =	vshll.u32 v36, $0x10;
	v42 =	vshll.u32 v42, $0x10;
	v50 =	vsub.f32 v52, v50  }
0x4fe: {  	v39 =	vsub.f32 v60, v59;
	v35 =	vmul.f32 v35, v35;
	v29 =	vmul.f32 v29, v29  }
0x4ff: {  	v51 =	vld.idx.msk [tilespmem:v51+s21+$0x0], $0xffff;
	v52 =	vand.u32 $0xFFFF0000, v45;
	v45 =	vshll.u32 v45, $0x10;
	v34 =	vmul.f32 v34, v34  }
0x500: {  	v29 =	vadd.f32 v29, v35;
	v35 =	vsub.f32 v61, v58;
	v58 =	vand.u32 $0xFFFF0000, v38  }
0x501: {  	v44 =	vld.idx.msk [tilespmem:v44+s21+$0x0], $0xffff;
	v56 =	vand.u32 $0x7FFFFFFF, v50;
	v39 =	vand.u32 $0x7FFFFFFF, v39;
	v60 =	vsub.f32 v58, v63  }
0x502: {  	v63 =	vbroadcast v24, $0x6;
	v58 =	vand.u32 $0xFFFF0000, v43;
	v29 =	vadd.f32 v34, v29  }
0x503: {  	v46 =	vld.idx.msk [tilespmem:v46+s21+$0x0], $0xffff;
	v43 =	vshll.u32 v43, $0x10;
	v34 =	vadd.f32 v39, v56;
	v39 =	vsub.f32 v57, v62  }
0x504: {  	v40 =	vld.idx.msk [tilespmem:v40+s21+$0x0], $0xffff;
	v35 =	vand.u32 $0x7FFFFFFF, v35;
	v62 =	vand.u32 $0xFFFF0000, v51;
	v57 =	vbroadcast v24, $0x9  }
0x505: {  	v29 =	vmax.f32 v29, $9.999999930e-09;
	v34 =	vadd.f32 v35, v34;
	v39 =	vand.u32 $0x7FFFFFFF, v39  }
0x506: {  	v35 =	vld.idx.msk [tilespmem:v48+s21+$0x0], $0xffff;
	v48 =	vand.u32 $0x7FFFFFFF, v60;
	v60 =	vand.u32 $0xFFFF0000, v44;
	v59 =	vshra.s32 v29, $0x1  }
0x507: {  	v29 =	vmul.f32 $5.000000000e-01, v29;
	v47 =	vsub.s32 $0x5F3759DF, v59;
	v34 =	vadd.f32 v39, v34  }
0x508: {  	v39 =	vsub.f32 v62, v49;
	v56 =	vand.u32 $0xFFFF0000, v46;
	v59 =	vbroadcast v24, $0xA  }
0x509: {  	v62 =	vand.u32 $0xFFFF0000, v40;
	v40 =	vshll.u32 v40, $0x10;
	v61 =	vmul.f32 v47, v29  }
0x50a: {  	v34 =	vadd.f32 v48, v34;
	v39 =	vand.u32 $0x7FFFFFFF, v39;
	v48 =	vsub.f32 v52, v63  }
0x50b: {  	v63 =	vadd.s32 v19, v30;
	v30 =	vadd.s32 v20, v30;
	v52 =	vbroadcast v33, $0x4  }
0x50c: {  	v41 =	vld.idx.msk [tilespmem:v41+s21+$0x0], $0xffff;
	v50 =	vmul.f32 v47, v61;
	v54 =	vand.u32 $0xFFFF0000, v35;
	v34 =	vadd.f32 v39, v34  }
0x50d: {  	v61 =	vbroadcast v24, $0xB;
	v48 =	vand.u32 $0x7FFFFFFF, v48;
	v39 =	vsub.f32 v54, v53  }
0x50e: {  	v35 =	vshll.u32 v35, $0x10;
	v53 =	vshll.u32 v38, $0x10;
	v34 =	vadd.f32 v48, v34  }
0x50f: {  	v54 =	vbroadcast v33, $0x5;
	v39 =	vand.u32 $0x7FFFFFFF, v39;
	v48 =	vsub.f32 v56, v55  }
0x510: {  	v50 =	vsub.f32 $1.500000000e+00, v50;
	v55 =	vbroadcast v24, $0xC;
	v34 =	vadd.f32 v39, v34  }
0x511: {  	v56 =	vand.u32 $0xFFFF0000, v41;
	v48 =	vand.u32 $0x7FFFFFFF, v48;
	v39 =	vsub.f32 v58, v57  }
0x512: {  	v41 =	vshll.u32 v41, $0x10;
	v58 =	vbroadcast v33, $0x0;
	v34 =	vadd.f32 v48, v34  }
0x513: {  	v47 =	vmul.f32 v47, v50;
	v39 =	vand.u32 $0x7FFFFFFF, v39;
	v48 =	vsub.f32 v60, v59  }
0x514: {  	v59 =	vbroadcast v33, $0x1;
	v37 =	vsub.f32 v37, v58;
	v34 =	vadd.f32 v39, v34  }
0x515: {  	v60 =	vbroadcast v33, $0x2;
	v39 =	vsub.f32 v62, v61;
	v48 =	vand.u32 $0x7FFFFFFF, v48  }
0x516: {  	v32 =	vld.idx.msk [tilespmem:v32+s21+$0x0], $0xffff;
	v50 =	vmul.f32 v47, v29;
	v31 =	vsub.f32 v31, v59;
	v34 =	vadd.f32 v48, v34  }
0x517: {  	v36 =	vsub.f32 v36, v60;
	v37 =	vand.u32 $0x7FFFFFFF, v37;
	v39 =	vand.u32 $0x7FFFFFFF, v39  }
0x518: {  	v31 =	vand.u32 $0x7FFFFFFF, v31;
	v34 =	vadd.f32 v39, v34;
	v39 =	vld.idx.msk [tilespmem:v63+s21+$0x0], $0xffff;
	v63 =	vbroadcast v33, $0x3  }
0x519: {  	v57 =	vbroadcast v24, $0xD;
	v58 =	vbroadcast v33, $0x6;
	v31 =	vadd.f32 v31, v37  }
0x51a: {  	v50 =	vmul.f32 v50, v47;
	v36 =	vand.u32 $0x7FFFFFFF, v36;
	v37 =	vsub.f32 v42, v63  }
0x51b: {  	v61 =	vand.u32 $0xFFFF0000, v32;
	v60 =	vbroadcast v33, $0x7;
	v31 =	vadd.f32 v36, v31  }
0x51c: {  	v38 =	vsub.f32 v45, v58;
	v36 =	vsub.f32 v53, v52;
	v37 =	vand.u32 $0x7FFFFFFF, v37  }
0x51d: {  	v48 =	vsub.f32 v56, v55;
	v56 =	vshll.u32 v51, $0x10;
	v31 =	vadd.f32 v37, v31  }
0x51e: {  	v49 =	vsub.f32 v61, v57;
	v57 =	vsub.f32 v56, v54;
	v36 =	vand.u32 $0x7FFFFFFF, v36  }
0x51f: {  	v32 =	vshll.u32 v32, $0x10;
	v50 =	vsub.f32 $1.500000000e+00, v50;
	v31 =	vadd.f32 v36, v31  }
0x520: {  	v61 =	vbroadcast v33, $0x8;
	v38 =	vand.u32 $0x7FFFFFFF, v38;
	v37 =	vand.u32 $0x7FFFFFFF, v57  }
0x521: {  	v35 =	vsub.f32 v35, v60;
	v51 =	vshll.u32 v44, $0x10;
	v31 =	vadd.f32 v37, v31  }
0x522: {  	v60 =	vbroadcast v33, $0xF;
	v47 =	vmul.f32 v50, v47;
	v59 =	vand.u32 $0x7FFFFFFF, v49  }
0x523: {  	v30 =	vld.idx.msk [tilespmem:v30+s21+$0x0], $0xffff;
	v49 =	vbroadcast v33, $0x9;
	v63 =	vshll.u32 v46, $0x10;
	v31 =	vadd.f32 v38, v31  }
0x524: {  	v50 =	vbroadcast v33, $0xA;
	v35 =	vand.u32 $0x7FFFFFFF, v35;
	v37 =	vsub.f32 v63, v61  }
0x525: {  	v54 =	vbroadcast v33, $0xC;
	v56 =	vbroadcast v33, $0xD;
	v31 =	vadd.f32 v35, v31  }
0x526: {  	v48 =	vand.u32 $0x7FFFFFFF, v48;
	v37 =	vand.u32 $0x7FFFFFFF, v37;
	v38 =	vsub.f32 v43, v49  }
0x527: {  	v29 =	vmul.f32 v47, v29;
	v52 =	vbroadcast v33, $0xB;
	v31 =	vadd.f32 v37, v31  }
0x528: {  	v53 =	vand.u32 $0xFFFF0000, v30;
	v35 =	vsub.f32 v51, v50;
	v38 =	vand.u32 $0x7FFFFFFF, v38  }
0x529: {  	v32 =	vsub.f32 v32, v56;
	v30 =	vshll.u32 v30, $0x10;
	v31 =	vadd.f32 v38, v31  }
0x52a: {  	v34 =	vadd.f32 v48, v34;
	v35 =	vand.u32 $0x7FFFFFFF, v35;
	v37 =	vsub.f32 v40, v52  }
0x52b: {  	v62 =	vbroadcast v24, $0xE;
	v30 =	vsub.f32 v30, v60;
	v31 =	vadd.f32 v35, v31  }
0x52c: {  	v29 =	vmul.f32 v29, v47;
	v37 =	vand.u32 $0x7FFFFFFF, v37;
	v38 =	vsub.f32 v41, v54  }
0x52d: {  	v34 =	vadd.f32 v59, v34;
	v55 =	vand.u32 $0xFFFF0000, v39;
	v31 =	vadd.f32 v37, v31  }
0x52e: {  	v57 =	vbroadcast v33, $0xE;
	v59 =	vshll.u32 v39, $0x10;
	v58 =	vand.u32 $0x7FFFFFFF, v38  }
0x52f: {  	v42 =	vsub.f32 v55, v62;
	v62 =	vbroadcast v24, $0xF;
	v31 =	vadd.f32 v58, v31  }
0x530: {  	v32 =	vand.u32 $0x7FFFFFFF, v32;
	v29 =	vsub.f32 $1.500000000e+00, v29;
	v35 =	vsub.f32 v59, v57  }
0x531: {  	s0 =	sadd.s32 s20, s19;
	v55 =	vand.u32 $0x7FFFFFFF, v42;
	v36 =	vsub.f32 v53, v62;
	v31 =	vadd.f32 v32, v31  }
0x532: {  	p1 =	slt.u32 s0, $0xC350;
	s0 =	simm.f32 $1.000000000e+00;
	v29 =	vmul.f32 v29, v47;
	v34 =	vadd.f32 v55, v34;
	v35 =	vand.u32 $0x7FFFFFFF, v35  }
0x533: {  	s0 =	simm.s32 @!p1 $0x0;
	v33 =	vsub.f32 v33, v24;
	v61 =	vand.u32 $0x7FFFFFFF, v36;
	v31 =	vadd.f32 v35, v31  }
0x534: {  	v30 =	vand.u32 $0x7FFFFFFF, v30;
	v29 =	vmul.f32 s0, v29;
	v32 =	vadd.f32 v61, v34  }
0x535: {  	v26 =	vmul.f32 v27, v26;
	v27 =	vmul.f32 v33, v33;
	v30 =	vadd.f32 v30, v31  }
.Ltmp6:
0x536: {  	v21 =	vadd.f32 v28, v21;
	v24 =	vmul.f32 v24, v24;
	v62 =	vmul.f32 v29, v32;
	(pc) =	sbr.rel @p0 .LBB2_12-.Ltmp6, $4  }
0x537: {  	v26 =	vadd.f32 v26, v22;
	v27 =	vmul.f32 s0, v27;
	v29 =	vmul.f32 v29, v30  }
0x538: {  	v63 =	vmul.f32 s0, v24;
	v24 =	vadd.f32 v62, v23  }
0x539: {  	v23 =	vadd.f32 v27, v21;
	v21 =	vadd.f32 v29, v26  }
0x53a: {  	v22 =	vadd.f32 v63, v25  }
0x53b: {  	s0 =	rddreg [dreg:$0x1b]  }
0x53c: {  	s0 =	sadd.s32 s26, s0  }
0x53d: {  	p0 =	slt.s32 s0, $0xC337  }
0x53e: {  	s0 =	simm.s32 @!p0 $0xC337  }
0x53f: {  	s10 =	sshll.u32 s0, $0x4  }
0x540: {  	s10 =	sadd.s32 s6, s10  }
0x541: {  	s10 =	sshrl.u32 s10, $0x3  }
0x542: {  	s18 =	simm.s32 $0x1D268;
	s10 =	sadd.s32 s5, s10  }
0x543: {  	[tilespmem:s18], [sflag:$0x5] =	stream.linear.gather [hbm4b:s10+s2], $0x190, $0x38;
	[tilespmem:$0x1D438] =	vst v63  }
0x544: {  	s29 =	smul.u32 $0x3, s0;
	_ =	swait.ge [sflag:s3], $0x190  }
0x545: {  	[sflag:s3] =	ssyncset.done $0x0  }
0x546: {  	s0 =	smul.u32 $0x18, s0;
	s10 =	sadd.s32 s4, s29;
	[sflag:s3] =	ssyncadd.s32 $0xFFFFFE70  }
0x547: {  	[tilespmem:s16], [sflag:$0x5] =	stream.linear.gather [hbm4b:s10+s2], $0x258, $0x38;
	[tilespmem:$0x1D438] =	vst v63  }
0x548: {  	s0 =	sshrl.u32 s0, $0x3;
	_ =	swait.ge [sflag:s3], $0x258  }
0x549: {  	s0 =	sadd.s32 s4, s0;
	[sflag:s3] =	ssyncset.done $0x0  }
0x54a: {  	s30 =	simm.s32 $0x1CB60;
	s0 =	sadd.s32 $0x249F0, s0;
	[sflag:s3] =	ssyncadd.s32 $0xFFFFFDA8  }
0x54b: {  	[tilespmem:s30], [sflag:$0x5] =	stream.linear.gather [hbm4b:s0+s2], $0x258, $0x38;
	[tilespmem:$0x1D438] =	vst v63  }
.Ltmp7:
0x54c: {  	_ = 	snop;
	(pc) =	sbr.rel .LBB2_2-.Ltmp7, $4  }
0x54d: {  	s31 =	simm.s32 $0x190;
	s28 =	sadd.s32 $0x1, s28;
	_ =	swait.ge [sflag:s3], $0x258  }
0x54e: {  	s7 =	sadd.s32 $0x64, s7;
	s11 =	sadd.s32 $0x64, s11;
	[sflag:s3] =	ssyncset.done $0x0  }
0x54f: {  	s14 =	sadd.s32 $0x64, s14;
	s19 =	sadd.s32 $0x64, s19;
	[sflag:s3] =	ssyncadd.s32 $0xFFFFFDA8  }
0x550: {  	[tilespmem:s21], [sflag:$0x4] =	stream.indirect.gather [spmem:s1], $0x18, s18, s31, $0xb8;
	[tilespmem:$0x1D438] =	vst v63  }
.LBB2_13:
0x551: {  	_ =	sfence.sel $0x180000  }
0x552: {  	[bflag:$0x0] =	sbarrier.arrive $0xFFFF  }
0x553: {  	_ =	strace $0x90000047  }
0x554: {  	s0 =	stileid.u32;
	[bflag:$0x2] =	sbarrier.arrive $0xFFFF  }
0x555: {  	p0 =	sne.s32 s0, $0x0;
	s0 =	rddreg [dreg:$0x2]  }
0x556: {  	s0 =	sadd.s32 @!p0 $0x100000, s0  }
0x557: {  	[sflag:s0] =	ssyncadd.tile.s32 @!p0 $0x1;
	_ =	shalt  }
.Lfunc_end2:
_tile_overlayer_lowered:
.L_overlay_start_2:
0x558: {  	(tag) =	ssettag $0x2  }
0x559: {  	s0 =	rddreg [dreg:$0x0];
	s2 =	stileid.u32  }
0x55a: {  	s1 =	rddreg [dreg:$0x1];
	p0 =	sne.s32 s2, $0x0  }
0x55b: {  	s3 =	rddreg [dreg:$0x2];
	[bflag:$0x3] =	sbarrier.arrive $0xFFFF;
	s2 =	simm.s32 @!p0 $0x1C05  }
0x55c: {  	[timem:s3], [sflag:s2] =	dma.local @!p0 [hbm:s0], s1  }
0x55d: {  	s0 =	simm.s32 @!p0 $0x5  }
0x55e: {  	_ =	swait.ge @!p0 [sflag:s0], s1  }
0x55f: {  	s1 =	ssub.s32 @!p0 $0x0, s1;
	[sflag:s0] =	ssyncset.done @!p0 $0x0  }
0x560: {  	[sflag:s0] =	ssyncadd.s32 @!p0 s1  }
0x561: {  	[bflag:$0x3] =	sbarrier.arrive $0xFFFF  }
0x562: {  	_ =	shalt  }

</sc_bundles>
